<compile_context>
chip_gen: v7x
topology: tpu7x:2x2x1
jax: 0.10.2.dev20260603
libtpu: 0.0.44.dev20260713+nightly
codegen_flags: <defaults>
</compile_context>

<pallas_src>
import functools

import jax
import jax.numpy as jnp
from jax import lax
from jax.experimental import pallas as pl
from jax.experimental.pallas import tpu as pltpu
from jax.experimental.pallas import tpu_sc as plsc

N = 10000
E = 320000
NC = 2
NS = 16
NW = NC * NS
KB = 128
NBLK = E // KB

N_PAD = 10240
ZROWS = 128

DEG_NB = NBLK // NW
DEG_XTRA = NBLK - DEG_NB * NW

FS_NB = NBLK // NS
FS_XTRA = NBLK - FS_NB * NS

_MESH = plsc.VectorSubcoreMesh(
    core_axis_name="c", subcore_axis_name="s", num_cores=NC, num_subcores=NS)

_SC_PARAMS = pltpu.CompilerParams(use_tc_tiling_on_sc=False)


def _worker_id():
  c = lax.axis_index("c")
  s = lax.axis_index("s")
  return c * NS + s, c, s


@functools.partial(
    pl.kernel,
    out_type=jax.ShapeDtypeStruct((NC, N_PAD), jnp.float32),
    mesh=_MESH,
    compiler_params=_SC_PARAMS,
    scratch_types=[
        pltpu.VMEM((DEG_NB, KB), jnp.int32),
        pltpu.VMEM((KB,), jnp.float32),
        pltpu.VMEM((640,), jnp.float32),
        pltpu.VMEM_SHARED((N_PAD,), jnp.float32),
        pltpu.SemaphoreType.DMA,
    ],
)
def _sc_degree(ei3_hbm, out_hbm, id2_v, ones_v, zb_v, deg_sh, sem):
  wid, c, s = _worker_id()

  for i in range(KB // 16):
    ones_v[pl.ds(i * 16, 16)] = jnp.full((16,), 1.0, jnp.float32)
  for i in range(640 // 16):
    zb_v[pl.ds(i * 16, 16)] = jnp.zeros((16,), jnp.float32)

  pltpu.sync_copy(zb_v, deg_sh.at[pl.ds(s * 640, 640)])
  pltpu.sync_copy(ei3_hbm.at[1, pl.ds(wid * DEG_NB, DEG_NB)], id2_v)
  plsc.subcore_barrier()

  def body(g, carry):
    hs = [pltpu.async_copy(ones_v, deg_sh.at[id2_v.at[g * 6 + b]], sem,
                           add=True) for b in range(6)]
    for h in hs:
      h.wait()
    return carry

  lax.fori_loop(0, DEG_NB // 6, body, 0)

  @pl.when(wid < DEG_XTRA)
  def _():
    pltpu.sync_copy(ei3_hbm.at[1, pl.ds(NW * DEG_NB + wid, 1)],
                    id2_v.at[pl.ds(0, 1)])
    pltpu.sync_copy(ones_v, deg_sh.at[id2_v.at[0]], add=True)

  plsc.subcore_barrier()

  pltpu.sync_copy(deg_sh.at[pl.ds(s * 640, 640)], zb_v)
  pltpu.sync_copy(zb_v, out_hbm.at[c, pl.ds(s * 640, 640)])


def _make_sc_prop_fs(d, fs_ph):
  dh = d // 2
  half = jax.ShapeDtypeStruct((N_PAD, dh), jnp.float32)

  @functools.partial(
      pl.kernel,
      out_type=[half, half],
      mesh=_MESH,
      compiler_params=_SC_PARAMS,
      scratch_types=[
          pltpu.VMEM((fs_ph, KB), jnp.int32),
          pltpu.VMEM((fs_ph, KB), jnp.int32),
          pltpu.VMEM((KB, dh), jnp.float32),
          pltpu.VMEM((KB, dh), jnp.float32),
          pltpu.VMEM_SHARED((N_PAD, dh), jnp.float32),
          pltpu.VMEM_SHARED((N_PAD, dh), jnp.float32),
          pltpu.SemaphoreType.DMA,
          pltpu.SemaphoreType.DMA,
      ],
  )
  def prop(g_hbm, ei3_hbm, out0_hbm, out1_hbm, is2_v, id2_v, rows0_v, rows1_v,
           g_sh, acc_sh, semg0, semg1):
    _, c, s = _worker_id()

    offs = list(range(0, dh - 15, 16))
    if offs[-1] != dh - 16:
      offs.append(dh - 16)
    def zinit(r, carry):
      for col in offs:
        rows0_v[r, pl.ds(col, 16)] = jnp.zeros((16,), jnp.float32)
      return carry
    lax.fori_loop(0, KB, zinit, 0)
    for j in range(5):
      pltpu.sync_copy(rows0_v, acc_sh.at[pl.ds(s * 640 + j * ZROWS, ZROWS)])
    for j in range(5):
      r0 = s * 640 + j * ZROWS
      pltpu.sync_copy(g_hbm.at[pl.ds(r0, ZROWS), pl.ds(c * dh, dh)], rows1_v)
      pltpu.sync_copy(rows1_v, g_sh.at[pl.ds(r0, ZROWS)])
    plsc.subcore_barrier()

    for ph in range(FS_NB // fs_ph):
      base = s * FS_NB + ph * fs_ph
      pltpu.sync_copy(ei3_hbm.at[0, pl.ds(base, fs_ph)], is2_v)
      pltpu.sync_copy(ei3_hbm.at[1, pl.ds(base, fs_ph)], id2_v)
      pltpu.async_copy(g_sh.at[is2_v.at[0]], rows0_v, semg0)

      def body(p, carry):
        j0 = p * 2
        pltpu.async_copy(g_sh.at[is2_v.at[j0 + 1]], rows1_v, semg1)
        pltpu.make_async_copy(g_sh.at[is2_v.at[j0]], rows0_v, semg0).wait()
        pltpu.sync_copy(rows0_v, acc_sh.at[id2_v.at[j0]], add=True)

        @pl.when(p < fs_ph // 2 - 1)
        def _():
          pltpu.async_copy(g_sh.at[is2_v.at[j0 + 2]], rows0_v, semg0)

        pltpu.make_async_copy(g_sh.at[is2_v.at[j0 + 1]], rows1_v,
                              semg1).wait()
        pltpu.sync_copy(rows1_v, acc_sh.at[id2_v.at[j0 + 1]], add=True)
        return carry

      lax.fori_loop(0, fs_ph // 2, body, 0)

    @pl.when(s < FS_XTRA)
    def _():
      blk = NS * FS_NB + s
      pltpu.sync_copy(ei3_hbm.at[0, pl.ds(blk, 1)], is2_v.at[pl.ds(0, 1)])
      pltpu.sync_copy(ei3_hbm.at[1, pl.ds(blk, 1)], id2_v.at[pl.ds(0, 1)])
      pltpu.async_copy(g_sh.at[is2_v.at[0]], rows0_v, semg0).wait()
      pltpu.sync_copy(rows0_v, acc_sh.at[id2_v.at[0]], add=True)

    plsc.subcore_barrier()

    for j in range(5):
      r0 = s * 640 + j * ZROWS
      pltpu.sync_copy(acc_sh.at[pl.ds(r0, ZROWS)], rows0_v)

      @pl.when(c == 0)
      def _():
        pltpu.sync_copy(rows0_v, out0_hbm.at[pl.ds(r0, ZROWS)])

      @pl.when(c == 1)
      def _():
        pltpu.sync_copy(rows0_v, out1_hbm.at[pl.ds(r0, ZROWS)])

  return prop


_sc_prop_fs_128 = _make_sc_prop_fs(128, 78)
_sc_prop_fs_48 = _make_sc_prop_fs(48, 156)


_RB = 1280


def _tc1a_body(x_ref, w1_ref, h1_ref):
  h1_ref[...] = lax.dot_general(x_ref[...], w1_ref[...],
                                (((1,), (1,)), ((), ())),
                                preferred_element_type=jnp.float32)


def _tc1a(x, w1):
  return pl.pallas_call(
      _tc1a_body,
      grid=(N_PAD // _RB,),
      in_specs=[
          pl.BlockSpec((_RB, 128), lambda i: (i, 0)),
          pl.BlockSpec((128, 128), lambda i: (0, 0)),
      ],
      out_specs=pl.BlockSpec((_RB, 128), lambda i: (i, 0)),
      out_shape=jax.ShapeDtypeStruct((N_PAD, 128), jnp.float32),
  )(x, w1)


def _tc1b_body(h1_ref, d0_ref, d1_ref, g1_ref, dinv_ref):
  deg = d0_ref[...] + d1_ref[...] + 1.0
  dinv = lax.rsqrt(jnp.maximum(deg, 1.0))
  g1_ref[...] = dinv * h1_ref[...]
  dinv_ref[...] = dinv


def _tc1b(h1, d0, d1):
  return pl.pallas_call(
      _tc1b_body,
      grid=(N_PAD // _RB,),
      in_specs=[
          pl.BlockSpec((_RB, 128), lambda i: (i, 0)),
          pl.BlockSpec((_RB, 1), lambda i: (i, 0)),
          pl.BlockSpec((_RB, 1), lambda i: (i, 0)),
      ],
      out_specs=[
          pl.BlockSpec((_RB, 128), lambda i: (i, 0)),
          pl.BlockSpec((_RB, 1), lambda i: (i, 0)),
      ],
      out_shape=[
          jax.ShapeDtypeStruct((N_PAD, 128), jnp.float32),
          jax.ShapeDtypeStruct((N_PAD, 1), jnp.float32),
      ],
  )(h1, d0, d1)


def _tc2_body(h0_ref, h1_ref, g1_ref, dinv_ref, b1_ref, w2_ref, g2_ref):
  dinv = dinv_ref[...]
  s1 = jnp.concatenate([h0_ref[...], h1_ref[...]], axis=1)
  t = (s1 + g1_ref[...]) * dinv + b1_ref[...]
  o1 = jnp.maximum(t, 0.0)
  h2 = lax.dot_general(o1, w2_ref[...], (((1,), (1,)), ((), ())),
                       preferred_element_type=jnp.float32)
  g2_ref[...] = dinv * h2


def _tc2(h0, h1, g1, dinv, b1, w2p):
  return pl.pallas_call(
      _tc2_body,
      grid=(N_PAD // _RB,),
      in_specs=[
          pl.BlockSpec((_RB, 64), lambda i: (i, 0)),
          pl.BlockSpec((_RB, 64), lambda i: (i, 0)),
          pl.BlockSpec((_RB, 128), lambda i: (i, 0)),
          pl.BlockSpec((_RB, 1), lambda i: (i, 0)),
          pl.BlockSpec((1, 128), lambda i: (0, 0)),
          pl.BlockSpec((48, 128), lambda i: (0, 0)),
      ],
      out_specs=pl.BlockSpec((_RB, 48), lambda i: (i, 0)),
      out_shape=jax.ShapeDtypeStruct((N_PAD, 48), jnp.float32),
  )(h0, h1, g1, dinv, b1, w2p)


def _tc3_body(h0_ref, h1_ref, g2_ref, dinv_ref, b2_ref, out_ref):
  s2 = jnp.concatenate([h0_ref[...], h1_ref[...]], axis=1)
  res = (s2 + g2_ref[...]) * dinv_ref[...] + b2_ref[...]
  out_ref[...] = res[:, :40]


def _tc3(h0, h1, g2, dinv, b2p):
  return pl.pallas_call(
      _tc3_body,
      grid=(N_PAD // _RB,),
      in_specs=[
          pl.BlockSpec((_RB, 24), lambda i: (i, 0)),
          pl.BlockSpec((_RB, 24), lambda i: (i, 0)),
          pl.BlockSpec((_RB, 48), lambda i: (i, 0)),
          pl.BlockSpec((_RB, 1), lambda i: (i, 0)),
          pl.BlockSpec((1, 48), lambda i: (0, 0)),
      ],
      out_specs=pl.BlockSpec((_RB, 40), lambda i: (i, 0)),
      out_shape=jax.ShapeDtypeStruct((N, 40), jnp.float32),
  )(h0, h1, g2, dinv, b2p)


def kernel(x, edge_index, W1, b1, W2, b2):
  ei3 = edge_index.astype(jnp.int32).reshape(2, NBLK, KB)

  h1 = _tc1a(x, W1)
  degp = _sc_degree(ei3)
  g1, dinv = _tc1b(h1, degp[0][:, None], degp[1][:, None])

  s1h0, s1h1 = _sc_prop_fs_128(g1, ei3)

  w2p = jnp.zeros((48, 128), jnp.float32).at[:40].set(W2)
  b1r = b1.reshape(1, 128)
  b2p = jnp.zeros((1, 48), jnp.float32).at[0, :40].set(b2)

  g2 = _tc2(s1h0, s1h1, g1, dinv, b1r, w2p)
  s2h0, s2h1 = _sc_prop_fs_48(g2, ei3)
  return _tc3(s2h0, s2h1, g2, dinv, b2p)

# --- scband reference (transcript-rebuilt; emitter-appended) ---
"""Pipeline reference for scband-mas-15985868276251 (READ-ONLY COPY).

The authoritative reference and input builder live on the scoring server;
editing this copy changes nothing except your own understanding.
"""

import jax, jax.numpy as jnp
import numpy as np

N_NODES = 10000


def gcn_conv(x, edge_index, W, b, n):
    # GCNConv with symmetric normalization and self-loops (PyG default)
    src = edge_index[0]
    dst = edge_index[1]
    loop = jnp.arange(n, dtype=edge_index.dtype)
    src = jnp.concatenate([src, loop])
    dst = jnp.concatenate([dst, loop])
    deg = jnp.zeros((n,), dtype=x.dtype).at[dst].add(1.0)
    dinv = jax.lax.rsqrt(jnp.clip(deg, 1.0, None))
    h = x @ W.T
    norm = dinv[src] * dinv[dst]
    msg = h[src] * norm[:, None]
    out = jax.ops.segment_sum(msg, dst, num_segments=n)
    return out + b


def setup_inputs(seed: int = 0) -> dict:
    key = jax.random.key(seed)
    k_x, k_w1, k_b1, k_w2, k_b2, k_e = jax.random.split(key, 6)
    x = jax.random.normal(k_x, (N_NODES, 128), dtype=jnp.float32)
    edge_index = jax.random.randint(k_e, (2, 320000), 0, N_NODES, dtype=jnp.int64)
    W1 = jax.random.normal(k_w1, (128, 128), dtype=jnp.float32) * (1.0 / np.sqrt(128))
    b1 = jnp.zeros((128,), dtype=jnp.float32)
    W2 = jax.random.normal(k_w2, (40, 128), dtype=jnp.float32) * (1.0 / np.sqrt(128))
    b2 = jnp.zeros((40,), dtype=jnp.float32)
    return {"x": x, "edge_index": edge_index, "W1": W1, "b1": b1, "W2": W2, "b2": b2}


def reference(x, edge_index, W1, b1, W2, b2):
    # MAS.backbone forward: 2-layer GCN (conv1 -> ReLU -> conv2)
    n = x.shape[0]
    h = gcn_conv(x, edge_index, W1, b1, n)
    h = jax.nn.relu(h)
    out = gcn_conv(h, edge_index, W2, b2, n)
    return out

if __name__ == "__main__":
    import jax
    _d = setup_inputs()
    print(jax.jit(kernel)(*tuple(_d.values())))

</pallas_src>

<mosaic_0001>
#map = affine_map<(d0, d1) -> (0, 0, 0)>
#map1 = affine_map<(d0, d1) -> (0, 0)>
module attributes {stable_mosaic.version = 14 : i64} {
  func.func @_sc_degree(%arg0: i32, %arg1: i32, %arg2: memref<2x2500x128xi32, #tpu.memory_space<hbm>>, %arg3: memref<2x10240xf32, #tpu.memory_space<hbm>>, %arg4: memref<78x128xi32, #tpu.memory_space<vmem>>, %arg5: memref<128xf32, #tpu.memory_space<vmem>>, %arg6: memref<640xf32, #tpu.memory_space<vmem>>, %arg7: memref<10240xf32, #tpu.memory_space<vmem_shared>>, %arg8: memref<!tpu.dma_semaphore, #tpu.memory_space<semaphore_mem>>) attributes {dimension_semantics = [#tpu.dimension_semantics<core_parallel>, #tpu.dimension_semantics<subcore_parallel>], iteration_bounds = array<i64: 2, 16>, scalar_prefetch = 0 : i64, scratch_operands = 5 : i64, tpu.core_type = #tpu.core_type<sc_vector_subcore>, window_params = [{transform_indices = #map}, {transform_indices = #map1}]} {
    %mul3A = arith.constant 16 : i32
    %mul3A_0 = arith.muli %arg0, %mul3A : i32
    %add3A = arith.addi %mul3A_0, %arg1 : i32
    %broadcast_in_dim3A = arith.constant 1.000000e+00 : f32
    %broadcast_in_dim3A_1 = vector.broadcast %broadcast_in_dim3A : f32 to vector<16xf32>
    %swap3A = arith.constant 0 : index
    %swap3A_2 = tpu.vector_load %arg5[%swap3A] {strides = array<i32>} : memref<128xf32, #tpu.memory_space<vmem>>, vector<16xf32>,
    %swap3A_3 = vector.shape_cast %swap3A_2 : vector<16xf32> to vector<16xf32>
    %swap3A_4 = vector.shape_cast %broadcast_in_dim3A_1 : vector<16xf32> to vector<16xf32>
    tpu.vector_store %arg5[%swap3A], %swap3A_4 {strides = array<i32>} : memref<128xf32, #tpu.memory_space<vmem>>, vector<16xf32>,
    %broadcast_in_dim3A_5 = arith.constant 1.000000e+00 : f32
    %broadcast_in_dim3A_6 = vector.broadcast %broadcast_in_dim3A_5 : f32 to vector<16xf32>
    %swap3A_7 = arith.constant 16 : index
    %swap3A_8 = tpu.vector_load %arg5[%swap3A_7] {strides = array<i32>} : memref<128xf32, #tpu.memory_space<vmem>>, vector<16xf32>,
    %swap3A_9 = vector.shape_cast %swap3A_8 : vector<16xf32> to vector<16xf32>
    %swap3A_10 = vector.shape_cast %broadcast_in_dim3A_6 : vector<16xf32> to vector<16xf32>
    tpu.vector_store %arg5[%swap3A_7], %swap3A_10 {strides = array<i32>} : memref<128xf32, #tpu.memory_space<vmem>>, vector<16xf32>,
    %broadcast_in_dim3A_11 = arith.constant 1.000000e+00 : f32
    %broadcast_in_dim3A_12 = vector.broadcast %broadcast_in_dim3A_11 : f32 to vector<16xf32>
    %swap3A_13 = arith.constant 32 : index
    %swap3A_14 = tpu.vector_load %arg5[%swap3A_13] {strides = array<i32>} : memref<128xf32, #tpu.memory_space<vmem>>, vector<16xf32>,
    %swap3A_15 = vector.shape_cast %swap3A_14 : vector<16xf32> to vector<16xf32>
    %swap3A_16 = vector.shape_cast %broadcast_in_dim3A_12 : vector<16xf32> to vector<16xf32>
    tpu.vector_store %arg5[%swap3A_13], %swap3A_16 {strides = array<i32>} : memref<128xf32, #tpu.memory_space<vmem>>, vector<16xf32>,
    %broadcast_in_dim3A_17 = arith.constant 1.000000e+00 : f32
    %broadcast_in_dim3A_18 = vector.broadcast %broadcast_in_dim3A_17 : f32 to vector<16xf32>
    %swap3A_19 = arith.constant 48 : index
    %swap3A_20 = tpu.vector_load %arg5[%swap3A_19] {strides = array<i32>} : memref<128xf32, #tpu.memory_space<vmem>>, vector<16xf32>,
    %swap3A_21 = vector.shape_cast %swap3A_20 : vector<16xf32> to vector<16xf32>
    %swap3A_22 = vector.shape_cast %broadcast_in_dim3A_18 : vector<16xf32> to vector<16xf32>
    tpu.vector_store %arg5[%swap3A_19], %swap3A_22 {strides = array<i32>} : memref<128xf32, #tpu.memory_space<vmem>>, vector<16xf32>,
    %broadcast_in_dim3A_23 = arith.constant 1.000000e+00 : f32
    %broadcast_in_dim3A_24 = vector.broadcast %broadcast_in_dim3A_23 : f32 to vector<16xf32>
    %swap3A_25 = arith.constant 64 : index
    %swap3A_26 = tpu.vector_load %arg5[%swap3A_25] {strides = array<i32>} : memref<128xf32, #tpu.memory_space<vmem>>, vector<16xf32>,
    %swap3A_27 = vector.shape_cast %swap3A_26 : vector<16xf32> to vector<16xf32>
    %swap3A_28 = vector.shape_cast %broadcast_in_dim3A_24 : vector<16xf32> to vector<16xf32>
    tpu.vector_store %arg5[%swap3A_25], %swap3A_28 {strides = array<i32>} : memref<128xf32, #tpu.memory_space<vmem>>, vector<16xf32>,
    %broadcast_in_dim3A_29 = arith.constant 1.000000e+00 : f32
    %broadcast_in_dim3A_30 = vector.broadcast %broadcast_in_dim3A_29 : f32 to vector<16xf32>
    %swap3A_31 = arith.constant 80 : index
    %swap3A_32 = tpu.vector_load %arg5[%swap3A_31] {strides = array<i32>} : memref<128xf32, #tpu.memory_space<vmem>>, vector<16xf32>,
    %swap3A_33 = vector.shape_cast %swap3A_32 : vector<16xf32> to vector<16xf32>
    %swap3A_34 = vector.shape_cast %broadcast_in_dim3A_30 : vector<16xf32> to vector<16xf32>
    tpu.vector_store %arg5[%swap3A_31], %swap3A_34 {strides = array<i32>} : memref<128xf32, #tpu.memory_space<vmem>>, vector<16xf32>,
    %broadcast_in_dim3A_35 = arith.constant 1.000000e+00 : f32
    %broadcast_in_dim3A_36 = vector.broadcast %broadcast_in_dim3A_35 : f32 to vector<16xf32>
    %swap3A_37 = arith.constant 96 : index
    %swap3A_38 = tpu.vector_load %arg5[%swap3A_37] {strides = array<i32>} : memref<128xf32, #tpu.memory_space<vmem>>, vector<16xf32>,
    %swap3A_39 = vector.shape_cast %swap3A_38 : vector<16xf32> to vector<16xf32>
    %swap3A_40 = vector.shape_cast %broadcast_in_dim3A_36 : vector<16xf32> to vector<16xf32>
    tpu.vector_store %arg5[%swap3A_37], %swap3A_40 {strides = array<i32>} : memref<128xf32, #tpu.memory_space<vmem>>, vector<16xf32>,
    %broadcast_in_dim3A_41 = arith.constant 1.000000e+00 : f32
    %broadcast_in_dim3A_42 = vector.broadcast %broadcast_in_dim3A_41 : f32 to vector<16xf32>
    %swap3A_43 = arith.constant 112 : index
    %swap3A_44 = tpu.vector_load %arg5[%swap3A_43] {strides = array<i32>} : memref<128xf32, #tpu.memory_space<vmem>>, vector<16xf32>,
    %swap3A_45 = vector.shape_cast %swap3A_44 : vector<16xf32> to vector<16xf32>
    %swap3A_46 = vector.shape_cast %broadcast_in_dim3A_42 : vector<16xf32> to vector<16xf32>
    tpu.vector_store %arg5[%swap3A_43], %swap3A_46 {strides = array<i32>} : memref<128xf32, #tpu.memory_space<vmem>>, vector<16xf32>,
    %broadcast_in_dim3A_47 = arith.constant 0.000000e+00 : f32
    %broadcast_in_dim3A_48 = vector.broadcast %broadcast_in_dim3A_47 : f32 to vector<16xf32>
    %swap3A_49 = arith.constant 0 : index
    %swap3A_50 = tpu.vector_load %arg6[%swap3A_49] {strides = array<i32>} : memref<640xf32, #tpu.memory_space<vmem>>, vector<16xf32>,
    %swap3A_51 = vector.shape_cast %swap3A_50 : vector<16xf32> to vector<16xf32>
    %swap3A_52 = vector.shape_cast %broadcast_in_dim3A_48 : vector<16xf32> to vector<16xf32>
    tpu.vector_store %arg6[%swap3A_49], %swap3A_52 {strides = array<i32>} : memref<640xf32, #tpu.memory_space<vmem>>, vector<16xf32>,
    %broadcast_in_dim3A_53 = arith.constant 0.000000e+00 : f32
    %broadcast_in_dim3A_54 = vector.broadcast %broadcast_in_dim3A_53 : f32 to vector<16xf32>
    %swap3A_55 = arith.constant 16 : index
    %swap3A_56 = tpu.vector_load %arg6[%swap3A_55] {strides = array<i32>} : memref<640xf32, #tpu.memory_space<vmem>>, vector<16xf32>,
    %swap3A_57 = vector.shape_cast %swap3A_56 : vector<16xf32> to vector<16xf32>
    %swap3A_58 = vector.shape_cast %broadcast_in_dim3A_54 : vector<16xf32> to vector<16xf32>
    tpu.vector_store %arg6[%swap3A_55], %swap3A_58 {strides = array<i32>} : memref<640xf32, #tpu.memory_space<vmem>>, vector<16xf32>,
    %broadcast_in_dim3A_59 = arith.constant 0.000000e+00 : f32
    %broadcast_in_dim3A_60 = vector.broadcast %broadcast_in_dim3A_59 : f32 to vector<16xf32>
    %swap3A_61 = arith.constant 32 : index
    %swap3A_62 = tpu.vector_load %arg6[%swap3A_61] {strides = array<i32>} : memref<640xf32, #tpu.memory_space<vmem>>, vector<16xf32>,
    %swap3A_63 = vector.shape_cast %swap3A_62 : vector<16xf32> to vector<16xf32>
    %swap3A_64 = vector.shape_cast %broadcast_in_dim3A_60 : vector<16xf32> to vector<16xf32>
    tpu.vector_store %arg6[%swap3A_61], %swap3A_64 {strides = array<i32>} : memref<640xf32, #tpu.memory_space<vmem>>, vector<16xf32>,
    %broadcast_in_dim3A_65 = arith.constant 0.000000e+00 : f32
    %broadcast_in_dim3A_66 = vector.broadcast %broadcast_in_dim3A_65 : f32 to vector<16xf32>
    %swap3A_67 = arith.constant 48 : index
    %swap3A_68 = tpu.vector_load %arg6[%swap3A_67] {strides = array<i32>} : memref<640xf32, #tpu.memory_space<vmem>>, vector<16xf32>,
    %swap3A_69 = vector.shape_cast %swap3A_68 : vector<16xf32> to vector<16xf32>
    %swap3A_70 = vector.shape_cast %broadcast_in_dim3A_66 : vector<16xf32> to vector<16xf32>
    tpu.vector_store %arg6[%swap3A_67], %swap3A_70 {strides = array<i32>} : memref<640xf32, #tpu.memory_space<vmem>>, vector<16xf32>,
    %broadcast_in_dim3A_71 = arith.constant 0.000000e+00 : f32
    %broadcast_in_dim3A_72 = vector.broadcast %broadcast_in_dim3A_71 : f32 to vector<16xf32>
    %swap3A_73 = arith.constant 64 : index
    %swap3A_74 = tpu.vector_load %arg6[%swap3A_73] {strides = array<i32>} : memref<640xf32, #tpu.memory_space<vmem>>, vector<16xf32>,
    %swap3A_75 = vector.shape_cast %swap3A_74 : vector<16xf32> to vector<16xf32>
    %swap3A_76 = vector.shape_cast %broadcast_in_dim3A_72 : vector<16xf32> to vector<16xf32>
    tpu.vector_store %arg6[%swap3A_73], %swap3A_76 {strides = array<i32>} : memref<640xf32, #tpu.memory_space<vmem>>, vector<16xf32>,
    %broadcast_in_dim3A_77 = arith.constant 0.000000e+00 : f32
    %broadcast_in_dim3A_78 = vector.broadcast %broadcast_in_dim3A_77 : f32 to vector<16xf32>
    %swap3A_79 = arith.constant 80 : index
    %swap3A_80 = tpu.vector_load %arg6[%swap3A_79] {strides = array<i32>} : memref<640xf32, #tpu.memory_space<vmem>>, vector<16xf32>,
    %swap3A_81 = vector.shape_cast %swap3A_80 : vector<16xf32> to vector<16xf32>
    %swap3A_82 = vector.shape_cast %broadcast_in_dim3A_78 : vector<16xf32> to vector<16xf32>
    tpu.vector_store %arg6[%swap3A_79], %swap3A_82 {strides = array<i32>} : memref<640xf32, #tpu.memory_space<vmem>>, vector<16xf32>,
    %broadcast_in_dim3A_83 = arith.constant 0.000000e+00 : f32
    %broadcast_in_dim3A_84 = vector.broadcast %broadcast_in_dim3A_83 : f32 to vector<16xf32>
    %swap3A_85 = arith.constant 96 : index
    %swap3A_86 = tpu.vector_load %arg6[%swap3A_85] {strides = array<i32>} : memref<640xf32, #tpu.memory_space<vmem>>, vector<16xf32>,
    %swap3A_87 = vector.shape_cast %swap3A_86 : vector<16xf32> to vector<16xf32>
    %swap3A_88 = vector.shape_cast %broadcast_in_dim3A_84 : vector<16xf32> to vector<16xf32>
    tpu.vector_store %arg6[%swap3A_85], %swap3A_88 {strides = array<i32>} : memref<640xf32, #tpu.memory_space<vmem>>, vector<16xf32>,
    %broadcast_in_dim3A_89 = arith.constant 0.000000e+00 : f32
    %broadcast_in_dim3A_90 = vector.broadcast %broadcast_in_dim3A_89 : f32 to vector<16xf32>
    %swap3A_91 = arith.constant 112 : index
    %swap3A_92 = tpu.vector_load %arg6[%swap3A_91] {strides = array<i32>} : memref<640xf32, #tpu.memory_space<vmem>>, vector<16xf32>,
    %swap3A_93 = vector.shape_cast %swap3A_92 : vector<16xf32> to vector<16xf32>
    %swap3A_94 = vector.shape_cast %broadcast_in_dim3A_90 : vector<16xf32> to vector<16xf32>
    tpu.vector_store %arg6[%swap3A_91], %swap3A_94 {strides = array<i32>} : memref<640xf32, #tpu.memory_space<vmem>>, vector<16xf32>,
    %broadcast_in_dim3A_95 = arith.constant 0.000000e+00 : f32
    %broadcast_in_dim3A_96 = vector.broadcast %broadcast_in_dim3A_95 : f32 to vector<16xf32>
    %swap3A_97 = arith.constant 128 : index
    %swap3A_98 = tpu.vector_load %arg6[%swap3A_97] {strides = array<i32>} : memref<640xf32, #tpu.memory_space<vmem>>, vector<16xf32>,
    %swap3A_99 = vector.shape_cast %swap3A_98 : vector<16xf32> to vector<16xf32>
    %swap3A_100 = vector.shape_cast %broadcast_in_dim3A_96 : vector<16xf32> to vector<16xf32>
    tpu.vector_store %arg6[%swap3A_97], %swap3A_100 {strides = array<i32>} : memref<640xf32, #tpu.memory_space<vmem>>, vector<16xf32>,
    %broadcast_in_dim3A_101 = arith.constant 0.000000e+00 : f32
    %broadcast_in_dim3A_102 = vector.broadcast %broadcast_in_dim3A_101 : f32 to vector<16xf32>
    %swap3A_103 = arith.constant 144 : index
    %swap3A_104 = tpu.vector_load %arg6[%swap3A_103] {strides = array<i32>} : memref<640xf32, #tpu.memory_space<vmem>>, vector<16xf32>,
    %swap3A_105 = vector.shape_cast %swap3A_104 : vector<16xf32> to vector<16xf32>
    %swap3A_106 = vector.shape_cast %broadcast_in_dim3A_102 : vector<16xf32> to vector<16xf32>
    tpu.vector_store %arg6[%swap3A_103], %swap3A_106 {strides = array<i32>} : memref<640xf32, #tpu.memory_space<vmem>>, vector<16xf32>,
    %broadcast_in_dim3A_107 = arith.constant 0.000000e+00 : f32
    %broadcast_in_dim3A_108 = vector.broadcast %broadcast_in_dim3A_107 : f32 to vector<16xf32>
    %swap3A_109 = arith.constant 160 : index
    %swap3A_110 = tpu.vector_load %arg6[%swap3A_109] {strides = array<i32>} : memref<640xf32, #tpu.memory_space<vmem>>, vector<16xf32>,
    %swap3A_111 = vector.shape_cast %swap3A_110 : vector<16xf32> to vector<16xf32>
    %swap3A_112 = vector.shape_cast %broadcast_in_dim3A_108 : vector<16xf32> to vector<16xf32>
    tpu.vector_store %arg6[%swap3A_109], %swap3A_112 {strides = array<i32>} : memref<640xf32, #tpu.memory_space<vmem>>, vector<16xf32>,
    %broadcast_in_dim3A_113 = arith.constant 0.000000e+00 : f32
    %broadcast_in_dim3A_114 = vector.broadcast %broadcast_in_dim3A_113 : f32 to vector<16xf32>
    %swap3A_115 = arith.constant 176 : index
    %swap3A_116 = tpu.vector_load %arg6[%swap3A_115] {strides = array<i32>} : memref<640xf32, #tpu.memory_space<vmem>>, vector<16xf32>,
    %swap3A_117 = vector.shape_cast %swap3A_116 : vector<16xf32> to vector<16xf32>
    %swap3A_118 = vector.shape_cast %broadcast_in_dim3A_114 : vector<16xf32> to vector<16xf32>
    tpu.vector_store %arg6[%swap3A_115], %swap3A_118 {strides = array<i32>} : memref<640xf32, #tpu.memory_space<vmem>>, vector<16xf32>,
    %broadcast_in_dim3A_119 = arith.constant 0.000000e+00 : f32
    %broadcast_in_dim3A_120 = vector.broadcast %broadcast_in_dim3A_119 : f32 to vector<16xf32>
    %swap3A_121 = arith.constant 192 : index
    %swap3A_122 = tpu.vector_load %arg6[%swap3A_121] {strides = array<i32>} : memref<640xf32, #tpu.memory_space<vmem>>, vector<16xf32>,
    %swap3A_123 = vector.shape_cast %swap3A_122 : vector<16xf32> to vector<16xf32>
    %swap3A_124 = vector.shape_cast %broadcast_in_dim3A_120 : vector<16xf32> to vector<16xf32>
    tpu.vector_store %arg6[%swap3A_121], %swap3A_124 {strides = array<i32>} : memref<640xf32, #tpu.memory_space<vmem>>, vector<16xf32>,
    %broadcast_in_dim3A_125 = arith.constant 0.000000e+00 : f32
    %broadcast_in_dim3A_126 = vector.broadcast %broadcast_in_dim3A_125 : f32 to vector<16xf32>
    %swap3A_127 = arith.constant 208 : index
    %swap3A_128 = tpu.vector_load %arg6[%swap3A_127] {strides = array<i32>} : memref<640xf32, #tpu.memory_space<vmem>>, vector<16xf32>,
    %swap3A_129 = vector.shape_cast %swap3A_128 : vector<16xf32> to vector<16xf32>
    %swap3A_130 = vector.shape_cast %broadcast_in_dim3A_126 : vector<16xf32> to vector<16xf32>
    tpu.vector_store %arg6[%swap3A_127], %swap3A_130 {strides = array<i32>} : memref<640xf32, #tpu.memory_space<vmem>>, vector<16xf32>,
    %broadcast_in_dim3A_131 = arith.constant 0.000000e+00 : f32
    %broadcast_in_dim3A_132 = vector.broadcast %broadcast_in_dim3A_131 : f32 to vector<16xf32>
    %swap3A_133 = arith.constant 224 : index
    %swap3A_134 = tpu.vector_load %arg6[%swap3A_133] {strides = array<i32>} : memref<640xf32, #tpu.memory_space<vmem>>, vector<16xf32>,
    %swap3A_135 = vector.shape_cast %swap3A_134 : vector<16xf32> to vector<16xf32>
    %swap3A_136 = vector.shape_cast %broadcast_in_dim3A_132 : vector<16xf32> to vector<16xf32>
    tpu.vector_store %arg6[%swap3A_133], %swap3A_136 {strides = array<i32>} : memref<640xf32, #tpu.memory_space<vmem>>, vector<16xf32>,
    %broadcast_in_dim3A_137 = arith.constant 0.000000e+00 : f32
    %broadcast_in_dim3A_138 = vector.broadcast %broadcast_in_dim3A_137 : f32 to vector<16xf32>
    %swap3A_139 = arith.constant 240 : index
    %swap3A_140 = tpu.vector_load %arg6[%swap3A_139] {strides = array<i32>} : memref<640xf32, #tpu.memory_space<vmem>>, vector<16xf32>,
    %swap3A_141 = vector.shape_cast %swap3A_140 : vector<16xf32> to vector<16xf32>
    %swap3A_142 = vector.shape_cast %broadcast_in_dim3A_138 : vector<16xf32> to vector<16xf32>
    tpu.vector_store %arg6[%swap3A_139], %swap3A_142 {strides = array<i32>} : memref<640xf32, #tpu.memory_space<vmem>>, vector<16xf32>,
    %broadcast_in_dim3A_143 = arith.constant 0.000000e+00 : f32
    %broadcast_in_dim3A_144 = vector.broadcast %broadcast_in_dim3A_143 : f32 to vector<16xf32>
    %swap3A_145 = arith.constant 256 : index
    %swap3A_146 = tpu.vector_load %arg6[%swap3A_145] {strides = array<i32>} : memref<640xf32, #tpu.memory_space<vmem>>, vector<16xf32>,
    %swap3A_147 = vector.shape_cast %swap3A_146 : vector<16xf32> to vector<16xf32>
    %swap3A_148 = vector.shape_cast %broadcast_in_dim3A_144 : vector<16xf32> to vector<16xf32>
    tpu.vector_store %arg6[%swap3A_145], %swap3A_148 {strides = array<i32>} : memref<640xf32, #tpu.memory_space<vmem>>, vector<16xf32>,
    %broadcast_in_dim3A_149 = arith.constant 0.000000e+00 : f32
    %broadcast_in_dim3A_150 = vector.broadcast %broadcast_in_dim3A_149 : f32 to vector<16xf32>
    %swap3A_151 = arith.constant 272 : index
    %swap3A_152 = tpu.vector_load %arg6[%swap3A_151] {strides = array<i32>} : memref<640xf32, #tpu.memory_space<vmem>>, vector<16xf32>,
    %swap3A_153 = vector.shape_cast %swap3A_152 : vector<16xf32> to vector<16xf32>
    %swap3A_154 = vector.shape_cast %broadcast_in_dim3A_150 : vector<16xf32> to vector<16xf32>
    tpu.vector_store %arg6[%swap3A_151], %swap3A_154 {strides = array<i32>} : memref<640xf32, #tpu.memory_space<vmem>>, vector<16xf32>,
    %broadcast_in_dim3A_155 = arith.constant 0.000000e+00 : f32
    %broadcast_in_dim3A_156 = vector.broadcast %broadcast_in_dim3A_155 : f32 to vector<16xf32>
    %swap3A_157 = arith.constant 288 : index
    %swap3A_158 = tpu.vector_load %arg6[%swap3A_157] {strides = array<i32>} : memref<640xf32, #tpu.memory_space<vmem>>, vector<16xf32>,
    %swap3A_159 = vector.shape_cast %swap3A_158 : vector<16xf32> to vector<16xf32>
    %swap3A_160 = vector.shape_cast %broadcast_in_dim3A_156 : vector<16xf32> to vector<16xf32>
    tpu.vector_store %arg6[%swap3A_157], %swap3A_160 {strides = array<i32>} : memref<640xf32, #tpu.memory_space<vmem>>, vector<16xf32>,
    %broadcast_in_dim3A_161 = arith.constant 0.000000e+00 : f32
    %broadcast_in_dim3A_162 = vector.broadcast %broadcast_in_dim3A_161 : f32 to vector<16xf32>
    %swap3A_163 = arith.constant 304 : index
    %swap3A_164 = tpu.vector_load %arg6[%swap3A_163] {strides = array<i32>} : memref<640xf32, #tpu.memory_space<vmem>>, vector<16xf32>,
    %swap3A_165 = vector.shape_cast %swap3A_164 : vector<16xf32> to vector<16xf32>
    %swap3A_166 = vector.shape_cast %broadcast_in_dim3A_162 : vector<16xf32> to vector<16xf32>
    tpu.vector_store %arg6[%swap3A_163], %swap3A_166 {strides = array<i32>} : memref<640xf32, #tpu.memory_space<vmem>>, vector<16xf32>,
    %broadcast_in_dim3A_167 = arith.constant 0.000000e+00 : f32
    %broadcast_in_dim3A_168 = vector.broadcast %broadcast_in_dim3A_167 : f32 to vector<16xf32>
    %swap3A_169 = arith.constant 320 : index
    %swap3A_170 = tpu.vector_load %arg6[%swap3A_169] {strides = array<i32>} : memref<640xf32, #tpu.memory_space<vmem>>, vector<16xf32>,
    %swap3A_171 = vector.shape_cast %swap3A_170 : vector<16xf32> to vector<16xf32>
    %swap3A_172 = vector.shape_cast %broadcast_in_dim3A_168 : vector<16xf32> to vector<16xf32>
    tpu.vector_store %arg6[%swap3A_169], %swap3A_172 {strides = array<i32>} : memref<640xf32, #tpu.memory_space<vmem>>, vector<16xf32>,
    %broadcast_in_dim3A_173 = arith.constant 0.000000e+00 : f32
    %broadcast_in_dim3A_174 = vector.broadcast %broadcast_in_dim3A_173 : f32 to vector<16xf32>
    %swap3A_175 = arith.constant 336 : index
    %swap3A_176 = tpu.vector_load %arg6[%swap3A_175] {strides = array<i32>} : memref<640xf32, #tpu.memory_space<vmem>>, vector<16xf32>,
    %swap3A_177 = vector.shape_cast %swap3A_176 : vector<16xf32> to vector<16xf32>
    %swap3A_178 = vector.shape_cast %broadcast_in_dim3A_174 : vector<16xf32> to vector<16xf32>
    tpu.vector_store %arg6[%swap3A_175], %swap3A_178 {strides = array<i32>} : memref<640xf32, #tpu.memory_space<vmem>>, vector<16xf32>,
    %broadcast_in_dim3A_179 = arith.constant 0.000000e+00 : f32
    %broadcast_in_dim3A_180 = vector.broadcast %broadcast_in_dim3A_179 : f32 to vector<16xf32>
    %swap3A_181 = arith.constant 352 : index
    %swap3A_182 = tpu.vector_load %arg6[%swap3A_181] {strides = array<i32>} : memref<640xf32, #tpu.memory_space<vmem>>, vector<16xf32>,
    %swap3A_183 = vector.shape_cast %swap3A_182 : vector<16xf32> to vector<16xf32>
    %swap3A_184 = vector.shape_cast %broadcast_in_dim3A_180 : vector<16xf32> to vector<16xf32>
    tpu.vector_store %arg6[%swap3A_181], %swap3A_184 {strides = array<i32>} : memref<640xf32, #tpu.memory_space<vmem>>, vector<16xf32>,
    %broadcast_in_dim3A_185 = arith.constant 0.000000e+00 : f32
    %broadcast_in_dim3A_186 = vector.broadcast %broadcast_in_dim3A_185 : f32 to vector<16xf32>
    %swap3A_187 = arith.constant 368 : index
    %swap3A_188 = tpu.vector_load %arg6[%swap3A_187] {strides = array<i32>} : memref<640xf32, #tpu.memory_space<vmem>>, vector<16xf32>,
    %swap3A_189 = vector.shape_cast %swap3A_188 : vector<16xf32> to vector<16xf32>
    %swap3A_190 = vector.shape_cast %broadcast_in_dim3A_186 : vector<16xf32> to vector<16xf32>
    tpu.vector_store %arg6[%swap3A_187], %swap3A_190 {strides = array<i32>} : memref<640xf32, #tpu.memory_space<vmem>>, vector<16xf32>,
    %broadcast_in_dim3A_191 = arith.constant 0.000000e+00 : f32
    %broadcast_in_dim3A_192 = vector.broadcast %broadcast_in_dim3A_191 : f32 to vector<16xf32>
    %swap3A_193 = arith.constant 384 : index
    %swap3A_194 = tpu.vector_load %arg6[%swap3A_193] {strides = array<i32>} : memref<640xf32, #tpu.memory_space<vmem>>, vector<16xf32>,
    %swap3A_195 = vector.shape_cast %swap3A_194 : vector<16xf32> to vector<16xf32>
    %swap3A_196 = vector.shape_cast %broadcast_in_dim3A_192 : vector<16xf32> to vector<16xf32>
    tpu.vector_store %arg6[%swap3A_193], %swap3A_196 {strides = array<i32>} : memref<640xf32, #tpu.memory_space<vmem>>, vector<16xf32>,
    %broadcast_in_dim3A_197 = arith.constant 0.000000e+00 : f32
    %broadcast_in_dim3A_198 = vector.broadcast %broadcast_in_dim3A_197 : f32 to vector<16xf32>
    %swap3A_199 = arith.constant 400 : index
    %swap3A_200 = tpu.vector_load %arg6[%swap3A_199] {strides = array<i32>} : memref<640xf32, #tpu.memory_space<vmem>>, vector<16xf32>,
    %swap3A_201 = vector.shape_cast %swap3A_200 : vector<16xf32> to vector<16xf32>
    %swap3A_202 = vector.shape_cast %broadcast_in_dim3A_198 : vector<16xf32> to vector<16xf32>
    tpu.vector_store %arg6[%swap3A_199], %swap3A_202 {strides = array<i32>} : memref<640xf32, #tpu.memory_space<vmem>>, vector<16xf32>,
    %broadcast_in_dim3A_203 = arith.constant 0.000000e+00 : f32
    %broadcast_in_dim3A_204 = vector.broadcast %broadcast_in_dim3A_203 : f32 to vector<16xf32>
    %swap3A_205 = arith.constant 416 : index
    %swap3A_206 = tpu.vector_load %arg6[%swap3A_205] {strides = array<i32>} : memref<640xf32, #tpu.memory_space<vmem>>, vector<16xf32>,
    %swap3A_207 = vector.shape_cast %swap3A_206 : vector<16xf32> to vector<16xf32>
    %swap3A_208 = vector.shape_cast %broadcast_in_dim3A_204 : vector<16xf32> to vector<16xf32>
    tpu.vector_store %arg6[%swap3A_205], %swap3A_208 {strides = array<i32>} : memref<640xf32, #tpu.memory_space<vmem>>, vector<16xf32>,
    %broadcast_in_dim3A_209 = arith.constant 0.000000e+00 : f32
    %broadcast_in_dim3A_210 = vector.broadcast %broadcast_in_dim3A_209 : f32 to vector<16xf32>
    %swap3A_211 = arith.constant 432 : index
    %swap3A_212 = tpu.vector_load %arg6[%swap3A_211] {strides = array<i32>} : memref<640xf32, #tpu.memory_space<vmem>>, vector<16xf32>,
    %swap3A_213 = vector.shape_cast %swap3A_212 : vector<16xf32> to vector<16xf32>
    %swap3A_214 = vector.shape_cast %broadcast_in_dim3A_210 : vector<16xf32> to vector<16xf32>
    tpu.vector_store %arg6[%swap3A_211], %swap3A_214 {strides = array<i32>} : memref<640xf32, #tpu.memory_space<vmem>>, vector<16xf32>,
    %broadcast_in_dim3A_215 = arith.constant 0.000000e+00 : f32
    %broadcast_in_dim3A_216 = vector.broadcast %broadcast_in_dim3A_215 : f32 to vector<16xf32>
    %swap3A_217 = arith.constant 448 : index
    %swap3A_218 = tpu.vector_load %arg6[%swap3A_217] {strides = array<i32>} : memref<640xf32, #tpu.memory_space<vmem>>, vector<16xf32>,
    %swap3A_219 = vector.shape_cast %swap3A_218 : vector<16xf32> to vector<16xf32>
    %swap3A_220 = vector.shape_cast %broadcast_in_dim3A_216 : vector<16xf32> to vector<16xf32>
    tpu.vector_store %arg6[%swap3A_217], %swap3A_220 {strides = array<i32>} : memref<640xf32, #tpu.memory_space<vmem>>, vector<16xf32>,
    %broadcast_in_dim3A_221 = arith.constant 0.000000e+00 : f32
    %broadcast_in_dim3A_222 = vector.broadcast %broadcast_in_dim3A_221 : f32 to vector<16xf32>
    %swap3A_223 = arith.constant 464 : index
    %swap3A_224 = tpu.vector_load %arg6[%swap3A_223] {strides = array<i32>} : memref<640xf32, #tpu.memory_space<vmem>>, vector<16xf32>,
    %swap3A_225 = vector.shape_cast %swap3A_224 : vector<16xf32> to vector<16xf32>
    %swap3A_226 = vector.shape_cast %broadcast_in_dim3A_222 : vector<16xf32> to vector<16xf32>
    tpu.vector_store %arg6[%swap3A_223], %swap3A_226 {strides = array<i32>} : memref<640xf32, #tpu.memory_space<vmem>>, vector<16xf32>,
    %broadcast_in_dim3A_227 = arith.constant 0.000000e+00 : f32
    %broadcast_in_dim3A_228 = vector.broadcast %broadcast_in_dim3A_227 : f32 to vector<16xf32>
    %swap3A_229 = arith.constant 480 : index
    %swap3A_230 = tpu.vector_load %arg6[%swap3A_229] {strides = array<i32>} : memref<640xf32, #tpu.memory_space<vmem>>, vector<16xf32>,
    %swap3A_231 = vector.shape_cast %swap3A_230 : vector<16xf32> to vector<16xf32>
    %swap3A_232 = vector.shape_cast %broadcast_in_dim3A_228 : vector<16xf32> to vector<16xf32>
    tpu.vector_store %arg6[%swap3A_229], %swap3A_232 {strides = array<i32>} : memref<640xf32, #tpu.memory_space<vmem>>, vector<16xf32>,
    %broadcast_in_dim3A_233 = arith.constant 0.000000e+00 : f32
    %broadcast_in_dim3A_234 = vector.broadcast %broadcast_in_dim3A_233 : f32 to vector<16xf32>
    %swap3A_235 = arith.constant 496 : index
    %swap3A_236 = tpu.vector_load %arg6[%swap3A_235] {strides = array<i32>} : memref<640xf32, #tpu.memory_space<vmem>>, vector<16xf32>,
    %swap3A_237 = vector.shape_cast %swap3A_236 : vector<16xf32> to vector<16xf32>
    %swap3A_238 = vector.shape_cast %broadcast_in_dim3A_234 : vector<16xf32> to vector<16xf32>
    tpu.vector_store %arg6[%swap3A_235], %swap3A_238 {strides = array<i32>} : memref<640xf32, #tpu.memory_space<vmem>>, vector<16xf32>,
    %broadcast_in_dim3A_239 = arith.constant 0.000000e+00 : f32
    %broadcast_in_dim3A_240 = vector.broadcast %broadcast_in_dim3A_239 : f32 to vector<16xf32>
    %swap3A_241 = arith.constant 512 : index
    %swap3A_242 = tpu.vector_load %arg6[%swap3A_241] {strides = array<i32>} : memref<640xf32, #tpu.memory_space<vmem>>, vector<16xf32>,
    %swap3A_243 = vector.shape_cast %swap3A_242 : vector<16xf32> to vector<16xf32>
    %swap3A_244 = vector.shape_cast %broadcast_in_dim3A_240 : vector<16xf32> to vector<16xf32>
    tpu.vector_store %arg6[%swap3A_241], %swap3A_244 {strides = array<i32>} : memref<640xf32, #tpu.memory_space<vmem>>, vector<16xf32>,
    %broadcast_in_dim3A_245 = arith.constant 0.000000e+00 : f32
    %broadcast_in_dim3A_246 = vector.broadcast %broadcast_in_dim3A_245 : f32 to vector<16xf32>
    %swap3A_247 = arith.constant 528 : index
    %swap3A_248 = tpu.vector_load %arg6[%swap3A_247] {strides = array<i32>} : memref<640xf32, #tpu.memory_space<vmem>>, vector<16xf32>,
    %swap3A_249 = vector.shape_cast %swap3A_248 : vector<16xf32> to vector<16xf32>
    %swap3A_250 = vector.shape_cast %broadcast_in_dim3A_246 : vector<16xf32> to vector<16xf32>
    tpu.vector_store %arg6[%swap3A_247], %swap3A_250 {strides = array<i32>} : memref<640xf32, #tpu.memory_space<vmem>>, vector<16xf32>,
    %broadcast_in_dim3A_251 = arith.constant 0.000000e+00 : f32
    %broadcast_in_dim3A_252 = vector.broadcast %broadcast_in_dim3A_251 : f32 to vector<16xf32>
    %swap3A_253 = arith.constant 544 : index
    %swap3A_254 = tpu.vector_load %arg6[%swap3A_253] {strides = array<i32>} : memref<640xf32, #tpu.memory_space<vmem>>, vector<16xf32>,
    %swap3A_255 = vector.shape_cast %swap3A_254 : vector<16xf32> to vector<16xf32>
    %swap3A_256 = vector.shape_cast %broadcast_in_dim3A_252 : vector<16xf32> to vector<16xf32>
    tpu.vector_store %arg6[%swap3A_253], %swap3A_256 {strides = array<i32>} : memref<640xf32, #tpu.memory_space<vmem>>, vector<16xf32>,
    %broadcast_in_dim3A_257 = arith.constant 0.000000e+00 : f32
    %broadcast_in_dim3A_258 = vector.broadcast %broadcast_in_dim3A_257 : f32 to vector<16xf32>
    %swap3A_259 = arith.constant 560 : index
    %swap3A_260 = tpu.vector_load %arg6[%swap3A_259] {strides = array<i32>} : memref<640xf32, #tpu.memory_space<vmem>>, vector<16xf32>,
    %swap3A_261 = vector.shape_cast %swap3A_260 : vector<16xf32> to vector<16xf32>
    %swap3A_262 = vector.shape_cast %broadcast_in_dim3A_258 : vector<16xf32> to vector<16xf32>
    tpu.vector_store %arg6[%swap3A_259], %swap3A_262 {strides = array<i32>} : memref<640xf32, #tpu.memory_space<vmem>>, vector<16xf32>,
    %broadcast_in_dim3A_263 = arith.constant 0.000000e+00 : f32
    %broadcast_in_dim3A_264 = vector.broadcast %broadcast_in_dim3A_263 : f32 to vector<16xf32>
    %swap3A_265 = arith.constant 576 : index
    %swap3A_266 = tpu.vector_load %arg6[%swap3A_265] {strides = array<i32>} : memref<640xf32, #tpu.memory_space<vmem>>, vector<16xf32>,
    %swap3A_267 = vector.shape_cast %swap3A_266 : vector<16xf32> to vector<16xf32>
    %swap3A_268 = vector.shape_cast %broadcast_in_dim3A_264 : vector<16xf32> to vector<16xf32>
    tpu.vector_store %arg6[%swap3A_265], %swap3A_268 {strides = array<i32>} : memref<640xf32, #tpu.memory_space<vmem>>, vector<16xf32>,
    %broadcast_in_dim3A_269 = arith.constant 0.000000e+00 : f32
    %broadcast_in_dim3A_270 = vector.broadcast %broadcast_in_dim3A_269 : f32 to vector<16xf32>
    %swap3A_271 = arith.constant 592 : index
    %swap3A_272 = tpu.vector_load %arg6[%swap3A_271] {strides = array<i32>} : memref<640xf32, #tpu.memory_space<vmem>>, vector<16xf32>,
    %swap3A_273 = vector.shape_cast %swap3A_272 : vector<16xf32> to vector<16xf32>
    %swap3A_274 = vector.shape_cast %broadcast_in_dim3A_270 : vector<16xf32> to vector<16xf32>
    tpu.vector_store %arg6[%swap3A_271], %swap3A_274 {strides = array<i32>} : memref<640xf32, #tpu.memory_space<vmem>>, vector<16xf32>,
    %broadcast_in_dim3A_275 = arith.constant 0.000000e+00 : f32
    %broadcast_in_dim3A_276 = vector.broadcast %broadcast_in_dim3A_275 : f32 to vector<16xf32>
    %swap3A_277 = arith.constant 608 : index
    %swap3A_278 = tpu.vector_load %arg6[%swap3A_277] {strides = array<i32>} : memref<640xf32, #tpu.memory_space<vmem>>, vector<16xf32>,
    %swap3A_279 = vector.shape_cast %swap3A_278 : vector<16xf32> to vector<16xf32>
    %swap3A_280 = vector.shape_cast %broadcast_in_dim3A_276 : vector<16xf32> to vector<16xf32>
    tpu.vector_store %arg6[%swap3A_277], %swap3A_280 {strides = array<i32>} : memref<640xf32, #tpu.memory_space<vmem>>, vector<16xf32>,
    %broadcast_in_dim3A_281 = arith.constant 0.000000e+00 : f32
    %broadcast_in_dim3A_282 = vector.broadcast %broadcast_in_dim3A_281 : f32 to vector<16xf32>
    %swap3A_283 = arith.constant 624 : index
    %swap3A_284 = tpu.vector_load %arg6[%swap3A_283] {strides = array<i32>} : memref<640xf32, #tpu.memory_space<vmem>>, vector<16xf32>,
    %swap3A_285 = vector.shape_cast %swap3A_284 : vector<16xf32> to vector<16xf32>
    %swap3A_286 = vector.shape_cast %broadcast_in_dim3A_282 : vector<16xf32> to vector<16xf32>
    tpu.vector_store %arg6[%swap3A_283], %swap3A_286 {strides = array<i32>} : memref<640xf32, #tpu.memory_space<vmem>>, vector<16xf32>,
    %mul3A_287 = arith.constant 640 : i32
    %mul3A_288 = arith.muli %arg1, %mul3A_287 : i32
    "tpu.region"() ({
      %run_scoped3A_303 = tpu.sem_alloc : memref<!tpu.dma_semaphore, #tpu.memory_space<semaphore_mem>>
      %dma_start3A = tpu.memref_slice %arg7[%mul3A_288] : memref<10240xf32, #tpu.memory_space<vmem_shared>> -> memref<640xf32, #tpu.memory_space<vmem_shared>>
      %dma_start3A_304 = tpu.memref_slice %arg7[%mul3A_288] : memref<10240xf32, #tpu.memory_space<vmem_shared>> -> memref<640xf32, #tpu.memory_space<vmem_shared>>
      tpu.enqueue_dma source(%arg6 : memref<640xf32, #tpu.memory_space<vmem>>) target(%dma_start3A_304 : memref<640xf32, #tpu.memory_space<vmem_shared>>) target_semaphore(%run_scoped3A_303 : memref<!tpu.dma_semaphore, #tpu.memory_space<semaphore_mem>>)
      %dma_wait3A = tpu.memref_slice %arg7[%mul3A_288] : memref<10240xf32, #tpu.memory_space<vmem_shared>> -> memref<640xf32, #tpu.memory_space<vmem_shared>>
      %dma_wait3A_305 = tpu.memref_slice %arg7[%mul3A_288] : memref<10240xf32, #tpu.memory_space<vmem_shared>> -> memref<640xf32, #tpu.memory_space<vmem_shared>>
      tpu.wait_dma2 semaphore(%run_scoped3A_303 : memref<!tpu.dma_semaphore, #tpu.memory_space<semaphore_mem>>) src(%arg6 : memref<640xf32, #tpu.memory_space<vmem>>) dst(%dma_wait3A_305 : memref<640xf32, #tpu.memory_space<vmem_shared>>)
      tpu.yield
    }) : () -> ()
    %mul3A_289 = arith.constant 78 : i32
    %mul3A_290 = arith.muli %add3A, %mul3A_289 : i32
    %run_scoped3A = arith.constant 1 : i32
    "tpu.region"() ({
      %run_scoped3A_303 = tpu.sem_alloc : memref<!tpu.dma_semaphore, #tpu.memory_space<semaphore_mem>>
      %dma_start3A = arith.constant 0 : i32
      %dma_start3A_304 = tpu.memref_slice %arg2[%run_scoped3A, %mul3A_290, %dma_start3A] : memref<2x2500x128xi32, #tpu.memory_space<hbm>> -> memref<1x78x128xi32, #tpu.memory_space<hbm>>
      %dma_start3A_305 = tpu.memref_squeeze %dma_start3A_304 : memref<1x78x128xi32, #tpu.memory_space<hbm>> -> memref<78x128xi32, #tpu.memory_space<hbm>>
      %dma_start3A_306 = arith.constant 0 : i32
      %dma_start3A_307 = tpu.memref_slice %arg2[%run_scoped3A, %mul3A_290, %dma_start3A_306] : memref<2x2500x128xi32, #tpu.memory_space<hbm>> -> memref<1x78x128xi32, #tpu.memory_space<hbm>>
      %dma_start3A_308 = tpu.memref_squeeze %dma_start3A_307 : memref<1x78x128xi32, #tpu.memory_space<hbm>> -> memref<78x128xi32, #tpu.memory_space<hbm>>
      tpu.enqueue_dma source(%dma_start3A_308 : memref<78x128xi32, #tpu.memory_space<hbm>>) target(%arg4 : memref<78x128xi32, #tpu.memory_space<vmem>>) target_semaphore(%run_scoped3A_303 : memref<!tpu.dma_semaphore, #tpu.memory_space<semaphore_mem>>)
      %dma_wait3A = arith.constant 0 : i32
      %dma_wait3A_309 = tpu.memref_slice %arg2[%run_scoped3A, %mul3A_290, %dma_wait3A] : memref<2x2500x128xi32, #tpu.memory_space<hbm>> -> memref<1x78x128xi32, #tpu.memory_space<hbm>>
      %dma_wait3A_310 = tpu.memref_squeeze %dma_wait3A_309 : memref<1x78x128xi32, #tpu.memory_space<hbm>> -> memref<78x128xi32, #tpu.memory_space<hbm>>
      %dma_wait3A_311 = arith.constant 0 : i32
      %dma_wait3A_312 = tpu.memref_slice %arg2[%run_scoped3A, %mul3A_290, %dma_wait3A_311] : memref<2x2500x128xi32, #tpu.memory_space<hbm>> -> memref<1x78x128xi32, #tpu.memory_space<hbm>>
      %dma_wait3A_313 = tpu.memref_squeeze %dma_wait3A_312 : memref<1x78x128xi32, #tpu.memory_space<hbm>> -> memref<78x128xi32, #tpu.memory_space<hbm>>
      tpu.wait_dma2 semaphore(%run_scoped3A_303 : memref<!tpu.dma_semaphore, #tpu.memory_space<semaphore_mem>>) src(%dma_wait3A_313 : memref<78x128xi32, #tpu.memory_space<hbm>>) dst(%arg4 : memref<78x128xi32, #tpu.memory_space<vmem>>)
      tpu.yield
    }) : () -> ()
    %barrier3A = arith.constant 0 : index
    tpu.barrier barrier_id(%barrier3A)
    %scan3A = arith.constant 0 : i32
    %scan3A_291 = arith.constant 0 : i32
    %scan3A_292 = arith.constant 13 : i32
    %scan3A_293 = arith.addi %scan3A_291, %scan3A_292 : i32
    %scan3A_294 = arith.constant 1 : i32
    scf.for %scan3A_303 = %scan3A_291 to %scan3A_293 step %scan3A_294  : i32 {
      %mul3A_304 = arith.constant 6 : i32
      %mul3A_305 = arith.muli %scan3A_303, %mul3A_304 : i32
      %add3A_306 = arith.constant 0 : i32
      %add3A_307 = arith.addi %mul3A_305, %add3A_306 : i32
      %dma_start3A = arith.constant 0 : i32
      %dma_start3A_308 = tpu.memref_slice %arg4[%add3A_307, %dma_start3A] : memref<78x128xi32, #tpu.memory_space<vmem>> -> memref<1x128xi32, #tpu.memory_space<vmem>>
      %dma_start3A_309 = tpu.memref_squeeze %dma_start3A_308 : memref<1x128xi32, #tpu.memory_space<vmem>> -> memref<128xi32, #tpu.memory_space<vmem>>
      %dma_start3A_310 = arith.constant 0 : i32
      %dma_start3A_311 = tpu.memref_slice %arg7[%dma_start3A_310] : memref<10240xf32, #tpu.memory_space<vmem_shared>> -> memref<10240xf32, #tpu.memory_space<vmem_shared>>
      tpu.enqueue_indirect_dma source(%arg5 : memref<128xf32, #tpu.memory_space<vmem>>) target(%dma_start3A_311 : memref<10240xf32, #tpu.memory_space<vmem_shared>>) offsets(%dma_start3A_309 : memref<128xi32, #tpu.memory_space<vmem>>) semaphore(%arg8 : memref<!tpu.dma_semaphore, #tpu.memory_space<semaphore_mem>>) {add = true}
      %mul3A_312 = arith.constant 6 : i32
      %mul3A_313 = arith.muli %scan3A_303, %mul3A_312 : i32
      %add3A_314 = arith.constant 1 : i32
      %add3A_315 = arith.addi %mul3A_313, %add3A_314 : i32
      %dma_start3A_316 = arith.constant 0 : i32
      %dma_start3A_317 = tpu.memref_slice %arg4[%add3A_315, %dma_start3A_316] : memref<78x128xi32, #tpu.memory_space<vmem>> -> memref<1x128xi32, #tpu.memory_space<vmem>>
      %dma_start3A_318 = tpu.memref_squeeze %dma_start3A_317 : memref<1x128xi32, #tpu.memory_space<vmem>> -> memref<128xi32, #tpu.memory_space<vmem>>
      %dma_start3A_319 = arith.constant 0 : i32
      %dma_start3A_320 = tpu.memref_slice %arg7[%dma_start3A_319] : memref<10240xf32, #tpu.memory_space<vmem_shared>> -> memref<10240xf32, #tpu.memory_space<vmem_shared>>
      tpu.enqueue_indirect_dma source(%arg5 : memref<128xf32, #tpu.memory_space<vmem>>) target(%dma_start3A_320 : memref<10240xf32, #tpu.memory_space<vmem_shared>>) offsets(%dma_start3A_318 : memref<128xi32, #tpu.memory_space<vmem>>) semaphore(%arg8 : memref<!tpu.dma_semaphore, #tpu.memory_space<semaphore_mem>>) {add = true}
      %mul3A_321 = arith.constant 6 : i32
      %mul3A_322 = arith.muli %scan3A_303, %mul3A_321 : i32
      %add3A_323 = arith.constant 2 : i32
      %add3A_324 = arith.addi %mul3A_322, %add3A_323 : i32
      %dma_start3A_325 = arith.constant 0 : i32
      %dma_start3A_326 = tpu.memref_slice %arg4[%add3A_324, %dma_start3A_325] : memref<78x128xi32, #tpu.memory_space<vmem>> -> memref<1x128xi32, #tpu.memory_space<vmem>>
      %dma_start3A_327 = tpu.memref_squeeze %dma_start3A_326 : memref<1x128xi32, #tpu.memory_space<vmem>> -> memref<128xi32, #tpu.memory_space<vmem>>
      %dma_start3A_328 = arith.constant 0 : i32
      %dma_start3A_329 = tpu.memref_slice %arg7[%dma_start3A_328] : memref<10240xf32, #tpu.memory_space<vmem_shared>> -> memref<10240xf32, #tpu.memory_space<vmem_shared>>
      tpu.enqueue_indirect_dma source(%arg5 : memref<128xf32, #tpu.memory_space<vmem>>) target(%dma_start3A_329 : memref<10240xf32, #tpu.memory_space<vmem_shared>>) offsets(%dma_start3A_327 : memref<128xi32, #tpu.memory_space<vmem>>) semaphore(%arg8 : memref<!tpu.dma_semaphore, #tpu.memory_space<semaphore_mem>>) {add = true}
      %mul3A_330 = arith.constant 6 : i32
      %mul3A_331 = arith.muli %scan3A_303, %mul3A_330 : i32
      %add3A_332 = arith.constant 3 : i32
      %add3A_333 = arith.addi %mul3A_331, %add3A_332 : i32
      %dma_start3A_334 = arith.constant 0 : i32
      %dma_start3A_335 = tpu.memref_slice %arg4[%add3A_333, %dma_start3A_334] : memref<78x128xi32, #tpu.memory_space<vmem>> -> memref<1x128xi32, #tpu.memory_space<vmem>>
      %dma_start3A_336 = tpu.memref_squeeze %dma_start3A_335 : memref<1x128xi32, #tpu.memory_space<vmem>> -> memref<128xi32, #tpu.memory_space<vmem>>
      %dma_start3A_337 = arith.constant 0 : i32
      %dma_start3A_338 = tpu.memref_slice %arg7[%dma_start3A_337] : memref<10240xf32, #tpu.memory_space<vmem_shared>> -> memref<10240xf32, #tpu.memory_space<vmem_shared>>
      tpu.enqueue_indirect_dma source(%arg5 : memref<128xf32, #tpu.memory_space<vmem>>) target(%dma_start3A_338 : memref<10240xf32, #tpu.memory_space<vmem_shared>>) offsets(%dma_start3A_336 : memref<128xi32, #tpu.memory_space<vmem>>) semaphore(%arg8 : memref<!tpu.dma_semaphore, #tpu.memory_space<semaphore_mem>>) {add = true}
      %mul3A_339 = arith.constant 6 : i32
      %mul3A_340 = arith.muli %scan3A_303, %mul3A_339 : i32
      %add3A_341 = arith.constant 4 : i32
      %add3A_342 = arith.addi %mul3A_340, %add3A_341 : i32
      %dma_start3A_343 = arith.constant 0 : i32
      %dma_start3A_344 = tpu.memref_slice %arg4[%add3A_342, %dma_start3A_343] : memref<78x128xi32, #tpu.memory_space<vmem>> -> memref<1x128xi32, #tpu.memory_space<vmem>>
      %dma_start3A_345 = tpu.memref_squeeze %dma_start3A_344 : memref<1x128xi32, #tpu.memory_space<vmem>> -> memref<128xi32, #tpu.memory_space<vmem>>
      %dma_start3A_346 = arith.constant 0 : i32
      %dma_start3A_347 = tpu.memref_slice %arg7[%dma_start3A_346] : memref<10240xf32, #tpu.memory_space<vmem_shared>> -> memref<10240xf32, #tpu.memory_space<vmem_shared>>
      tpu.enqueue_indirect_dma source(%arg5 : memref<128xf32, #tpu.memory_space<vmem>>) target(%dma_start3A_347 : memref<10240xf32, #tpu.memory_space<vmem_shared>>) offsets(%dma_start3A_345 : memref<128xi32, #tpu.memory_space<vmem>>) semaphore(%arg8 : memref<!tpu.dma_semaphore, #tpu.memory_space<semaphore_mem>>) {add = true}
      %mul3A_348 = arith.constant 6 : i32
      %mul3A_349 = arith.muli %scan3A_303, %mul3A_348 : i32
      %add3A_350 = arith.constant 5 : i32
      %add3A_351 = arith.addi %mul3A_349, %add3A_350 : i32
      %dma_start3A_352 = arith.constant 0 : i32
      %dma_start3A_353 = tpu.memref_slice %arg4[%add3A_351, %dma_start3A_352] : memref<78x128xi32, #tpu.memory_space<vmem>> -> memref<1x128xi32, #tpu.memory_space<vmem>>
      %dma_start3A_354 = tpu.memref_squeeze %dma_start3A_353 : memref<1x128xi32, #tpu.memory_space<vmem>> -> memref<128xi32, #tpu.memory_space<vmem>>
      %dma_start3A_355 = arith.constant 0 : i32
      %dma_start3A_356 = tpu.memref_slice %arg7[%dma_start3A_355] : memref<10240xf32, #tpu.memory_space<vmem_shared>> -> memref<10240xf32, #tpu.memory_space<vmem_shared>>
      tpu.enqueue_indirect_dma source(%arg5 : memref<128xf32, #tpu.memory_space<vmem>>) target(%dma_start3A_356 : memref<10240xf32, #tpu.memory_space<vmem_shared>>) offsets(%dma_start3A_354 : memref<128xi32, #tpu.memory_space<vmem>>) semaphore(%arg8 : memref<!tpu.dma_semaphore, #tpu.memory_space<semaphore_mem>>) {add = true}
      %dma_wait3A = arith.constant 0 : i32
      %dma_wait3A_357 = tpu.memref_slice %arg4[%add3A_307, %dma_wait3A] : memref<78x128xi32, #tpu.memory_space<vmem>> -> memref<1x128xi32, #tpu.memory_space<vmem>>
      %dma_wait3A_358 = tpu.memref_squeeze %dma_wait3A_357 : memref<1x128xi32, #tpu.memory_space<vmem>> -> memref<128xi32, #tpu.memory_space<vmem>>
      %dma_wait3A_359 = arith.constant 0 : i32
      %dma_wait3A_360 = tpu.memref_slice %arg7[%dma_wait3A_359] : memref<10240xf32, #tpu.memory_space<vmem_shared>> -> memref<10240xf32, #tpu.memory_space<vmem_shared>>
      tpu.wait_indirect_dma semaphore(%arg8 : memref<!tpu.dma_semaphore, #tpu.memory_space<semaphore_mem>>) src(%arg5 : memref<128xf32, #tpu.memory_space<vmem>>) dst(%dma_wait3A_360 : memref<10240xf32, #tpu.memory_space<vmem_shared>>)
      %dma_wait3A_361 = arith.constant 0 : i32
      %dma_wait3A_362 = tpu.memref_slice %arg4[%add3A_315, %dma_wait3A_361] : memref<78x128xi32, #tpu.memory_space<vmem>> -> memref<1x128xi32, #tpu.memory_space<vmem>>
      %dma_wait3A_363 = tpu.memref_squeeze %dma_wait3A_362 : memref<1x128xi32, #tpu.memory_space<vmem>> -> memref<128xi32, #tpu.memory_space<vmem>>
      %dma_wait3A_364 = arith.constant 0 : i32
      %dma_wait3A_365 = tpu.memref_slice %arg7[%dma_wait3A_364] : memref<10240xf32, #tpu.memory_space<vmem_shared>> -> memref<10240xf32, #tpu.memory_space<vmem_shared>>
      tpu.wait_indirect_dma semaphore(%arg8 : memref<!tpu.dma_semaphore, #tpu.memory_space<semaphore_mem>>) src(%arg5 : memref<128xf32, #tpu.memory_space<vmem>>) dst(%dma_wait3A_365 : memref<10240xf32, #tpu.memory_space<vmem_shared>>)
      %dma_wait3A_366 = arith.constant 0 : i32
      %dma_wait3A_367 = tpu.memref_slice %arg4[%add3A_324, %dma_wait3A_366] : memref<78x128xi32, #tpu.memory_space<vmem>> -> memref<1x128xi32, #tpu.memory_space<vmem>>
      %dma_wait3A_368 = tpu.memref_squeeze %dma_wait3A_367 : memref<1x128xi32, #tpu.memory_space<vmem>> -> memref<128xi32, #tpu.memory_space<vmem>>
      %dma_wait3A_369 = arith.constant 0 : i32
      %dma_wait3A_370 = tpu.memref_slice %arg7[%dma_wait3A_369] : memref<10240xf32, #tpu.memory_space<vmem_shared>> -> memref<10240xf32, #tpu.memory_space<vmem_shared>>
      tpu.wait_indirect_dma semaphore(%arg8 : memref<!tpu.dma_semaphore, #tpu.memory_space<semaphore_mem>>) src(%arg5 : memref<128xf32, #tpu.memory_space<vmem>>) dst(%dma_wait3A_370 : memref<10240xf32, #tpu.memory_space<vmem_shared>>)
      %dma_wait3A_371 = arith.constant 0 : i32
      %dma_wait3A_372 = tpu.memref_slice %arg4[%add3A_333, %dma_wait3A_371] : memref<78x128xi32, #tpu.memory_space<vmem>> -> memref<1x128xi32, #tpu.memory_space<vmem>>
      %dma_wait3A_373 = tpu.memref_squeeze %dma_wait3A_372 : memref<1x128xi32, #tpu.memory_space<vmem>> -> memref<128xi32, #tpu.memory_space<vmem>>
      %dma_wait3A_374 = arith.constant 0 : i32
      %dma_wait3A_375 = tpu.memref_slice %arg7[%dma_wait3A_374] : memref<10240xf32, #tpu.memory_space<vmem_shared>> -> memref<10240xf32, #tpu.memory_space<vmem_shared>>
      tpu.wait_indirect_dma semaphore(%arg8 : memref<!tpu.dma_semaphore, #tpu.memory_space<semaphore_mem>>) src(%arg5 : memref<128xf32, #tpu.memory_space<vmem>>) dst(%dma_wait3A_375 : memref<10240xf32, #tpu.memory_space<vmem_shared>>)
      %dma_wait3A_376 = arith.constant 0 : i32
      %dma_wait3A_377 = tpu.memref_slice %arg4[%add3A_342, %dma_wait3A_376] : memref<78x128xi32, #tpu.memory_space<vmem>> -> memref<1x128xi32, #tpu.memory_space<vmem>>
      %dma_wait3A_378 = tpu.memref_squeeze %dma_wait3A_377 : memref<1x128xi32, #tpu.memory_space<vmem>> -> memref<128xi32, #tpu.memory_space<vmem>>
      %dma_wait3A_379 = arith.constant 0 : i32
      %dma_wait3A_380 = tpu.memref_slice %arg7[%dma_wait3A_379] : memref<10240xf32, #tpu.memory_space<vmem_shared>> -> memref<10240xf32, #tpu.memory_space<vmem_shared>>
      tpu.wait_indirect_dma semaphore(%arg8 : memref<!tpu.dma_semaphore, #tpu.memory_space<semaphore_mem>>) src(%arg5 : memref<128xf32, #tpu.memory_space<vmem>>) dst(%dma_wait3A_380 : memref<10240xf32, #tpu.memory_space<vmem_shared>>)
      %dma_wait3A_381 = arith.constant 0 : i32
      %dma_wait3A_382 = tpu.memref_slice %arg4[%add3A_351, %dma_wait3A_381] : memref<78x128xi32, #tpu.memory_space<vmem>> -> memref<1x128xi32, #tpu.memory_space<vmem>>
      %dma_wait3A_383 = tpu.memref_squeeze %dma_wait3A_382 : memref<1x128xi32, #tpu.memory_space<vmem>> -> memref<128xi32, #tpu.memory_space<vmem>>
      %dma_wait3A_384 = arith.constant 0 : i32
      %dma_wait3A_385 = tpu.memref_slice %arg7[%dma_wait3A_384] : memref<10240xf32, #tpu.memory_space<vmem_shared>> -> memref<10240xf32, #tpu.memory_space<vmem_shared>>
      tpu.wait_indirect_dma semaphore(%arg8 : memref<!tpu.dma_semaphore, #tpu.memory_space<semaphore_mem>>) src(%arg5 : memref<128xf32, #tpu.memory_space<vmem>>) dst(%dma_wait3A_385 : memref<10240xf32, #tpu.memory_space<vmem_shared>>)
    }
    %scan3A_295 = arith.constant 13 : i32
    %lt3A = arith.constant 4 : i32
    %lt3A_296 = arith.cmpi slt, %add3A, %lt3A : i32
    %convert_element_type3A = arith.extui %lt3A_296 : i1 to i32
    %cond3A = arith.constant 0 : i32
    %cond3A_297 = arith.cmpi ne, %convert_element_type3A, %cond3A : i32
    scf.if %cond3A_297 {
      %add3A_303 = arith.constant 2496 : i32
      %add3A_304 = arith.addi %add3A_303, %add3A : i32
      %run_scoped3A_305 = arith.constant 1 : i32
      "tpu.region"() ({
        %run_scoped3A_307 = tpu.sem_alloc : memref<!tpu.dma_semaphore, #tpu.memory_space<semaphore_mem>>
        %dma_start3A = arith.constant 0 : i32
        %dma_start3A_308 = arith.constant 0 : i32
        %dma_start3A_309 = tpu.memref_slice %arg4[%dma_start3A, %dma_start3A_308] : memref<78x128xi32, #tpu.memory_space<vmem>> -> memref<1x128xi32, #tpu.memory_space<vmem>>
        %dma_start3A_310 = arith.constant 0 : i32
        %dma_start3A_311 = tpu.memref_slice %arg2[%run_scoped3A_305, %add3A_304, %dma_start3A_310] : memref<2x2500x128xi32, #tpu.memory_space<hbm>> -> memref<1x1x128xi32, #tpu.memory_space<hbm>>
        %dma_start3A_312 = tpu.memref_squeeze %dma_start3A_311 : memref<1x1x128xi32, #tpu.memory_space<hbm>> -> memref<1x128xi32, #tpu.memory_space<hbm>>
        %dma_start3A_313 = arith.constant 0 : i32
        %dma_start3A_314 = arith.constant 0 : i32
        %dma_start3A_315 = tpu.memref_slice %arg4[%dma_start3A_313, %dma_start3A_314] : memref<78x128xi32, #tpu.memory_space<vmem>> -> memref<1x128xi32, #tpu.memory_space<vmem>>
        %dma_start3A_316 = arith.constant 0 : i32
        %dma_start3A_317 = tpu.memref_slice %arg2[%run_scoped3A_305, %add3A_304, %dma_start3A_316] : memref<2x2500x128xi32, #tpu.memory_space<hbm>> -> memref<1x1x128xi32, #tpu.memory_space<hbm>>
        %dma_start3A_318 = tpu.memref_squeeze %dma_start3A_317 : memref<1x1x128xi32, #tpu.memory_space<hbm>> -> memref<1x128xi32, #tpu.memory_space<hbm>>
        tpu.enqueue_dma source(%dma_start3A_318 : memref<1x128xi32, #tpu.memory_space<hbm>>) target(%dma_start3A_315 : memref<1x128xi32, #tpu.memory_space<vmem>>) target_semaphore(%run_scoped3A_307 : memref<!tpu.dma_semaphore, #tpu.memory_space<semaphore_mem>>)
        %dma_wait3A = arith.constant 0 : i32
        %dma_wait3A_319 = arith.constant 0 : i32
        %dma_wait3A_320 = tpu.memref_slice %arg4[%dma_wait3A, %dma_wait3A_319] : memref<78x128xi32, #tpu.memory_space<vmem>> -> memref<1x128xi32, #tpu.memory_space<vmem>>
        %dma_wait3A_321 = arith.constant 0 : i32
        %dma_wait3A_322 = tpu.memref_slice %arg2[%run_scoped3A_305, %add3A_304, %dma_wait3A_321] : memref<2x2500x128xi32, #tpu.memory_space<hbm>> -> memref<1x1x128xi32, #tpu.memory_space<hbm>>
        %dma_wait3A_323 = tpu.memref_squeeze %dma_wait3A_322 : memref<1x1x128xi32, #tpu.memory_space<hbm>> -> memref<1x128xi32, #tpu.memory_space<hbm>>
        %dma_wait3A_324 = arith.constant 0 : i32
        %dma_wait3A_325 = arith.constant 0 : i32
        %dma_wait3A_326 = tpu.memref_slice %arg4[%dma_wait3A_324, %dma_wait3A_325] : memref<78x128xi32, #tpu.memory_space<vmem>> -> memref<1x128xi32, #tpu.memory_space<vmem>>
        %dma_wait3A_327 = arith.constant 0 : i32
        %dma_wait3A_328 = tpu.memref_slice %arg2[%run_scoped3A_305, %add3A_304, %dma_wait3A_327] : memref<2x2500x128xi32, #tpu.memory_space<hbm>> -> memref<1x1x128xi32, #tpu.memory_space<hbm>>
        %dma_wait3A_329 = tpu.memref_squeeze %dma_wait3A_328 : memref<1x1x128xi32, #tpu.memory_space<hbm>> -> memref<1x128xi32, #tpu.memory_space<hbm>>
        tpu.wait_dma2 semaphore(%run_scoped3A_307 : memref<!tpu.dma_semaphore, #tpu.memory_space<semaphore_mem>>) src(%dma_wait3A_329 : memref<1x128xi32, #tpu.memory_space<hbm>>) dst(%dma_wait3A_326 : memref<1x128xi32, #tpu.memory_space<vmem>>)
        tpu.yield
      }) : () -> ()
      %run_scoped3A_306 = arith.constant 0 : i32
      "tpu.region"() ({
        %run_scoped3A_307 = tpu.sem_alloc : memref<!tpu.dma_semaphore, #tpu.memory_space<semaphore_mem>>
        %dma_start3A = arith.constant 0 : i32
        %dma_start3A_308 = tpu.memref_slice %arg4[%run_scoped3A_306, %dma_start3A] : memref<78x128xi32, #tpu.memory_space<vmem>> -> memref<1x128xi32, #tpu.memory_space<vmem>>
        %dma_start3A_309 = tpu.memref_squeeze %dma_start3A_308 : memref<1x128xi32, #tpu.memory_space<vmem>> -> memref<128xi32, #tpu.memory_space<vmem>>
        %dma_start3A_310 = arith.constant 0 : i32
        %dma_start3A_311 = tpu.memref_slice %arg7[%dma_start3A_310] : memref<10240xf32, #tpu.memory_space<vmem_shared>> -> memref<10240xf32, #tpu.memory_space<vmem_shared>>
        tpu.enqueue_indirect_dma source(%arg5 : memref<128xf32, #tpu.memory_space<vmem>>) target(%dma_start3A_311 : memref<10240xf32, #tpu.memory_space<vmem_shared>>) offsets(%dma_start3A_309 : memref<128xi32, #tpu.memory_space<vmem>>) semaphore(%run_scoped3A_307 : memref<!tpu.dma_semaphore, #tpu.memory_space<semaphore_mem>>) {add = true}
        %dma_wait3A = arith.constant 0 : i32
        %dma_wait3A_312 = tpu.memref_slice %arg4[%run_scoped3A_306, %dma_wait3A] : memref<78x128xi32, #tpu.memory_space<vmem>> -> memref<1x128xi32, #tpu.memory_space<vmem>>
        %dma_wait3A_313 = tpu.memref_squeeze %dma_wait3A_312 : memref<1x128xi32, #tpu.memory_space<vmem>> -> memref<128xi32, #tpu.memory_space<vmem>>
        %dma_wait3A_314 = arith.constant 0 : i32
        %dma_wait3A_315 = tpu.memref_slice %arg7[%dma_wait3A_314] : memref<10240xf32, #tpu.memory_space<vmem_shared>> -> memref<10240xf32, #tpu.memory_space<vmem_shared>>
        tpu.wait_indirect_dma semaphore(%run_scoped3A_307 : memref<!tpu.dma_semaphore, #tpu.memory_space<semaphore_mem>>) src(%arg5 : memref<128xf32, #tpu.memory_space<vmem>>) dst(%dma_wait3A_315 : memref<10240xf32, #tpu.memory_space<vmem_shared>>)
        tpu.yield
      }) : () -> ()
    } else {
    }
    %barrier3A_298 = arith.constant 0 : index
    tpu.barrier barrier_id(%barrier3A_298)
    %mul3A_299 = arith.constant 640 : i32
    %mul3A_300 = arith.muli %arg1, %mul3A_299 : i32
    "tpu.region"() ({
      %run_scoped3A_303 = tpu.sem_alloc : memref<!tpu.dma_semaphore, #tpu.memory_space<semaphore_mem>>
      %dma_start3A = tpu.memref_slice %arg7[%mul3A_300] : memref<10240xf32, #tpu.memory_space<vmem_shared>> -> memref<640xf32, #tpu.memory_space<vmem_shared>>
      %dma_start3A_304 = tpu.memref_slice %arg7[%mul3A_300] : memref<10240xf32, #tpu.memory_space<vmem_shared>> -> memref<640xf32, #tpu.memory_space<vmem_shared>>
      tpu.enqueue_dma source(%dma_start3A_304 : memref<640xf32, #tpu.memory_space<vmem_shared>>) target(%arg6 : memref<640xf32, #tpu.memory_space<vmem>>) target_semaphore(%run_scoped3A_303 : memref<!tpu.dma_semaphore, #tpu.memory_space<semaphore_mem>>)
      %dma_wait3A = tpu.memref_slice %arg7[%mul3A_300] : memref<10240xf32, #tpu.memory_space<vmem_shared>> -> memref<640xf32, #tpu.memory_space<vmem_shared>>
      %dma_wait3A_305 = tpu.memref_slice %arg7[%mul3A_300] : memref<10240xf32, #tpu.memory_space<vmem_shared>> -> memref<640xf32, #tpu.memory_space<vmem_shared>>
      tpu.wait_dma2 semaphore(%run_scoped3A_303 : memref<!tpu.dma_semaphore, #tpu.memory_space<semaphore_mem>>) src(%dma_wait3A_305 : memref<640xf32, #tpu.memory_space<vmem_shared>>) dst(%arg6 : memref<640xf32, #tpu.memory_space<vmem>>)
      tpu.yield
    }) : () -> ()
    %mul3A_301 = arith.constant 640 : i32
    %mul3A_302 = arith.muli %arg1, %mul3A_301 : i32
    "tpu.region"() ({
      %run_scoped3A_303 = tpu.sem_alloc : memref<!tpu.dma_semaphore, #tpu.memory_space<semaphore_mem>>
      %dma_start3A = tpu.memref_slice %arg3[%arg0, %mul3A_302] : memref<2x10240xf32, #tpu.memory_space<hbm>> -> memref<1x640xf32, #tpu.memory_space<hbm>>
      %dma_start3A_304 = tpu.memref_squeeze %dma_start3A : memref<1x640xf32, #tpu.memory_space<hbm>> -> memref<640xf32, #tpu.memory_space<hbm>>
      %dma_start3A_305 = tpu.memref_slice %arg3[%arg0, %mul3A_302] : memref<2x10240xf32, #tpu.memory_space<hbm>> -> memref<1x640xf32, #tpu.memory_space<hbm>>
      %dma_start3A_306 = tpu.memref_squeeze %dma_start3A_305 : memref<1x640xf32, #tpu.memory_space<hbm>> -> memref<640xf32, #tpu.memory_space<hbm>>
      tpu.enqueue_dma source(%arg6 : memref<640xf32, #tpu.memory_space<vmem>>) target(%dma_start3A_306 : memref<640xf32, #tpu.memory_space<hbm>>) target_semaphore(%run_scoped3A_303 : memref<!tpu.dma_semaphore, #tpu.memory_space<semaphore_mem>>)
      %dma_wait3A = tpu.memref_slice %arg3[%arg0, %mul3A_302] : memref<2x10240xf32, #tpu.memory_space<hbm>> -> memref<1x640xf32, #tpu.memory_space<hbm>>
      %dma_wait3A_307 = tpu.memref_squeeze %dma_wait3A : memref<1x640xf32, #tpu.memory_space<hbm>> -> memref<640xf32, #tpu.memory_space<hbm>>
      %dma_wait3A_308 = tpu.memref_slice %arg3[%arg0, %mul3A_302] : memref<2x10240xf32, #tpu.memory_space<hbm>> -> memref<1x640xf32, #tpu.memory_space<hbm>>
      %dma_wait3A_309 = tpu.memref_squeeze %dma_wait3A_308 : memref<1x640xf32, #tpu.memory_space<hbm>> -> memref<640xf32, #tpu.memory_space<hbm>>
      tpu.wait_dma2 semaphore(%run_scoped3A_303 : memref<!tpu.dma_semaphore, #tpu.memory_space<semaphore_mem>>) src(%arg6 : memref<640xf32, #tpu.memory_space<vmem>>) dst(%dma_wait3A_309 : memref<640xf32, #tpu.memory_space<hbm>>)
      tpu.yield
    }) : () -> ()
    return
  }
}

#map = affine_map<(d0, d1) -> (0, 0)>
#map1 = affine_map<(d0, d1) -> (0, 0, 0)>
module attributes {stable_mosaic.version = 14 : i64} {
  func.func @prop(%arg0: i32, %arg1: i32, %arg2: memref<10240x128xf32, #tpu.memory_space<hbm>>, %arg3: memref<2x2500x128xi32, #tpu.memory_space<hbm>>, %arg4: memref<10240x64xf32, #tpu.memory_space<hbm>>, %arg5: memref<10240x64xf32, #tpu.memory_space<hbm>>, %arg6: memref<78x128xi32, #tpu.memory_space<vmem>>, %arg7: memref<78x128xi32, #tpu.memory_space<vmem>>, %arg8: memref<128x64xf32, #tpu.memory_space<vmem>>, %arg9: memref<128x64xf32, #tpu.memory_space<vmem>>, %arg10: memref<10240x64xf32, #tpu.memory_space<vmem_shared>>, %arg11: memref<10240x64xf32, #tpu.memory_space<vmem_shared>>, %arg12: memref<!tpu.dma_semaphore, #tpu.memory_space<semaphore_mem>>, %arg13: memref<!tpu.dma_semaphore, #tpu.memory_space<semaphore_mem>>) attributes {dimension_semantics = [#tpu.dimension_semantics<core_parallel>, #tpu.dimension_semantics<subcore_parallel>], iteration_bounds = array<i64: 2, 16>, scalar_prefetch = 0 : i64, scratch_operands = 8 : i64, tpu.core_type = #tpu.core_type<sc_vector_subcore>, window_params = [{transform_indices = #map}, {transform_indices = #map1}, {transform_indices = #map}, {transform_indices = #map}]} {
    %mul3A = arith.constant 16 : i32
    %mul3A_0 = arith.muli %arg0, %mul3A : i32
    %add3A = arith.addi %mul3A_0, %arg1 : i32
    %scan3A = arith.constant 0 : i32
    %scan3A_1 = arith.constant 0 : i32
    %scan3A_2 = arith.constant 128 : i32
    %scan3A_3 = arith.addi %scan3A_1, %scan3A_2 : i32
    %scan3A_4 = arith.constant 1 : i32
    scf.for %scan3A_164 = %scan3A_1 to %scan3A_3 step %scan3A_4  : i32 {
      %broadcast_in_dim3A = arith.constant 0.000000e+00 : f32
      %broadcast_in_dim3A_165 = vector.broadcast %broadcast_in_dim3A : f32 to vector<16xf32>
      %swap3A = arith.index_cast %scan3A_164 : i32 to index
      %swap3A_166 = arith.constant 0 : index
      %swap3A_167 = tpu.vector_load %arg8[%swap3A, %swap3A_166] {strides = array<i32>} : memref<128x64xf32, #tpu.memory_space<vmem>>, vector<1x16xf32>,
      %swap3A_168 = vector.shape_cast %swap3A_167 : vector<1x16xf32> to vector<16xf32>
      %swap3A_169 = vector.shape_cast %broadcast_in_dim3A_165 : vector<16xf32> to vector<1x16xf32>
      tpu.vector_store %arg8[%swap3A, %swap3A_166], %swap3A_169 {strides = array<i32>} : memref<128x64xf32, #tpu.memory_space<vmem>>, vector<1x16xf32>,
      %broadcast_in_dim3A_170 = arith.constant 0.000000e+00 : f32
      %broadcast_in_dim3A_171 = vector.broadcast %broadcast_in_dim3A_170 : f32 to vector<16xf32>
      %swap3A_172 = arith.index_cast %scan3A_164 : i32 to index
      %swap3A_173 = arith.constant 16 : index
      %swap3A_174 = tpu.vector_load %arg8[%swap3A_172, %swap3A_173] {strides = array<i32>} : memref<128x64xf32, #tpu.memory_space<vmem>>, vector<1x16xf32>,
      %swap3A_175 = vector.shape_cast %swap3A_174 : vector<1x16xf32> to vector<16xf32>
      %swap3A_176 = vector.shape_cast %broadcast_in_dim3A_171 : vector<16xf32> to vector<1x16xf32>
      tpu.vector_store %arg8[%swap3A_172, %swap3A_173], %swap3A_176 {strides = array<i32>} : memref<128x64xf32, #tpu.memory_space<vmem>>, vector<1x16xf32>,
      %broadcast_in_dim3A_177 = arith.constant 0.000000e+00 : f32
      %broadcast_in_dim3A_178 = vector.broadcast %broadcast_in_dim3A_177 : f32 to vector<16xf32>
      %swap3A_179 = arith.index_cast %scan3A_164 : i32 to index
      %swap3A_180 = arith.constant 32 : index
      %swap3A_181 = tpu.vector_load %arg8[%swap3A_179, %swap3A_180] {strides = array<i32>} : memref<128x64xf32, #tpu.memory_space<vmem>>, vector<1x16xf32>,
      %swap3A_182 = vector.shape_cast %swap3A_181 : vector<1x16xf32> to vector<16xf32>
      %swap3A_183 = vector.shape_cast %broadcast_in_dim3A_178 : vector<16xf32> to vector<1x16xf32>
      tpu.vector_store %arg8[%swap3A_179, %swap3A_180], %swap3A_183 {strides = array<i32>} : memref<128x64xf32, #tpu.memory_space<vmem>>, vector<1x16xf32>,
      %broadcast_in_dim3A_184 = arith.constant 0.000000e+00 : f32
      %broadcast_in_dim3A_185 = vector.broadcast %broadcast_in_dim3A_184 : f32 to vector<16xf32>
      %swap3A_186 = arith.index_cast %scan3A_164 : i32 to index
      %swap3A_187 = arith.constant 48 : index
      %swap3A_188 = tpu.vector_load %arg8[%swap3A_186, %swap3A_187] {strides = array<i32>} : memref<128x64xf32, #tpu.memory_space<vmem>>, vector<1x16xf32>,
      %swap3A_189 = vector.shape_cast %swap3A_188 : vector<1x16xf32> to vector<16xf32>
      %swap3A_190 = vector.shape_cast %broadcast_in_dim3A_185 : vector<16xf32> to vector<1x16xf32>
      tpu.vector_store %arg8[%swap3A_186, %swap3A_187], %swap3A_190 {strides = array<i32>} : memref<128x64xf32, #tpu.memory_space<vmem>>, vector<1x16xf32>,
    }
    %scan3A_5 = arith.constant 128 : i32
    %mul3A_6 = arith.constant 640 : i32
    %mul3A_7 = arith.muli %arg1, %mul3A_6 : i32
    %add3A_8 = arith.constant 0 : i32
    %add3A_9 = arith.addi %mul3A_7, %add3A_8 : i32
    "tpu.region"() ({
      %run_scoped3A_164 = tpu.sem_alloc : memref<!tpu.dma_semaphore, #tpu.memory_space<semaphore_mem>>
      %dma_start3A_165 = arith.constant 0 : i32
      %dma_start3A_166 = tpu.memref_slice %arg11[%add3A_9, %dma_start3A_165] : memref<10240x64xf32, #tpu.memory_space<vmem_shared>> -> memref<128x64xf32, #tpu.memory_space<vmem_shared>>
      %dma_start3A_167 = arith.constant 0 : i32
      %dma_start3A_168 = tpu.memref_slice %arg11[%add3A_9, %dma_start3A_167] : memref<10240x64xf32, #tpu.memory_space<vmem_shared>> -> memref<128x64xf32, #tpu.memory_space<vmem_shared>>
      tpu.enqueue_dma source(%arg8 : memref<128x64xf32, #tpu.memory_space<vmem>>) target(%dma_start3A_168 : memref<128x64xf32, #tpu.memory_space<vmem_shared>>) target_semaphore(%run_scoped3A_164 : memref<!tpu.dma_semaphore, #tpu.memory_space<semaphore_mem>>)
      %dma_wait3A = arith.constant 0 : i32
      %dma_wait3A_169 = tpu.memref_slice %arg11[%add3A_9, %dma_wait3A] : memref<10240x64xf32, #tpu.memory_space<vmem_shared>> -> memref<128x64xf32, #tpu.memory_space<vmem_shared>>
      %dma_wait3A_170 = arith.constant 0 : i32
      %dma_wait3A_171 = tpu.memref_slice %arg11[%add3A_9, %dma_wait3A_170] : memref<10240x64xf32, #tpu.memory_space<vmem_shared>> -> memref<128x64xf32, #tpu.memory_space<vmem_shared>>
      tpu.wait_dma2 semaphore(%run_scoped3A_164 : memref<!tpu.dma_semaphore, #tpu.memory_space<semaphore_mem>>) src(%arg8 : memref<128x64xf32, #tpu.memory_space<vmem>>) dst(%dma_wait3A_171 : memref<128x64xf32, #tpu.memory_space<vmem_shared>>)
      tpu.yield
    }) : () -> ()
    %mul3A_10 = arith.constant 640 : i32
    %mul3A_11 = arith.muli %arg1, %mul3A_10 : i32
    %add3A_12 = arith.constant 128 : i32
    %add3A_13 = arith.addi %mul3A_11, %add3A_12 : i32
    "tpu.region"() ({
      %run_scoped3A_164 = tpu.sem_alloc : memref<!tpu.dma_semaphore, #tpu.memory_space<semaphore_mem>>
      %dma_start3A_165 = arith.constant 0 : i32
      %dma_start3A_166 = tpu.memref_slice %arg11[%add3A_13, %dma_start3A_165] : memref<10240x64xf32, #tpu.memory_space<vmem_shared>> -> memref<128x64xf32, #tpu.memory_space<vmem_shared>>
      %dma_start3A_167 = arith.constant 0 : i32
      %dma_start3A_168 = tpu.memref_slice %arg11[%add3A_13, %dma_start3A_167] : memref<10240x64xf32, #tpu.memory_space<vmem_shared>> -> memref<128x64xf32, #tpu.memory_space<vmem_shared>>
      tpu.enqueue_dma source(%arg8 : memref<128x64xf32, #tpu.memory_space<vmem>>) target(%dma_start3A_168 : memref<128x64xf32, #tpu.memory_space<vmem_shared>>) target_semaphore(%run_scoped3A_164 : memref<!tpu.dma_semaphore, #tpu.memory_space<semaphore_mem>>)
      %dma_wait3A = arith.constant 0 : i32
      %dma_wait3A_169 = tpu.memref_slice %arg11[%add3A_13, %dma_wait3A] : memref<10240x64xf32, #tpu.memory_space<vmem_shared>> -> memref<128x64xf32, #tpu.memory_space<vmem_shared>>
      %dma_wait3A_170 = arith.constant 0 : i32
      %dma_wait3A_171 = tpu.memref_slice %arg11[%add3A_13, %dma_wait3A_170] : memref<10240x64xf32, #tpu.memory_space<vmem_shared>> -> memref<128x64xf32, #tpu.memory_space<vmem_shared>>
      tpu.wait_dma2 semaphore(%run_scoped3A_164 : memref<!tpu.dma_semaphore, #tpu.memory_space<semaphore_mem>>) src(%arg8 : memref<128x64xf32, #tpu.memory_space<vmem>>) dst(%dma_wait3A_171 : memref<128x64xf32, #tpu.memory_space<vmem_shared>>)
      tpu.yield
    }) : () -> ()
    %mul3A_14 = arith.constant 640 : i32
    %mul3A_15 = arith.muli %arg1, %mul3A_14 : i32
    %add3A_16 = arith.constant 256 : i32
    %add3A_17 = arith.addi %mul3A_15, %add3A_16 : i32
    "tpu.region"() ({
      %run_scoped3A_164 = tpu.sem_alloc : memref<!tpu.dma_semaphore, #tpu.memory_space<semaphore_mem>>
      %dma_start3A_165 = arith.constant 0 : i32
      %dma_start3A_166 = tpu.memref_slice %arg11[%add3A_17, %dma_start3A_165] : memref<10240x64xf32, #tpu.memory_space<vmem_shared>> -> memref<128x64xf32, #tpu.memory_space<vmem_shared>>
      %dma_start3A_167 = arith.constant 0 : i32
      %dma_start3A_168 = tpu.memref_slice %arg11[%add3A_17, %dma_start3A_167] : memref<10240x64xf32, #tpu.memory_space<vmem_shared>> -> memref<128x64xf32, #tpu.memory_space<vmem_shared>>
      tpu.enqueue_dma source(%arg8 : memref<128x64xf32, #tpu.memory_space<vmem>>) target(%dma_start3A_168 : memref<128x64xf32, #tpu.memory_space<vmem_shared>>) target_semaphore(%run_scoped3A_164 : memref<!tpu.dma_semaphore, #tpu.memory_space<semaphore_mem>>)
      %dma_wait3A = arith.constant 0 : i32
      %dma_wait3A_169 = tpu.memref_slice %arg11[%add3A_17, %dma_wait3A] : memref<10240x64xf32, #tpu.memory_space<vmem_shared>> -> memref<128x64xf32, #tpu.memory_space<vmem_shared>>
      %dma_wait3A_170 = arith.constant 0 : i32
      %dma_wait3A_171 = tpu.memref_slice %arg11[%add3A_17, %dma_wait3A_170] : memref<10240x64xf32, #tpu.memory_space<vmem_shared>> -> memref<128x64xf32, #tpu.memory_space<vmem_shared>>
      tpu.wait_dma2 semaphore(%run_scoped3A_164 : memref<!tpu.dma_semaphore, #tpu.memory_space<semaphore_mem>>) src(%arg8 : memref<128x64xf32, #tpu.memory_space<vmem>>) dst(%dma_wait3A_171 : memref<128x64xf32, #tpu.memory_space<vmem_shared>>)
      tpu.yield
    }) : () -> ()
    %mul3A_18 = arith.constant 640 : i32
    %mul3A_19 = arith.muli %arg1, %mul3A_18 : i32
    %add3A_20 = arith.constant 384 : i32
    %add3A_21 = arith.addi %mul3A_19, %add3A_20 : i32
    "tpu.region"() ({
      %run_scoped3A_164 = tpu.sem_alloc : memref<!tpu.dma_semaphore, #tpu.memory_space<semaphore_mem>>
      %dma_start3A_165 = arith.constant 0 : i32
      %dma_start3A_166 = tpu.memref_slice %arg11[%add3A_21, %dma_start3A_165] : memref<10240x64xf32, #tpu.memory_space<vmem_shared>> -> memref<128x64xf32, #tpu.memory_space<vmem_shared>>
      %dma_start3A_167 = arith.constant 0 : i32
      %dma_start3A_168 = tpu.memref_slice %arg11[%add3A_21, %dma_start3A_167] : memref<10240x64xf32, #tpu.memory_space<vmem_shared>> -> memref<128x64xf32, #tpu.memory_space<vmem_shared>>
      tpu.enqueue_dma source(%arg8 : memref<128x64xf32, #tpu.memory_space<vmem>>) target(%dma_start3A_168 : memref<128x64xf32, #tpu.memory_space<vmem_shared>>) target_semaphore(%run_scoped3A_164 : memref<!tpu.dma_semaphore, #tpu.memory_space<semaphore_mem>>)
      %dma_wait3A = arith.constant 0 : i32
      %dma_wait3A_169 = tpu.memref_slice %arg11[%add3A_21, %dma_wait3A] : memref<10240x64xf32, #tpu.memory_space<vmem_shared>> -> memref<128x64xf32, #tpu.memory_space<vmem_shared>>
      %dma_wait3A_170 = arith.constant 0 : i32
      %dma_wait3A_171 = tpu.memref_slice %arg11[%add3A_21, %dma_wait3A_170] : memref<10240x64xf32, #tpu.memory_space<vmem_shared>> -> memref<128x64xf32, #tpu.memory_space<vmem_shared>>
      tpu.wait_dma2 semaphore(%run_scoped3A_164 : memref<!tpu.dma_semaphore, #tpu.memory_space<semaphore_mem>>) src(%arg8 : memref<128x64xf32, #tpu.memory_space<vmem>>) dst(%dma_wait3A_171 : memref<128x64xf32, #tpu.memory_space<vmem_shared>>)
      tpu.yield
    }) : () -> ()
    %mul3A_22 = arith.constant 640 : i32
    %mul3A_23 = arith.muli %arg1, %mul3A_22 : i32
    %add3A_24 = arith.constant 512 : i32
    %add3A_25 = arith.addi %mul3A_23, %add3A_24 : i32
    "tpu.region"() ({
      %run_scoped3A_164 = tpu.sem_alloc : memref<!tpu.dma_semaphore, #tpu.memory_space<semaphore_mem>>
      %dma_start3A_165 = arith.constant 0 : i32
      %dma_start3A_166 = tpu.memref_slice %arg11[%add3A_25, %dma_start3A_165] : memref<10240x64xf32, #tpu.memory_space<vmem_shared>> -> memref<128x64xf32, #tpu.memory_space<vmem_shared>>
      %dma_start3A_167 = arith.constant 0 : i32
      %dma_start3A_168 = tpu.memref_slice %arg11[%add3A_25, %dma_start3A_167] : memref<10240x64xf32, #tpu.memory_space<vmem_shared>> -> memref<128x64xf32, #tpu.memory_space<vmem_shared>>
      tpu.enqueue_dma source(%arg8 : memref<128x64xf32, #tpu.memory_space<vmem>>) target(%dma_start3A_168 : memref<128x64xf32, #tpu.memory_space<vmem_shared>>) target_semaphore(%run_scoped3A_164 : memref<!tpu.dma_semaphore, #tpu.memory_space<semaphore_mem>>)
      %dma_wait3A = arith.constant 0 : i32
      %dma_wait3A_169 = tpu.memref_slice %arg11[%add3A_25, %dma_wait3A] : memref<10240x64xf32, #tpu.memory_space<vmem_shared>> -> memref<128x64xf32, #tpu.memory_space<vmem_shared>>
      %dma_wait3A_170 = arith.constant 0 : i32
      %dma_wait3A_171 = tpu.memref_slice %arg11[%add3A_25, %dma_wait3A_170] : memref<10240x64xf32, #tpu.memory_space<vmem_shared>> -> memref<128x64xf32, #tpu.memory_space<vmem_shared>>
      tpu.wait_dma2 semaphore(%run_scoped3A_164 : memref<!tpu.dma_semaphore, #tpu.memory_space<semaphore_mem>>) src(%arg8 : memref<128x64xf32, #tpu.memory_space<vmem>>) dst(%dma_wait3A_171 : memref<128x64xf32, #tpu.memory_space<vmem_shared>>)
      tpu.yield
    }) : () -> ()
    %mul3A_26 = arith.constant 640 : i32
    %mul3A_27 = arith.muli %arg1, %mul3A_26 : i32
    %add3A_28 = arith.constant 0 : i32
    %add3A_29 = arith.addi %mul3A_27, %add3A_28 : i32
    %mul3A_30 = arith.constant 64 : i32
    %mul3A_31 = arith.muli %arg0, %mul3A_30 : i32
    "tpu.region"() ({
      %run_scoped3A_164 = tpu.sem_alloc : memref<!tpu.dma_semaphore, #tpu.memory_space<semaphore_mem>>
      %dma_start3A_165 = tpu.memref_slice %arg2[%add3A_29, %mul3A_31] : memref<10240x128xf32, #tpu.memory_space<hbm>> -> memref<128x64xf32, #tpu.memory_space<hbm>>
      %dma_start3A_166 = tpu.memref_slice %arg2[%add3A_29, %mul3A_31] : memref<10240x128xf32, #tpu.memory_space<hbm>> -> memref<128x64xf32, #tpu.memory_space<hbm>>
      tpu.enqueue_dma source(%dma_start3A_166 : memref<128x64xf32, #tpu.memory_space<hbm>>) target(%arg9 : memref<128x64xf32, #tpu.memory_space<vmem>>) target_semaphore(%run_scoped3A_164 : memref<!tpu.dma_semaphore, #tpu.memory_space<semaphore_mem>>)
      %dma_wait3A = tpu.memref_slice %arg2[%add3A_29, %mul3A_31] : memref<10240x128xf32, #tpu.memory_space<hbm>> -> memref<128x64xf32, #tpu.memory_space<hbm>>
      %dma_wait3A_167 = tpu.memref_slice %arg2[%add3A_29, %mul3A_31] : memref<10240x128xf32, #tpu.memory_space<hbm>> -> memref<128x64xf32, #tpu.memory_space<hbm>>
      tpu.wait_dma2 semaphore(%run_scoped3A_164 : memref<!tpu.dma_semaphore, #tpu.memory_space<semaphore_mem>>) src(%dma_wait3A_167 : memref<128x64xf32, #tpu.memory_space<hbm>>) dst(%arg9 : memref<128x64xf32, #tpu.memory_space<vmem>>)
      tpu.yield
    }) : () -> ()
    "tpu.region"() ({
      %run_scoped3A_164 = tpu.sem_alloc : memref<!tpu.dma_semaphore, #tpu.memory_space<semaphore_mem>>
      %dma_start3A_165 = arith.constant 0 : i32
      %dma_start3A_166 = tpu.memref_slice %arg10[%add3A_29, %dma_start3A_165] : memref<10240x64xf32, #tpu.memory_space<vmem_shared>> -> memref<128x64xf32, #tpu.memory_space<vmem_shared>>
      %dma_start3A_167 = arith.constant 0 : i32
      %dma_start3A_168 = tpu.memref_slice %arg10[%add3A_29, %dma_start3A_167] : memref<10240x64xf32, #tpu.memory_space<vmem_shared>> -> memref<128x64xf32, #tpu.memory_space<vmem_shared>>
      tpu.enqueue_dma source(%arg9 : memref<128x64xf32, #tpu.memory_space<vmem>>) target(%dma_start3A_168 : memref<128x64xf32, #tpu.memory_space<vmem_shared>>) target_semaphore(%run_scoped3A_164 : memref<!tpu.dma_semaphore, #tpu.memory_space<semaphore_mem>>)
      %dma_wait3A = arith.constant 0 : i32
      %dma_wait3A_169 = tpu.memref_slice %arg10[%add3A_29, %dma_wait3A] : memref<10240x64xf32, #tpu.memory_space<vmem_shared>> -> memref<128x64xf32, #tpu.memory_space<vmem_shared>>
      %dma_wait3A_170 = arith.constant 0 : i32
      %dma_wait3A_171 = tpu.memref_slice %arg10[%add3A_29, %dma_wait3A_170] : memref<10240x64xf32, #tpu.memory_space<vmem_shared>> -> memref<128x64xf32, #tpu.memory_space<vmem_shared>>
      tpu.wait_dma2 semaphore(%run_scoped3A_164 : memref<!tpu.dma_semaphore, #tpu.memory_space<semaphore_mem>>) src(%arg9 : memref<128x64xf32, #tpu.memory_space<vmem>>) dst(%dma_wait3A_171 : memref<128x64xf32, #tpu.memory_space<vmem_shared>>)
      tpu.yield
    }) : () -> ()
    %mul3A_32 = arith.constant 640 : i32
    %mul3A_33 = arith.muli %arg1, %mul3A_32 : i32
    %add3A_34 = arith.constant 128 : i32
    %add3A_35 = arith.addi %mul3A_33, %add3A_34 : i32
    %mul3A_36 = arith.constant 64 : i32
    %mul3A_37 = arith.muli %arg0, %mul3A_36 : i32
    "tpu.region"() ({
      %run_scoped3A_164 = tpu.sem_alloc : memref<!tpu.dma_semaphore, #tpu.memory_space<semaphore_mem>>
      %dma_start3A_165 = tpu.memref_slice %arg2[%add3A_35, %mul3A_37] : memref<10240x128xf32, #tpu.memory_space<hbm>> -> memref<128x64xf32, #tpu.memory_space<hbm>>
      %dma_start3A_166 = tpu.memref_slice %arg2[%add3A_35, %mul3A_37] : memref<10240x128xf32, #tpu.memory_space<hbm>> -> memref<128x64xf32, #tpu.memory_space<hbm>>
      tpu.enqueue_dma source(%dma_start3A_166 : memref<128x64xf32, #tpu.memory_space<hbm>>) target(%arg9 : memref<128x64xf32, #tpu.memory_space<vmem>>) target_semaphore(%run_scoped3A_164 : memref<!tpu.dma_semaphore, #tpu.memory_space<semaphore_mem>>)
      %dma_wait3A = tpu.memref_slice %arg2[%add3A_35, %mul3A_37] : memref<10240x128xf32, #tpu.memory_space<hbm>> -> memref<128x64xf32, #tpu.memory_space<hbm>>
      %dma_wait3A_167 = tpu.memref_slice %arg2[%add3A_35, %mul3A_37] : memref<10240x128xf32, #tpu.memory_space<hbm>> -> memref<128x64xf32, #tpu.memory_space<hbm>>
      tpu.wait_dma2 semaphore(%run_scoped3A_164 : memref<!tpu.dma_semaphore, #tpu.memory_space<semaphore_mem>>) src(%dma_wait3A_167 : memref<128x64xf32, #tpu.memory_space<hbm>>) dst(%arg9 : memref<128x64xf32, #tpu.memory_space<vmem>>)
      tpu.yield
    }) : () -> ()
    "tpu.region"() ({
      %run_scoped3A_164 = tpu.sem_alloc : memref<!tpu.dma_semaphore, #tpu.memory_space<semaphore_mem>>
      %dma_start3A_165 = arith.constant 0 : i32
      %dma_start3A_166 = tpu.memref_slice %arg10[%add3A_35, %dma_start3A_165] : memref<10240x64xf32, #tpu.memory_space<vmem_shared>> -> memref<128x64xf32, #tpu.memory_space<vmem_shared>>
      %dma_start3A_167 = arith.constant 0 : i32
      %dma_start3A_168 = tpu.memref_slice %arg10[%add3A_35, %dma_start3A_167] : memref<10240x64xf32, #tpu.memory_space<vmem_shared>> -> memref<128x64xf32, #tpu.memory_space<vmem_shared>>
      tpu.enqueue_dma source(%arg9 : memref<128x64xf32, #tpu.memory_space<vmem>>) target(%dma_start3A_168 : memref<128x64xf32, #tpu.memory_space<vmem_shared>>) target_semaphore(%run_scoped3A_164 : memref<!tpu.dma_semaphore, #tpu.memory_space<semaphore_mem>>)
      %dma_wait3A = arith.constant 0 : i32
      %dma_wait3A_169 = tpu.memref_slice %arg10[%add3A_35, %dma_wait3A] : memref<10240x64xf32, #tpu.memory_space<vmem_shared>> -> memref<128x64xf32, #tpu.memory_space<vmem_shared>>
      %dma_wait3A_170 = arith.constant 0 : i32
      %dma_wait3A_171 = tpu.memref_slice %arg10[%add3A_35, %dma_wait3A_170] : memref<10240x64xf32, #tpu.memory_space<vmem_shared>> -> memref<128x64xf32, #tpu.memory_space<vmem_shared>>
      tpu.wait_dma2 semaphore(%run_scoped3A_164 : memref<!tpu.dma_semaphore, #tpu.memory_space<semaphore_mem>>) src(%arg9 : memref<128x64xf32, #tpu.memory_space<vmem>>) dst(%dma_wait3A_171 : memref<128x64xf32, #tpu.memory_space<vmem_shared>>)
      tpu.yield
    }) : () -> ()
    %mul3A_38 = arith.constant 640 : i32
    %mul3A_39 = arith.muli %arg1, %mul3A_38 : i32
    %add3A_40 = arith.constant 256 : i32
    %add3A_41 = arith.addi %mul3A_39, %add3A_40 : i32
    %mul3A_42 = arith.constant 64 : i32
    %mul3A_43 = arith.muli %arg0, %mul3A_42 : i32
    "tpu.region"() ({
      %run_scoped3A_164 = tpu.sem_alloc : memref<!tpu.dma_semaphore, #tpu.memory_space<semaphore_mem>>
      %dma_start3A_165 = tpu.memref_slice %arg2[%add3A_41, %mul3A_43] : memref<10240x128xf32, #tpu.memory_space<hbm>> -> memref<128x64xf32, #tpu.memory_space<hbm>>
      %dma_start3A_166 = tpu.memref_slice %arg2[%add3A_41, %mul3A_43] : memref<10240x128xf32, #tpu.memory_space<hbm>> -> memref<128x64xf32, #tpu.memory_space<hbm>>
      tpu.enqueue_dma source(%dma_start3A_166 : memref<128x64xf32, #tpu.memory_space<hbm>>) target(%arg9 : memref<128x64xf32, #tpu.memory_space<vmem>>) target_semaphore(%run_scoped3A_164 : memref<!tpu.dma_semaphore, #tpu.memory_space<semaphore_mem>>)
      %dma_wait3A = tpu.memref_slice %arg2[%add3A_41, %mul3A_43] : memref<10240x128xf32, #tpu.memory_space<hbm>> -> memref<128x64xf32, #tpu.memory_space<hbm>>
      %dma_wait3A_167 = tpu.memref_slice %arg2[%add3A_41, %mul3A_43] : memref<10240x128xf32, #tpu.memory_space<hbm>> -> memref<128x64xf32, #tpu.memory_space<hbm>>
      tpu.wait_dma2 semaphore(%run_scoped3A_164 : memref<!tpu.dma_semaphore, #tpu.memory_space<semaphore_mem>>) src(%dma_wait3A_167 : memref<128x64xf32, #tpu.memory_space<hbm>>) dst(%arg9 : memref<128x64xf32, #tpu.memory_space<vmem>>)
      tpu.yield
    }) : () -> ()
    "tpu.region"() ({
      %run_scoped3A_164 = tpu.sem_alloc : memref<!tpu.dma_semaphore, #tpu.memory_space<semaphore_mem>>
      %dma_start3A_165 = arith.constant 0 : i32
      %dma_start3A_166 = tpu.memref_slice %arg10[%add3A_41, %dma_start3A_165] : memref<10240x64xf32, #tpu.memory_space<vmem_shared>> -> memref<128x64xf32, #tpu.memory_space<vmem_shared>>
      %dma_start3A_167 = arith.constant 0 : i32
      %dma_start3A_168 = tpu.memref_slice %arg10[%add3A_41, %dma_start3A_167] : memref<10240x64xf32, #tpu.memory_space<vmem_shared>> -> memref<128x64xf32, #tpu.memory_space<vmem_shared>>
      tpu.enqueue_dma source(%arg9 : memref<128x64xf32, #tpu.memory_space<vmem>>) target(%dma_start3A_168 : memref<128x64xf32, #tpu.memory_space<vmem_shared>>) target_semaphore(%run_scoped3A_164 : memref<!tpu.dma_semaphore, #tpu.memory_space<semaphore_mem>>)
      %dma_wait3A = arith.constant 0 : i32
      %dma_wait3A_169 = tpu.memref_slice %arg10[%add3A_41, %dma_wait3A] : memref<10240x64xf32, #tpu.memory_space<vmem_shared>> -> memref<128x64xf32, #tpu.memory_space<vmem_shared>>
      %dma_wait3A_170 = arith.constant 0 : i32
      %dma_wait3A_171 = tpu.memref_slice %arg10[%add3A_41, %dma_wait3A_170] : memref<10240x64xf32, #tpu.memory_space<vmem_shared>> -> memref<128x64xf32, #tpu.memory_space<vmem_shared>>
      tpu.wait_dma2 semaphore(%run_scoped3A_164 : memref<!tpu.dma_semaphore, #tpu.memory_space<semaphore_mem>>) src(%arg9 : memref<128x64xf32, #tpu.memory_space<vmem>>) dst(%dma_wait3A_171 : memref<128x64xf32, #tpu.memory_space<vmem_shared>>)
      tpu.yield
    }) : () -> ()
    %mul3A_44 = arith.constant 640 : i32
    %mul3A_45 = arith.muli %arg1, %mul3A_44 : i32
    %add3A_46 = arith.constant 384 : i32
    %add3A_47 = arith.addi %mul3A_45, %add3A_46 : i32
    %mul3A_48 = arith.constant 64 : i32
    %mul3A_49 = arith.muli %arg0, %mul3A_48 : i32
    "tpu.region"() ({
      %run_scoped3A_164 = tpu.sem_alloc : memref<!tpu.dma_semaphore, #tpu.memory_space<semaphore_mem>>
      %dma_start3A_165 = tpu.memref_slice %arg2[%add3A_47, %mul3A_49] : memref<10240x128xf32, #tpu.memory_space<hbm>> -> memref<128x64xf32, #tpu.memory_space<hbm>>
      %dma_start3A_166 = tpu.memref_slice %arg2[%add3A_47, %mul3A_49] : memref<10240x128xf32, #tpu.memory_space<hbm>> -> memref<128x64xf32, #tpu.memory_space<hbm>>
      tpu.enqueue_dma source(%dma_start3A_166 : memref<128x64xf32, #tpu.memory_space<hbm>>) target(%arg9 : memref<128x64xf32, #tpu.memory_space<vmem>>) target_semaphore(%run_scoped3A_164 : memref<!tpu.dma_semaphore, #tpu.memory_space<semaphore_mem>>)
      %dma_wait3A = tpu.memref_slice %arg2[%add3A_47, %mul3A_49] : memref<10240x128xf32, #tpu.memory_space<hbm>> -> memref<128x64xf32, #tpu.memory_space<hbm>>
      %dma_wait3A_167 = tpu.memref_slice %arg2[%add3A_47, %mul3A_49] : memref<10240x128xf32, #tpu.memory_space<hbm>> -> memref<128x64xf32, #tpu.memory_space<hbm>>
      tpu.wait_dma2 semaphore(%run_scoped3A_164 : memref<!tpu.dma_semaphore, #tpu.memory_space<semaphore_mem>>) src(%dma_wait3A_167 : memref<128x64xf32, #tpu.memory_space<hbm>>) dst(%arg9 : memref<128x64xf32, #tpu.memory_space<vmem>>)
      tpu.yield
    }) : () -> ()
    "tpu.region"() ({
      %run_scoped3A_164 = tpu.sem_alloc : memref<!tpu.dma_semaphore, #tpu.memory_space<semaphore_mem>>
      %dma_start3A_165 = arith.constant 0 : i32
      %dma_start3A_166 = tpu.memref_slice %arg10[%add3A_47, %dma_start3A_165] : memref<10240x64xf32, #tpu.memory_space<vmem_shared>> -> memref<128x64xf32, #tpu.memory_space<vmem_shared>>
      %dma_start3A_167 = arith.constant 0 : i32
      %dma_start3A_168 = tpu.memref_slice %arg10[%add3A_47, %dma_start3A_167] : memref<10240x64xf32, #tpu.memory_space<vmem_shared>> -> memref<128x64xf32, #tpu.memory_space<vmem_shared>>
      tpu.enqueue_dma source(%arg9 : memref<128x64xf32, #tpu.memory_space<vmem>>) target(%dma_start3A_168 : memref<128x64xf32, #tpu.memory_space<vmem_shared>>) target_semaphore(%run_scoped3A_164 : memref<!tpu.dma_semaphore, #tpu.memory_space<semaphore_mem>>)
      %dma_wait3A = arith.constant 0 : i32
      %dma_wait3A_169 = tpu.memref_slice %arg10[%add3A_47, %dma_wait3A] : memref<10240x64xf32, #tpu.memory_space<vmem_shared>> -> memref<128x64xf32, #tpu.memory_space<vmem_shared>>
      %dma_wait3A_170 = arith.constant 0 : i32
      %dma_wait3A_171 = tpu.memref_slice %arg10[%add3A_47, %dma_wait3A_170] : memref<10240x64xf32, #tpu.memory_space<vmem_shared>> -> memref<128x64xf32, #tpu.memory_space<vmem_shared>>
      tpu.wait_dma2 semaphore(%run_scoped3A_164 : memref<!tpu.dma_semaphore, #tpu.memory_space<semaphore_mem>>) src(%arg9 : memref<128x64xf32, #tpu.memory_space<vmem>>) dst(%dma_wait3A_171 : memref<128x64xf32, #tpu.memory_space<vmem_shared>>)
      tpu.yield
    }) : () -> ()
    %mul3A_50 = arith.constant 640 : i32
    %mul3A_51 = arith.muli %arg1, %mul3A_50 : i32
    %add3A_52 = arith.constant 512 : i32
    %add3A_53 = arith.addi %mul3A_51, %add3A_52 : i32
    %mul3A_54 = arith.constant 64 : i32
    %mul3A_55 = arith.muli %arg0, %mul3A_54 : i32
    "tpu.region"() ({
      %run_scoped3A_164 = tpu.sem_alloc : memref<!tpu.dma_semaphore, #tpu.memory_space<semaphore_mem>>
      %dma_start3A_165 = tpu.memref_slice %arg2[%add3A_53, %mul3A_55] : memref<10240x128xf32, #tpu.memory_space<hbm>> -> memref<128x64xf32, #tpu.memory_space<hbm>>
      %dma_start3A_166 = tpu.memref_slice %arg2[%add3A_53, %mul3A_55] : memref<10240x128xf32, #tpu.memory_space<hbm>> -> memref<128x64xf32, #tpu.memory_space<hbm>>
      tpu.enqueue_dma source(%dma_start3A_166 : memref<128x64xf32, #tpu.memory_space<hbm>>) target(%arg9 : memref<128x64xf32, #tpu.memory_space<vmem>>) target_semaphore(%run_scoped3A_164 : memref<!tpu.dma_semaphore, #tpu.memory_space<semaphore_mem>>)
      %dma_wait3A = tpu.memref_slice %arg2[%add3A_53, %mul3A_55] : memref<10240x128xf32, #tpu.memory_space<hbm>> -> memref<128x64xf32, #tpu.memory_space<hbm>>
      %dma_wait3A_167 = tpu.memref_slice %arg2[%add3A_53, %mul3A_55] : memref<10240x128xf32, #tpu.memory_space<hbm>> -> memref<128x64xf32, #tpu.memory_space<hbm>>
      tpu.wait_dma2 semaphore(%run_scoped3A_164 : memref<!tpu.dma_semaphore, #tpu.memory_space<semaphore_mem>>) src(%dma_wait3A_167 : memref<128x64xf32, #tpu.memory_space<hbm>>) dst(%arg9 : memref<128x64xf32, #tpu.memory_space<vmem>>)
      tpu.yield
    }) : () -> ()
    "tpu.region"() ({
      %run_scoped3A_164 = tpu.sem_alloc : memref<!tpu.dma_semaphore, #tpu.memory_space<semaphore_mem>>
      %dma_start3A_165 = arith.constant 0 : i32
      %dma_start3A_166 = tpu.memref_slice %arg10[%add3A_53, %dma_start3A_165] : memref<10240x64xf32, #tpu.memory_space<vmem_shared>> -> memref<128x64xf32, #tpu.memory_space<vmem_shared>>
      %dma_start3A_167 = arith.constant 0 : i32
      %dma_start3A_168 = tpu.memref_slice %arg10[%add3A_53, %dma_start3A_167] : memref<10240x64xf32, #tpu.memory_space<vmem_shared>> -> memref<128x64xf32, #tpu.memory_space<vmem_shared>>
      tpu.enqueue_dma source(%arg9 : memref<128x64xf32, #tpu.memory_space<vmem>>) target(%dma_start3A_168 : memref<128x64xf32, #tpu.memory_space<vmem_shared>>) target_semaphore(%run_scoped3A_164 : memref<!tpu.dma_semaphore, #tpu.memory_space<semaphore_mem>>)
      %dma_wait3A = arith.constant 0 : i32
      %dma_wait3A_169 = tpu.memref_slice %arg10[%add3A_53, %dma_wait3A] : memref<10240x64xf32, #tpu.memory_space<vmem_shared>> -> memref<128x64xf32, #tpu.memory_space<vmem_shared>>
      %dma_wait3A_170 = arith.constant 0 : i32
      %dma_wait3A_171 = tpu.memref_slice %arg10[%add3A_53, %dma_wait3A_170] : memref<10240x64xf32, #tpu.memory_space<vmem_shared>> -> memref<128x64xf32, #tpu.memory_space<vmem_shared>>
      tpu.wait_dma2 semaphore(%run_scoped3A_164 : memref<!tpu.dma_semaphore, #tpu.memory_space<semaphore_mem>>) src(%arg9 : memref<128x64xf32, #tpu.memory_space<vmem>>) dst(%dma_wait3A_171 : memref<128x64xf32, #tpu.memory_space<vmem_shared>>)
      tpu.yield
    }) : () -> ()
    %barrier3A = arith.constant 0 : index
    tpu.barrier barrier_id(%barrier3A)
    %mul3A_56 = arith.constant 156 : i32
    %mul3A_57 = arith.muli %arg1, %mul3A_56 : i32
    %add3A_58 = arith.constant 0 : i32
    %add3A_59 = arith.addi %mul3A_57, %add3A_58 : i32
    %run_scoped3A = arith.constant 0 : i32
    "tpu.region"() ({
      %run_scoped3A_164 = tpu.sem_alloc : memref<!tpu.dma_semaphore, #tpu.memory_space<semaphore_mem>>
      %dma_start3A_165 = arith.constant 0 : i32
      %dma_start3A_166 = tpu.memref_slice %arg3[%run_scoped3A, %add3A_59, %dma_start3A_165] : memref<2x2500x128xi32, #tpu.memory_space<hbm>> -> memref<1x78x128xi32, #tpu.memory_space<hbm>>
      %dma_start3A_167 = tpu.memref_squeeze %dma_start3A_166 : memref<1x78x128xi32, #tpu.memory_space<hbm>> -> memref<78x128xi32, #tpu.memory_space<hbm>>
      %dma_start3A_168 = arith.constant 0 : i32
      %dma_start3A_169 = tpu.memref_slice %arg3[%run_scoped3A, %add3A_59, %dma_start3A_168] : memref<2x2500x128xi32, #tpu.memory_space<hbm>> -> memref<1x78x128xi32, #tpu.memory_space<hbm>>
      %dma_start3A_170 = tpu.memref_squeeze %dma_start3A_169 : memref<1x78x128xi32, #tpu.memory_space<hbm>> -> memref<78x128xi32, #tpu.memory_space<hbm>>
      tpu.enqueue_dma source(%dma_start3A_170 : memref<78x128xi32, #tpu.memory_space<hbm>>) target(%arg6 : memref<78x128xi32, #tpu.memory_space<vmem>>) target_semaphore(%run_scoped3A_164 : memref<!tpu.dma_semaphore, #tpu.memory_space<semaphore_mem>>)
      %dma_wait3A = arith.constant 0 : i32
      %dma_wait3A_171 = tpu.memref_slice %arg3[%run_scoped3A, %add3A_59, %dma_wait3A] : memref<2x2500x128xi32, #tpu.memory_space<hbm>> -> memref<1x78x128xi32, #tpu.memory_space<hbm>>
      %dma_wait3A_172 = tpu.memref_squeeze %dma_wait3A_171 : memref<1x78x128xi32, #tpu.memory_space<hbm>> -> memref<78x128xi32, #tpu.memory_space<hbm>>
      %dma_wait3A_173 = arith.constant 0 : i32
      %dma_wait3A_174 = tpu.memref_slice %arg3[%run_scoped3A, %add3A_59, %dma_wait3A_173] : memref<2x2500x128xi32, #tpu.memory_space<hbm>> -> memref<1x78x128xi32, #tpu.memory_space<hbm>>
      %dma_wait3A_175 = tpu.memref_squeeze %dma_wait3A_174 : memref<1x78x128xi32, #tpu.memory_space<hbm>> -> memref<78x128xi32, #tpu.memory_space<hbm>>
      tpu.wait_dma2 semaphore(%run_scoped3A_164 : memref<!tpu.dma_semaphore, #tpu.memory_space<semaphore_mem>>) src(%dma_wait3A_175 : memref<78x128xi32, #tpu.memory_space<hbm>>) dst(%arg6 : memref<78x128xi32, #tpu.memory_space<vmem>>)
      tpu.yield
    }) : () -> ()
    %run_scoped3A_60 = arith.constant 1 : i32
    "tpu.region"() ({
      %run_scoped3A_164 = tpu.sem_alloc : memref<!tpu.dma_semaphore, #tpu.memory_space<semaphore_mem>>
      %dma_start3A_165 = arith.constant 0 : i32
      %dma_start3A_166 = tpu.memref_slice %arg3[%run_scoped3A_60, %add3A_59, %dma_start3A_165] : memref<2x2500x128xi32, #tpu.memory_space<hbm>> -> memref<1x78x128xi32, #tpu.memory_space<hbm>>
      %dma_start3A_167 = tpu.memref_squeeze %dma_start3A_166 : memref<1x78x128xi32, #tpu.memory_space<hbm>> -> memref<78x128xi32, #tpu.memory_space<hbm>>
      %dma_start3A_168 = arith.constant 0 : i32
      %dma_start3A_169 = tpu.memref_slice %arg3[%run_scoped3A_60, %add3A_59, %dma_start3A_168] : memref<2x2500x128xi32, #tpu.memory_space<hbm>> -> memref<1x78x128xi32, #tpu.memory_space<hbm>>
      %dma_start3A_170 = tpu.memref_squeeze %dma_start3A_169 : memref<1x78x128xi32, #tpu.memory_space<hbm>> -> memref<78x128xi32, #tpu.memory_space<hbm>>
      tpu.enqueue_dma source(%dma_start3A_170 : memref<78x128xi32, #tpu.memory_space<hbm>>) target(%arg7 : memref<78x128xi32, #tpu.memory_space<vmem>>) target_semaphore(%run_scoped3A_164 : memref<!tpu.dma_semaphore, #tpu.memory_space<semaphore_mem>>)
      %dma_wait3A = arith.constant 0 : i32
      %dma_wait3A_171 = tpu.memref_slice %arg3[%run_scoped3A_60, %add3A_59, %dma_wait3A] : memref<2x2500x128xi32, #tpu.memory_space<hbm>> -> memref<1x78x128xi32, #tpu.memory_space<hbm>>
      %dma_wait3A_172 = tpu.memref_squeeze %dma_wait3A_171 : memref<1x78x128xi32, #tpu.memory_space<hbm>> -> memref<78x128xi32, #tpu.memory_space<hbm>>
      %dma_wait3A_173 = arith.constant 0 : i32
      %dma_wait3A_174 = tpu.memref_slice %arg3[%run_scoped3A_60, %add3A_59, %dma_wait3A_173] : memref<2x2500x128xi32, #tpu.memory_space<hbm>> -> memref<1x78x128xi32, #tpu.memory_space<hbm>>
      %dma_wait3A_175 = tpu.memref_squeeze %dma_wait3A_174 : memref<1x78x128xi32, #tpu.memory_space<hbm>> -> memref<78x128xi32, #tpu.memory_space<hbm>>
      tpu.wait_dma2 semaphore(%run_scoped3A_164 : memref<!tpu.dma_semaphore, #tpu.memory_space<semaphore_mem>>) src(%dma_wait3A_175 : memref<78x128xi32, #tpu.memory_space<hbm>>) dst(%arg7 : memref<78x128xi32, #tpu.memory_space<vmem>>)
      tpu.yield
    }) : () -> ()
    %dma_start3A = arith.constant 0 : i32
    %dma_start3A_61 = arith.constant 0 : i32
    %dma_start3A_62 = tpu.memref_slice %arg6[%dma_start3A, %dma_start3A_61] : memref<78x128xi32, #tpu.memory_space<vmem>> -> memref<1x128xi32, #tpu.memory_space<vmem>>
    %dma_start3A_63 = tpu.memref_squeeze %dma_start3A_62 : memref<1x128xi32, #tpu.memory_space<vmem>> -> memref<128xi32, #tpu.memory_space<vmem>>
    %dma_start3A_64 = arith.constant 0 : i32
    %dma_start3A_65 = arith.constant 0 : i32
    %dma_start3A_66 = tpu.memref_slice %arg10[%dma_start3A_64, %dma_start3A_65] : memref<10240x64xf32, #tpu.memory_space<vmem_shared>> -> memref<10240x64xf32, #tpu.memory_space<vmem_shared>>
    tpu.enqueue_indirect_dma source(%dma_start3A_66 : memref<10240x64xf32, #tpu.memory_space<vmem_shared>>) target(%arg8 : memref<128x64xf32, #tpu.memory_space<vmem>>) offsets(%dma_start3A_63 : memref<128xi32, #tpu.memory_space<vmem>>) semaphore(%arg12 : memref<!tpu.dma_semaphore, #tpu.memory_space<semaphore_mem>>)
    %scan3A_67 = arith.constant 0 : i32
    %scan3A_68 = arith.constant 0 : i32
    %scan3A_69 = arith.constant 39 : i32
    %scan3A_70 = arith.addi %scan3A_68, %scan3A_69 : i32
    %scan3A_71 = arith.constant 1 : i32
    scf.for %scan3A_164 = %scan3A_68 to %scan3A_70 step %scan3A_71  : i32 {
      %mul3A_165 = arith.constant 2 : i32
      %mul3A_166 = arith.muli %scan3A_164, %mul3A_165 : i32
      %add3A_167 = arith.constant 1 : i32
      %add3A_168 = arith.addi %mul3A_166, %add3A_167 : i32
      %dma_start3A_169 = arith.constant 0 : i32
      %dma_start3A_170 = tpu.memref_slice %arg6[%add3A_168, %dma_start3A_169] : memref<78x128xi32, #tpu.memory_space<vmem>> -> memref<1x128xi32, #tpu.memory_space<vmem>>
      %dma_start3A_171 = tpu.memref_squeeze %dma_start3A_170 : memref<1x128xi32, #tpu.memory_space<vmem>> -> memref<128xi32, #tpu.memory_space<vmem>>
      %dma_start3A_172 = arith.constant 0 : i32
      %dma_start3A_173 = arith.constant 0 : i32
      %dma_start3A_174 = tpu.memref_slice %arg10[%dma_start3A_172, %dma_start3A_173] : memref<10240x64xf32, #tpu.memory_space<vmem_shared>> -> memref<10240x64xf32, #tpu.memory_space<vmem_shared>>
      tpu.enqueue_indirect_dma source(%dma_start3A_174 : memref<10240x64xf32, #tpu.memory_space<vmem_shared>>) target(%arg9 : memref<128x64xf32, #tpu.memory_space<vmem>>) offsets(%dma_start3A_171 : memref<128xi32, #tpu.memory_space<vmem>>) semaphore(%arg13 : memref<!tpu.dma_semaphore, #tpu.memory_space<semaphore_mem>>)
      %dma_wait3A = arith.constant 0 : i32
      %dma_wait3A_175 = tpu.memref_slice %arg6[%mul3A_166, %dma_wait3A] : memref<78x128xi32, #tpu.memory_space<vmem>> -> memref<1x128xi32, #tpu.memory_space<vmem>>
      %dma_wait3A_176 = tpu.memref_squeeze %dma_wait3A_175 : memref<1x128xi32, #tpu.memory_space<vmem>> -> memref<128xi32, #tpu.memory_space<vmem>>
      %dma_wait3A_177 = arith.constant 0 : i32
      %dma_wait3A_178 = arith.constant 0 : i32
      %dma_wait3A_179 = tpu.memref_slice %arg10[%dma_wait3A_177, %dma_wait3A_178] : memref<10240x64xf32, #tpu.memory_space<vmem_shared>> -> memref<10240x64xf32, #tpu.memory_space<vmem_shared>>
      tpu.wait_indirect_dma semaphore(%arg12 : memref<!tpu.dma_semaphore, #tpu.memory_space<semaphore_mem>>) src(%dma_wait3A_179 : memref<10240x64xf32, #tpu.memory_space<vmem_shared>>) dst(%arg8 : memref<128x64xf32, #tpu.memory_space<vmem>>)
      "tpu.region"() ({
        %run_scoped3A_195 = tpu.sem_alloc : memref<!tpu.dma_semaphore, #tpu.memory_space<semaphore_mem>>
        %dma_start3A_196 = arith.constant 0 : i32
        %dma_start3A_197 = tpu.memref_slice %arg7[%mul3A_166, %dma_start3A_196] : memref<78x128xi32, #tpu.memory_space<vmem>> -> memref<1x128xi32, #tpu.memory_space<vmem>>
        %dma_start3A_198 = tpu.memref_squeeze %dma_start3A_197 : memref<1x128xi32, #tpu.memory_space<vmem>> -> memref<128xi32, #tpu.memory_space<vmem>>
        %dma_start3A_199 = arith.constant 0 : i32
        %dma_start3A_200 = arith.constant 0 : i32
        %dma_start3A_201 = tpu.memref_slice %arg11[%dma_start3A_199, %dma_start3A_200] : memref<10240x64xf32, #tpu.memory_space<vmem_shared>> -> memref<10240x64xf32, #tpu.memory_space<vmem_shared>>
        tpu.enqueue_indirect_dma source(%arg8 : memref<128x64xf32, #tpu.memory_space<vmem>>) target(%dma_start3A_201 : memref<10240x64xf32, #tpu.memory_space<vmem_shared>>) offsets(%dma_start3A_198 : memref<128xi32, #tpu.memory_space<vmem>>) semaphore(%run_scoped3A_195 : memref<!tpu.dma_semaphore, #tpu.memory_space<semaphore_mem>>) {add = true}
        %dma_wait3A_202 = arith.constant 0 : i32
        %dma_wait3A_203 = tpu.memref_slice %arg7[%mul3A_166, %dma_wait3A_202] : memref<78x128xi32, #tpu.memory_space<vmem>> -> memref<1x128xi32, #tpu.memory_space<vmem>>
        %dma_wait3A_204 = tpu.memref_squeeze %dma_wait3A_203 : memref<1x128xi32, #tpu.memory_space<vmem>> -> memref<128xi32, #tpu.memory_space<vmem>>
        %dma_wait3A_205 = arith.constant 0 : i32
        %dma_wait3A_206 = arith.constant 0 : i32
        %dma_wait3A_207 = tpu.memref_slice %arg11[%dma_wait3A_205, %dma_wait3A_206] : memref<10240x64xf32, #tpu.memory_space<vmem_shared>> -> memref<10240x64xf32, #tpu.memory_space<vmem_shared>>
        tpu.wait_indirect_dma semaphore(%run_scoped3A_195 : memref<!tpu.dma_semaphore, #tpu.memory_space<semaphore_mem>>) src(%arg8 : memref<128x64xf32, #tpu.memory_space<vmem>>) dst(%dma_wait3A_207 : memref<10240x64xf32, #tpu.memory_space<vmem_shared>>)
        tpu.yield
      }) : () -> ()
      %lt3A_180 = arith.constant 38 : i32
      %lt3A_181 = arith.cmpi slt, %scan3A_164, %lt3A_180 : i32
      %convert_element_type3A_182 = arith.extui %lt3A_181 : i1 to i32
      %cond3A_183 = arith.constant 0 : i32
      %cond3A_184 = arith.cmpi ne, %convert_element_type3A_182, %cond3A_183 : i32
      scf.if %cond3A_184 {
        %add3A_195 = arith.constant 2 : i32
        %add3A_196 = arith.addi %mul3A_166, %add3A_195 : i32
        %dma_start3A_197 = arith.constant 0 : i32
        %dma_start3A_198 = tpu.memref_slice %arg6[%add3A_196, %dma_start3A_197] : memref<78x128xi32, #tpu.memory_space<vmem>> -> memref<1x128xi32, #tpu.memory_space<vmem>>
        %dma_start3A_199 = tpu.memref_squeeze %dma_start3A_198 : memref<1x128xi32, #tpu.memory_space<vmem>> -> memref<128xi32, #tpu.memory_space<vmem>>
        %dma_start3A_200 = arith.constant 0 : i32
        %dma_start3A_201 = arith.constant 0 : i32
        %dma_start3A_202 = tpu.memref_slice %arg10[%dma_start3A_200, %dma_start3A_201] : memref<10240x64xf32, #tpu.memory_space<vmem_shared>> -> memref<10240x64xf32, #tpu.memory_space<vmem_shared>>
        tpu.enqueue_indirect_dma source(%dma_start3A_202 : memref<10240x64xf32, #tpu.memory_space<vmem_shared>>) target(%arg8 : memref<128x64xf32, #tpu.memory_space<vmem>>) offsets(%dma_start3A_199 : memref<128xi32, #tpu.memory_space<vmem>>) semaphore(%arg12 : memref<!tpu.dma_semaphore, #tpu.memory_space<semaphore_mem>>)
      } else {
      }
      %add3A_185 = arith.constant 1 : i32
      %add3A_186 = arith.addi %mul3A_166, %add3A_185 : i32
      %dma_wait3A_187 = arith.constant 0 : i32
      %dma_wait3A_188 = tpu.memref_slice %arg6[%add3A_186, %dma_wait3A_187] : memref<78x128xi32, #tpu.memory_space<vmem>> -> memref<1x128xi32, #tpu.memory_space<vmem>>
      %dma_wait3A_189 = tpu.memref_squeeze %dma_wait3A_188 : memref<1x128xi32, #tpu.memory_space<vmem>> -> memref<128xi32, #tpu.memory_space<vmem>>
      %dma_wait3A_190 = arith.constant 0 : i32
      %dma_wait3A_191 = arith.constant 0 : i32
      %dma_wait3A_192 = tpu.memref_slice %arg10[%dma_wait3A_190, %dma_wait3A_191] : memref<10240x64xf32, #tpu.memory_space<vmem_shared>> -> memref<10240x64xf32, #tpu.memory_space<vmem_shared>>
      tpu.wait_indirect_dma semaphore(%arg13 : memref<!tpu.dma_semaphore, #tpu.memory_space<semaphore_mem>>) src(%dma_wait3A_192 : memref<10240x64xf32, #tpu.memory_space<vmem_shared>>) dst(%arg9 : memref<128x64xf32, #tpu.memory_space<vmem>>)
      %add3A_193 = arith.constant 1 : i32
      %add3A_194 = arith.addi %mul3A_166, %add3A_193 : i32
      "tpu.region"() ({
        %run_scoped3A_195 = tpu.sem_alloc : memref<!tpu.dma_semaphore, #tpu.memory_space<semaphore_mem>>
        %dma_start3A_196 = arith.constant 0 : i32
        %dma_start3A_197 = tpu.memref_slice %arg7[%add3A_194, %dma_start3A_196] : memref<78x128xi32, #tpu.memory_space<vmem>> -> memref<1x128xi32, #tpu.memory_space<vmem>>
        %dma_start3A_198 = tpu.memref_squeeze %dma_start3A_197 : memref<1x128xi32, #tpu.memory_space<vmem>> -> memref<128xi32, #tpu.memory_space<vmem>>
        %dma_start3A_199 = arith.constant 0 : i32
        %dma_start3A_200 = arith.constant 0 : i32
        %dma_start3A_201 = tpu.memref_slice %arg11[%dma_start3A_199, %dma_start3A_200] : memref<10240x64xf32, #tpu.memory_space<vmem_shared>> -> memref<10240x64xf32, #tpu.memory_space<vmem_shared>>
        tpu.enqueue_indirect_dma source(%arg9 : memref<128x64xf32, #tpu.memory_space<vmem>>) target(%dma_start3A_201 : memref<10240x64xf32, #tpu.memory_space<vmem_shared>>) offsets(%dma_start3A_198 : memref<128xi32, #tpu.memory_space<vmem>>) semaphore(%run_scoped3A_195 : memref<!tpu.dma_semaphore, #tpu.memory_space<semaphore_mem>>) {add = true}
        %dma_wait3A_202 = arith.constant 0 : i32
        %dma_wait3A_203 = tpu.memref_slice %arg7[%add3A_194, %dma_wait3A_202] : memref<78x128xi32, #tpu.memory_space<vmem>> -> memref<1x128xi32, #tpu.memory_space<vmem>>
        %dma_wait3A_204 = tpu.memref_squeeze %dma_wait3A_203 : memref<1x128xi32, #tpu.memory_space<vmem>> -> memref<128xi32, #tpu.memory_space<vmem>>
        %dma_wait3A_205 = arith.constant 0 : i32
        %dma_wait3A_206 = arith.constant 0 : i32
        %dma_wait3A_207 = tpu.memref_slice %arg11[%dma_wait3A_205, %dma_wait3A_206] : memref<10240x64xf32, #tpu.memory_space<vmem_shared>> -> memref<10240x64xf32, #tpu.memory_space<vmem_shared>>
        tpu.wait_indirect_dma semaphore(%run_scoped3A_195 : memref<!tpu.dma_semaphore, #tpu.memory_space<semaphore_mem>>) src(%arg9 : memref<128x64xf32, #tpu.memory_space<vmem>>) dst(%dma_wait3A_207 : memref<10240x64xf32, #tpu.memory_space<vmem_shared>>)
        tpu.yield
      }) : () -> ()
    }
    %scan3A_72 = arith.constant 39 : i32
    %mul3A_73 = arith.constant 156 : i32
    %mul3A_74 = arith.muli %arg1, %mul3A_73 : i32
    %add3A_75 = arith.constant 78 : i32
    %add3A_76 = arith.addi %mul3A_74, %add3A_75 : i32
    %run_scoped3A_77 = arith.constant 0 : i32
    "tpu.region"() ({
      %run_scoped3A_164 = tpu.sem_alloc : memref<!tpu.dma_semaphore, #tpu.memory_space<semaphore_mem>>
      %dma_start3A_165 = arith.constant 0 : i32
      %dma_start3A_166 = tpu.memref_slice %arg3[%run_scoped3A_77, %add3A_76, %dma_start3A_165] : memref<2x2500x128xi32, #tpu.memory_space<hbm>> -> memref<1x78x128xi32, #tpu.memory_space<hbm>>
      %dma_start3A_167 = tpu.memref_squeeze %dma_start3A_166 : memref<1x78x128xi32, #tpu.memory_space<hbm>> -> memref<78x128xi32, #tpu.memory_space<hbm>>
      %dma_start3A_168 = arith.constant 0 : i32
      %dma_start3A_169 = tpu.memref_slice %arg3[%run_scoped3A_77, %add3A_76, %dma_start3A_168] : memref<2x2500x128xi32, #tpu.memory_space<hbm>> -> memref<1x78x128xi32, #tpu.memory_space<hbm>>
      %dma_start3A_170 = tpu.memref_squeeze %dma_start3A_169 : memref<1x78x128xi32, #tpu.memory_space<hbm>> -> memref<78x128xi32, #tpu.memory_space<hbm>>
      tpu.enqueue_dma source(%dma_start3A_170 : memref<78x128xi32, #tpu.memory_space<hbm>>) target(%arg6 : memref<78x128xi32, #tpu.memory_space<vmem>>) target_semaphore(%run_scoped3A_164 : memref<!tpu.dma_semaphore, #tpu.memory_space<semaphore_mem>>)
      %dma_wait3A = arith.constant 0 : i32
      %dma_wait3A_171 = tpu.memref_slice %arg3[%run_scoped3A_77, %add3A_76, %dma_wait3A] : memref<2x2500x128xi32, #tpu.memory_space<hbm>> -> memref<1x78x128xi32, #tpu.memory_space<hbm>>
      %dma_wait3A_172 = tpu.memref_squeeze %dma_wait3A_171 : memref<1x78x128xi32, #tpu.memory_space<hbm>> -> memref<78x128xi32, #tpu.memory_space<hbm>>
      %dma_wait3A_173 = arith.constant 0 : i32
      %dma_wait3A_174 = tpu.memref_slice %arg3[%run_scoped3A_77, %add3A_76, %dma_wait3A_173] : memref<2x2500x128xi32, #tpu.memory_space<hbm>> -> memref<1x78x128xi32, #tpu.memory_space<hbm>>
      %dma_wait3A_175 = tpu.memref_squeeze %dma_wait3A_174 : memref<1x78x128xi32, #tpu.memory_space<hbm>> -> memref<78x128xi32, #tpu.memory_space<hbm>>
      tpu.wait_dma2 semaphore(%run_scoped3A_164 : memref<!tpu.dma_semaphore, #tpu.memory_space<semaphore_mem>>) src(%dma_wait3A_175 : memref<78x128xi32, #tpu.memory_space<hbm>>) dst(%arg6 : memref<78x128xi32, #tpu.memory_space<vmem>>)
      tpu.yield
    }) : () -> ()
    %run_scoped3A_78 = arith.constant 1 : i32
    "tpu.region"() ({
      %run_scoped3A_164 = tpu.sem_alloc : memref<!tpu.dma_semaphore, #tpu.memory_space<semaphore_mem>>
      %dma_start3A_165 = arith.constant 0 : i32
      %dma_start3A_166 = tpu.memref_slice %arg3[%run_scoped3A_78, %add3A_76, %dma_start3A_165] : memref<2x2500x128xi32, #tpu.memory_space<hbm>> -> memref<1x78x128xi32, #tpu.memory_space<hbm>>
      %dma_start3A_167 = tpu.memref_squeeze %dma_start3A_166 : memref<1x78x128xi32, #tpu.memory_space<hbm>> -> memref<78x128xi32, #tpu.memory_space<hbm>>
      %dma_start3A_168 = arith.constant 0 : i32
      %dma_start3A_169 = tpu.memref_slice %arg3[%run_scoped3A_78, %add3A_76, %dma_start3A_168] : memref<2x2500x128xi32, #tpu.memory_space<hbm>> -> memref<1x78x128xi32, #tpu.memory_space<hbm>>
      %dma_start3A_170 = tpu.memref_squeeze %dma_start3A_169 : memref<1x78x128xi32, #tpu.memory_space<hbm>> -> memref<78x128xi32, #tpu.memory_space<hbm>>
      tpu.enqueue_dma source(%dma_start3A_170 : memref<78x128xi32, #tpu.memory_space<hbm>>) target(%arg7 : memref<78x128xi32, #tpu.memory_space<vmem>>) target_semaphore(%run_scoped3A_164 : memref<!tpu.dma_semaphore, #tpu.memory_space<semaphore_mem>>)
      %dma_wait3A = arith.constant 0 : i32
      %dma_wait3A_171 = tpu.memref_slice %arg3[%run_scoped3A_78, %add3A_76, %dma_wait3A] : memref<2x2500x128xi32, #tpu.memory_space<hbm>> -> memref<1x78x128xi32, #tpu.memory_space<hbm>>
      %dma_wait3A_172 = tpu.memref_squeeze %dma_wait3A_171 : memref<1x78x128xi32, #tpu.memory_space<hbm>> -> memref<78x128xi32, #tpu.memory_space<hbm>>
      %dma_wait3A_173 = arith.constant 0 : i32
      %dma_wait3A_174 = tpu.memref_slice %arg3[%run_scoped3A_78, %add3A_76, %dma_wait3A_173] : memref<2x2500x128xi32, #tpu.memory_space<hbm>> -> memref<1x78x128xi32, #tpu.memory_space<hbm>>
      %dma_wait3A_175 = tpu.memref_squeeze %dma_wait3A_174 : memref<1x78x128xi32, #tpu.memory_space<hbm>> -> memref<78x128xi32, #tpu.memory_space<hbm>>
      tpu.wait_dma2 semaphore(%run_scoped3A_164 : memref<!tpu.dma_semaphore, #tpu.memory_space<semaphore_mem>>) src(%dma_wait3A_175 : memref<78x128xi32, #tpu.memory_space<hbm>>) dst(%arg7 : memref<78x128xi32, #tpu.memory_space<vmem>>)
      tpu.yield
    }) : () -> ()
    %dma_start3A_79 = arith.constant 0 : i32
    %dma_start3A_80 = arith.constant 0 : i32
    %dma_start3A_81 = tpu.memref_slice %arg6[%dma_start3A_79, %dma_start3A_80] : memref<78x128xi32, #tpu.memory_space<vmem>> -> memref<1x128xi32, #tpu.memory_space<vmem>>
    %dma_start3A_82 = tpu.memref_squeeze %dma_start3A_81 : memref<1x128xi32, #tpu.memory_space<vmem>> -> memref<128xi32, #tpu.memory_space<vmem>>
    %dma_start3A_83 = arith.constant 0 : i32
    %dma_start3A_84 = arith.constant 0 : i32
    %dma_start3A_85 = tpu.memref_slice %arg10[%dma_start3A_83, %dma_start3A_84] : memref<10240x64xf32, #tpu.memory_space<vmem_shared>> -> memref<10240x64xf32, #tpu.memory_space<vmem_shared>>
    tpu.enqueue_indirect_dma source(%dma_start3A_85 : memref<10240x64xf32, #tpu.memory_space<vmem_shared>>) target(%arg8 : memref<128x64xf32, #tpu.memory_space<vmem>>) offsets(%dma_start3A_82 : memref<128xi32, #tpu.memory_space<vmem>>) semaphore(%arg12 : memref<!tpu.dma_semaphore, #tpu.memory_space<semaphore_mem>>)
    %scan3A_86 = arith.constant 0 : i32
    %scan3A_87 = arith.constant 0 : i32
    %scan3A_88 = arith.constant 39 : i32
    %scan3A_89 = arith.addi %scan3A_87, %scan3A_88 : i32
    %scan3A_90 = arith.constant 1 : i32
    scf.for %scan3A_164 = %scan3A_87 to %scan3A_89 step %scan3A_90  : i32 {
      %mul3A_165 = arith.constant 2 : i32
      %mul3A_166 = arith.muli %scan3A_164, %mul3A_165 : i32
      %add3A_167 = arith.constant 1 : i32
      %add3A_168 = arith.addi %mul3A_166, %add3A_167 : i32
      %dma_start3A_169 = arith.constant 0 : i32
      %dma_start3A_170 = tpu.memref_slice %arg6[%add3A_168, %dma_start3A_169] : memref<78x128xi32, #tpu.memory_space<vmem>> -> memref<1x128xi32, #tpu.memory_space<vmem>>
      %dma_start3A_171 = tpu.memref_squeeze %dma_start3A_170 : memref<1x128xi32, #tpu.memory_space<vmem>> -> memref<128xi32, #tpu.memory_space<vmem>>
      %dma_start3A_172 = arith.constant 0 : i32
      %dma_start3A_173 = arith.constant 0 : i32
      %dma_start3A_174 = tpu.memref_slice %arg10[%dma_start3A_172, %dma_start3A_173] : memref<10240x64xf32, #tpu.memory_space<vmem_shared>> -> memref<10240x64xf32, #tpu.memory_space<vmem_shared>>
      tpu.enqueue_indirect_dma source(%dma_start3A_174 : memref<10240x64xf32, #tpu.memory_space<vmem_shared>>) target(%arg9 : memref<128x64xf32, #tpu.memory_space<vmem>>) offsets(%dma_start3A_171 : memref<128xi32, #tpu.memory_space<vmem>>) semaphore(%arg13 : memref<!tpu.dma_semaphore, #tpu.memory_space<semaphore_mem>>)
      %dma_wait3A = arith.constant 0 : i32
      %dma_wait3A_175 = tpu.memref_slice %arg6[%mul3A_166, %dma_wait3A] : memref<78x128xi32, #tpu.memory_space<vmem>> -> memref<1x128xi32, #tpu.memory_space<vmem>>
      %dma_wait3A_176 = tpu.memref_squeeze %dma_wait3A_175 : memref<1x128xi32, #tpu.memory_space<vmem>> -> memref<128xi32, #tpu.memory_space<vmem>>
      %dma_wait3A_177 = arith.constant 0 : i32
      %dma_wait3A_178 = arith.constant 0 : i32
      %dma_wait3A_179 = tpu.memref_slice %arg10[%dma_wait3A_177, %dma_wait3A_178] : memref<10240x64xf32, #tpu.memory_space<vmem_shared>> -> memref<10240x64xf32, #tpu.memory_space<vmem_shared>>
      tpu.wait_indirect_dma semaphore(%arg12 : memref<!tpu.dma_semaphore, #tpu.memory_space<semaphore_mem>>) src(%dma_wait3A_179 : memref<10240x64xf32, #tpu.memory_space<vmem_shared>>) dst(%arg8 : memref<128x64xf32, #tpu.memory_space<vmem>>)
      "tpu.region"() ({
        %run_scoped3A_195 = tpu.sem_alloc : memref<!tpu.dma_semaphore, #tpu.memory_space<semaphore_mem>>
        %dma_start3A_196 = arith.constant 0 : i32
        %dma_start3A_197 = tpu.memref_slice %arg7[%mul3A_166, %dma_start3A_196] : memref<78x128xi32, #tpu.memory_space<vmem>> -> memref<1x128xi32, #tpu.memory_space<vmem>>
        %dma_start3A_198 = tpu.memref_squeeze %dma_start3A_197 : memref<1x128xi32, #tpu.memory_space<vmem>> -> memref<128xi32, #tpu.memory_space<vmem>>
        %dma_start3A_199 = arith.constant 0 : i32
        %dma_start3A_200 = arith.constant 0 : i32
        %dma_start3A_201 = tpu.memref_slice %arg11[%dma_start3A_199, %dma_start3A_200] : memref<10240x64xf32, #tpu.memory_space<vmem_shared>> -> memref<10240x64xf32, #tpu.memory_space<vmem_shared>>
        tpu.enqueue_indirect_dma source(%arg8 : memref<128x64xf32, #tpu.memory_space<vmem>>) target(%dma_start3A_201 : memref<10240x64xf32, #tpu.memory_space<vmem_shared>>) offsets(%dma_start3A_198 : memref<128xi32, #tpu.memory_space<vmem>>) semaphore(%run_scoped3A_195 : memref<!tpu.dma_semaphore, #tpu.memory_space<semaphore_mem>>) {add = true}
        %dma_wait3A_202 = arith.constant 0 : i32
        %dma_wait3A_203 = tpu.memref_slice %arg7[%mul3A_166, %dma_wait3A_202] : memref<78x128xi32, #tpu.memory_space<vmem>> -> memref<1x128xi32, #tpu.memory_space<vmem>>
        %dma_wait3A_204 = tpu.memref_squeeze %dma_wait3A_203 : memref<1x128xi32, #tpu.memory_space<vmem>> -> memref<128xi32, #tpu.memory_space<vmem>>
        %dma_wait3A_205 = arith.constant 0 : i32
        %dma_wait3A_206 = arith.constant 0 : i32
        %dma_wait3A_207 = tpu.memref_slice %arg11[%dma_wait3A_205, %dma_wait3A_206] : memref<10240x64xf32, #tpu.memory_space<vmem_shared>> -> memref<10240x64xf32, #tpu.memory_space<vmem_shared>>
        tpu.wait_indirect_dma semaphore(%run_scoped3A_195 : memref<!tpu.dma_semaphore, #tpu.memory_space<semaphore_mem>>) src(%arg8 : memref<128x64xf32, #tpu.memory_space<vmem>>) dst(%dma_wait3A_207 : memref<10240x64xf32, #tpu.memory_space<vmem_shared>>)
        tpu.yield
      }) : () -> ()
      %lt3A_180 = arith.constant 38 : i32
      %lt3A_181 = arith.cmpi slt, %scan3A_164, %lt3A_180 : i32
      %convert_element_type3A_182 = arith.extui %lt3A_181 : i1 to i32
      %cond3A_183 = arith.constant 0 : i32
      %cond3A_184 = arith.cmpi ne, %convert_element_type3A_182, %cond3A_183 : i32
      scf.if %cond3A_184 {
        %add3A_195 = arith.constant 2 : i32
        %add3A_196 = arith.addi %mul3A_166, %add3A_195 : i32
        %dma_start3A_197 = arith.constant 0 : i32
        %dma_start3A_198 = tpu.memref_slice %arg6[%add3A_196, %dma_start3A_197] : memref<78x128xi32, #tpu.memory_space<vmem>> -> memref<1x128xi32, #tpu.memory_space<vmem>>
        %dma_start3A_199 = tpu.memref_squeeze %dma_start3A_198 : memref<1x128xi32, #tpu.memory_space<vmem>> -> memref<128xi32, #tpu.memory_space<vmem>>
        %dma_start3A_200 = arith.constant 0 : i32
        %dma_start3A_201 = arith.constant 0 : i32
        %dma_start3A_202 = tpu.memref_slice %arg10[%dma_start3A_200, %dma_start3A_201] : memref<10240x64xf32, #tpu.memory_space<vmem_shared>> -> memref<10240x64xf32, #tpu.memory_space<vmem_shared>>
        tpu.enqueue_indirect_dma source(%dma_start3A_202 : memref<10240x64xf32, #tpu.memory_space<vmem_shared>>) target(%arg8 : memref<128x64xf32, #tpu.memory_space<vmem>>) offsets(%dma_start3A_199 : memref<128xi32, #tpu.memory_space<vmem>>) semaphore(%arg12 : memref<!tpu.dma_semaphore, #tpu.memory_space<semaphore_mem>>)
      } else {
      }
      %add3A_185 = arith.constant 1 : i32
      %add3A_186 = arith.addi %mul3A_166, %add3A_185 : i32
      %dma_wait3A_187 = arith.constant 0 : i32
      %dma_wait3A_188 = tpu.memref_slice %arg6[%add3A_186, %dma_wait3A_187] : memref<78x128xi32, #tpu.memory_space<vmem>> -> memref<1x128xi32, #tpu.memory_space<vmem>>
      %dma_wait3A_189 = tpu.memref_squeeze %dma_wait3A_188 : memref<1x128xi32, #tpu.memory_space<vmem>> -> memref<128xi32, #tpu.memory_space<vmem>>
      %dma_wait3A_190 = arith.constant 0 : i32
      %dma_wait3A_191 = arith.constant 0 : i32
      %dma_wait3A_192 = tpu.memref_slice %arg10[%dma_wait3A_190, %dma_wait3A_191] : memref<10240x64xf32, #tpu.memory_space<vmem_shared>> -> memref<10240x64xf32, #tpu.memory_space<vmem_shared>>
      tpu.wait_indirect_dma semaphore(%arg13 : memref<!tpu.dma_semaphore, #tpu.memory_space<semaphore_mem>>) src(%dma_wait3A_192 : memref<10240x64xf32, #tpu.memory_space<vmem_shared>>) dst(%arg9 : memref<128x64xf32, #tpu.memory_space<vmem>>)
      %add3A_193 = arith.constant 1 : i32
      %add3A_194 = arith.addi %mul3A_166, %add3A_193 : i32
      "tpu.region"() ({
        %run_scoped3A_195 = tpu.sem_alloc : memref<!tpu.dma_semaphore, #tpu.memory_space<semaphore_mem>>
        %dma_start3A_196 = arith.constant 0 : i32
        %dma_start3A_197 = tpu.memref_slice %arg7[%add3A_194, %dma_start3A_196] : memref<78x128xi32, #tpu.memory_space<vmem>> -> memref<1x128xi32, #tpu.memory_space<vmem>>
        %dma_start3A_198 = tpu.memref_squeeze %dma_start3A_197 : memref<1x128xi32, #tpu.memory_space<vmem>> -> memref<128xi32, #tpu.memory_space<vmem>>
        %dma_start3A_199 = arith.constant 0 : i32
        %dma_start3A_200 = arith.constant 0 : i32
        %dma_start3A_201 = tpu.memref_slice %arg11[%dma_start3A_199, %dma_start3A_200] : memref<10240x64xf32, #tpu.memory_space<vmem_shared>> -> memref<10240x64xf32, #tpu.memory_space<vmem_shared>>
        tpu.enqueue_indirect_dma source(%arg9 : memref<128x64xf32, #tpu.memory_space<vmem>>) target(%dma_start3A_201 : memref<10240x64xf32, #tpu.memory_space<vmem_shared>>) offsets(%dma_start3A_198 : memref<128xi32, #tpu.memory_space<vmem>>) semaphore(%run_scoped3A_195 : memref<!tpu.dma_semaphore, #tpu.memory_space<semaphore_mem>>) {add = true}
        %dma_wait3A_202 = arith.constant 0 : i32
        %dma_wait3A_203 = tpu.memref_slice %arg7[%add3A_194, %dma_wait3A_202] : memref<78x128xi32, #tpu.memory_space<vmem>> -> memref<1x128xi32, #tpu.memory_space<vmem>>
        %dma_wait3A_204 = tpu.memref_squeeze %dma_wait3A_203 : memref<1x128xi32, #tpu.memory_space<vmem>> -> memref<128xi32, #tpu.memory_space<vmem>>
        %dma_wait3A_205 = arith.constant 0 : i32
        %dma_wait3A_206 = arith.constant 0 : i32
        %dma_wait3A_207 = tpu.memref_slice %arg11[%dma_wait3A_205, %dma_wait3A_206] : memref<10240x64xf32, #tpu.memory_space<vmem_shared>> -> memref<10240x64xf32, #tpu.memory_space<vmem_shared>>
        tpu.wait_indirect_dma semaphore(%run_scoped3A_195 : memref<!tpu.dma_semaphore, #tpu.memory_space<semaphore_mem>>) src(%arg9 : memref<128x64xf32, #tpu.memory_space<vmem>>) dst(%dma_wait3A_207 : memref<10240x64xf32, #tpu.memory_space<vmem_shared>>)
        tpu.yield
      }) : () -> ()
    }
    %scan3A_91 = arith.constant 39 : i32
    %lt3A = arith.constant 4 : i32
    %lt3A_92 = arith.cmpi slt, %arg1, %lt3A : i32
    %convert_element_type3A = arith.extui %lt3A_92 : i1 to i32
    %cond3A = arith.constant 0 : i32
    %cond3A_93 = arith.cmpi ne, %convert_element_type3A, %cond3A : i32
    scf.if %cond3A_93 {
      %add3A_164 = arith.constant 2496 : i32
      %add3A_165 = arith.addi %add3A_164, %arg1 : i32
      %run_scoped3A_166 = arith.constant 0 : i32
      "tpu.region"() ({
        %run_scoped3A_182 = tpu.sem_alloc : memref<!tpu.dma_semaphore, #tpu.memory_space<semaphore_mem>>
        %dma_start3A_183 = arith.constant 0 : i32
        %dma_start3A_184 = arith.constant 0 : i32
        %dma_start3A_185 = tpu.memref_slice %arg6[%dma_start3A_183, %dma_start3A_184] : memref<78x128xi32, #tpu.memory_space<vmem>> -> memref<1x128xi32, #tpu.memory_space<vmem>>
        %dma_start3A_186 = arith.constant 0 : i32
        %dma_start3A_187 = tpu.memref_slice %arg3[%run_scoped3A_166, %add3A_165, %dma_start3A_186] : memref<2x2500x128xi32, #tpu.memory_space<hbm>> -> memref<1x1x128xi32, #tpu.memory_space<hbm>>
        %dma_start3A_188 = tpu.memref_squeeze %dma_start3A_187 : memref<1x1x128xi32, #tpu.memory_space<hbm>> -> memref<1x128xi32, #tpu.memory_space<hbm>>
        %dma_start3A_189 = arith.constant 0 : i32
        %dma_start3A_190 = arith.constant 0 : i32
        %dma_start3A_191 = tpu.memref_slice %arg6[%dma_start3A_189, %dma_start3A_190] : memref<78x128xi32, #tpu.memory_space<vmem>> -> memref<1x128xi32, #tpu.memory_space<vmem>>
        %dma_start3A_192 = arith.constant 0 : i32
        %dma_start3A_193 = tpu.memref_slice %arg3[%run_scoped3A_166, %add3A_165, %dma_start3A_192] : memref<2x2500x128xi32, #tpu.memory_space<hbm>> -> memref<1x1x128xi32, #tpu.memory_space<hbm>>
        %dma_start3A_194 = tpu.memref_squeeze %dma_start3A_193 : memref<1x1x128xi32, #tpu.memory_space<hbm>> -> memref<1x128xi32, #tpu.memory_space<hbm>>
        tpu.enqueue_dma source(%dma_start3A_194 : memref<1x128xi32, #tpu.memory_space<hbm>>) target(%dma_start3A_191 : memref<1x128xi32, #tpu.memory_space<vmem>>) target_semaphore(%run_scoped3A_182 : memref<!tpu.dma_semaphore, #tpu.memory_space<semaphore_mem>>)
        %dma_wait3A_195 = arith.constant 0 : i32
        %dma_wait3A_196 = arith.constant 0 : i32
        %dma_wait3A_197 = tpu.memref_slice %arg6[%dma_wait3A_195, %dma_wait3A_196] : memref<78x128xi32, #tpu.memory_space<vmem>> -> memref<1x128xi32, #tpu.memory_space<vmem>>
        %dma_wait3A_198 = arith.constant 0 : i32
        %dma_wait3A_199 = tpu.memref_slice %arg3[%run_scoped3A_166, %add3A_165, %dma_wait3A_198] : memref<2x2500x128xi32, #tpu.memory_space<hbm>> -> memref<1x1x128xi32, #tpu.memory_space<hbm>>
        %dma_wait3A_200 = tpu.memref_squeeze %dma_wait3A_199 : memref<1x1x128xi32, #tpu.memory_space<hbm>> -> memref<1x128xi32, #tpu.memory_space<hbm>>
        %dma_wait3A_201 = arith.constant 0 : i32
        %dma_wait3A_202 = arith.constant 0 : i32
        %dma_wait3A_203 = tpu.memref_slice %arg6[%dma_wait3A_201, %dma_wait3A_202] : memref<78x128xi32, #tpu.memory_space<vmem>> -> memref<1x128xi32, #tpu.memory_space<vmem>>
        %dma_wait3A_204 = arith.constant 0 : i32
        %dma_wait3A_205 = tpu.memref_slice %arg3[%run_scoped3A_166, %add3A_165, %dma_wait3A_204] : memref<2x2500x128xi32, #tpu.memory_space<hbm>> -> memref<1x1x128xi32, #tpu.memory_space<hbm>>
        %dma_wait3A_206 = tpu.memref_squeeze %dma_wait3A_205 : memref<1x1x128xi32, #tpu.memory_space<hbm>> -> memref<1x128xi32, #tpu.memory_space<hbm>>
        tpu.wait_dma2 semaphore(%run_scoped3A_182 : memref<!tpu.dma_semaphore, #tpu.memory_space<semaphore_mem>>) src(%dma_wait3A_206 : memref<1x128xi32, #tpu.memory_space<hbm>>) dst(%dma_wait3A_203 : memref<1x128xi32, #tpu.memory_space<vmem>>)
        tpu.yield
      }) : () -> ()
      %run_scoped3A_167 = arith.constant 1 : i32
      "tpu.region"() ({
        %run_scoped3A_182 = tpu.sem_alloc : memref<!tpu.dma_semaphore, #tpu.memory_space<semaphore_mem>>
        %dma_start3A_183 = arith.constant 0 : i32
        %dma_start3A_184 = arith.constant 0 : i32
        %dma_start3A_185 = tpu.memref_slice %arg7[%dma_start3A_183, %dma_start3A_184] : memref<78x128xi32, #tpu.memory_space<vmem>> -> memref<1x128xi32, #tpu.memory_space<vmem>>
        %dma_start3A_186 = arith.constant 0 : i32
        %dma_start3A_187 = tpu.memref_slice %arg3[%run_scoped3A_167, %add3A_165, %dma_start3A_186] : memref<2x2500x128xi32, #tpu.memory_space<hbm>> -> memref<1x1x128xi32, #tpu.memory_space<hbm>>
        %dma_start3A_188 = tpu.memref_squeeze %dma_start3A_187 : memref<1x1x128xi32, #tpu.memory_space<hbm>> -> memref<1x128xi32, #tpu.memory_space<hbm>>
        %dma_start3A_189 = arith.constant 0 : i32
        %dma_start3A_190 = arith.constant 0 : i32
        %dma_start3A_191 = tpu.memref_slice %arg7[%dma_start3A_189, %dma_start3A_190] : memref<78x128xi32, #tpu.memory_space<vmem>> -> memref<1x128xi32, #tpu.memory_space<vmem>>
        %dma_start3A_192 = arith.constant 0 : i32
        %dma_start3A_193 = tpu.memref_slice %arg3[%run_scoped3A_167, %add3A_165, %dma_start3A_192] : memref<2x2500x128xi32, #tpu.memory_space<hbm>> -> memref<1x1x128xi32, #tpu.memory_space<hbm>>
        %dma_start3A_194 = tpu.memref_squeeze %dma_start3A_193 : memref<1x1x128xi32, #tpu.memory_space<hbm>> -> memref<1x128xi32, #tpu.memory_space<hbm>>
        tpu.enqueue_dma source(%dma_start3A_194 : memref<1x128xi32, #tpu.memory_space<hbm>>) target(%dma_start3A_191 : memref<1x128xi32, #tpu.memory_space<vmem>>) target_semaphore(%run_scoped3A_182 : memref<!tpu.dma_semaphore, #tpu.memory_space<semaphore_mem>>)
        %dma_wait3A_195 = arith.constant 0 : i32
        %dma_wait3A_196 = arith.constant 0 : i32
        %dma_wait3A_197 = tpu.memref_slice %arg7[%dma_wait3A_195, %dma_wait3A_196] : memref<78x128xi32, #tpu.memory_space<vmem>> -> memref<1x128xi32, #tpu.memory_space<vmem>>
        %dma_wait3A_198 = arith.constant 0 : i32
        %dma_wait3A_199 = tpu.memref_slice %arg3[%run_scoped3A_167, %add3A_165, %dma_wait3A_198] : memref<2x2500x128xi32, #tpu.memory_space<hbm>> -> memref<1x1x128xi32, #tpu.memory_space<hbm>>
        %dma_wait3A_200 = tpu.memref_squeeze %dma_wait3A_199 : memref<1x1x128xi32, #tpu.memory_space<hbm>> -> memref<1x128xi32, #tpu.memory_space<hbm>>
        %dma_wait3A_201 = arith.constant 0 : i32
        %dma_wait3A_202 = arith.constant 0 : i32
        %dma_wait3A_203 = tpu.memref_slice %arg7[%dma_wait3A_201, %dma_wait3A_202] : memref<78x128xi32, #tpu.memory_space<vmem>> -> memref<1x128xi32, #tpu.memory_space<vmem>>
        %dma_wait3A_204 = arith.constant 0 : i32
        %dma_wait3A_205 = tpu.memref_slice %arg3[%run_scoped3A_167, %add3A_165, %dma_wait3A_204] : memref<2x2500x128xi32, #tpu.memory_space<hbm>> -> memref<1x1x128xi32, #tpu.memory_space<hbm>>
        %dma_wait3A_206 = tpu.memref_squeeze %dma_wait3A_205 : memref<1x1x128xi32, #tpu.memory_space<hbm>> -> memref<1x128xi32, #tpu.memory_space<hbm>>
        tpu.wait_dma2 semaphore(%run_scoped3A_182 : memref<!tpu.dma_semaphore, #tpu.memory_space<semaphore_mem>>) src(%dma_wait3A_206 : memref<1x128xi32, #tpu.memory_space<hbm>>) dst(%dma_wait3A_203 : memref<1x128xi32, #tpu.memory_space<vmem>>)
        tpu.yield
      }) : () -> ()
      %dma_start3A_168 = arith.constant 0 : i32
      %dma_start3A_169 = arith.constant 0 : i32
      %dma_start3A_170 = tpu.memref_slice %arg6[%dma_start3A_168, %dma_start3A_169] : memref<78x128xi32, #tpu.memory_space<vmem>> -> memref<1x128xi32, #tpu.memory_space<vmem>>
      %dma_start3A_171 = tpu.memref_squeeze %dma_start3A_170 : memref<1x128xi32, #tpu.memory_space<vmem>> -> memref<128xi32, #tpu.memory_space<vmem>>
      %dma_start3A_172 = arith.constant 0 : i32
      %dma_start3A_173 = arith.constant 0 : i32
      %dma_start3A_174 = tpu.memref_slice %arg10[%dma_start3A_172, %dma_start3A_173] : memref<10240x64xf32, #tpu.memory_space<vmem_shared>> -> memref<10240x64xf32, #tpu.memory_space<vmem_shared>>
      tpu.enqueue_indirect_dma source(%dma_start3A_174 : memref<10240x64xf32, #tpu.memory_space<vmem_shared>>) target(%arg8 : memref<128x64xf32, #tpu.memory_space<vmem>>) offsets(%dma_start3A_171 : memref<128xi32, #tpu.memory_space<vmem>>) semaphore(%arg12 : memref<!tpu.dma_semaphore, #tpu.memory_space<semaphore_mem>>)
      %dma_wait3A = arith.constant 0 : i32
      %dma_wait3A_175 = arith.constant 0 : i32
      %dma_wait3A_176 = tpu.memref_slice %arg6[%dma_wait3A, %dma_wait3A_175] : memref<78x128xi32, #tpu.memory_space<vmem>> -> memref<1x128xi32, #tpu.memory_space<vmem>>
      %dma_wait3A_177 = tpu.memref_squeeze %dma_wait3A_176 : memref<1x128xi32, #tpu.memory_space<vmem>> -> memref<128xi32, #tpu.memory_space<vmem>>
      %dma_wait3A_178 = arith.constant 0 : i32
      %dma_wait3A_179 = arith.constant 0 : i32
      %dma_wait3A_180 = tpu.memref_slice %arg10[%dma_wait3A_178, %dma_wait3A_179] : memref<10240x64xf32, #tpu.memory_space<vmem_shared>> -> memref<10240x64xf32, #tpu.memory_space<vmem_shared>>
      tpu.wait_indirect_dma semaphore(%arg12 : memref<!tpu.dma_semaphore, #tpu.memory_space<semaphore_mem>>) src(%dma_wait3A_180 : memref<10240x64xf32, #tpu.memory_space<vmem_shared>>) dst(%arg8 : memref<128x64xf32, #tpu.memory_space<vmem>>)
      %run_scoped3A_181 = arith.constant 0 : i32
      "tpu.region"() ({
        %run_scoped3A_182 = tpu.sem_alloc : memref<!tpu.dma_semaphore, #tpu.memory_space<semaphore_mem>>
        %dma_start3A_183 = arith.constant 0 : i32
        %dma_start3A_184 = tpu.memref_slice %arg7[%run_scoped3A_181, %dma_start3A_183] : memref<78x128xi32, #tpu.memory_space<vmem>> -> memref<1x128xi32, #tpu.memory_space<vmem>>
        %dma_start3A_185 = tpu.memref_squeeze %dma_start3A_184 : memref<1x128xi32, #tpu.memory_space<vmem>> -> memref<128xi32, #tpu.memory_space<vmem>>
        %dma_start3A_186 = arith.constant 0 : i32
        %dma_start3A_187 = arith.constant 0 : i32
        %dma_start3A_188 = tpu.memref_slice %arg11[%dma_start3A_186, %dma_start3A_187] : memref<10240x64xf32, #tpu.memory_space<vmem_shared>> -> memref<10240x64xf32, #tpu.memory_space<vmem_shared>>
        tpu.enqueue_indirect_dma source(%arg8 : memref<128x64xf32, #tpu.memory_space<vmem>>) target(%dma_start3A_188 : memref<10240x64xf32, #tpu.memory_space<vmem_shared>>) offsets(%dma_start3A_185 : memref<128xi32, #tpu.memory_space<vmem>>) semaphore(%run_scoped3A_182 : memref<!tpu.dma_semaphore, #tpu.memory_space<semaphore_mem>>) {add = true}
        %dma_wait3A_189 = arith.constant 0 : i32
        %dma_wait3A_190 = tpu.memref_slice %arg7[%run_scoped3A_181, %dma_wait3A_189] : memref<78x128xi32, #tpu.memory_space<vmem>> -> memref<1x128xi32, #tpu.memory_space<vmem>>
        %dma_wait3A_191 = tpu.memref_squeeze %dma_wait3A_190 : memref<1x128xi32, #tpu.memory_space<vmem>> -> memref<128xi32, #tpu.memory_space<vmem>>
        %dma_wait3A_192 = arith.constant 0 : i32
        %dma_wait3A_193 = arith.constant 0 : i32
        %dma_wait3A_194 = tpu.memref_slice %arg11[%dma_wait3A_192, %dma_wait3A_193] : memref<10240x64xf32, #tpu.memory_space<vmem_shared>> -> memref<10240x64xf32, #tpu.memory_space<vmem_shared>>
        tpu.wait_indirect_dma semaphore(%run_scoped3A_182 : memref<!tpu.dma_semaphore, #tpu.memory_space<semaphore_mem>>) src(%arg8 : memref<128x64xf32, #tpu.memory_space<vmem>>) dst(%dma_wait3A_194 : memref<10240x64xf32, #tpu.memory_space<vmem_shared>>)
        tpu.yield
      }) : () -> ()
    } else {
    }
    %barrier3A_94 = arith.constant 0 : index
    tpu.barrier barrier_id(%barrier3A_94)
    %mul3A_95 = arith.constant 640 : i32
    %mul3A_96 = arith.muli %arg1, %mul3A_95 : i32
    %add3A_97 = arith.constant 0 : i32
    %add3A_98 = arith.addi %mul3A_96, %add3A_97 : i32
    "tpu.region"() ({
      %run_scoped3A_164 = tpu.sem_alloc : memref<!tpu.dma_semaphore, #tpu.memory_space<semaphore_mem>>
      %dma_start3A_165 = arith.constant 0 : i32
      %dma_start3A_166 = tpu.memref_slice %arg11[%add3A_98, %dma_start3A_165] : memref<10240x64xf32, #tpu.memory_space<vmem_shared>> -> memref<128x64xf32, #tpu.memory_space<vmem_shared>>
      %dma_start3A_167 = arith.constant 0 : i32
      %dma_start3A_168 = tpu.memref_slice %arg11[%add3A_98, %dma_start3A_167] : memref<10240x64xf32, #tpu.memory_space<vmem_shared>> -> memref<128x64xf32, #tpu.memory_space<vmem_shared>>
      tpu.enqueue_dma source(%dma_start3A_168 : memref<128x64xf32, #tpu.memory_space<vmem_shared>>) target(%arg8 : memref<128x64xf32, #tpu.memory_space<vmem>>) target_semaphore(%run_scoped3A_164 : memref<!tpu.dma_semaphore, #tpu.memory_space<semaphore_mem>>)
      %dma_wait3A = arith.constant 0 : i32
      %dma_wait3A_169 = tpu.memref_slice %arg11[%add3A_98, %dma_wait3A] : memref<10240x64xf32, #tpu.memory_space<vmem_shared>> -> memref<128x64xf32, #tpu.memory_space<vmem_shared>>
      %dma_wait3A_170 = arith.constant 0 : i32
      %dma_wait3A_171 = tpu.memref_slice %arg11[%add3A_98, %dma_wait3A_170] : memref<10240x64xf32, #tpu.memory_space<vmem_shared>> -> memref<128x64xf32, #tpu.memory_space<vmem_shared>>
      tpu.wait_dma2 semaphore(%run_scoped3A_164 : memref<!tpu.dma_semaphore, #tpu.memory_space<semaphore_mem>>) src(%dma_wait3A_171 : memref<128x64xf32, #tpu.memory_space<vmem_shared>>) dst(%arg8 : memref<128x64xf32, #tpu.memory_space<vmem>>)
      tpu.yield
    }) : () -> ()
    %eq3A = arith.constant 0 : i32
    %eq3A_99 = arith.cmpi eq, %arg0, %eq3A : i32
    %convert_element_type3A_100 = arith.extui %eq3A_99 : i1 to i32
    %cond3A_101 = arith.constant 0 : i32
    %cond3A_102 = arith.cmpi ne, %convert_element_type3A_100, %cond3A_101 : i32
    scf.if %cond3A_102 {
      "tpu.region"() ({
        %run_scoped3A_164 = tpu.sem_alloc : memref<!tpu.dma_semaphore, #tpu.memory_space<semaphore_mem>>
        %dma_start3A_165 = arith.constant 0 : i32
        %dma_start3A_166 = tpu.memref_slice %arg4[%add3A_98, %dma_start3A_165] : memref<10240x64xf32, #tpu.memory_space<hbm>> -> memref<128x64xf32, #tpu.memory_space<hbm>>
        %dma_start3A_167 = arith.constant 0 : i32
        %dma_start3A_168 = tpu.memref_slice %arg4[%add3A_98, %dma_start3A_167] : memref<10240x64xf32, #tpu.memory_space<hbm>> -> memref<128x64xf32, #tpu.memory_space<hbm>>
        tpu.enqueue_dma source(%arg8 : memref<128x64xf32, #tpu.memory_space<vmem>>) target(%dma_start3A_168 : memref<128x64xf32, #tpu.memory_space<hbm>>) target_semaphore(%run_scoped3A_164 : memref<!tpu.dma_semaphore, #tpu.memory_space<semaphore_mem>>)
        %dma_wait3A = arith.constant 0 : i32
        %dma_wait3A_169 = tpu.memref_slice %arg4[%add3A_98, %dma_wait3A] : memref<10240x64xf32, #tpu.memory_space<hbm>> -> memref<128x64xf32, #tpu.memory_space<hbm>>
        %dma_wait3A_170 = arith.constant 0 : i32
        %dma_wait3A_171 = tpu.memref_slice %arg4[%add3A_98, %dma_wait3A_170] : memref<10240x64xf32, #tpu.memory_space<hbm>> -> memref<128x64xf32, #tpu.memory_space<hbm>>
        tpu.wait_dma2 semaphore(%run_scoped3A_164 : memref<!tpu.dma_semaphore, #tpu.memory_space<semaphore_mem>>) src(%arg8 : memref<128x64xf32, #tpu.memory_space<vmem>>) dst(%dma_wait3A_171 : memref<128x64xf32, #tpu.memory_space<hbm>>)
        tpu.yield
      }) : () -> ()
    } else {
    }
    %eq3A_103 = arith.constant 1 : i32
    %eq3A_104 = arith.cmpi eq, %arg0, %eq3A_103 : i32
    %convert_element_type3A_105 = arith.extui %eq3A_104 : i1 to i32
    %cond3A_106 = arith.constant 0 : i32
    %cond3A_107 = arith.cmpi ne, %convert_element_type3A_105, %cond3A_106 : i32
    scf.if %cond3A_107 {
      "tpu.region"() ({
        %run_scoped3A_164 = tpu.sem_alloc : memref<!tpu.dma_semaphore, #tpu.memory_space<semaphore_mem>>
        %dma_start3A_165 = arith.constant 0 : i32
        %dma_start3A_166 = tpu.memref_slice %arg5[%add3A_98, %dma_start3A_165] : memref<10240x64xf32, #tpu.memory_space<hbm>> -> memref<128x64xf32, #tpu.memory_space<hbm>>
        %dma_start3A_167 = arith.constant 0 : i32
        %dma_start3A_168 = tpu.memref_slice %arg5[%add3A_98, %dma_start3A_167] : memref<10240x64xf32, #tpu.memory_space<hbm>> -> memref<128x64xf32, #tpu.memory_space<hbm>>
        tpu.enqueue_dma source(%arg8 : memref<128x64xf32, #tpu.memory_space<vmem>>) target(%dma_start3A_168 : memref<128x64xf32, #tpu.memory_space<hbm>>) target_semaphore(%run_scoped3A_164 : memref<!tpu.dma_semaphore, #tpu.memory_space<semaphore_mem>>)
        %dma_wait3A = arith.constant 0 : i32
        %dma_wait3A_169 = tpu.memref_slice %arg5[%add3A_98, %dma_wait3A] : memref<10240x64xf32, #tpu.memory_space<hbm>> -> memref<128x64xf32, #tpu.memory_space<hbm>>
        %dma_wait3A_170 = arith.constant 0 : i32
        %dma_wait3A_171 = tpu.memref_slice %arg5[%add3A_98, %dma_wait3A_170] : memref<10240x64xf32, #tpu.memory_space<hbm>> -> memref<128x64xf32, #tpu.memory_space<hbm>>
        tpu.wait_dma2 semaphore(%run_scoped3A_164 : memref<!tpu.dma_semaphore, #tpu.memory_space<semaphore_mem>>) src(%arg8 : memref<128x64xf32, #tpu.memory_space<vmem>>) dst(%dma_wait3A_171 : memref<128x64xf32, #tpu.memory_space<hbm>>)
        tpu.yield
      }) : () -> ()
    } else {
    }
    %mul3A_108 = arith.constant 640 : i32
    %mul3A_109 = arith.muli %arg1, %mul3A_108 : i32
    %add3A_110 = arith.constant 128 : i32
    %add3A_111 = arith.addi %mul3A_109, %add3A_110 : i32
    "tpu.region"() ({
      %run_scoped3A_164 = tpu.sem_alloc : memref<!tpu.dma_semaphore, #tpu.memory_space<semaphore_mem>>
      %dma_start3A_165 = arith.constant 0 : i32
      %dma_start3A_166 = tpu.memref_slice %arg11[%add3A_111, %dma_start3A_165] : memref<10240x64xf32, #tpu.memory_space<vmem_shared>> -> memref<128x64xf32, #tpu.memory_space<vmem_shared>>
      %dma_start3A_167 = arith.constant 0 : i32
      %dma_start3A_168 = tpu.memref_slice %arg11[%add3A_111, %dma_start3A_167] : memref<10240x64xf32, #tpu.memory_space<vmem_shared>> -> memref<128x64xf32, #tpu.memory_space<vmem_shared>>
      tpu.enqueue_dma source(%dma_start3A_168 : memref<128x64xf32, #tpu.memory_space<vmem_shared>>) target(%arg8 : memref<128x64xf32, #tpu.memory_space<vmem>>) target_semaphore(%run_scoped3A_164 : memref<!tpu.dma_semaphore, #tpu.memory_space<semaphore_mem>>)
      %dma_wait3A = arith.constant 0 : i32
      %dma_wait3A_169 = tpu.memref_slice %arg11[%add3A_111, %dma_wait3A] : memref<10240x64xf32, #tpu.memory_space<vmem_shared>> -> memref<128x64xf32, #tpu.memory_space<vmem_shared>>
      %dma_wait3A_170 = arith.constant 0 : i32
      %dma_wait3A_171 = tpu.memref_slice %arg11[%add3A_111, %dma_wait3A_170] : memref<10240x64xf32, #tpu.memory_space<vmem_shared>> -> memref<128x64xf32, #tpu.memory_space<vmem_shared>>
      tpu.wait_dma2 semaphore(%run_scoped3A_164 : memref<!tpu.dma_semaphore, #tpu.memory_space<semaphore_mem>>) src(%dma_wait3A_171 : memref<128x64xf32, #tpu.memory_space<vmem_shared>>) dst(%arg8 : memref<128x64xf32, #tpu.memory_space<vmem>>)
      tpu.yield
    }) : () -> ()
    %eq3A_112 = arith.constant 0 : i32
    %eq3A_113 = arith.cmpi eq, %arg0, %eq3A_112 : i32
    %convert_element_type3A_114 = arith.extui %eq3A_113 : i1 to i32
    %cond3A_115 = arith.constant 0 : i32
    %cond3A_116 = arith.cmpi ne, %convert_element_type3A_114, %cond3A_115 : i32
    scf.if %cond3A_116 {
      "tpu.region"() ({
        %run_scoped3A_164 = tpu.sem_alloc : memref<!tpu.dma_semaphore, #tpu.memory_space<semaphore_mem>>
        %dma_start3A_165 = arith.constant 0 : i32
        %dma_start3A_166 = tpu.memref_slice %arg4[%add3A_111, %dma_start3A_165] : memref<10240x64xf32, #tpu.memory_space<hbm>> -> memref<128x64xf32, #tpu.memory_space<hbm>>
        %dma_start3A_167 = arith.constant 0 : i32
        %dma_start3A_168 = tpu.memref_slice %arg4[%add3A_111, %dma_start3A_167] : memref<10240x64xf32, #tpu.memory_space<hbm>> -> memref<128x64xf32, #tpu.memory_space<hbm>>
        tpu.enqueue_dma source(%arg8 : memref<128x64xf32, #tpu.memory_space<vmem>>) target(%dma_start3A_168 : memref<128x64xf32, #tpu.memory_space<hbm>>) target_semaphore(%run_scoped3A_164 : memref<!tpu.dma_semaphore, #tpu.memory_space<semaphore_mem>>)
        %dma_wait3A = arith.constant 0 : i32
        %dma_wait3A_169 = tpu.memref_slice %arg4[%add3A_111, %dma_wait3A] : memref<10240x64xf32, #tpu.memory_space<hbm>> -> memref<128x64xf32, #tpu.memory_space<hbm>>
        %dma_wait3A_170 = arith.constant 0 : i32
        %dma_wait3A_171 = tpu.memref_slice %arg4[%add3A_111, %dma_wait3A_170] : memref<10240x64xf32, #tpu.memory_space<hbm>> -> memref<128x64xf32, #tpu.memory_space<hbm>>
        tpu.wait_dma2 semaphore(%run_scoped3A_164 : memref<!tpu.dma_semaphore, #tpu.memory_space<semaphore_mem>>) src(%arg8 : memref<128x64xf32, #tpu.memory_space<vmem>>) dst(%dma_wait3A_171 : memref<128x64xf32, #tpu.memory_space<hbm>>)
        tpu.yield
      }) : () -> ()
    } else {
    }
    %eq3A_117 = arith.constant 1 : i32
    %eq3A_118 = arith.cmpi eq, %arg0, %eq3A_117 : i32
    %convert_element_type3A_119 = arith.extui %eq3A_118 : i1 to i32
    %cond3A_120 = arith.constant 0 : i32
    %cond3A_121 = arith.cmpi ne, %convert_element_type3A_119, %cond3A_120 : i32
    scf.if %cond3A_121 {
      "tpu.region"() ({
        %run_scoped3A_164 = tpu.sem_alloc : memref<!tpu.dma_semaphore, #tpu.memory_space<semaphore_mem>>
        %dma_start3A_165 = arith.constant 0 : i32
        %dma_start3A_166 = tpu.memref_slice %arg5[%add3A_111, %dma_start3A_165] : memref<10240x64xf32, #tpu.memory_space<hbm>> -> memref<128x64xf32, #tpu.memory_space<hbm>>
        %dma_start3A_167 = arith.constant 0 : i32
        %dma_start3A_168 = tpu.memref_slice %arg5[%add3A_111, %dma_start3A_167] : memref<10240x64xf32, #tpu.memory_space<hbm>> -> memref<128x64xf32, #tpu.memory_space<hbm>>
        tpu.enqueue_dma source(%arg8 : memref<128x64xf32, #tpu.memory_space<vmem>>) target(%dma_start3A_168 : memref<128x64xf32, #tpu.memory_space<hbm>>) target_semaphore(%run_scoped3A_164 : memref<!tpu.dma_semaphore, #tpu.memory_space<semaphore_mem>>)
        %dma_wait3A = arith.constant 0 : i32
        %dma_wait3A_169 = tpu.memref_slice %arg5[%add3A_111, %dma_wait3A] : memref<10240x64xf32, #tpu.memory_space<hbm>> -> memref<128x64xf32, #tpu.memory_space<hbm>>
        %dma_wait3A_170 = arith.constant 0 : i32
        %dma_wait3A_171 = tpu.memref_slice %arg5[%add3A_111, %dma_wait3A_170] : memref<10240x64xf32, #tpu.memory_space<hbm>> -> memref<128x64xf32, #tpu.memory_space<hbm>>
        tpu.wait_dma2 semaphore(%run_scoped3A_164 : memref<!tpu.dma_semaphore, #tpu.memory_space<semaphore_mem>>) src(%arg8 : memref<128x64xf32, #tpu.memory_space<vmem>>) dst(%dma_wait3A_171 : memref<128x64xf32, #tpu.memory_space<hbm>>)
        tpu.yield
      }) : () -> ()
    } else {
    }
    %mul3A_122 = arith.constant 640 : i32
    %mul3A_123 = arith.muli %arg1, %mul3A_122 : i32
    %add3A_124 = arith.constant 256 : i32
    %add3A_125 = arith.addi %mul3A_123, %add3A_124 : i32
    "tpu.region"() ({
      %run_scoped3A_164 = tpu.sem_alloc : memref<!tpu.dma_semaphore, #tpu.memory_space<semaphore_mem>>
      %dma_start3A_165 = arith.constant 0 : i32
      %dma_start3A_166 = tpu.memref_slice %arg11[%add3A_125, %dma_start3A_165] : memref<10240x64xf32, #tpu.memory_space<vmem_shared>> -> memref<128x64xf32, #tpu.memory_space<vmem_shared>>
      %dma_start3A_167 = arith.constant 0 : i32
      %dma_start3A_168 = tpu.memref_slice %arg11[%add3A_125, %dma_start3A_167] : memref<10240x64xf32, #tpu.memory_space<vmem_shared>> -> memref<128x64xf32, #tpu.memory_space<vmem_shared>>
      tpu.enqueue_dma source(%dma_start3A_168 : memref<128x64xf32, #tpu.memory_space<vmem_shared>>) target(%arg8 : memref<128x64xf32, #tpu.memory_space<vmem>>) target_semaphore(%run_scoped3A_164 : memref<!tpu.dma_semaphore, #tpu.memory_space<semaphore_mem>>)
      %dma_wait3A = arith.constant 0 : i32
      %dma_wait3A_169 = tpu.memref_slice %arg11[%add3A_125, %dma_wait3A] : memref<10240x64xf32, #tpu.memory_space<vmem_shared>> -> memref<128x64xf32, #tpu.memory_space<vmem_shared>>
      %dma_wait3A_170 = arith.constant 0 : i32
      %dma_wait3A_171 = tpu.memref_slice %arg11[%add3A_125, %dma_wait3A_170] : memref<10240x64xf32, #tpu.memory_space<vmem_shared>> -> memref<128x64xf32, #tpu.memory_space<vmem_shared>>
      tpu.wait_dma2 semaphore(%run_scoped3A_164 : memref<!tpu.dma_semaphore, #tpu.memory_space<semaphore_mem>>) src(%dma_wait3A_171 : memref<128x64xf32, #tpu.memory_space<vmem_shared>>) dst(%arg8 : memref<128x64xf32, #tpu.memory_space<vmem>>)
      tpu.yield
    }) : () -> ()
    %eq3A_126 = arith.constant 0 : i32
    %eq3A_127 = arith.cmpi eq, %arg0, %eq3A_126 : i32
    %convert_element_type3A_128 = arith.extui %eq3A_127 : i1 to i32
    %cond3A_129 = arith.constant 0 : i32
    %cond3A_130 = arith.cmpi ne, %convert_element_type3A_128, %cond3A_129 : i32
    scf.if %cond3A_130 {
      "tpu.region"() ({
        %run_scoped3A_164 = tpu.sem_alloc : memref<!tpu.dma_semaphore, #tpu.memory_space<semaphore_mem>>
        %dma_start3A_165 = arith.constant 0 : i32
        %dma_start3A_166 = tpu.memref_slice %arg4[%add3A_125, %dma_start3A_165] : memref<10240x64xf32, #tpu.memory_space<hbm>> -> memref<128x64xf32, #tpu.memory_space<hbm>>
        %dma_start3A_167 = arith.constant 0 : i32
        %dma_start3A_168 = tpu.memref_slice %arg4[%add3A_125, %dma_start3A_167] : memref<10240x64xf32, #tpu.memory_space<hbm>> -> memref<128x64xf32, #tpu.memory_space<hbm>>
        tpu.enqueue_dma source(%arg8 : memref<128x64xf32, #tpu.memory_space<vmem>>) target(%dma_start3A_168 : memref<128x64xf32, #tpu.memory_space<hbm>>) target_semaphore(%run_scoped3A_164 : memref<!tpu.dma_semaphore, #tpu.memory_space<semaphore_mem>>)
        %dma_wait3A = arith.constant 0 : i32
        %dma_wait3A_169 = tpu.memref_slice %arg4[%add3A_125, %dma_wait3A] : memref<10240x64xf32, #tpu.memory_space<hbm>> -> memref<128x64xf32, #tpu.memory_space<hbm>>
        %dma_wait3A_170 = arith.constant 0 : i32
        %dma_wait3A_171 = tpu.memref_slice %arg4[%add3A_125, %dma_wait3A_170] : memref<10240x64xf32, #tpu.memory_space<hbm>> -> memref<128x64xf32, #tpu.memory_space<hbm>>
        tpu.wait_dma2 semaphore(%run_scoped3A_164 : memref<!tpu.dma_semaphore, #tpu.memory_space<semaphore_mem>>) src(%arg8 : memref<128x64xf32, #tpu.memory_space<vmem>>) dst(%dma_wait3A_171 : memref<128x64xf32, #tpu.memory_space<hbm>>)
        tpu.yield
      }) : () -> ()
    } else {
    }
    %eq3A_131 = arith.constant 1 : i32
    %eq3A_132 = arith.cmpi eq, %arg0, %eq3A_131 : i32
    %convert_element_type3A_133 = arith.extui %eq3A_132 : i1 to i32
    %cond3A_134 = arith.constant 0 : i32
    %cond3A_135 = arith.cmpi ne, %convert_element_type3A_133, %cond3A_134 : i32
    scf.if %cond3A_135 {
      "tpu.region"() ({
        %run_scoped3A_164 = tpu.sem_alloc : memref<!tpu.dma_semaphore, #tpu.memory_space<semaphore_mem>>
        %dma_start3A_165 = arith.constant 0 : i32
        %dma_start3A_166 = tpu.memref_slice %arg5[%add3A_125, %dma_start3A_165] : memref<10240x64xf32, #tpu.memory_space<hbm>> -> memref<128x64xf32, #tpu.memory_space<hbm>>
        %dma_start3A_167 = arith.constant 0 : i32
        %dma_start3A_168 = tpu.memref_slice %arg5[%add3A_125, %dma_start3A_167] : memref<10240x64xf32, #tpu.memory_space<hbm>> -> memref<128x64xf32, #tpu.memory_space<hbm>>
        tpu.enqueue_dma source(%arg8 : memref<128x64xf32, #tpu.memory_space<vmem>>) target(%dma_start3A_168 : memref<128x64xf32, #tpu.memory_space<hbm>>) target_semaphore(%run_scoped3A_164 : memref<!tpu.dma_semaphore, #tpu.memory_space<semaphore_mem>>)
        %dma_wait3A = arith.constant 0 : i32
        %dma_wait3A_169 = tpu.memref_slice %arg5[%add3A_125, %dma_wait3A] : memref<10240x64xf32, #tpu.memory_space<hbm>> -> memref<128x64xf32, #tpu.memory_space<hbm>>
        %dma_wait3A_170 = arith.constant 0 : i32
        %dma_wait3A_171 = tpu.memref_slice %arg5[%add3A_125, %dma_wait3A_170] : memref<10240x64xf32, #tpu.memory_space<hbm>> -> memref<128x64xf32, #tpu.memory_space<hbm>>
        tpu.wait_dma2 semaphore(%run_scoped3A_164 : memref<!tpu.dma_semaphore, #tpu.memory_space<semaphore_mem>>) src(%arg8 : memref<128x64xf32, #tpu.memory_space<vmem>>) dst(%dma_wait3A_171 : memref<128x64xf32, #tpu.memory_space<hbm>>)
        tpu.yield
      }) : () -> ()
    } else {
    }
    %mul3A_136 = arith.constant 640 : i32
    %mul3A_137 = arith.muli %arg1, %mul3A_136 : i32
    %add3A_138 = arith.constant 384 : i32
    %add3A_139 = arith.addi %mul3A_137, %add3A_138 : i32
    "tpu.region"() ({
      %run_scoped3A_164 = tpu.sem_alloc : memref<!tpu.dma_semaphore, #tpu.memory_space<semaphore_mem>>
      %dma_start3A_165 = arith.constant 0 : i32
      %dma_start3A_166 = tpu.memref_slice %arg11[%add3A_139, %dma_start3A_165] : memref<10240x64xf32, #tpu.memory_space<vmem_shared>> -> memref<128x64xf32, #tpu.memory_space<vmem_shared>>
      %dma_start3A_167 = arith.constant 0 : i32
      %dma_start3A_168 = tpu.memref_slice %arg11[%add3A_139, %dma_start3A_167] : memref<10240x64xf32, #tpu.memory_space<vmem_shared>> -> memref<128x64xf32, #tpu.memory_space<vmem_shared>>
      tpu.enqueue_dma source(%dma_start3A_168 : memref<128x64xf32, #tpu.memory_space<vmem_shared>>) target(%arg8 : memref<128x64xf32, #tpu.memory_space<vmem>>) target_semaphore(%run_scoped3A_164 : memref<!tpu.dma_semaphore, #tpu.memory_space<semaphore_mem>>)
      %dma_wait3A = arith.constant 0 : i32
      %dma_wait3A_169 = tpu.memref_slice %arg11[%add3A_139, %dma_wait3A] : memref<10240x64xf32, #tpu.memory_space<vmem_shared>> -> memref<128x64xf32, #tpu.memory_space<vmem_shared>>
      %dma_wait3A_170 = arith.constant 0 : i32
      %dma_wait3A_171 = tpu.memref_slice %arg11[%add3A_139, %dma_wait3A_170] : memref<10240x64xf32, #tpu.memory_space<vmem_shared>> -> memref<128x64xf32, #tpu.memory_space<vmem_shared>>
      tpu.wait_dma2 semaphore(%run_scoped3A_164 : memref<!tpu.dma_semaphore, #tpu.memory_space<semaphore_mem>>) src(%dma_wait3A_171 : memref<128x64xf32, #tpu.memory_space<vmem_shared>>) dst(%arg8 : memref<128x64xf32, #tpu.memory_space<vmem>>)
      tpu.yield
    }) : () -> ()
    %eq3A_140 = arith.constant 0 : i32
    %eq3A_141 = arith.cmpi eq, %arg0, %eq3A_140 : i32
    %convert_element_type3A_142 = arith.extui %eq3A_141 : i1 to i32
    %cond3A_143 = arith.constant 0 : i32
    %cond3A_144 = arith.cmpi ne, %convert_element_type3A_142, %cond3A_143 : i32
    scf.if %cond3A_144 {
      "tpu.region"() ({
        %run_scoped3A_164 = tpu.sem_alloc : memref<!tpu.dma_semaphore, #tpu.memory_space<semaphore_mem>>
        %dma_start3A_165 = arith.constant 0 : i32
        %dma_start3A_166 = tpu.memref_slice %arg4[%add3A_139, %dma_start3A_165] : memref<10240x64xf32, #tpu.memory_space<hbm>> -> memref<128x64xf32, #tpu.memory_space<hbm>>
        %dma_start3A_167 = arith.constant 0 : i32
        %dma_start3A_168 = tpu.memref_slice %arg4[%add3A_139, %dma_start3A_167] : memref<10240x64xf32, #tpu.memory_space<hbm>> -> memref<128x64xf32, #tpu.memory_space<hbm>>
        tpu.enqueue_dma source(%arg8 : memref<128x64xf32, #tpu.memory_space<vmem>>) target(%dma_start3A_168 : memref<128x64xf32, #tpu.memory_space<hbm>>) target_semaphore(%run_scoped3A_164 : memref<!tpu.dma_semaphore, #tpu.memory_space<semaphore_mem>>)
        %dma_wait3A = arith.constant 0 : i32
        %dma_wait3A_169 = tpu.memref_slice %arg4[%add3A_139, %dma_wait3A] : memref<10240x64xf32, #tpu.memory_space<hbm>> -> memref<128x64xf32, #tpu.memory_space<hbm>>
        %dma_wait3A_170 = arith.constant 0 : i32
        %dma_wait3A_171 = tpu.memref_slice %arg4[%add3A_139, %dma_wait3A_170] : memref<10240x64xf32, #tpu.memory_space<hbm>> -> memref<128x64xf32, #tpu.memory_space<hbm>>
        tpu.wait_dma2 semaphore(%run_scoped3A_164 : memref<!tpu.dma_semaphore, #tpu.memory_space<semaphore_mem>>) src(%arg8 : memref<128x64xf32, #tpu.memory_space<vmem>>) dst(%dma_wait3A_171 : memref<128x64xf32, #tpu.memory_space<hbm>>)
        tpu.yield
      }) : () -> ()
    } else {
    }
    %eq3A_145 = arith.constant 1 : i32
    %eq3A_146 = arith.cmpi eq, %arg0, %eq3A_145 : i32
    %convert_element_type3A_147 = arith.extui %eq3A_146 : i1 to i32
    %cond3A_148 = arith.constant 0 : i32
    %cond3A_149 = arith.cmpi ne, %convert_element_type3A_147, %cond3A_148 : i32
    scf.if %cond3A_149 {
      "tpu.region"() ({
        %run_scoped3A_164 = tpu.sem_alloc : memref<!tpu.dma_semaphore, #tpu.memory_space<semaphore_mem>>
        %dma_start3A_165 = arith.constant 0 : i32
        %dma_start3A_166 = tpu.memref_slice %arg5[%add3A_139, %dma_start3A_165] : memref<10240x64xf32, #tpu.memory_space<hbm>> -> memref<128x64xf32, #tpu.memory_space<hbm>>
        %dma_start3A_167 = arith.constant 0 : i32
        %dma_start3A_168 = tpu.memref_slice %arg5[%add3A_139, %dma_start3A_167] : memref<10240x64xf32, #tpu.memory_space<hbm>> -> memref<128x64xf32, #tpu.memory_space<hbm>>
        tpu.enqueue_dma source(%arg8 : memref<128x64xf32, #tpu.memory_space<vmem>>) target(%dma_start3A_168 : memref<128x64xf32, #tpu.memory_space<hbm>>) target_semaphore(%run_scoped3A_164 : memref<!tpu.dma_semaphore, #tpu.memory_space<semaphore_mem>>)
        %dma_wait3A = arith.constant 0 : i32
        %dma_wait3A_169 = tpu.memref_slice %arg5[%add3A_139, %dma_wait3A] : memref<10240x64xf32, #tpu.memory_space<hbm>> -> memref<128x64xf32, #tpu.memory_space<hbm>>
        %dma_wait3A_170 = arith.constant 0 : i32
        %dma_wait3A_171 = tpu.memref_slice %arg5[%add3A_139, %dma_wait3A_170] : memref<10240x64xf32, #tpu.memory_space<hbm>> -> memref<128x64xf32, #tpu.memory_space<hbm>>
        tpu.wait_dma2 semaphore(%run_scoped3A_164 : memref<!tpu.dma_semaphore, #tpu.memory_space<semaphore_mem>>) src(%arg8 : memref<128x64xf32, #tpu.memory_space<vmem>>) dst(%dma_wait3A_171 : memref<128x64xf32, #tpu.memory_space<hbm>>)
        tpu.yield
      }) : () -> ()
    } else {
    }
    %mul3A_150 = arith.constant 640 : i32
    %mul3A_151 = arith.muli %arg1, %mul3A_150 : i32
    %add3A_152 = arith.constant 512 : i32
    %add3A_153 = arith.addi %mul3A_151, %add3A_152 : i32
    "tpu.region"() ({
      %run_scoped3A_164 = tpu.sem_alloc : memref<!tpu.dma_semaphore, #tpu.memory_space<semaphore_mem>>
      %dma_start3A_165 = arith.constant 0 : i32
      %dma_start3A_166 = tpu.memref_slice %arg11[%add3A_153, %dma_start3A_165] : memref<10240x64xf32, #tpu.memory_space<vmem_shared>> -> memref<128x64xf32, #tpu.memory_space<vmem_shared>>
      %dma_start3A_167 = arith.constant 0 : i32
      %dma_start3A_168 = tpu.memref_slice %arg11[%add3A_153, %dma_start3A_167] : memref<10240x64xf32, #tpu.memory_space<vmem_shared>> -> memref<128x64xf32, #tpu.memory_space<vmem_shared>>
      tpu.enqueue_dma source(%dma_start3A_168 : memref<128x64xf32, #tpu.memory_space<vmem_shared>>) target(%arg8 : memref<128x64xf32, #tpu.memory_space<vmem>>) target_semaphore(%run_scoped3A_164 : memref<!tpu.dma_semaphore, #tpu.memory_space<semaphore_mem>>)
      %dma_wait3A = arith.constant 0 : i32
      %dma_wait3A_169 = tpu.memref_slice %arg11[%add3A_153, %dma_wait3A] : memref<10240x64xf32, #tpu.memory_space<vmem_shared>> -> memref<128x64xf32, #tpu.memory_space<vmem_shared>>
      %dma_wait3A_170 = arith.constant 0 : i32
      %dma_wait3A_171 = tpu.memref_slice %arg11[%add3A_153, %dma_wait3A_170] : memref<10240x64xf32, #tpu.memory_space<vmem_shared>> -> memref<128x64xf32, #tpu.memory_space<vmem_shared>>
      tpu.wait_dma2 semaphore(%run_scoped3A_164 : memref<!tpu.dma_semaphore, #tpu.memory_space<semaphore_mem>>) src(%dma_wait3A_171 : memref<128x64xf32, #tpu.memory_space<vmem_shared>>) dst(%arg8 : memref<128x64xf32, #tpu.memory_space<vmem>>)
      tpu.yield
    }) : () -> ()
    %eq3A_154 = arith.constant 0 : i32
    %eq3A_155 = arith.cmpi eq, %arg0, %eq3A_154 : i32
    %convert_element_type3A_156 = arith.extui %eq3A_155 : i1 to i32
    %cond3A_157 = arith.constant 0 : i32
    %cond3A_158 = arith.cmpi ne, %convert_element_type3A_156, %cond3A_157 : i32
    scf.if %cond3A_158 {
      "tpu.region"() ({
        %run_scoped3A_164 = tpu.sem_alloc : memref<!tpu.dma_semaphore, #tpu.memory_space<semaphore_mem>>
        %dma_start3A_165 = arith.constant 0 : i32
        %dma_start3A_166 = tpu.memref_slice %arg4[%add3A_153, %dma_start3A_165] : memref<10240x64xf32, #tpu.memory_space<hbm>> -> memref<128x64xf32, #tpu.memory_space<hbm>>
        %dma_start3A_167 = arith.constant 0 : i32
        %dma_start3A_168 = tpu.memref_slice %arg4[%add3A_153, %dma_start3A_167] : memref<10240x64xf32, #tpu.memory_space<hbm>> -> memref<128x64xf32, #tpu.memory_space<hbm>>
        tpu.enqueue_dma source(%arg8 : memref<128x64xf32, #tpu.memory_space<vmem>>) target(%dma_start3A_168 : memref<128x64xf32, #tpu.memory_space<hbm>>) target_semaphore(%run_scoped3A_164 : memref<!tpu.dma_semaphore, #tpu.memory_space<semaphore_mem>>)
        %dma_wait3A = arith.constant 0 : i32
        %dma_wait3A_169 = tpu.memref_slice %arg4[%add3A_153, %dma_wait3A] : memref<10240x64xf32, #tpu.memory_space<hbm>> -> memref<128x64xf32, #tpu.memory_space<hbm>>
        %dma_wait3A_170 = arith.constant 0 : i32
        %dma_wait3A_171 = tpu.memref_slice %arg4[%add3A_153, %dma_wait3A_170] : memref<10240x64xf32, #tpu.memory_space<hbm>> -> memref<128x64xf32, #tpu.memory_space<hbm>>
        tpu.wait_dma2 semaphore(%run_scoped3A_164 : memref<!tpu.dma_semaphore, #tpu.memory_space<semaphore_mem>>) src(%arg8 : memref<128x64xf32, #tpu.memory_space<vmem>>) dst(%dma_wait3A_171 : memref<128x64xf32, #tpu.memory_space<hbm>>)
        tpu.yield
      }) : () -> ()
    } else {
    }
    %eq3A_159 = arith.constant 1 : i32
    %eq3A_160 = arith.cmpi eq, %arg0, %eq3A_159 : i32
    %convert_element_type3A_161 = arith.extui %eq3A_160 : i1 to i32
    %cond3A_162 = arith.constant 0 : i32
    %cond3A_163 = arith.cmpi ne, %convert_element_type3A_161, %cond3A_162 : i32
    scf.if %cond3A_163 {
      "tpu.region"() ({
        %run_scoped3A_164 = tpu.sem_alloc : memref<!tpu.dma_semaphore, #tpu.memory_space<semaphore_mem>>
        %dma_start3A_165 = arith.constant 0 : i32
        %dma_start3A_166 = tpu.memref_slice %arg5[%add3A_153, %dma_start3A_165] : memref<10240x64xf32, #tpu.memory_space<hbm>> -> memref<128x64xf32, #tpu.memory_space<hbm>>
        %dma_start3A_167 = arith.constant 0 : i32
        %dma_start3A_168 = tpu.memref_slice %arg5[%add3A_153, %dma_start3A_167] : memref<10240x64xf32, #tpu.memory_space<hbm>> -> memref<128x64xf32, #tpu.memory_space<hbm>>
        tpu.enqueue_dma source(%arg8 : memref<128x64xf32, #tpu.memory_space<vmem>>) target(%dma_start3A_168 : memref<128x64xf32, #tpu.memory_space<hbm>>) target_semaphore(%run_scoped3A_164 : memref<!tpu.dma_semaphore, #tpu.memory_space<semaphore_mem>>)
        %dma_wait3A = arith.constant 0 : i32
        %dma_wait3A_169 = tpu.memref_slice %arg5[%add3A_153, %dma_wait3A] : memref<10240x64xf32, #tpu.memory_space<hbm>> -> memref<128x64xf32, #tpu.memory_space<hbm>>
        %dma_wait3A_170 = arith.constant 0 : i32
        %dma_wait3A_171 = tpu.memref_slice %arg5[%add3A_153, %dma_wait3A_170] : memref<10240x64xf32, #tpu.memory_space<hbm>> -> memref<128x64xf32, #tpu.memory_space<hbm>>
        tpu.wait_dma2 semaphore(%run_scoped3A_164 : memref<!tpu.dma_semaphore, #tpu.memory_space<semaphore_mem>>) src(%arg8 : memref<128x64xf32, #tpu.memory_space<vmem>>) dst(%dma_wait3A_171 : memref<128x64xf32, #tpu.memory_space<hbm>>)
        tpu.yield
      }) : () -> ()
    } else {
    }
    return
  }
}

#map = affine_map<(d0, d1) -> (0, 0)>
#map1 = affine_map<(d0, d1) -> (0, 0, 0)>
module attributes {stable_mosaic.version = 14 : i64} {
  func.func @prop(%arg0: i32, %arg1: i32, %arg2: memref<10240x48xf32, #tpu.memory_space<hbm>>, %arg3: memref<2x2500x128xi32, #tpu.memory_space<hbm>>, %arg4: memref<10240x24xf32, #tpu.memory_space<hbm>>, %arg5: memref<10240x24xf32, #tpu.memory_space<hbm>>, %arg6: memref<156x128xi32, #tpu.memory_space<vmem>>, %arg7: memref<156x128xi32, #tpu.memory_space<vmem>>, %arg8: memref<128x24xf32, #tpu.memory_space<vmem>>, %arg9: memref<128x24xf32, #tpu.memory_space<vmem>>, %arg10: memref<10240x24xf32, #tpu.memory_space<vmem_shared>>, %arg11: memref<10240x24xf32, #tpu.memory_space<vmem_shared>>, %arg12: memref<!tpu.dma_semaphore, #tpu.memory_space<semaphore_mem>>, %arg13: memref<!tpu.dma_semaphore, #tpu.memory_space<semaphore_mem>>) attributes {dimension_semantics = [#tpu.dimension_semantics<core_parallel>, #tpu.dimension_semantics<subcore_parallel>], iteration_bounds = array<i64: 2, 16>, scalar_prefetch = 0 : i64, scratch_operands = 8 : i64, tpu.core_type = #tpu.core_type<sc_vector_subcore>, window_params = [{transform_indices = #map}, {transform_indices = #map1}, {transform_indices = #map}, {transform_indices = #map}]} {
    %mul3A = arith.constant 16 : i32
    %mul3A_0 = arith.muli %arg0, %mul3A : i32
    %add3A = arith.addi %mul3A_0, %arg1 : i32
    %scan3A = arith.constant 0 : i32
    %scan3A_1 = arith.constant 0 : i32
    %scan3A_2 = arith.constant 128 : i32
    %scan3A_3 = arith.addi %scan3A_1, %scan3A_2 : i32
    %scan3A_4 = arith.constant 1 : i32
    scf.for %scan3A_145 = %scan3A_1 to %scan3A_3 step %scan3A_4  : i32 {
      %broadcast_in_dim3A = arith.constant 0.000000e+00 : f32
      %broadcast_in_dim3A_146 = vector.broadcast %broadcast_in_dim3A : f32 to vector<16xf32>
      %swap3A = arith.index_cast %scan3A_145 : i32 to index
      %swap3A_147 = arith.constant 0 : index
      %swap3A_148 = tpu.vector_load %arg8[%swap3A, %swap3A_147] {strides = array<i32>} : memref<128x24xf32, #tpu.memory_space<vmem>>, vector<1x16xf32>,
      %swap3A_149 = vector.shape_cast %swap3A_148 : vector<1x16xf32> to vector<16xf32>
      %swap3A_150 = vector.shape_cast %broadcast_in_dim3A_146 : vector<16xf32> to vector<1x16xf32>
      tpu.vector_store %arg8[%swap3A, %swap3A_147], %swap3A_150 {strides = array<i32>} : memref<128x24xf32, #tpu.memory_space<vmem>>, vector<1x16xf32>,
      %broadcast_in_dim3A_151 = arith.constant 0.000000e+00 : f32
      %broadcast_in_dim3A_152 = vector.broadcast %broadcast_in_dim3A_151 : f32 to vector<16xf32>
      %swap3A_153 = arith.index_cast %scan3A_145 : i32 to index
      %swap3A_154 = arith.constant 8 : index
      %swap3A_155 = tpu.vector_load %arg8[%swap3A_153, %swap3A_154] {strides = array<i32>} : memref<128x24xf32, #tpu.memory_space<vmem>>, vector<1x16xf32>,
      %swap3A_156 = vector.shape_cast %swap3A_155 : vector<1x16xf32> to vector<16xf32>
      %swap3A_157 = vector.shape_cast %broadcast_in_dim3A_152 : vector<16xf32> to vector<1x16xf32>
      tpu.vector_store %arg8[%swap3A_153, %swap3A_154], %swap3A_157 {strides = array<i32>} : memref<128x24xf32, #tpu.memory_space<vmem>>, vector<1x16xf32>,
    }
    %scan3A_5 = arith.constant 128 : i32
    %mul3A_6 = arith.constant 640 : i32
    %mul3A_7 = arith.muli %arg1, %mul3A_6 : i32
    %add3A_8 = arith.constant 0 : i32
    %add3A_9 = arith.addi %mul3A_7, %add3A_8 : i32
    "tpu.region"() ({
      %run_scoped3A_145 = tpu.sem_alloc : memref<!tpu.dma_semaphore, #tpu.memory_space<semaphore_mem>>
      %dma_start3A_146 = arith.constant 0 : i32
      %dma_start3A_147 = tpu.memref_slice %arg11[%add3A_9, %dma_start3A_146] : memref<10240x24xf32, #tpu.memory_space<vmem_shared>> -> memref<128x24xf32, #tpu.memory_space<vmem_shared>>
      %dma_start3A_148 = arith.constant 0 : i32
      %dma_start3A_149 = tpu.memref_slice %arg11[%add3A_9, %dma_start3A_148] : memref<10240x24xf32, #tpu.memory_space<vmem_shared>> -> memref<128x24xf32, #tpu.memory_space<vmem_shared>>
      tpu.enqueue_dma source(%arg8 : memref<128x24xf32, #tpu.memory_space<vmem>>) target(%dma_start3A_149 : memref<128x24xf32, #tpu.memory_space<vmem_shared>>) target_semaphore(%run_scoped3A_145 : memref<!tpu.dma_semaphore, #tpu.memory_space<semaphore_mem>>)
      %dma_wait3A = arith.constant 0 : i32
      %dma_wait3A_150 = tpu.memref_slice %arg11[%add3A_9, %dma_wait3A] : memref<10240x24xf32, #tpu.memory_space<vmem_shared>> -> memref<128x24xf32, #tpu.memory_space<vmem_shared>>
      %dma_wait3A_151 = arith.constant 0 : i32
      %dma_wait3A_152 = tpu.memref_slice %arg11[%add3A_9, %dma_wait3A_151] : memref<10240x24xf32, #tpu.memory_space<vmem_shared>> -> memref<128x24xf32, #tpu.memory_space<vmem_shared>>
      tpu.wait_dma2 semaphore(%run_scoped3A_145 : memref<!tpu.dma_semaphore, #tpu.memory_space<semaphore_mem>>) src(%arg8 : memref<128x24xf32, #tpu.memory_space<vmem>>) dst(%dma_wait3A_152 : memref<128x24xf32, #tpu.memory_space<vmem_shared>>)
      tpu.yield
    }) : () -> ()
    %mul3A_10 = arith.constant 640 : i32
    %mul3A_11 = arith.muli %arg1, %mul3A_10 : i32
    %add3A_12 = arith.constant 128 : i32
    %add3A_13 = arith.addi %mul3A_11, %add3A_12 : i32
    "tpu.region"() ({
      %run_scoped3A_145 = tpu.sem_alloc : memref<!tpu.dma_semaphore, #tpu.memory_space<semaphore_mem>>
      %dma_start3A_146 = arith.constant 0 : i32
      %dma_start3A_147 = tpu.memref_slice %arg11[%add3A_13, %dma_start3A_146] : memref<10240x24xf32, #tpu.memory_space<vmem_shared>> -> memref<128x24xf32, #tpu.memory_space<vmem_shared>>
      %dma_start3A_148 = arith.constant 0 : i32
      %dma_start3A_149 = tpu.memref_slice %arg11[%add3A_13, %dma_start3A_148] : memref<10240x24xf32, #tpu.memory_space<vmem_shared>> -> memref<128x24xf32, #tpu.memory_space<vmem_shared>>
      tpu.enqueue_dma source(%arg8 : memref<128x24xf32, #tpu.memory_space<vmem>>) target(%dma_start3A_149 : memref<128x24xf32, #tpu.memory_space<vmem_shared>>) target_semaphore(%run_scoped3A_145 : memref<!tpu.dma_semaphore, #tpu.memory_space<semaphore_mem>>)
      %dma_wait3A = arith.constant 0 : i32
      %dma_wait3A_150 = tpu.memref_slice %arg11[%add3A_13, %dma_wait3A] : memref<10240x24xf32, #tpu.memory_space<vmem_shared>> -> memref<128x24xf32, #tpu.memory_space<vmem_shared>>
      %dma_wait3A_151 = arith.constant 0 : i32
      %dma_wait3A_152 = tpu.memref_slice %arg11[%add3A_13, %dma_wait3A_151] : memref<10240x24xf32, #tpu.memory_space<vmem_shared>> -> memref<128x24xf32, #tpu.memory_space<vmem_shared>>
      tpu.wait_dma2 semaphore(%run_scoped3A_145 : memref<!tpu.dma_semaphore, #tpu.memory_space<semaphore_mem>>) src(%arg8 : memref<128x24xf32, #tpu.memory_space<vmem>>) dst(%dma_wait3A_152 : memref<128x24xf32, #tpu.memory_space<vmem_shared>>)
      tpu.yield
    }) : () -> ()
    %mul3A_14 = arith.constant 640 : i32
    %mul3A_15 = arith.muli %arg1, %mul3A_14 : i32
    %add3A_16 = arith.constant 256 : i32
    %add3A_17 = arith.addi %mul3A_15, %add3A_16 : i32
    "tpu.region"() ({
      %run_scoped3A_145 = tpu.sem_alloc : memref<!tpu.dma_semaphore, #tpu.memory_space<semaphore_mem>>
      %dma_start3A_146 = arith.constant 0 : i32
      %dma_start3A_147 = tpu.memref_slice %arg11[%add3A_17, %dma_start3A_146] : memref<10240x24xf32, #tpu.memory_space<vmem_shared>> -> memref<128x24xf32, #tpu.memory_space<vmem_shared>>
      %dma_start3A_148 = arith.constant 0 : i32
      %dma_start3A_149 = tpu.memref_slice %arg11[%add3A_17, %dma_start3A_148] : memref<10240x24xf32, #tpu.memory_space<vmem_shared>> -> memref<128x24xf32, #tpu.memory_space<vmem_shared>>
      tpu.enqueue_dma source(%arg8 : memref<128x24xf32, #tpu.memory_space<vmem>>) target(%dma_start3A_149 : memref<128x24xf32, #tpu.memory_space<vmem_shared>>) target_semaphore(%run_scoped3A_145 : memref<!tpu.dma_semaphore, #tpu.memory_space<semaphore_mem>>)
      %dma_wait3A = arith.constant 0 : i32
      %dma_wait3A_150 = tpu.memref_slice %arg11[%add3A_17, %dma_wait3A] : memref<10240x24xf32, #tpu.memory_space<vmem_shared>> -> memref<128x24xf32, #tpu.memory_space<vmem_shared>>
      %dma_wait3A_151 = arith.constant 0 : i32
      %dma_wait3A_152 = tpu.memref_slice %arg11[%add3A_17, %dma_wait3A_151] : memref<10240x24xf32, #tpu.memory_space<vmem_shared>> -> memref<128x24xf32, #tpu.memory_space<vmem_shared>>
      tpu.wait_dma2 semaphore(%run_scoped3A_145 : memref<!tpu.dma_semaphore, #tpu.memory_space<semaphore_mem>>) src(%arg8 : memref<128x24xf32, #tpu.memory_space<vmem>>) dst(%dma_wait3A_152 : memref<128x24xf32, #tpu.memory_space<vmem_shared>>)
      tpu.yield
    }) : () -> ()
    %mul3A_18 = arith.constant 640 : i32
    %mul3A_19 = arith.muli %arg1, %mul3A_18 : i32
    %add3A_20 = arith.constant 384 : i32
    %add3A_21 = arith.addi %mul3A_19, %add3A_20 : i32
    "tpu.region"() ({
      %run_scoped3A_145 = tpu.sem_alloc : memref<!tpu.dma_semaphore, #tpu.memory_space<semaphore_mem>>
      %dma_start3A_146 = arith.constant 0 : i32
      %dma_start3A_147 = tpu.memref_slice %arg11[%add3A_21, %dma_start3A_146] : memref<10240x24xf32, #tpu.memory_space<vmem_shared>> -> memref<128x24xf32, #tpu.memory_space<vmem_shared>>
      %dma_start3A_148 = arith.constant 0 : i32
      %dma_start3A_149 = tpu.memref_slice %arg11[%add3A_21, %dma_start3A_148] : memref<10240x24xf32, #tpu.memory_space<vmem_shared>> -> memref<128x24xf32, #tpu.memory_space<vmem_shared>>
      tpu.enqueue_dma source(%arg8 : memref<128x24xf32, #tpu.memory_space<vmem>>) target(%dma_start3A_149 : memref<128x24xf32, #tpu.memory_space<vmem_shared>>) target_semaphore(%run_scoped3A_145 : memref<!tpu.dma_semaphore, #tpu.memory_space<semaphore_mem>>)
      %dma_wait3A = arith.constant 0 : i32
      %dma_wait3A_150 = tpu.memref_slice %arg11[%add3A_21, %dma_wait3A] : memref<10240x24xf32, #tpu.memory_space<vmem_shared>> -> memref<128x24xf32, #tpu.memory_space<vmem_shared>>
      %dma_wait3A_151 = arith.constant 0 : i32
      %dma_wait3A_152 = tpu.memref_slice %arg11[%add3A_21, %dma_wait3A_151] : memref<10240x24xf32, #tpu.memory_space<vmem_shared>> -> memref<128x24xf32, #tpu.memory_space<vmem_shared>>
      tpu.wait_dma2 semaphore(%run_scoped3A_145 : memref<!tpu.dma_semaphore, #tpu.memory_space<semaphore_mem>>) src(%arg8 : memref<128x24xf32, #tpu.memory_space<vmem>>) dst(%dma_wait3A_152 : memref<128x24xf32, #tpu.memory_space<vmem_shared>>)
      tpu.yield
    }) : () -> ()
    %mul3A_22 = arith.constant 640 : i32
    %mul3A_23 = arith.muli %arg1, %mul3A_22 : i32
    %add3A_24 = arith.constant 512 : i32
    %add3A_25 = arith.addi %mul3A_23, %add3A_24 : i32
    "tpu.region"() ({
      %run_scoped3A_145 = tpu.sem_alloc : memref<!tpu.dma_semaphore, #tpu.memory_space<semaphore_mem>>
      %dma_start3A_146 = arith.constant 0 : i32
      %dma_start3A_147 = tpu.memref_slice %arg11[%add3A_25, %dma_start3A_146] : memref<10240x24xf32, #tpu.memory_space<vmem_shared>> -> memref<128x24xf32, #tpu.memory_space<vmem_shared>>
      %dma_start3A_148 = arith.constant 0 : i32
      %dma_start3A_149 = tpu.memref_slice %arg11[%add3A_25, %dma_start3A_148] : memref<10240x24xf32, #tpu.memory_space<vmem_shared>> -> memref<128x24xf32, #tpu.memory_space<vmem_shared>>
      tpu.enqueue_dma source(%arg8 : memref<128x24xf32, #tpu.memory_space<vmem>>) target(%dma_start3A_149 : memref<128x24xf32, #tpu.memory_space<vmem_shared>>) target_semaphore(%run_scoped3A_145 : memref<!tpu.dma_semaphore, #tpu.memory_space<semaphore_mem>>)
      %dma_wait3A = arith.constant 0 : i32
      %dma_wait3A_150 = tpu.memref_slice %arg11[%add3A_25, %dma_wait3A] : memref<10240x24xf32, #tpu.memory_space<vmem_shared>> -> memref<128x24xf32, #tpu.memory_space<vmem_shared>>
      %dma_wait3A_151 = arith.constant 0 : i32
      %dma_wait3A_152 = tpu.memref_slice %arg11[%add3A_25, %dma_wait3A_151] : memref<10240x24xf32, #tpu.memory_space<vmem_shared>> -> memref<128x24xf32, #tpu.memory_space<vmem_shared>>
      tpu.wait_dma2 semaphore(%run_scoped3A_145 : memref<!tpu.dma_semaphore, #tpu.memory_space<semaphore_mem>>) src(%arg8 : memref<128x24xf32, #tpu.memory_space<vmem>>) dst(%dma_wait3A_152 : memref<128x24xf32, #tpu.memory_space<vmem_shared>>)
      tpu.yield
    }) : () -> ()
    %mul3A_26 = arith.constant 640 : i32
    %mul3A_27 = arith.muli %arg1, %mul3A_26 : i32
    %add3A_28 = arith.constant 0 : i32
    %add3A_29 = arith.addi %mul3A_27, %add3A_28 : i32
    %mul3A_30 = arith.constant 24 : i32
    %mul3A_31 = arith.muli %arg0, %mul3A_30 : i32
    "tpu.region"() ({
      %run_scoped3A_145 = tpu.sem_alloc : memref<!tpu.dma_semaphore, #tpu.memory_space<semaphore_mem>>
      %dma_start3A_146 = tpu.memref_slice %arg2[%add3A_29, %mul3A_31] : memref<10240x48xf32, #tpu.memory_space<hbm>> -> memref<128x24xf32, #tpu.memory_space<hbm>>
      %dma_start3A_147 = tpu.memref_slice %arg2[%add3A_29, %mul3A_31] : memref<10240x48xf32, #tpu.memory_space<hbm>> -> memref<128x24xf32, #tpu.memory_space<hbm>>
      tpu.enqueue_dma source(%dma_start3A_147 : memref<128x24xf32, #tpu.memory_space<hbm>>) target(%arg9 : memref<128x24xf32, #tpu.memory_space<vmem>>) target_semaphore(%run_scoped3A_145 : memref<!tpu.dma_semaphore, #tpu.memory_space<semaphore_mem>>)
      %dma_wait3A = tpu.memref_slice %arg2[%add3A_29, %mul3A_31] : memref<10240x48xf32, #tpu.memory_space<hbm>> -> memref<128x24xf32, #tpu.memory_space<hbm>>
      %dma_wait3A_148 = tpu.memref_slice %arg2[%add3A_29, %mul3A_31] : memref<10240x48xf32, #tpu.memory_space<hbm>> -> memref<128x24xf32, #tpu.memory_space<hbm>>
      tpu.wait_dma2 semaphore(%run_scoped3A_145 : memref<!tpu.dma_semaphore, #tpu.memory_space<semaphore_mem>>) src(%dma_wait3A_148 : memref<128x24xf32, #tpu.memory_space<hbm>>) dst(%arg9 : memref<128x24xf32, #tpu.memory_space<vmem>>)
      tpu.yield
    }) : () -> ()
    "tpu.region"() ({
      %run_scoped3A_145 = tpu.sem_alloc : memref<!tpu.dma_semaphore, #tpu.memory_space<semaphore_mem>>
      %dma_start3A_146 = arith.constant 0 : i32
      %dma_start3A_147 = tpu.memref_slice %arg10[%add3A_29, %dma_start3A_146] : memref<10240x24xf32, #tpu.memory_space<vmem_shared>> -> memref<128x24xf32, #tpu.memory_space<vmem_shared>>
      %dma_start3A_148 = arith.constant 0 : i32
      %dma_start3A_149 = tpu.memref_slice %arg10[%add3A_29, %dma_start3A_148] : memref<10240x24xf32, #tpu.memory_space<vmem_shared>> -> memref<128x24xf32, #tpu.memory_space<vmem_shared>>
      tpu.enqueue_dma source(%arg9 : memref<128x24xf32, #tpu.memory_space<vmem>>) target(%dma_start3A_149 : memref<128x24xf32, #tpu.memory_space<vmem_shared>>) target_semaphore(%run_scoped3A_145 : memref<!tpu.dma_semaphore, #tpu.memory_space<semaphore_mem>>)
      %dma_wait3A = arith.constant 0 : i32
      %dma_wait3A_150 = tpu.memref_slice %arg10[%add3A_29, %dma_wait3A] : memref<10240x24xf32, #tpu.memory_space<vmem_shared>> -> memref<128x24xf32, #tpu.memory_space<vmem_shared>>
      %dma_wait3A_151 = arith.constant 0 : i32
      %dma_wait3A_152 = tpu.memref_slice %arg10[%add3A_29, %dma_wait3A_151] : memref<10240x24xf32, #tpu.memory_space<vmem_shared>> -> memref<128x24xf32, #tpu.memory_space<vmem_shared>>
      tpu.wait_dma2 semaphore(%run_scoped3A_145 : memref<!tpu.dma_semaphore, #tpu.memory_space<semaphore_mem>>) src(%arg9 : memref<128x24xf32, #tpu.memory_space<vmem>>) dst(%dma_wait3A_152 : memref<128x24xf32, #tpu.memory_space<vmem_shared>>)
      tpu.yield
    }) : () -> ()
    %mul3A_32 = arith.constant 640 : i32
    %mul3A_33 = arith.muli %arg1, %mul3A_32 : i32
    %add3A_34 = arith.constant 128 : i32
    %add3A_35 = arith.addi %mul3A_33, %add3A_34 : i32
    %mul3A_36 = arith.constant 24 : i32
    %mul3A_37 = arith.muli %arg0, %mul3A_36 : i32
    "tpu.region"() ({
      %run_scoped3A_145 = tpu.sem_alloc : memref<!tpu.dma_semaphore, #tpu.memory_space<semaphore_mem>>
      %dma_start3A_146 = tpu.memref_slice %arg2[%add3A_35, %mul3A_37] : memref<10240x48xf32, #tpu.memory_space<hbm>> -> memref<128x24xf32, #tpu.memory_space<hbm>>
      %dma_start3A_147 = tpu.memref_slice %arg2[%add3A_35, %mul3A_37] : memref<10240x48xf32, #tpu.memory_space<hbm>> -> memref<128x24xf32, #tpu.memory_space<hbm>>
      tpu.enqueue_dma source(%dma_start3A_147 : memref<128x24xf32, #tpu.memory_space<hbm>>) target(%arg9 : memref<128x24xf32, #tpu.memory_space<vmem>>) target_semaphore(%run_scoped3A_145 : memref<!tpu.dma_semaphore, #tpu.memory_space<semaphore_mem>>)
      %dma_wait3A = tpu.memref_slice %arg2[%add3A_35, %mul3A_37] : memref<10240x48xf32, #tpu.memory_space<hbm>> -> memref<128x24xf32, #tpu.memory_space<hbm>>
      %dma_wait3A_148 = tpu.memref_slice %arg2[%add3A_35, %mul3A_37] : memref<10240x48xf32, #tpu.memory_space<hbm>> -> memref<128x24xf32, #tpu.memory_space<hbm>>
      tpu.wait_dma2 semaphore(%run_scoped3A_145 : memref<!tpu.dma_semaphore, #tpu.memory_space<semaphore_mem>>) src(%dma_wait3A_148 : memref<128x24xf32, #tpu.memory_space<hbm>>) dst(%arg9 : memref<128x24xf32, #tpu.memory_space<vmem>>)
      tpu.yield
    }) : () -> ()
    "tpu.region"() ({
      %run_scoped3A_145 = tpu.sem_alloc : memref<!tpu.dma_semaphore, #tpu.memory_space<semaphore_mem>>
      %dma_start3A_146 = arith.constant 0 : i32
      %dma_start3A_147 = tpu.memref_slice %arg10[%add3A_35, %dma_start3A_146] : memref<10240x24xf32, #tpu.memory_space<vmem_shared>> -> memref<128x24xf32, #tpu.memory_space<vmem_shared>>
      %dma_start3A_148 = arith.constant 0 : i32
      %dma_start3A_149 = tpu.memref_slice %arg10[%add3A_35, %dma_start3A_148] : memref<10240x24xf32, #tpu.memory_space<vmem_shared>> -> memref<128x24xf32, #tpu.memory_space<vmem_shared>>
      tpu.enqueue_dma source(%arg9 : memref<128x24xf32, #tpu.memory_space<vmem>>) target(%dma_start3A_149 : memref<128x24xf32, #tpu.memory_space<vmem_shared>>) target_semaphore(%run_scoped3A_145 : memref<!tpu.dma_semaphore, #tpu.memory_space<semaphore_mem>>)
      %dma_wait3A = arith.constant 0 : i32
      %dma_wait3A_150 = tpu.memref_slice %arg10[%add3A_35, %dma_wait3A] : memref<10240x24xf32, #tpu.memory_space<vmem_shared>> -> memref<128x24xf32, #tpu.memory_space<vmem_shared>>
      %dma_wait3A_151 = arith.constant 0 : i32
      %dma_wait3A_152 = tpu.memref_slice %arg10[%add3A_35, %dma_wait3A_151] : memref<10240x24xf32, #tpu.memory_space<vmem_shared>> -> memref<128x24xf32, #tpu.memory_space<vmem_shared>>
      tpu.wait_dma2 semaphore(%run_scoped3A_145 : memref<!tpu.dma_semaphore, #tpu.memory_space<semaphore_mem>>) src(%arg9 : memref<128x24xf32, #tpu.memory_space<vmem>>) dst(%dma_wait3A_152 : memref<128x24xf32, #tpu.memory_space<vmem_shared>>)
      tpu.yield
    }) : () -> ()
    %mul3A_38 = arith.constant 640 : i32
    %mul3A_39 = arith.muli %arg1, %mul3A_38 : i32
    %add3A_40 = arith.constant 256 : i32
    %add3A_41 = arith.addi %mul3A_39, %add3A_40 : i32
    %mul3A_42 = arith.constant 24 : i32
    %mul3A_43 = arith.muli %arg0, %mul3A_42 : i32
    "tpu.region"() ({
      %run_scoped3A_145 = tpu.sem_alloc : memref<!tpu.dma_semaphore, #tpu.memory_space<semaphore_mem>>
      %dma_start3A_146 = tpu.memref_slice %arg2[%add3A_41, %mul3A_43] : memref<10240x48xf32, #tpu.memory_space<hbm>> -> memref<128x24xf32, #tpu.memory_space<hbm>>
      %dma_start3A_147 = tpu.memref_slice %arg2[%add3A_41, %mul3A_43] : memref<10240x48xf32, #tpu.memory_space<hbm>> -> memref<128x24xf32, #tpu.memory_space<hbm>>
      tpu.enqueue_dma source(%dma_start3A_147 : memref<128x24xf32, #tpu.memory_space<hbm>>) target(%arg9 : memref<128x24xf32, #tpu.memory_space<vmem>>) target_semaphore(%run_scoped3A_145 : memref<!tpu.dma_semaphore, #tpu.memory_space<semaphore_mem>>)
      %dma_wait3A = tpu.memref_slice %arg2[%add3A_41, %mul3A_43] : memref<10240x48xf32, #tpu.memory_space<hbm>> -> memref<128x24xf32, #tpu.memory_space<hbm>>
      %dma_wait3A_148 = tpu.memref_slice %arg2[%add3A_41, %mul3A_43] : memref<10240x48xf32, #tpu.memory_space<hbm>> -> memref<128x24xf32, #tpu.memory_space<hbm>>
      tpu.wait_dma2 semaphore(%run_scoped3A_145 : memref<!tpu.dma_semaphore, #tpu.memory_space<semaphore_mem>>) src(%dma_wait3A_148 : memref<128x24xf32, #tpu.memory_space<hbm>>) dst(%arg9 : memref<128x24xf32, #tpu.memory_space<vmem>>)
      tpu.yield
    }) : () -> ()
    "tpu.region"() ({
      %run_scoped3A_145 = tpu.sem_alloc : memref<!tpu.dma_semaphore, #tpu.memory_space<semaphore_mem>>
      %dma_start3A_146 = arith.constant 0 : i32
      %dma_start3A_147 = tpu.memref_slice %arg10[%add3A_41, %dma_start3A_146] : memref<10240x24xf32, #tpu.memory_space<vmem_shared>> -> memref<128x24xf32, #tpu.memory_space<vmem_shared>>
      %dma_start3A_148 = arith.constant 0 : i32
      %dma_start3A_149 = tpu.memref_slice %arg10[%add3A_41, %dma_start3A_148] : memref<10240x24xf32, #tpu.memory_space<vmem_shared>> -> memref<128x24xf32, #tpu.memory_space<vmem_shared>>
      tpu.enqueue_dma source(%arg9 : memref<128x24xf32, #tpu.memory_space<vmem>>) target(%dma_start3A_149 : memref<128x24xf32, #tpu.memory_space<vmem_shared>>) target_semaphore(%run_scoped3A_145 : memref<!tpu.dma_semaphore, #tpu.memory_space<semaphore_mem>>)
      %dma_wait3A = arith.constant 0 : i32
      %dma_wait3A_150 = tpu.memref_slice %arg10[%add3A_41, %dma_wait3A] : memref<10240x24xf32, #tpu.memory_space<vmem_shared>> -> memref<128x24xf32, #tpu.memory_space<vmem_shared>>
      %dma_wait3A_151 = arith.constant 0 : i32
      %dma_wait3A_152 = tpu.memref_slice %arg10[%add3A_41, %dma_wait3A_151] : memref<10240x24xf32, #tpu.memory_space<vmem_shared>> -> memref<128x24xf32, #tpu.memory_space<vmem_shared>>
      tpu.wait_dma2 semaphore(%run_scoped3A_145 : memref<!tpu.dma_semaphore, #tpu.memory_space<semaphore_mem>>) src(%arg9 : memref<128x24xf32, #tpu.memory_space<vmem>>) dst(%dma_wait3A_152 : memref<128x24xf32, #tpu.memory_space<vmem_shared>>)
      tpu.yield
    }) : () -> ()
    %mul3A_44 = arith.constant 640 : i32
    %mul3A_45 = arith.muli %arg1, %mul3A_44 : i32
    %add3A_46 = arith.constant 384 : i32
    %add3A_47 = arith.addi %mul3A_45, %add3A_46 : i32
    %mul3A_48 = arith.constant 24 : i32
    %mul3A_49 = arith.muli %arg0, %mul3A_48 : i32
    "tpu.region"() ({
      %run_scoped3A_145 = tpu.sem_alloc : memref<!tpu.dma_semaphore, #tpu.memory_space<semaphore_mem>>
      %dma_start3A_146 = tpu.memref_slice %arg2[%add3A_47, %mul3A_49] : memref<10240x48xf32, #tpu.memory_space<hbm>> -> memref<128x24xf32, #tpu.memory_space<hbm>>
      %dma_start3A_147 = tpu.memref_slice %arg2[%add3A_47, %mul3A_49] : memref<10240x48xf32, #tpu.memory_space<hbm>> -> memref<128x24xf32, #tpu.memory_space<hbm>>
      tpu.enqueue_dma source(%dma_start3A_147 : memref<128x24xf32, #tpu.memory_space<hbm>>) target(%arg9 : memref<128x24xf32, #tpu.memory_space<vmem>>) target_semaphore(%run_scoped3A_145 : memref<!tpu.dma_semaphore, #tpu.memory_space<semaphore_mem>>)
      %dma_wait3A = tpu.memref_slice %arg2[%add3A_47, %mul3A_49] : memref<10240x48xf32, #tpu.memory_space<hbm>> -> memref<128x24xf32, #tpu.memory_space<hbm>>
      %dma_wait3A_148 = tpu.memref_slice %arg2[%add3A_47, %mul3A_49] : memref<10240x48xf32, #tpu.memory_space<hbm>> -> memref<128x24xf32, #tpu.memory_space<hbm>>
      tpu.wait_dma2 semaphore(%run_scoped3A_145 : memref<!tpu.dma_semaphore, #tpu.memory_space<semaphore_mem>>) src(%dma_wait3A_148 : memref<128x24xf32, #tpu.memory_space<hbm>>) dst(%arg9 : memref<128x24xf32, #tpu.memory_space<vmem>>)
      tpu.yield
    }) : () -> ()
    "tpu.region"() ({
      %run_scoped3A_145 = tpu.sem_alloc : memref<!tpu.dma_semaphore, #tpu.memory_space<semaphore_mem>>
      %dma_start3A_146 = arith.constant 0 : i32
      %dma_start3A_147 = tpu.memref_slice %arg10[%add3A_47, %dma_start3A_146] : memref<10240x24xf32, #tpu.memory_space<vmem_shared>> -> memref<128x24xf32, #tpu.memory_space<vmem_shared>>
      %dma_start3A_148 = arith.constant 0 : i32
      %dma_start3A_149 = tpu.memref_slice %arg10[%add3A_47, %dma_start3A_148] : memref<10240x24xf32, #tpu.memory_space<vmem_shared>> -> memref<128x24xf32, #tpu.memory_space<vmem_shared>>
      tpu.enqueue_dma source(%arg9 : memref<128x24xf32, #tpu.memory_space<vmem>>) target(%dma_start3A_149 : memref<128x24xf32, #tpu.memory_space<vmem_shared>>) target_semaphore(%run_scoped3A_145 : memref<!tpu.dma_semaphore, #tpu.memory_space<semaphore_mem>>)
      %dma_wait3A = arith.constant 0 : i32
      %dma_wait3A_150 = tpu.memref_slice %arg10[%add3A_47, %dma_wait3A] : memref<10240x24xf32, #tpu.memory_space<vmem_shared>> -> memref<128x24xf32, #tpu.memory_space<vmem_shared>>
      %dma_wait3A_151 = arith.constant 0 : i32
      %dma_wait3A_152 = tpu.memref_slice %arg10[%add3A_47, %dma_wait3A_151] : memref<10240x24xf32, #tpu.memory_space<vmem_shared>> -> memref<128x24xf32, #tpu.memory_space<vmem_shared>>
      tpu.wait_dma2 semaphore(%run_scoped3A_145 : memref<!tpu.dma_semaphore, #tpu.memory_space<semaphore_mem>>) src(%arg9 : memref<128x24xf32, #tpu.memory_space<vmem>>) dst(%dma_wait3A_152 : memref<128x24xf32, #tpu.memory_space<vmem_shared>>)
      tpu.yield
    }) : () -> ()
    %mul3A_50 = arith.constant 640 : i32
    %mul3A_51 = arith.muli %arg1, %mul3A_50 : i32
    %add3A_52 = arith.constant 512 : i32
    %add3A_53 = arith.addi %mul3A_51, %add3A_52 : i32
    %mul3A_54 = arith.constant 24 : i32
    %mul3A_55 = arith.muli %arg0, %mul3A_54 : i32
    "tpu.region"() ({
      %run_scoped3A_145 = tpu.sem_alloc : memref<!tpu.dma_semaphore, #tpu.memory_space<semaphore_mem>>
      %dma_start3A_146 = tpu.memref_slice %arg2[%add3A_53, %mul3A_55] : memref<10240x48xf32, #tpu.memory_space<hbm>> -> memref<128x24xf32, #tpu.memory_space<hbm>>
      %dma_start3A_147 = tpu.memref_slice %arg2[%add3A_53, %mul3A_55] : memref<10240x48xf32, #tpu.memory_space<hbm>> -> memref<128x24xf32, #tpu.memory_space<hbm>>
      tpu.enqueue_dma source(%dma_start3A_147 : memref<128x24xf32, #tpu.memory_space<hbm>>) target(%arg9 : memref<128x24xf32, #tpu.memory_space<vmem>>) target_semaphore(%run_scoped3A_145 : memref<!tpu.dma_semaphore, #tpu.memory_space<semaphore_mem>>)
      %dma_wait3A = tpu.memref_slice %arg2[%add3A_53, %mul3A_55] : memref<10240x48xf32, #tpu.memory_space<hbm>> -> memref<128x24xf32, #tpu.memory_space<hbm>>
      %dma_wait3A_148 = tpu.memref_slice %arg2[%add3A_53, %mul3A_55] : memref<10240x48xf32, #tpu.memory_space<hbm>> -> memref<128x24xf32, #tpu.memory_space<hbm>>
      tpu.wait_dma2 semaphore(%run_scoped3A_145 : memref<!tpu.dma_semaphore, #tpu.memory_space<semaphore_mem>>) src(%dma_wait3A_148 : memref<128x24xf32, #tpu.memory_space<hbm>>) dst(%arg9 : memref<128x24xf32, #tpu.memory_space<vmem>>)
      tpu.yield
    }) : () -> ()
    "tpu.region"() ({
      %run_scoped3A_145 = tpu.sem_alloc : memref<!tpu.dma_semaphore, #tpu.memory_space<semaphore_mem>>
      %dma_start3A_146 = arith.constant 0 : i32
      %dma_start3A_147 = tpu.memref_slice %arg10[%add3A_53, %dma_start3A_146] : memref<10240x24xf32, #tpu.memory_space<vmem_shared>> -> memref<128x24xf32, #tpu.memory_space<vmem_shared>>
      %dma_start3A_148 = arith.constant 0 : i32
      %dma_start3A_149 = tpu.memref_slice %arg10[%add3A_53, %dma_start3A_148] : memref<10240x24xf32, #tpu.memory_space<vmem_shared>> -> memref<128x24xf32, #tpu.memory_space<vmem_shared>>
      tpu.enqueue_dma source(%arg9 : memref<128x24xf32, #tpu.memory_space<vmem>>) target(%dma_start3A_149 : memref<128x24xf32, #tpu.memory_space<vmem_shared>>) target_semaphore(%run_scoped3A_145 : memref<!tpu.dma_semaphore, #tpu.memory_space<semaphore_mem>>)
      %dma_wait3A = arith.constant 0 : i32
      %dma_wait3A_150 = tpu.memref_slice %arg10[%add3A_53, %dma_wait3A] : memref<10240x24xf32, #tpu.memory_space<vmem_shared>> -> memref<128x24xf32, #tpu.memory_space<vmem_shared>>
      %dma_wait3A_151 = arith.constant 0 : i32
      %dma_wait3A_152 = tpu.memref_slice %arg10[%add3A_53, %dma_wait3A_151] : memref<10240x24xf32, #tpu.memory_space<vmem_shared>> -> memref<128x24xf32, #tpu.memory_space<vmem_shared>>
      tpu.wait_dma2 semaphore(%run_scoped3A_145 : memref<!tpu.dma_semaphore, #tpu.memory_space<semaphore_mem>>) src(%arg9 : memref<128x24xf32, #tpu.memory_space<vmem>>) dst(%dma_wait3A_152 : memref<128x24xf32, #tpu.memory_space<vmem_shared>>)
      tpu.yield
    }) : () -> ()
    %barrier3A = arith.constant 0 : index
    tpu.barrier barrier_id(%barrier3A)
    %mul3A_56 = arith.constant 156 : i32
    %mul3A_57 = arith.muli %arg1, %mul3A_56 : i32
    %add3A_58 = arith.constant 0 : i32
    %add3A_59 = arith.addi %mul3A_57, %add3A_58 : i32
    %run_scoped3A = arith.constant 0 : i32
    "tpu.region"() ({
      %run_scoped3A_145 = tpu.sem_alloc : memref<!tpu.dma_semaphore, #tpu.memory_space<semaphore_mem>>
      %dma_start3A_146 = arith.constant 0 : i32
      %dma_start3A_147 = tpu.memref_slice %arg3[%run_scoped3A, %add3A_59, %dma_start3A_146] : memref<2x2500x128xi32, #tpu.memory_space<hbm>> -> memref<1x156x128xi32, #tpu.memory_space<hbm>>
      %dma_start3A_148 = tpu.memref_squeeze %dma_start3A_147 : memref<1x156x128xi32, #tpu.memory_space<hbm>> -> memref<156x128xi32, #tpu.memory_space<hbm>>
      %dma_start3A_149 = arith.constant 0 : i32
      %dma_start3A_150 = tpu.memref_slice %arg3[%run_scoped3A, %add3A_59, %dma_start3A_149] : memref<2x2500x128xi32, #tpu.memory_space<hbm>> -> memref<1x156x128xi32, #tpu.memory_space<hbm>>
      %dma_start3A_151 = tpu.memref_squeeze %dma_start3A_150 : memref<1x156x128xi32, #tpu.memory_space<hbm>> -> memref<156x128xi32, #tpu.memory_space<hbm>>
      tpu.enqueue_dma source(%dma_start3A_151 : memref<156x128xi32, #tpu.memory_space<hbm>>) target(%arg6 : memref<156x128xi32, #tpu.memory_space<vmem>>) target_semaphore(%run_scoped3A_145 : memref<!tpu.dma_semaphore, #tpu.memory_space<semaphore_mem>>)
      %dma_wait3A = arith.constant 0 : i32
      %dma_wait3A_152 = tpu.memref_slice %arg3[%run_scoped3A, %add3A_59, %dma_wait3A] : memref<2x2500x128xi32, #tpu.memory_space<hbm>> -> memref<1x156x128xi32, #tpu.memory_space<hbm>>
      %dma_wait3A_153 = tpu.memref_squeeze %dma_wait3A_152 : memref<1x156x128xi32, #tpu.memory_space<hbm>> -> memref<156x128xi32, #tpu.memory_space<hbm>>
      %dma_wait3A_154 = arith.constant 0 : i32
      %dma_wait3A_155 = tpu.memref_slice %arg3[%run_scoped3A, %add3A_59, %dma_wait3A_154] : memref<2x2500x128xi32, #tpu.memory_space<hbm>> -> memref<1x156x128xi32, #tpu.memory_space<hbm>>
      %dma_wait3A_156 = tpu.memref_squeeze %dma_wait3A_155 : memref<1x156x128xi32, #tpu.memory_space<hbm>> -> memref<156x128xi32, #tpu.memory_space<hbm>>
      tpu.wait_dma2 semaphore(%run_scoped3A_145 : memref<!tpu.dma_semaphore, #tpu.memory_space<semaphore_mem>>) src(%dma_wait3A_156 : memref<156x128xi32, #tpu.memory_space<hbm>>) dst(%arg6 : memref<156x128xi32, #tpu.memory_space<vmem>>)
      tpu.yield
    }) : () -> ()
    %run_scoped3A_60 = arith.constant 1 : i32
    "tpu.region"() ({
      %run_scoped3A_145 = tpu.sem_alloc : memref<!tpu.dma_semaphore, #tpu.memory_space<semaphore_mem>>
      %dma_start3A_146 = arith.constant 0 : i32
      %dma_start3A_147 = tpu.memref_slice %arg3[%run_scoped3A_60, %add3A_59, %dma_start3A_146] : memref<2x2500x128xi32, #tpu.memory_space<hbm>> -> memref<1x156x128xi32, #tpu.memory_space<hbm>>
      %dma_start3A_148 = tpu.memref_squeeze %dma_start3A_147 : memref<1x156x128xi32, #tpu.memory_space<hbm>> -> memref<156x128xi32, #tpu.memory_space<hbm>>
      %dma_start3A_149 = arith.constant 0 : i32
      %dma_start3A_150 = tpu.memref_slice %arg3[%run_scoped3A_60, %add3A_59, %dma_start3A_149] : memref<2x2500x128xi32, #tpu.memory_space<hbm>> -> memref<1x156x128xi32, #tpu.memory_space<hbm>>
      %dma_start3A_151 = tpu.memref_squeeze %dma_start3A_150 : memref<1x156x128xi32, #tpu.memory_space<hbm>> -> memref<156x128xi32, #tpu.memory_space<hbm>>
      tpu.enqueue_dma source(%dma_start3A_151 : memref<156x128xi32, #tpu.memory_space<hbm>>) target(%arg7 : memref<156x128xi32, #tpu.memory_space<vmem>>) target_semaphore(%run_scoped3A_145 : memref<!tpu.dma_semaphore, #tpu.memory_space<semaphore_mem>>)
      %dma_wait3A = arith.constant 0 : i32
      %dma_wait3A_152 = tpu.memref_slice %arg3[%run_scoped3A_60, %add3A_59, %dma_wait3A] : memref<2x2500x128xi32, #tpu.memory_space<hbm>> -> memref<1x156x128xi32, #tpu.memory_space<hbm>>
      %dma_wait3A_153 = tpu.memref_squeeze %dma_wait3A_152 : memref<1x156x128xi32, #tpu.memory_space<hbm>> -> memref<156x128xi32, #tpu.memory_space<hbm>>
      %dma_wait3A_154 = arith.constant 0 : i32
      %dma_wait3A_155 = tpu.memref_slice %arg3[%run_scoped3A_60, %add3A_59, %dma_wait3A_154] : memref<2x2500x128xi32, #tpu.memory_space<hbm>> -> memref<1x156x128xi32, #tpu.memory_space<hbm>>
      %dma_wait3A_156 = tpu.memref_squeeze %dma_wait3A_155 : memref<1x156x128xi32, #tpu.memory_space<hbm>> -> memref<156x128xi32, #tpu.memory_space<hbm>>
      tpu.wait_dma2 semaphore(%run_scoped3A_145 : memref<!tpu.dma_semaphore, #tpu.memory_space<semaphore_mem>>) src(%dma_wait3A_156 : memref<156x128xi32, #tpu.memory_space<hbm>>) dst(%arg7 : memref<156x128xi32, #tpu.memory_space<vmem>>)
      tpu.yield
    }) : () -> ()
    %dma_start3A = arith.constant 0 : i32
    %dma_start3A_61 = arith.constant 0 : i32
    %dma_start3A_62 = tpu.memref_slice %arg6[%dma_start3A, %dma_start3A_61] : memref<156x128xi32, #tpu.memory_space<vmem>> -> memref<1x128xi32, #tpu.memory_space<vmem>>
    %dma_start3A_63 = tpu.memref_squeeze %dma_start3A_62 : memref<1x128xi32, #tpu.memory_space<vmem>> -> memref<128xi32, #tpu.memory_space<vmem>>
    %dma_start3A_64 = arith.constant 0 : i32
    %dma_start3A_65 = arith.constant 0 : i32
    %dma_start3A_66 = tpu.memref_slice %arg10[%dma_start3A_64, %dma_start3A_65] : memref<10240x24xf32, #tpu.memory_space<vmem_shared>> -> memref<10240x24xf32, #tpu.memory_space<vmem_shared>>
    tpu.enqueue_indirect_dma source(%dma_start3A_66 : memref<10240x24xf32, #tpu.memory_space<vmem_shared>>) target(%arg8 : memref<128x24xf32, #tpu.memory_space<vmem>>) offsets(%dma_start3A_63 : memref<128xi32, #tpu.memory_space<vmem>>) semaphore(%arg12 : memref<!tpu.dma_semaphore, #tpu.memory_space<semaphore_mem>>)
    %scan3A_67 = arith.constant 0 : i32
    %scan3A_68 = arith.constant 0 : i32
    %scan3A_69 = arith.constant 78 : i32
    %scan3A_70 = arith.addi %scan3A_68, %scan3A_69 : i32
    %scan3A_71 = arith.constant 1 : i32
    scf.for %scan3A_145 = %scan3A_68 to %scan3A_70 step %scan3A_71  : i32 {
      %mul3A_146 = arith.constant 2 : i32
      %mul3A_147 = arith.muli %scan3A_145, %mul3A_146 : i32
      %add3A_148 = arith.constant 1 : i32
      %add3A_149 = arith.addi %mul3A_147, %add3A_148 : i32
      %dma_start3A_150 = arith.constant 0 : i32
      %dma_start3A_151 = tpu.memref_slice %arg6[%add3A_149, %dma_start3A_150] : memref<156x128xi32, #tpu.memory_space<vmem>> -> memref<1x128xi32, #tpu.memory_space<vmem>>
      %dma_start3A_152 = tpu.memref_squeeze %dma_start3A_151 : memref<1x128xi32, #tpu.memory_space<vmem>> -> memref<128xi32, #tpu.memory_space<vmem>>
      %dma_start3A_153 = arith.constant 0 : i32
      %dma_start3A_154 = arith.constant 0 : i32
      %dma_start3A_155 = tpu.memref_slice %arg10[%dma_start3A_153, %dma_start3A_154] : memref<10240x24xf32, #tpu.memory_space<vmem_shared>> -> memref<10240x24xf32, #tpu.memory_space<vmem_shared>>
      tpu.enqueue_indirect_dma source(%dma_start3A_155 : memref<10240x24xf32, #tpu.memory_space<vmem_shared>>) target(%arg9 : memref<128x24xf32, #tpu.memory_space<vmem>>) offsets(%dma_start3A_152 : memref<128xi32, #tpu.memory_space<vmem>>) semaphore(%arg13 : memref<!tpu.dma_semaphore, #tpu.memory_space<semaphore_mem>>)
      %dma_wait3A = arith.constant 0 : i32
      %dma_wait3A_156 = tpu.memref_slice %arg6[%mul3A_147, %dma_wait3A] : memref<156x128xi32, #tpu.memory_space<vmem>> -> memref<1x128xi32, #tpu.memory_space<vmem>>
      %dma_wait3A_157 = tpu.memref_squeeze %dma_wait3A_156 : memref<1x128xi32, #tpu.memory_space<vmem>> -> memref<128xi32, #tpu.memory_space<vmem>>
      %dma_wait3A_158 = arith.constant 0 : i32
      %dma_wait3A_159 = arith.constant 0 : i32
      %dma_wait3A_160 = tpu.memref_slice %arg10[%dma_wait3A_158, %dma_wait3A_159] : memref<10240x24xf32, #tpu.memory_space<vmem_shared>> -> memref<10240x24xf32, #tpu.memory_space<vmem_shared>>
      tpu.wait_indirect_dma semaphore(%arg12 : memref<!tpu.dma_semaphore, #tpu.memory_space<semaphore_mem>>) src(%dma_wait3A_160 : memref<10240x24xf32, #tpu.memory_space<vmem_shared>>) dst(%arg8 : memref<128x24xf32, #tpu.memory_space<vmem>>)
      "tpu.region"() ({
        %run_scoped3A_176 = tpu.sem_alloc : memref<!tpu.dma_semaphore, #tpu.memory_space<semaphore_mem>>
        %dma_start3A_177 = arith.constant 0 : i32
        %dma_start3A_178 = tpu.memref_slice %arg7[%mul3A_147, %dma_start3A_177] : memref<156x128xi32, #tpu.memory_space<vmem>> -> memref<1x128xi32, #tpu.memory_space<vmem>>
        %dma_start3A_179 = tpu.memref_squeeze %dma_start3A_178 : memref<1x128xi32, #tpu.memory_space<vmem>> -> memref<128xi32, #tpu.memory_space<vmem>>
        %dma_start3A_180 = arith.constant 0 : i32
        %dma_start3A_181 = arith.constant 0 : i32
        %dma_start3A_182 = tpu.memref_slice %arg11[%dma_start3A_180, %dma_start3A_181] : memref<10240x24xf32, #tpu.memory_space<vmem_shared>> -> memref<10240x24xf32, #tpu.memory_space<vmem_shared>>
        tpu.enqueue_indirect_dma source(%arg8 : memref<128x24xf32, #tpu.memory_space<vmem>>) target(%dma_start3A_182 : memref<10240x24xf32, #tpu.memory_space<vmem_shared>>) offsets(%dma_start3A_179 : memref<128xi32, #tpu.memory_space<vmem>>) semaphore(%run_scoped3A_176 : memref<!tpu.dma_semaphore, #tpu.memory_space<semaphore_mem>>) {add = true}
        %dma_wait3A_183 = arith.constant 0 : i32
        %dma_wait3A_184 = tpu.memref_slice %arg7[%mul3A_147, %dma_wait3A_183] : memref<156x128xi32, #tpu.memory_space<vmem>> -> memref<1x128xi32, #tpu.memory_space<vmem>>
        %dma_wait3A_185 = tpu.memref_squeeze %dma_wait3A_184 : memref<1x128xi32, #tpu.memory_space<vmem>> -> memref<128xi32, #tpu.memory_space<vmem>>
        %dma_wait3A_186 = arith.constant 0 : i32
        %dma_wait3A_187 = arith.constant 0 : i32
        %dma_wait3A_188 = tpu.memref_slice %arg11[%dma_wait3A_186, %dma_wait3A_187] : memref<10240x24xf32, #tpu.memory_space<vmem_shared>> -> memref<10240x24xf32, #tpu.memory_space<vmem_shared>>
        tpu.wait_indirect_dma semaphore(%run_scoped3A_176 : memref<!tpu.dma_semaphore, #tpu.memory_space<semaphore_mem>>) src(%arg8 : memref<128x24xf32, #tpu.memory_space<vmem>>) dst(%dma_wait3A_188 : memref<10240x24xf32, #tpu.memory_space<vmem_shared>>)
        tpu.yield
      }) : () -> ()
      %lt3A_161 = arith.constant 77 : i32
      %lt3A_162 = arith.cmpi slt, %scan3A_145, %lt3A_161 : i32
      %convert_element_type3A_163 = arith.extui %lt3A_162 : i1 to i32
      %cond3A_164 = arith.constant 0 : i32
      %cond3A_165 = arith.cmpi ne, %convert_element_type3A_163, %cond3A_164 : i32
      scf.if %cond3A_165 {
        %add3A_176 = arith.constant 2 : i32
        %add3A_177 = arith.addi %mul3A_147, %add3A_176 : i32
        %dma_start3A_178 = arith.constant 0 : i32
        %dma_start3A_179 = tpu.memref_slice %arg6[%add3A_177, %dma_start3A_178] : memref<156x128xi32, #tpu.memory_space<vmem>> -> memref<1x128xi32, #tpu.memory_space<vmem>>
        %dma_start3A_180 = tpu.memref_squeeze %dma_start3A_179 : memref<1x128xi32, #tpu.memory_space<vmem>> -> memref<128xi32, #tpu.memory_space<vmem>>
        %dma_start3A_181 = arith.constant 0 : i32
        %dma_start3A_182 = arith.constant 0 : i32
        %dma_start3A_183 = tpu.memref_slice %arg10[%dma_start3A_181, %dma_start3A_182] : memref<10240x24xf32, #tpu.memory_space<vmem_shared>> -> memref<10240x24xf32, #tpu.memory_space<vmem_shared>>
        tpu.enqueue_indirect_dma source(%dma_start3A_183 : memref<10240x24xf32, #tpu.memory_space<vmem_shared>>) target(%arg8 : memref<128x24xf32, #tpu.memory_space<vmem>>) offsets(%dma_start3A_180 : memref<128xi32, #tpu.memory_space<vmem>>) semaphore(%arg12 : memref<!tpu.dma_semaphore, #tpu.memory_space<semaphore_mem>>)
      } else {
      }
      %add3A_166 = arith.constant 1 : i32
      %add3A_167 = arith.addi %mul3A_147, %add3A_166 : i32
      %dma_wait3A_168 = arith.constant 0 : i32
      %dma_wait3A_169 = tpu.memref_slice %arg6[%add3A_167, %dma_wait3A_168] : memref<156x128xi32, #tpu.memory_space<vmem>> -> memref<1x128xi32, #tpu.memory_space<vmem>>
      %dma_wait3A_170 = tpu.memref_squeeze %dma_wait3A_169 : memref<1x128xi32, #tpu.memory_space<vmem>> -> memref<128xi32, #tpu.memory_space<vmem>>
      %dma_wait3A_171 = arith.constant 0 : i32
      %dma_wait3A_172 = arith.constant 0 : i32
      %dma_wait3A_173 = tpu.memref_slice %arg10[%dma_wait3A_171, %dma_wait3A_172] : memref<10240x24xf32, #tpu.memory_space<vmem_shared>> -> memref<10240x24xf32, #tpu.memory_space<vmem_shared>>
      tpu.wait_indirect_dma semaphore(%arg13 : memref<!tpu.dma_semaphore, #tpu.memory_space<semaphore_mem>>) src(%dma_wait3A_173 : memref<10240x24xf32, #tpu.memory_space<vmem_shared>>) dst(%arg9 : memref<128x24xf32, #tpu.memory_space<vmem>>)
      %add3A_174 = arith.constant 1 : i32
      %add3A_175 = arith.addi %mul3A_147, %add3A_174 : i32
      "tpu.region"() ({
        %run_scoped3A_176 = tpu.sem_alloc : memref<!tpu.dma_semaphore, #tpu.memory_space<semaphore_mem>>
        %dma_start3A_177 = arith.constant 0 : i32
        %dma_start3A_178 = tpu.memref_slice %arg7[%add3A_175, %dma_start3A_177] : memref<156x128xi32, #tpu.memory_space<vmem>> -> memref<1x128xi32, #tpu.memory_space<vmem>>
        %dma_start3A_179 = tpu.memref_squeeze %dma_start3A_178 : memref<1x128xi32, #tpu.memory_space<vmem>> -> memref<128xi32, #tpu.memory_space<vmem>>
        %dma_start3A_180 = arith.constant 0 : i32
        %dma_start3A_181 = arith.constant 0 : i32
        %dma_start3A_182 = tpu.memref_slice %arg11[%dma_start3A_180, %dma_start3A_181] : memref<10240x24xf32, #tpu.memory_space<vmem_shared>> -> memref<10240x24xf32, #tpu.memory_space<vmem_shared>>
        tpu.enqueue_indirect_dma source(%arg9 : memref<128x24xf32, #tpu.memory_space<vmem>>) target(%dma_start3A_182 : memref<10240x24xf32, #tpu.memory_space<vmem_shared>>) offsets(%dma_start3A_179 : memref<128xi32, #tpu.memory_space<vmem>>) semaphore(%run_scoped3A_176 : memref<!tpu.dma_semaphore, #tpu.memory_space<semaphore_mem>>) {add = true}
        %dma_wait3A_183 = arith.constant 0 : i32
        %dma_wait3A_184 = tpu.memref_slice %arg7[%add3A_175, %dma_wait3A_183] : memref<156x128xi32, #tpu.memory_space<vmem>> -> memref<1x128xi32, #tpu.memory_space<vmem>>
        %dma_wait3A_185 = tpu.memref_squeeze %dma_wait3A_184 : memref<1x128xi32, #tpu.memory_space<vmem>> -> memref<128xi32, #tpu.memory_space<vmem>>
        %dma_wait3A_186 = arith.constant 0 : i32
        %dma_wait3A_187 = arith.constant 0 : i32
        %dma_wait3A_188 = tpu.memref_slice %arg11[%dma_wait3A_186, %dma_wait3A_187] : memref<10240x24xf32, #tpu.memory_space<vmem_shared>> -> memref<10240x24xf32, #tpu.memory_space<vmem_shared>>
        tpu.wait_indirect_dma semaphore(%run_scoped3A_176 : memref<!tpu.dma_semaphore, #tpu.memory_space<semaphore_mem>>) src(%arg9 : memref<128x24xf32, #tpu.memory_space<vmem>>) dst(%dma_wait3A_188 : memref<10240x24xf32, #tpu.memory_space<vmem_shared>>)
        tpu.yield
      }) : () -> ()
    }
    %scan3A_72 = arith.constant 78 : i32
    %lt3A = arith.constant 4 : i32
    %lt3A_73 = arith.cmpi slt, %arg1, %lt3A : i32
    %convert_element_type3A = arith.extui %lt3A_73 : i1 to i32
    %cond3A = arith.constant 0 : i32
    %cond3A_74 = arith.cmpi ne, %convert_element_type3A, %cond3A : i32
    scf.if %cond3A_74 {
      %add3A_145 = arith.constant 2496 : i32
      %add3A_146 = arith.addi %add3A_145, %arg1 : i32
      %run_scoped3A_147 = arith.constant 0 : i32
      "tpu.region"() ({
        %run_scoped3A_163 = tpu.sem_alloc : memref<!tpu.dma_semaphore, #tpu.memory_space<semaphore_mem>>
        %dma_start3A_164 = arith.constant 0 : i32
        %dma_start3A_165 = arith.constant 0 : i32
        %dma_start3A_166 = tpu.memref_slice %arg6[%dma_start3A_164, %dma_start3A_165] : memref<156x128xi32, #tpu.memory_space<vmem>> -> memref<1x128xi32, #tpu.memory_space<vmem>>
        %dma_start3A_167 = arith.constant 0 : i32
        %dma_start3A_168 = tpu.memref_slice %arg3[%run_scoped3A_147, %add3A_146, %dma_start3A_167] : memref<2x2500x128xi32, #tpu.memory_space<hbm>> -> memref<1x1x128xi32, #tpu.memory_space<hbm>>
        %dma_start3A_169 = tpu.memref_squeeze %dma_start3A_168 : memref<1x1x128xi32, #tpu.memory_space<hbm>> -> memref<1x128xi32, #tpu.memory_space<hbm>>
        %dma_start3A_170 = arith.constant 0 : i32
        %dma_start3A_171 = arith.constant 0 : i32
        %dma_start3A_172 = tpu.memref_slice %arg6[%dma_start3A_170, %dma_start3A_171] : memref<156x128xi32, #tpu.memory_space<vmem>> -> memref<1x128xi32, #tpu.memory_space<vmem>>
        %dma_start3A_173 = arith.constant 0 : i32
        %dma_start3A_174 = tpu.memref_slice %arg3[%run_scoped3A_147, %add3A_146, %dma_start3A_173] : memref<2x2500x128xi32, #tpu.memory_space<hbm>> -> memref<1x1x128xi32, #tpu.memory_space<hbm>>
        %dma_start3A_175 = tpu.memref_squeeze %dma_start3A_174 : memref<1x1x128xi32, #tpu.memory_space<hbm>> -> memref<1x128xi32, #tpu.memory_space<hbm>>
        tpu.enqueue_dma source(%dma_start3A_175 : memref<1x128xi32, #tpu.memory_space<hbm>>) target(%dma_start3A_172 : memref<1x128xi32, #tpu.memory_space<vmem>>) target_semaphore(%run_scoped3A_163 : memref<!tpu.dma_semaphore, #tpu.memory_space<semaphore_mem>>)
        %dma_wait3A_176 = arith.constant 0 : i32
        %dma_wait3A_177 = arith.constant 0 : i32
        %dma_wait3A_178 = tpu.memref_slice %arg6[%dma_wait3A_176, %dma_wait3A_177] : memref<156x128xi32, #tpu.memory_space<vmem>> -> memref<1x128xi32, #tpu.memory_space<vmem>>
        %dma_wait3A_179 = arith.constant 0 : i32
        %dma_wait3A_180 = tpu.memref_slice %arg3[%run_scoped3A_147, %add3A_146, %dma_wait3A_179] : memref<2x2500x128xi32, #tpu.memory_space<hbm>> -> memref<1x1x128xi32, #tpu.memory_space<hbm>>
        %dma_wait3A_181 = tpu.memref_squeeze %dma_wait3A_180 : memref<1x1x128xi32, #tpu.memory_space<hbm>> -> memref<1x128xi32, #tpu.memory_space<hbm>>
        %dma_wait3A_182 = arith.constant 0 : i32
        %dma_wait3A_183 = arith.constant 0 : i32
        %dma_wait3A_184 = tpu.memref_slice %arg6[%dma_wait3A_182, %dma_wait3A_183] : memref<156x128xi32, #tpu.memory_space<vmem>> -> memref<1x128xi32, #tpu.memory_space<vmem>>
        %dma_wait3A_185 = arith.constant 0 : i32
        %dma_wait3A_186 = tpu.memref_slice %arg3[%run_scoped3A_147, %add3A_146, %dma_wait3A_185] : memref<2x2500x128xi32, #tpu.memory_space<hbm>> -> memref<1x1x128xi32, #tpu.memory_space<hbm>>
        %dma_wait3A_187 = tpu.memref_squeeze %dma_wait3A_186 : memref<1x1x128xi32, #tpu.memory_space<hbm>> -> memref<1x128xi32, #tpu.memory_space<hbm>>
        tpu.wait_dma2 semaphore(%run_scoped3A_163 : memref<!tpu.dma_semaphore, #tpu.memory_space<semaphore_mem>>) src(%dma_wait3A_187 : memref<1x128xi32, #tpu.memory_space<hbm>>) dst(%dma_wait3A_184 : memref<1x128xi32, #tpu.memory_space<vmem>>)
        tpu.yield
      }) : () -> ()
      %run_scoped3A_148 = arith.constant 1 : i32
      "tpu.region"() ({
        %run_scoped3A_163 = tpu.sem_alloc : memref<!tpu.dma_semaphore, #tpu.memory_space<semaphore_mem>>
        %dma_start3A_164 = arith.constant 0 : i32
        %dma_start3A_165 = arith.constant 0 : i32
        %dma_start3A_166 = tpu.memref_slice %arg7[%dma_start3A_164, %dma_start3A_165] : memref<156x128xi32, #tpu.memory_space<vmem>> -> memref<1x128xi32, #tpu.memory_space<vmem>>
        %dma_start3A_167 = arith.constant 0 : i32
        %dma_start3A_168 = tpu.memref_slice %arg3[%run_scoped3A_148, %add3A_146, %dma_start3A_167] : memref<2x2500x128xi32, #tpu.memory_space<hbm>> -> memref<1x1x128xi32, #tpu.memory_space<hbm>>
        %dma_start3A_169 = tpu.memref_squeeze %dma_start3A_168 : memref<1x1x128xi32, #tpu.memory_space<hbm>> -> memref<1x128xi32, #tpu.memory_space<hbm>>
        %dma_start3A_170 = arith.constant 0 : i32
        %dma_start3A_171 = arith.constant 0 : i32
        %dma_start3A_172 = tpu.memref_slice %arg7[%dma_start3A_170, %dma_start3A_171] : memref<156x128xi32, #tpu.memory_space<vmem>> -> memref<1x128xi32, #tpu.memory_space<vmem>>
        %dma_start3A_173 = arith.constant 0 : i32
        %dma_start3A_174 = tpu.memref_slice %arg3[%run_scoped3A_148, %add3A_146, %dma_start3A_173] : memref<2x2500x128xi32, #tpu.memory_space<hbm>> -> memref<1x1x128xi32, #tpu.memory_space<hbm>>
        %dma_start3A_175 = tpu.memref_squeeze %dma_start3A_174 : memref<1x1x128xi32, #tpu.memory_space<hbm>> -> memref<1x128xi32, #tpu.memory_space<hbm>>
        tpu.enqueue_dma source(%dma_start3A_175 : memref<1x128xi32, #tpu.memory_space<hbm>>) target(%dma_start3A_172 : memref<1x128xi32, #tpu.memory_space<vmem>>) target_semaphore(%run_scoped3A_163 : memref<!tpu.dma_semaphore, #tpu.memory_space<semaphore_mem>>)
        %dma_wait3A_176 = arith.constant 0 : i32
        %dma_wait3A_177 = arith.constant 0 : i32
        %dma_wait3A_178 = tpu.memref_slice %arg7[%dma_wait3A_176, %dma_wait3A_177] : memref<156x128xi32, #tpu.memory_space<vmem>> -> memref<1x128xi32, #tpu.memory_space<vmem>>
        %dma_wait3A_179 = arith.constant 0 : i32
        %dma_wait3A_180 = tpu.memref_slice %arg3[%run_scoped3A_148, %add3A_146, %dma_wait3A_179] : memref<2x2500x128xi32, #tpu.memory_space<hbm>> -> memref<1x1x128xi32, #tpu.memory_space<hbm>>
        %dma_wait3A_181 = tpu.memref_squeeze %dma_wait3A_180 : memref<1x1x128xi32, #tpu.memory_space<hbm>> -> memref<1x128xi32, #tpu.memory_space<hbm>>
        %dma_wait3A_182 = arith.constant 0 : i32
        %dma_wait3A_183 = arith.constant 0 : i32
        %dma_wait3A_184 = tpu.memref_slice %arg7[%dma_wait3A_182, %dma_wait3A_183] : memref<156x128xi32, #tpu.memory_space<vmem>> -> memref<1x128xi32, #tpu.memory_space<vmem>>
        %dma_wait3A_185 = arith.constant 0 : i32
        %dma_wait3A_186 = tpu.memref_slice %arg3[%run_scoped3A_148, %add3A_146, %dma_wait3A_185] : memref<2x2500x128xi32, #tpu.memory_space<hbm>> -> memref<1x1x128xi32, #tpu.memory_space<hbm>>
        %dma_wait3A_187 = tpu.memref_squeeze %dma_wait3A_186 : memref<1x1x128xi32, #tpu.memory_space<hbm>> -> memref<1x128xi32, #tpu.memory_space<hbm>>
        tpu.wait_dma2 semaphore(%run_scoped3A_163 : memref<!tpu.dma_semaphore, #tpu.memory_space<semaphore_mem>>) src(%dma_wait3A_187 : memref<1x128xi32, #tpu.memory_space<hbm>>) dst(%dma_wait3A_184 : memref<1x128xi32, #tpu.memory_space<vmem>>)
        tpu.yield
      }) : () -> ()
      %dma_start3A_149 = arith.constant 0 : i32
      %dma_start3A_150 = arith.constant 0 : i32
      %dma_start3A_151 = tpu.memref_slice %arg6[%dma_start3A_149, %dma_start3A_150] : memref<156x128xi32, #tpu.memory_space<vmem>> -> memref<1x128xi32, #tpu.memory_space<vmem>>
      %dma_start3A_152 = tpu.memref_squeeze %dma_start3A_151 : memref<1x128xi32, #tpu.memory_space<vmem>> -> memref<128xi32, #tpu.memory_space<vmem>>
      %dma_start3A_153 = arith.constant 0 : i32
      %dma_start3A_154 = arith.constant 0 : i32
      %dma_start3A_155 = tpu.memref_slice %arg10[%dma_start3A_153, %dma_start3A_154] : memref<10240x24xf32, #tpu.memory_space<vmem_shared>> -> memref<10240x24xf32, #tpu.memory_space<vmem_shared>>
      tpu.enqueue_indirect_dma source(%dma_start3A_155 : memref<10240x24xf32, #tpu.memory_space<vmem_shared>>) target(%arg8 : memref<128x24xf32, #tpu.memory_space<vmem>>) offsets(%dma_start3A_152 : memref<128xi32, #tpu.memory_space<vmem>>) semaphore(%arg12 : memref<!tpu.dma_semaphore, #tpu.memory_space<semaphore_mem>>)
      %dma_wait3A = arith.constant 0 : i32
      %dma_wait3A_156 = arith.constant 0 : i32
      %dma_wait3A_157 = tpu.memref_slice %arg6[%dma_wait3A, %dma_wait3A_156] : memref<156x128xi32, #tpu.memory_space<vmem>> -> memref<1x128xi32, #tpu.memory_space<vmem>>
      %dma_wait3A_158 = tpu.memref_squeeze %dma_wait3A_157 : memref<1x128xi32, #tpu.memory_space<vmem>> -> memref<128xi32, #tpu.memory_space<vmem>>
      %dma_wait3A_159 = arith.constant 0 : i32
      %dma_wait3A_160 = arith.constant 0 : i32
      %dma_wait3A_161 = tpu.memref_slice %arg10[%dma_wait3A_159, %dma_wait3A_160] : memref<10240x24xf32, #tpu.memory_space<vmem_shared>> -> memref<10240x24xf32, #tpu.memory_space<vmem_shared>>
      tpu.wait_indirect_dma semaphore(%arg12 : memref<!tpu.dma_semaphore, #tpu.memory_space<semaphore_mem>>) src(%dma_wait3A_161 : memref<10240x24xf32, #tpu.memory_space<vmem_shared>>) dst(%arg8 : memref<128x24xf32, #tpu.memory_space<vmem>>)
      %run_scoped3A_162 = arith.constant 0 : i32
      "tpu.region"() ({
        %run_scoped3A_163 = tpu.sem_alloc : memref<!tpu.dma_semaphore, #tpu.memory_space<semaphore_mem>>
        %dma_start3A_164 = arith.constant 0 : i32
        %dma_start3A_165 = tpu.memref_slice %arg7[%run_scoped3A_162, %dma_start3A_164] : memref<156x128xi32, #tpu.memory_space<vmem>> -> memref<1x128xi32, #tpu.memory_space<vmem>>
        %dma_start3A_166 = tpu.memref_squeeze %dma_start3A_165 : memref<1x128xi32, #tpu.memory_space<vmem>> -> memref<128xi32, #tpu.memory_space<vmem>>
        %dma_start3A_167 = arith.constant 0 : i32
        %dma_start3A_168 = arith.constant 0 : i32
        %dma_start3A_169 = tpu.memref_slice %arg11[%dma_start3A_167, %dma_start3A_168] : memref<10240x24xf32, #tpu.memory_space<vmem_shared>> -> memref<10240x24xf32, #tpu.memory_space<vmem_shared>>
        tpu.enqueue_indirect_dma source(%arg8 : memref<128x24xf32, #tpu.memory_space<vmem>>) target(%dma_start3A_169 : memref<10240x24xf32, #tpu.memory_space<vmem_shared>>) offsets(%dma_start3A_166 : memref<128xi32, #tpu.memory_space<vmem>>) semaphore(%run_scoped3A_163 : memref<!tpu.dma_semaphore, #tpu.memory_space<semaphore_mem>>) {add = true}
        %dma_wait3A_170 = arith.constant 0 : i32
        %dma_wait3A_171 = tpu.memref_slice %arg7[%run_scoped3A_162, %dma_wait3A_170] : memref<156x128xi32, #tpu.memory_space<vmem>> -> memref<1x128xi32, #tpu.memory_space<vmem>>
        %dma_wait3A_172 = tpu.memref_squeeze %dma_wait3A_171 : memref<1x128xi32, #tpu.memory_space<vmem>> -> memref<128xi32, #tpu.memory_space<vmem>>
        %dma_wait3A_173 = arith.constant 0 : i32
        %dma_wait3A_174 = arith.constant 0 : i32
        %dma_wait3A_175 = tpu.memref_slice %arg11[%dma_wait3A_173, %dma_wait3A_174] : memref<10240x24xf32, #tpu.memory_space<vmem_shared>> -> memref<10240x24xf32, #tpu.memory_space<vmem_shared>>
        tpu.wait_indirect_dma semaphore(%run_scoped3A_163 : memref<!tpu.dma_semaphore, #tpu.memory_space<semaphore_mem>>) src(%arg8 : memref<128x24xf32, #tpu.memory_space<vmem>>) dst(%dma_wait3A_175 : memref<10240x24xf32, #tpu.memory_space<vmem_shared>>)
        tpu.yield
      }) : () -> ()
    } else {
    }
    %barrier3A_75 = arith.constant 0 : index
    tpu.barrier barrier_id(%barrier3A_75)
    %mul3A_76 = arith.constant 640 : i32
    %mul3A_77 = arith.muli %arg1, %mul3A_76 : i32
    %add3A_78 = arith.constant 0 : i32
    %add3A_79 = arith.addi %mul3A_77, %add3A_78 : i32
    "tpu.region"() ({
      %run_scoped3A_145 = tpu.sem_alloc : memref<!tpu.dma_semaphore, #tpu.memory_space<semaphore_mem>>
      %dma_start3A_146 = arith.constant 0 : i32
      %dma_start3A_147 = tpu.memref_slice %arg11[%add3A_79, %dma_start3A_146] : memref<10240x24xf32, #tpu.memory_space<vmem_shared>> -> memref<128x24xf32, #tpu.memory_space<vmem_shared>>
      %dma_start3A_148 = arith.constant 0 : i32
      %dma_start3A_149 = tpu.memref_slice %arg11[%add3A_79, %dma_start3A_148] : memref<10240x24xf32, #tpu.memory_space<vmem_shared>> -> memref<128x24xf32, #tpu.memory_space<vmem_shared>>
      tpu.enqueue_dma source(%dma_start3A_149 : memref<128x24xf32, #tpu.memory_space<vmem_shared>>) target(%arg8 : memref<128x24xf32, #tpu.memory_space<vmem>>) target_semaphore(%run_scoped3A_145 : memref<!tpu.dma_semaphore, #tpu.memory_space<semaphore_mem>>)
      %dma_wait3A = arith.constant 0 : i32
      %dma_wait3A_150 = tpu.memref_slice %arg11[%add3A_79, %dma_wait3A] : memref<10240x24xf32, #tpu.memory_space<vmem_shared>> -> memref<128x24xf32, #tpu.memory_space<vmem_shared>>
      %dma_wait3A_151 = arith.constant 0 : i32
      %dma_wait3A_152 = tpu.memref_slice %arg11[%add3A_79, %dma_wait3A_151] : memref<10240x24xf32, #tpu.memory_space<vmem_shared>> -> memref<128x24xf32, #tpu.memory_space<vmem_shared>>
      tpu.wait_dma2 semaphore(%run_scoped3A_145 : memref<!tpu.dma_semaphore, #tpu.memory_space<semaphore_mem>>) src(%dma_wait3A_152 : memref<128x24xf32, #tpu.memory_space<vmem_shared>>) dst(%arg8 : memref<128x24xf32, #tpu.memory_space<vmem>>)
      tpu.yield
    }) : () -> ()
    %eq3A = arith.constant 0 : i32
    %eq3A_80 = arith.cmpi eq, %arg0, %eq3A : i32
    %convert_element_type3A_81 = arith.extui %eq3A_80 : i1 to i32
    %cond3A_82 = arith.constant 0 : i32
    %cond3A_83 = arith.cmpi ne, %convert_element_type3A_81, %cond3A_82 : i32
    scf.if %cond3A_83 {
      "tpu.region"() ({
        %run_scoped3A_145 = tpu.sem_alloc : memref<!tpu.dma_semaphore, #tpu.memory_space<semaphore_mem>>
        %dma_start3A_146 = arith.constant 0 : i32
        %dma_start3A_147 = tpu.memref_slice %arg4[%add3A_79, %dma_start3A_146] : memref<10240x24xf32, #tpu.memory_space<hbm>> -> memref<128x24xf32, #tpu.memory_space<hbm>>
        %dma_start3A_148 = arith.constant 0 : i32
        %dma_start3A_149 = tpu.memref_slice %arg4[%add3A_79, %dma_start3A_148] : memref<10240x24xf32, #tpu.memory_space<hbm>> -> memref<128x24xf32, #tpu.memory_space<hbm>>
        tpu.enqueue_dma source(%arg8 : memref<128x24xf32, #tpu.memory_space<vmem>>) target(%dma_start3A_149 : memref<128x24xf32, #tpu.memory_space<hbm>>) target_semaphore(%run_scoped3A_145 : memref<!tpu.dma_semaphore, #tpu.memory_space<semaphore_mem>>)
        %dma_wait3A = arith.constant 0 : i32
        %dma_wait3A_150 = tpu.memref_slice %arg4[%add3A_79, %dma_wait3A] : memref<10240x24xf32, #tpu.memory_space<hbm>> -> memref<128x24xf32, #tpu.memory_space<hbm>>
        %dma_wait3A_151 = arith.constant 0 : i32
        %dma_wait3A_152 = tpu.memref_slice %arg4[%add3A_79, %dma_wait3A_151] : memref<10240x24xf32, #tpu.memory_space<hbm>> -> memref<128x24xf32, #tpu.memory_space<hbm>>
        tpu.wait_dma2 semaphore(%run_scoped3A_145 : memref<!tpu.dma_semaphore, #tpu.memory_space<semaphore_mem>>) src(%arg8 : memref<128x24xf32, #tpu.memory_space<vmem>>) dst(%dma_wait3A_152 : memref<128x24xf32, #tpu.memory_space<hbm>>)
        tpu.yield
      }) : () -> ()
    } else {
    }
    %eq3A_84 = arith.constant 1 : i32
    %eq3A_85 = arith.cmpi eq, %arg0, %eq3A_84 : i32
    %convert_element_type3A_86 = arith.extui %eq3A_85 : i1 to i32
    %cond3A_87 = arith.constant 0 : i32
    %cond3A_88 = arith.cmpi ne, %convert_element_type3A_86, %cond3A_87 : i32
    scf.if %cond3A_88 {
      "tpu.region"() ({
        %run_scoped3A_145 = tpu.sem_alloc : memref<!tpu.dma_semaphore, #tpu.memory_space<semaphore_mem>>
        %dma_start3A_146 = arith.constant 0 : i32
        %dma_start3A_147 = tpu.memref_slice %arg5[%add3A_79, %dma_start3A_146] : memref<10240x24xf32, #tpu.memory_space<hbm>> -> memref<128x24xf32, #tpu.memory_space<hbm>>
        %dma_start3A_148 = arith.constant 0 : i32
        %dma_start3A_149 = tpu.memref_slice %arg5[%add3A_79, %dma_start3A_148] : memref<10240x24xf32, #tpu.memory_space<hbm>> -> memref<128x24xf32, #tpu.memory_space<hbm>>
        tpu.enqueue_dma source(%arg8 : memref<128x24xf32, #tpu.memory_space<vmem>>) target(%dma_start3A_149 : memref<128x24xf32, #tpu.memory_space<hbm>>) target_semaphore(%run_scoped3A_145 : memref<!tpu.dma_semaphore, #tpu.memory_space<semaphore_mem>>)
        %dma_wait3A = arith.constant 0 : i32
        %dma_wait3A_150 = tpu.memref_slice %arg5[%add3A_79, %dma_wait3A] : memref<10240x24xf32, #tpu.memory_space<hbm>> -> memref<128x24xf32, #tpu.memory_space<hbm>>
        %dma_wait3A_151 = arith.constant 0 : i32
        %dma_wait3A_152 = tpu.memref_slice %arg5[%add3A_79, %dma_wait3A_151] : memref<10240x24xf32, #tpu.memory_space<hbm>> -> memref<128x24xf32, #tpu.memory_space<hbm>>
        tpu.wait_dma2 semaphore(%run_scoped3A_145 : memref<!tpu.dma_semaphore, #tpu.memory_space<semaphore_mem>>) src(%arg8 : memref<128x24xf32, #tpu.memory_space<vmem>>) dst(%dma_wait3A_152 : memref<128x24xf32, #tpu.memory_space<hbm>>)
        tpu.yield
      }) : () -> ()
    } else {
    }
    %mul3A_89 = arith.constant 640 : i32
    %mul3A_90 = arith.muli %arg1, %mul3A_89 : i32
    %add3A_91 = arith.constant 128 : i32
    %add3A_92 = arith.addi %mul3A_90, %add3A_91 : i32
    "tpu.region"() ({
      %run_scoped3A_145 = tpu.sem_alloc : memref<!tpu.dma_semaphore, #tpu.memory_space<semaphore_mem>>
      %dma_start3A_146 = arith.constant 0 : i32
      %dma_start3A_147 = tpu.memref_slice %arg11[%add3A_92, %dma_start3A_146] : memref<10240x24xf32, #tpu.memory_space<vmem_shared>> -> memref<128x24xf32, #tpu.memory_space<vmem_shared>>
      %dma_start3A_148 = arith.constant 0 : i32
      %dma_start3A_149 = tpu.memref_slice %arg11[%add3A_92, %dma_start3A_148] : memref<10240x24xf32, #tpu.memory_space<vmem_shared>> -> memref<128x24xf32, #tpu.memory_space<vmem_shared>>
      tpu.enqueue_dma source(%dma_start3A_149 : memref<128x24xf32, #tpu.memory_space<vmem_shared>>) target(%arg8 : memref<128x24xf32, #tpu.memory_space<vmem>>) target_semaphore(%run_scoped3A_145 : memref<!tpu.dma_semaphore, #tpu.memory_space<semaphore_mem>>)
      %dma_wait3A = arith.constant 0 : i32
      %dma_wait3A_150 = tpu.memref_slice %arg11[%add3A_92, %dma_wait3A] : memref<10240x24xf32, #tpu.memory_space<vmem_shared>> -> memref<128x24xf32, #tpu.memory_space<vmem_shared>>
      %dma_wait3A_151 = arith.constant 0 : i32
      %dma_wait3A_152 = tpu.memref_slice %arg11[%add3A_92, %dma_wait3A_151] : memref<10240x24xf32, #tpu.memory_space<vmem_shared>> -> memref<128x24xf32, #tpu.memory_space<vmem_shared>>
      tpu.wait_dma2 semaphore(%run_scoped3A_145 : memref<!tpu.dma_semaphore, #tpu.memory_space<semaphore_mem>>) src(%dma_wait3A_152 : memref<128x24xf32, #tpu.memory_space<vmem_shared>>) dst(%arg8 : memref<128x24xf32, #tpu.memory_space<vmem>>)
      tpu.yield
    }) : () -> ()
    %eq3A_93 = arith.constant 0 : i32
    %eq3A_94 = arith.cmpi eq, %arg0, %eq3A_93 : i32
    %convert_element_type3A_95 = arith.extui %eq3A_94 : i1 to i32
    %cond3A_96 = arith.constant 0 : i32
    %cond3A_97 = arith.cmpi ne, %convert_element_type3A_95, %cond3A_96 : i32
    scf.if %cond3A_97 {
      "tpu.region"() ({
        %run_scoped3A_145 = tpu.sem_alloc : memref<!tpu.dma_semaphore, #tpu.memory_space<semaphore_mem>>
        %dma_start3A_146 = arith.constant 0 : i32
        %dma_start3A_147 = tpu.memref_slice %arg4[%add3A_92, %dma_start3A_146] : memref<10240x24xf32, #tpu.memory_space<hbm>> -> memref<128x24xf32, #tpu.memory_space<hbm>>
        %dma_start3A_148 = arith.constant 0 : i32
        %dma_start3A_149 = tpu.memref_slice %arg4[%add3A_92, %dma_start3A_148] : memref<10240x24xf32, #tpu.memory_space<hbm>> -> memref<128x24xf32, #tpu.memory_space<hbm>>
        tpu.enqueue_dma source(%arg8 : memref<128x24xf32, #tpu.memory_space<vmem>>) target(%dma_start3A_149 : memref<128x24xf32, #tpu.memory_space<hbm>>) target_semaphore(%run_scoped3A_145 : memref<!tpu.dma_semaphore, #tpu.memory_space<semaphore_mem>>)
        %dma_wait3A = arith.constant 0 : i32
        %dma_wait3A_150 = tpu.memref_slice %arg4[%add3A_92, %dma_wait3A] : memref<10240x24xf32, #tpu.memory_space<hbm>> -> memref<128x24xf32, #tpu.memory_space<hbm>>
        %dma_wait3A_151 = arith.constant 0 : i32
        %dma_wait3A_152 = tpu.memref_slice %arg4[%add3A_92, %dma_wait3A_151] : memref<10240x24xf32, #tpu.memory_space<hbm>> -> memref<128x24xf32, #tpu.memory_space<hbm>>
        tpu.wait_dma2 semaphore(%run_scoped3A_145 : memref<!tpu.dma_semaphore, #tpu.memory_space<semaphore_mem>>) src(%arg8 : memref<128x24xf32, #tpu.memory_space<vmem>>) dst(%dma_wait3A_152 : memref<128x24xf32, #tpu.memory_space<hbm>>)
        tpu.yield
      }) : () -> ()
    } else {
    }
    %eq3A_98 = arith.constant 1 : i32
    %eq3A_99 = arith.cmpi eq, %arg0, %eq3A_98 : i32
    %convert_element_type3A_100 = arith.extui %eq3A_99 : i1 to i32
    %cond3A_101 = arith.constant 0 : i32
    %cond3A_102 = arith.cmpi ne, %convert_element_type3A_100, %cond3A_101 : i32
    scf.if %cond3A_102 {
      "tpu.region"() ({
        %run_scoped3A_145 = tpu.sem_alloc : memref<!tpu.dma_semaphore, #tpu.memory_space<semaphore_mem>>
        %dma_start3A_146 = arith.constant 0 : i32
        %dma_start3A_147 = tpu.memref_slice %arg5[%add3A_92, %dma_start3A_146] : memref<10240x24xf32, #tpu.memory_space<hbm>> -> memref<128x24xf32, #tpu.memory_space<hbm>>
        %dma_start3A_148 = arith.constant 0 : i32
        %dma_start3A_149 = tpu.memref_slice %arg5[%add3A_92, %dma_start3A_148] : memref<10240x24xf32, #tpu.memory_space<hbm>> -> memref<128x24xf32, #tpu.memory_space<hbm>>
        tpu.enqueue_dma source(%arg8 : memref<128x24xf32, #tpu.memory_space<vmem>>) target(%dma_start3A_149 : memref<128x24xf32, #tpu.memory_space<hbm>>) target_semaphore(%run_scoped3A_145 : memref<!tpu.dma_semaphore, #tpu.memory_space<semaphore_mem>>)
        %dma_wait3A = arith.constant 0 : i32
        %dma_wait3A_150 = tpu.memref_slice %arg5[%add3A_92, %dma_wait3A] : memref<10240x24xf32, #tpu.memory_space<hbm>> -> memref<128x24xf32, #tpu.memory_space<hbm>>
        %dma_wait3A_151 = arith.constant 0 : i32
        %dma_wait3A_152 = tpu.memref_slice %arg5[%add3A_92, %dma_wait3A_151] : memref<10240x24xf32, #tpu.memory_space<hbm>> -> memref<128x24xf32, #tpu.memory_space<hbm>>
        tpu.wait_dma2 semaphore(%run_scoped3A_145 : memref<!tpu.dma_semaphore, #tpu.memory_space<semaphore_mem>>) src(%arg8 : memref<128x24xf32, #tpu.memory_space<vmem>>) dst(%dma_wait3A_152 : memref<128x24xf32, #tpu.memory_space<hbm>>)
        tpu.yield
      }) : () -> ()
    } else {
    }
    %mul3A_103 = arith.constant 640 : i32
    %mul3A_104 = arith.muli %arg1, %mul3A_103 : i32
    %add3A_105 = arith.constant 256 : i32
    %add3A_106 = arith.addi %mul3A_104, %add3A_105 : i32
    "tpu.region"() ({
      %run_scoped3A_145 = tpu.sem_alloc : memref<!tpu.dma_semaphore, #tpu.memory_space<semaphore_mem>>
      %dma_start3A_146 = arith.constant 0 : i32
      %dma_start3A_147 = tpu.memref_slice %arg11[%add3A_106, %dma_start3A_146] : memref<10240x24xf32, #tpu.memory_space<vmem_shared>> -> memref<128x24xf32, #tpu.memory_space<vmem_shared>>
      %dma_start3A_148 = arith.constant 0 : i32
      %dma_start3A_149 = tpu.memref_slice %arg11[%add3A_106, %dma_start3A_148] : memref<10240x24xf32, #tpu.memory_space<vmem_shared>> -> memref<128x24xf32, #tpu.memory_space<vmem_shared>>
      tpu.enqueue_dma source(%dma_start3A_149 : memref<128x24xf32, #tpu.memory_space<vmem_shared>>) target(%arg8 : memref<128x24xf32, #tpu.memory_space<vmem>>) target_semaphore(%run_scoped3A_145 : memref<!tpu.dma_semaphore, #tpu.memory_space<semaphore_mem>>)
      %dma_wait3A = arith.constant 0 : i32
      %dma_wait3A_150 = tpu.memref_slice %arg11[%add3A_106, %dma_wait3A] : memref<10240x24xf32, #tpu.memory_space<vmem_shared>> -> memref<128x24xf32, #tpu.memory_space<vmem_shared>>
      %dma_wait3A_151 = arith.constant 0 : i32
      %dma_wait3A_152 = tpu.memref_slice %arg11[%add3A_106, %dma_wait3A_151] : memref<10240x24xf32, #tpu.memory_space<vmem_shared>> -> memref<128x24xf32, #tpu.memory_space<vmem_shared>>
      tpu.wait_dma2 semaphore(%run_scoped3A_145 : memref<!tpu.dma_semaphore, #tpu.memory_space<semaphore_mem>>) src(%dma_wait3A_152 : memref<128x24xf32, #tpu.memory_space<vmem_shared>>) dst(%arg8 : memref<128x24xf32, #tpu.memory_space<vmem>>)
      tpu.yield
    }) : () -> ()
    %eq3A_107 = arith.constant 0 : i32
    %eq3A_108 = arith.cmpi eq, %arg0, %eq3A_107 : i32
    %convert_element_type3A_109 = arith.extui %eq3A_108 : i1 to i32
    %cond3A_110 = arith.constant 0 : i32
    %cond3A_111 = arith.cmpi ne, %convert_element_type3A_109, %cond3A_110 : i32
    scf.if %cond3A_111 {
      "tpu.region"() ({
        %run_scoped3A_145 = tpu.sem_alloc : memref<!tpu.dma_semaphore, #tpu.memory_space<semaphore_mem>>
        %dma_start3A_146 = arith.constant 0 : i32
        %dma_start3A_147 = tpu.memref_slice %arg4[%add3A_106, %dma_start3A_146] : memref<10240x24xf32, #tpu.memory_space<hbm>> -> memref<128x24xf32, #tpu.memory_space<hbm>>
        %dma_start3A_148 = arith.constant 0 : i32
        %dma_start3A_149 = tpu.memref_slice %arg4[%add3A_106, %dma_start3A_148] : memref<10240x24xf32, #tpu.memory_space<hbm>> -> memref<128x24xf32, #tpu.memory_space<hbm>>
        tpu.enqueue_dma source(%arg8 : memref<128x24xf32, #tpu.memory_space<vmem>>) target(%dma_start3A_149 : memref<128x24xf32, #tpu.memory_space<hbm>>) target_semaphore(%run_scoped3A_145 : memref<!tpu.dma_semaphore, #tpu.memory_space<semaphore_mem>>)
        %dma_wait3A = arith.constant 0 : i32
        %dma_wait3A_150 = tpu.memref_slice %arg4[%add3A_106, %dma_wait3A] : memref<10240x24xf32, #tpu.memory_space<hbm>> -> memref<128x24xf32, #tpu.memory_space<hbm>>
        %dma_wait3A_151 = arith.constant 0 : i32
        %dma_wait3A_152 = tpu.memref_slice %arg4[%add3A_106, %dma_wait3A_151] : memref<10240x24xf32, #tpu.memory_space<hbm>> -> memref<128x24xf32, #tpu.memory_space<hbm>>
        tpu.wait_dma2 semaphore(%run_scoped3A_145 : memref<!tpu.dma_semaphore, #tpu.memory_space<semaphore_mem>>) src(%arg8 : memref<128x24xf32, #tpu.memory_space<vmem>>) dst(%dma_wait3A_152 : memref<128x24xf32, #tpu.memory_space<hbm>>)
        tpu.yield
      }) : () -> ()
    } else {
    }
    %eq3A_112 = arith.constant 1 : i32
    %eq3A_113 = arith.cmpi eq, %arg0, %eq3A_112 : i32
    %convert_element_type3A_114 = arith.extui %eq3A_113 : i1 to i32
    %cond3A_115 = arith.constant 0 : i32
    %cond3A_116 = arith.cmpi ne, %convert_element_type3A_114, %cond3A_115 : i32
    scf.if %cond3A_116 {
      "tpu.region"() ({
        %run_scoped3A_145 = tpu.sem_alloc : memref<!tpu.dma_semaphore, #tpu.memory_space<semaphore_mem>>
        %dma_start3A_146 = arith.constant 0 : i32
        %dma_start3A_147 = tpu.memref_slice %arg5[%add3A_106, %dma_start3A_146] : memref<10240x24xf32, #tpu.memory_space<hbm>> -> memref<128x24xf32, #tpu.memory_space<hbm>>
        %dma_start3A_148 = arith.constant 0 : i32
        %dma_start3A_149 = tpu.memref_slice %arg5[%add3A_106, %dma_start3A_148] : memref<10240x24xf32, #tpu.memory_space<hbm>> -> memref<128x24xf32, #tpu.memory_space<hbm>>
        tpu.enqueue_dma source(%arg8 : memref<128x24xf32, #tpu.memory_space<vmem>>) target(%dma_start3A_149 : memref<128x24xf32, #tpu.memory_space<hbm>>) target_semaphore(%run_scoped3A_145 : memref<!tpu.dma_semaphore, #tpu.memory_space<semaphore_mem>>)
        %dma_wait3A = arith.constant 0 : i32
        %dma_wait3A_150 = tpu.memref_slice %arg5[%add3A_106, %dma_wait3A] : memref<10240x24xf32, #tpu.memory_space<hbm>> -> memref<128x24xf32, #tpu.memory_space<hbm>>
        %dma_wait3A_151 = arith.constant 0 : i32
        %dma_wait3A_152 = tpu.memref_slice %arg5[%add3A_106, %dma_wait3A_151] : memref<10240x24xf32, #tpu.memory_space<hbm>> -> memref<128x24xf32, #tpu.memory_space<hbm>>
        tpu.wait_dma2 semaphore(%run_scoped3A_145 : memref<!tpu.dma_semaphore, #tpu.memory_space<semaphore_mem>>) src(%arg8 : memref<128x24xf32, #tpu.memory_space<vmem>>) dst(%dma_wait3A_152 : memref<128x24xf32, #tpu.memory_space<hbm>>)
        tpu.yield
      }) : () -> ()
    } else {
    }
    %mul3A_117 = arith.constant 640 : i32
    %mul3A_118 = arith.muli %arg1, %mul3A_117 : i32
    %add3A_119 = arith.constant 384 : i32
    %add3A_120 = arith.addi %mul3A_118, %add3A_119 : i32
    "tpu.region"() ({
      %run_scoped3A_145 = tpu.sem_alloc : memref<!tpu.dma_semaphore, #tpu.memory_space<semaphore_mem>>
      %dma_start3A_146 = arith.constant 0 : i32
      %dma_start3A_147 = tpu.memref_slice %arg11[%add3A_120, %dma_start3A_146] : memref<10240x24xf32, #tpu.memory_space<vmem_shared>> -> memref<128x24xf32, #tpu.memory_space<vmem_shared>>
      %dma_start3A_148 = arith.constant 0 : i32
      %dma_start3A_149 = tpu.memref_slice %arg11[%add3A_120, %dma_start3A_148] : memref<10240x24xf32, #tpu.memory_space<vmem_shared>> -> memref<128x24xf32, #tpu.memory_space<vmem_shared>>
      tpu.enqueue_dma source(%dma_start3A_149 : memref<128x24xf32, #tpu.memory_space<vmem_shared>>) target(%arg8 : memref<128x24xf32, #tpu.memory_space<vmem>>) target_semaphore(%run_scoped3A_145 : memref<!tpu.dma_semaphore, #tpu.memory_space<semaphore_mem>>)
      %dma_wait3A = arith.constant 0 : i32
      %dma_wait3A_150 = tpu.memref_slice %arg11[%add3A_120, %dma_wait3A] : memref<10240x24xf32, #tpu.memory_space<vmem_shared>> -> memref<128x24xf32, #tpu.memory_space<vmem_shared>>
      %dma_wait3A_151 = arith.constant 0 : i32
      %dma_wait3A_152 = tpu.memref_slice %arg11[%add3A_120, %dma_wait3A_151] : memref<10240x24xf32, #tpu.memory_space<vmem_shared>> -> memref<128x24xf32, #tpu.memory_space<vmem_shared>>
      tpu.wait_dma2 semaphore(%run_scoped3A_145 : memref<!tpu.dma_semaphore, #tpu.memory_space<semaphore_mem>>) src(%dma_wait3A_152 : memref<128x24xf32, #tpu.memory_space<vmem_shared>>) dst(%arg8 : memref<128x24xf32, #tpu.memory_space<vmem>>)
      tpu.yield
    }) : () -> ()
    %eq3A_121 = arith.constant 0 : i32
    %eq3A_122 = arith.cmpi eq, %arg0, %eq3A_121 : i32
    %convert_element_type3A_123 = arith.extui %eq3A_122 : i1 to i32
    %cond3A_124 = arith.constant 0 : i32
    %cond3A_125 = arith.cmpi ne, %convert_element_type3A_123, %cond3A_124 : i32
    scf.if %cond3A_125 {
      "tpu.region"() ({
        %run_scoped3A_145 = tpu.sem_alloc : memref<!tpu.dma_semaphore, #tpu.memory_space<semaphore_mem>>
        %dma_start3A_146 = arith.constant 0 : i32
        %dma_start3A_147 = tpu.memref_slice %arg4[%add3A_120, %dma_start3A_146] : memref<10240x24xf32, #tpu.memory_space<hbm>> -> memref<128x24xf32, #tpu.memory_space<hbm>>
        %dma_start3A_148 = arith.constant 0 : i32
        %dma_start3A_149 = tpu.memref_slice %arg4[%add3A_120, %dma_start3A_148] : memref<10240x24xf32, #tpu.memory_space<hbm>> -> memref<128x24xf32, #tpu.memory_space<hbm>>
        tpu.enqueue_dma source(%arg8 : memref<128x24xf32, #tpu.memory_space<vmem>>) target(%dma_start3A_149 : memref<128x24xf32, #tpu.memory_space<hbm>>) target_semaphore(%run_scoped3A_145 : memref<!tpu.dma_semaphore, #tpu.memory_space<semaphore_mem>>)
        %dma_wait3A = arith.constant 0 : i32
        %dma_wait3A_150 = tpu.memref_slice %arg4[%add3A_120, %dma_wait3A] : memref<10240x24xf32, #tpu.memory_space<hbm>> -> memref<128x24xf32, #tpu.memory_space<hbm>>
        %dma_wait3A_151 = arith.constant 0 : i32
        %dma_wait3A_152 = tpu.memref_slice %arg4[%add3A_120, %dma_wait3A_151] : memref<10240x24xf32, #tpu.memory_space<hbm>> -> memref<128x24xf32, #tpu.memory_space<hbm>>
        tpu.wait_dma2 semaphore(%run_scoped3A_145 : memref<!tpu.dma_semaphore, #tpu.memory_space<semaphore_mem>>) src(%arg8 : memref<128x24xf32, #tpu.memory_space<vmem>>) dst(%dma_wait3A_152 : memref<128x24xf32, #tpu.memory_space<hbm>>)
        tpu.yield
      }) : () -> ()
    } else {
    }
    %eq3A_126 = arith.constant 1 : i32
    %eq3A_127 = arith.cmpi eq, %arg0, %eq3A_126 : i32
    %convert_element_type3A_128 = arith.extui %eq3A_127 : i1 to i32
    %cond3A_129 = arith.constant 0 : i32
    %cond3A_130 = arith.cmpi ne, %convert_element_type3A_128, %cond3A_129 : i32
    scf.if %cond3A_130 {
      "tpu.region"() ({
        %run_scoped3A_145 = tpu.sem_alloc : memref<!tpu.dma_semaphore, #tpu.memory_space<semaphore_mem>>
        %dma_start3A_146 = arith.constant 0 : i32
        %dma_start3A_147 = tpu.memref_slice %arg5[%add3A_120, %dma_start3A_146] : memref<10240x24xf32, #tpu.memory_space<hbm>> -> memref<128x24xf32, #tpu.memory_space<hbm>>
        %dma_start3A_148 = arith.constant 0 : i32
        %dma_start3A_149 = tpu.memref_slice %arg5[%add3A_120, %dma_start3A_148] : memref<10240x24xf32, #tpu.memory_space<hbm>> -> memref<128x24xf32, #tpu.memory_space<hbm>>
        tpu.enqueue_dma source(%arg8 : memref<128x24xf32, #tpu.memory_space<vmem>>) target(%dma_start3A_149 : memref<128x24xf32, #tpu.memory_space<hbm>>) target_semaphore(%run_scoped3A_145 : memref<!tpu.dma_semaphore, #tpu.memory_space<semaphore_mem>>)
        %dma_wait3A = arith.constant 0 : i32
        %dma_wait3A_150 = tpu.memref_slice %arg5[%add3A_120, %dma_wait3A] : memref<10240x24xf32, #tpu.memory_space<hbm>> -> memref<128x24xf32, #tpu.memory_space<hbm>>
        %dma_wait3A_151 = arith.constant 0 : i32
        %dma_wait3A_152 = tpu.memref_slice %arg5[%add3A_120, %dma_wait3A_151] : memref<10240x24xf32, #tpu.memory_space<hbm>> -> memref<128x24xf32, #tpu.memory_space<hbm>>
        tpu.wait_dma2 semaphore(%run_scoped3A_145 : memref<!tpu.dma_semaphore, #tpu.memory_space<semaphore_mem>>) src(%arg8 : memref<128x24xf32, #tpu.memory_space<vmem>>) dst(%dma_wait3A_152 : memref<128x24xf32, #tpu.memory_space<hbm>>)
        tpu.yield
      }) : () -> ()
    } else {
    }
    %mul3A_131 = arith.constant 640 : i32
    %mul3A_132 = arith.muli %arg1, %mul3A_131 : i32
    %add3A_133 = arith.constant 512 : i32
    %add3A_134 = arith.addi %mul3A_132, %add3A_133 : i32
    "tpu.region"() ({
      %run_scoped3A_145 = tpu.sem_alloc : memref<!tpu.dma_semaphore, #tpu.memory_space<semaphore_mem>>
      %dma_start3A_146 = arith.constant 0 : i32
      %dma_start3A_147 = tpu.memref_slice %arg11[%add3A_134, %dma_start3A_146] : memref<10240x24xf32, #tpu.memory_space<vmem_shared>> -> memref<128x24xf32, #tpu.memory_space<vmem_shared>>
      %dma_start3A_148 = arith.constant 0 : i32
      %dma_start3A_149 = tpu.memref_slice %arg11[%add3A_134, %dma_start3A_148] : memref<10240x24xf32, #tpu.memory_space<vmem_shared>> -> memref<128x24xf32, #tpu.memory_space<vmem_shared>>
      tpu.enqueue_dma source(%dma_start3A_149 : memref<128x24xf32, #tpu.memory_space<vmem_shared>>) target(%arg8 : memref<128x24xf32, #tpu.memory_space<vmem>>) target_semaphore(%run_scoped3A_145 : memref<!tpu.dma_semaphore, #tpu.memory_space<semaphore_mem>>)
      %dma_wait3A = arith.constant 0 : i32
      %dma_wait3A_150 = tpu.memref_slice %arg11[%add3A_134, %dma_wait3A] : memref<10240x24xf32, #tpu.memory_space<vmem_shared>> -> memref<128x24xf32, #tpu.memory_space<vmem_shared>>
      %dma_wait3A_151 = arith.constant 0 : i32
      %dma_wait3A_152 = tpu.memref_slice %arg11[%add3A_134, %dma_wait3A_151] : memref<10240x24xf32, #tpu.memory_space<vmem_shared>> -> memref<128x24xf32, #tpu.memory_space<vmem_shared>>
      tpu.wait_dma2 semaphore(%run_scoped3A_145 : memref<!tpu.dma_semaphore, #tpu.memory_space<semaphore_mem>>) src(%dma_wait3A_152 : memref<128x24xf32, #tpu.memory_space<vmem_shared>>) dst(%arg8 : memref<128x24xf32, #tpu.memory_space<vmem>>)
      tpu.yield
    }) : () -> ()
    %eq3A_135 = arith.constant 0 : i32
    %eq3A_136 = arith.cmpi eq, %arg0, %eq3A_135 : i32
    %convert_element_type3A_137 = arith.extui %eq3A_136 : i1 to i32
    %cond3A_138 = arith.constant 0 : i32
    %cond3A_139 = arith.cmpi ne, %convert_element_type3A_137, %cond3A_138 : i32
    scf.if %cond3A_139 {
      "tpu.region"() ({
        %run_scoped3A_145 = tpu.sem_alloc : memref<!tpu.dma_semaphore, #tpu.memory_space<semaphore_mem>>
        %dma_start3A_146 = arith.constant 0 : i32
        %dma_start3A_147 = tpu.memref_slice %arg4[%add3A_134, %dma_start3A_146] : memref<10240x24xf32, #tpu.memory_space<hbm>> -> memref<128x24xf32, #tpu.memory_space<hbm>>
        %dma_start3A_148 = arith.constant 0 : i32
        %dma_start3A_149 = tpu.memref_slice %arg4[%add3A_134, %dma_start3A_148] : memref<10240x24xf32, #tpu.memory_space<hbm>> -> memref<128x24xf32, #tpu.memory_space<hbm>>
        tpu.enqueue_dma source(%arg8 : memref<128x24xf32, #tpu.memory_space<vmem>>) target(%dma_start3A_149 : memref<128x24xf32, #tpu.memory_space<hbm>>) target_semaphore(%run_scoped3A_145 : memref<!tpu.dma_semaphore, #tpu.memory_space<semaphore_mem>>)
        %dma_wait3A = arith.constant 0 : i32
        %dma_wait3A_150 = tpu.memref_slice %arg4[%add3A_134, %dma_wait3A] : memref<10240x24xf32, #tpu.memory_space<hbm>> -> memref<128x24xf32, #tpu.memory_space<hbm>>
        %dma_wait3A_151 = arith.constant 0 : i32
        %dma_wait3A_152 = tpu.memref_slice %arg4[%add3A_134, %dma_wait3A_151] : memref<10240x24xf32, #tpu.memory_space<hbm>> -> memref<128x24xf32, #tpu.memory_space<hbm>>
        tpu.wait_dma2 semaphore(%run_scoped3A_145 : memref<!tpu.dma_semaphore, #tpu.memory_space<semaphore_mem>>) src(%arg8 : memref<128x24xf32, #tpu.memory_space<vmem>>) dst(%dma_wait3A_152 : memref<128x24xf32, #tpu.memory_space<hbm>>)
        tpu.yield
      }) : () -> ()
    } else {
    }
    %eq3A_140 = arith.constant 1 : i32
    %eq3A_141 = arith.cmpi eq, %arg0, %eq3A_140 : i32
    %convert_element_type3A_142 = arith.extui %eq3A_141 : i1 to i32
    %cond3A_143 = arith.constant 0 : i32
    %cond3A_144 = arith.cmpi ne, %convert_element_type3A_142, %cond3A_143 : i32
    scf.if %cond3A_144 {
      "tpu.region"() ({
        %run_scoped3A_145 = tpu.sem_alloc : memref<!tpu.dma_semaphore, #tpu.memory_space<semaphore_mem>>
        %dma_start3A_146 = arith.constant 0 : i32
        %dma_start3A_147 = tpu.memref_slice %arg5[%add3A_134, %dma_start3A_146] : memref<10240x24xf32, #tpu.memory_space<hbm>> -> memref<128x24xf32, #tpu.memory_space<hbm>>
        %dma_start3A_148 = arith.constant 0 : i32
        %dma_start3A_149 = tpu.memref_slice %arg5[%add3A_134, %dma_start3A_148] : memref<10240x24xf32, #tpu.memory_space<hbm>> -> memref<128x24xf32, #tpu.memory_space<hbm>>
        tpu.enqueue_dma source(%arg8 : memref<128x24xf32, #tpu.memory_space<vmem>>) target(%dma_start3A_149 : memref<128x24xf32, #tpu.memory_space<hbm>>) target_semaphore(%run_scoped3A_145 : memref<!tpu.dma_semaphore, #tpu.memory_space<semaphore_mem>>)
        %dma_wait3A = arith.constant 0 : i32
        %dma_wait3A_150 = tpu.memref_slice %arg5[%add3A_134, %dma_wait3A] : memref<10240x24xf32, #tpu.memory_space<hbm>> -> memref<128x24xf32, #tpu.memory_space<hbm>>
        %dma_wait3A_151 = arith.constant 0 : i32
        %dma_wait3A_152 = tpu.memref_slice %arg5[%add3A_134, %dma_wait3A_151] : memref<10240x24xf32, #tpu.memory_space<hbm>> -> memref<128x24xf32, #tpu.memory_space<hbm>>
        tpu.wait_dma2 semaphore(%run_scoped3A_145 : memref<!tpu.dma_semaphore, #tpu.memory_space<semaphore_mem>>) src(%arg8 : memref<128x24xf32, #tpu.memory_space<vmem>>) dst(%dma_wait3A_152 : memref<128x24xf32, #tpu.memory_space<hbm>>)
        tpu.yield
      }) : () -> ()
    } else {
    }
    return
  }
}

module attributes {stable_mosaic.version = 14 : i64} {
  func.func @_tc1a_body(%arg0: i32, %arg1: memref<1280x128xf32, #tpu.memory_space<vmem>>, %arg2: memref<128x128xf32, #tpu.memory_space<vmem>>, %arg3: memref<1280x128xf32, #tpu.memory_space<vmem>>) attributes {dimension_semantics = [#tpu.dimension_semantics<arbitrary>], iteration_bounds = array<i64: 8>, scalar_prefetch = 0 : i64, scratch_operands = 0 : i64, tpu.core_type = #tpu.core_type<tc>, window_params = [{transform_indices = @transform_0, window_bounds = array<i64: 1280, 128>}, {pipeline_mode = #tpu.pipeline_mode<synchronous>, transform_indices = @transform_1, window_bounds = array<i64: 128, 128>}, {transform_indices = @transform_2, window_bounds = array<i64: 1280, 128>}]} {
    %get3A = arith.constant 0 : index
    %get3A_0 = arith.constant 0 : index
    %get3A_1 = vector.load %arg1[%get3A, %get3A_0] : memref<1280x128xf32, #tpu.memory_space<vmem>>, vector<1280x128xf32>
    %get3A_2 = arith.constant 0 : index
    %get3A_3 = arith.constant 0 : index
    %get3A_4 = vector.load %arg2[%get3A_2, %get3A_3] : memref<128x128xf32, #tpu.memory_space<vmem>>, vector<128x128xf32>
    %dot_general3A = arith.constant dense<0.000000e+00> : vector<1280x128xf32>
    %dot_general3A_5 = tpu.matmul %get3A_1, %get3A_4, %dot_general3A {dimension_numbers = #tpu.dot_dimension_numbers<[1], [1], [0], [0], [0, 0, 1, 0], [], []>, transpose_lhs_hint = false} : vector<1280x128xf32>, vector<128x128xf32>, vector<1280x128xf32> -> vector<1280x128xf32>
    %swap3A = arith.constant 0 : index
    %swap3A_6 = arith.constant 0 : index
    %swap3A_7 = vector.load %arg3[%swap3A, %swap3A_6] : memref<1280x128xf32, #tpu.memory_space<vmem>>, vector<1280x128xf32>
    tpu.vector_store %arg3[%swap3A, %swap3A_6], %dot_general3A_5 {strides = array<i32>} : memref<1280x128xf32, #tpu.memory_space<vmem>>, vector<1280x128xf32>,
    return
  }
  func.func @transform_0(%arg0: i32) -> (i32, i32) {
    %c0_i32 = arith.constant 0 : i32
    %c0_i32_0 = arith.constant 0 : i32
    return %arg0, %c0_i32 : i32, i32
  }
  func.func @transform_1(%arg0: i32) -> (i32, i32) {
    %c0_i32 = arith.constant 0 : i32
    %c0_i32_0 = arith.constant 0 : i32
    %c0_i32_1 = arith.constant 0 : i32
    return %c0_i32, %c0_i32_0 : i32, i32
  }
  func.func @transform_2(%arg0: i32) -> (i32, i32) {
    %c0_i32 = arith.constant 0 : i32
    %c0_i32_0 = arith.constant 0 : i32
    return %arg0, %c0_i32 : i32, i32
  }
}

module attributes {stable_mosaic.version = 14 : i64} {
  func.func @_tc1b_body(%arg0: i32, %arg1: memref<1280x128xf32, #tpu.memory_space<vmem>>, %arg2: memref<1280x1xf32, #tpu.memory_space<vmem>>, %arg3: memref<1280x1xf32, #tpu.memory_space<vmem>>, %arg4: memref<1280x128xf32, #tpu.memory_space<vmem>>, %arg5: memref<1280x1xf32, #tpu.memory_space<vmem>>) attributes {dimension_semantics = [#tpu.dimension_semantics<arbitrary>], iteration_bounds = array<i64: 8>, scalar_prefetch = 0 : i64, scratch_operands = 0 : i64, tpu.core_type = #tpu.core_type<tc>, window_params = [{transform_indices = @transform_0, window_bounds = array<i64: 1280, 128>}, {transform_indices = @transform_1, window_bounds = array<i64: 1280, 1>}, {transform_indices = @transform_2, window_bounds = array<i64: 1280, 1>}, {transform_indices = @transform_3, window_bounds = array<i64: 1280, 128>}, {transform_indices = @transform_4, window_bounds = array<i64: 1280, 1>}]} {
    %get3A = arith.constant 0 : index
    %get3A_0 = arith.constant 0 : index
    %get3A_1 = vector.load %arg2[%get3A, %get3A_0] : memref<1280x1xf32, #tpu.memory_space<vmem>>, vector<1280x1xf32>
    %get3A_2 = arith.constant 0 : index
    %get3A_3 = arith.constant 0 : index
    %get3A_4 = vector.load %arg3[%get3A_2, %get3A_3] : memref<1280x1xf32, #tpu.memory_space<vmem>>, vector<1280x1xf32>
    %add3A = arith.addf %get3A_1, %get3A_4 : vector<1280x1xf32>
    %add3A_5 = arith.constant 1.000000e+00 : f32
    %add3A_6 = vector.broadcast %add3A_5 : f32 to vector<1280x1xf32>
    %add3A_7 = arith.addf %add3A, %add3A_6 : vector<1280x1xf32>
    %max3A = arith.constant 1.000000e+00 : f32
    %max3A_8 = vector.broadcast %max3A : f32 to vector<1280x1xf32>
    %max3A_9 = arith.maximumf %add3A_7, %max3A_8 : vector<1280x1xf32>
    %rsqrt3A = math.rsqrt %max3A_9 : vector<1280x1xf32>
    %get3A_10 = arith.constant 0 : index
    %get3A_11 = arith.constant 0 : index
    %get3A_12 = vector.load %arg1[%get3A_10, %get3A_11] : memref<1280x128xf32, #tpu.memory_space<vmem>>, vector<1280x128xf32>
    %mul3A = vector.broadcast %rsqrt3A : vector<1280x1xf32> to vector<1280x128xf32>
    %mul3A_13 = arith.mulf %mul3A, %get3A_12 : vector<1280x128xf32>
    %swap3A = arith.constant 0 : index
    %swap3A_14 = arith.constant 0 : index
    %swap3A_15 = vector.load %arg4[%swap3A, %swap3A_14] : memref<1280x128xf32, #tpu.memory_space<vmem>>, vector<1280x128xf32>
    tpu.vector_store %arg4[%swap3A, %swap3A_14], %mul3A_13 {strides = array<i32>} : memref<1280x128xf32, #tpu.memory_space<vmem>>, vector<1280x128xf32>,
    %swap3A_16 = arith.constant 0 : index
    %swap3A_17 = arith.constant 0 : index
    %swap3A_18 = vector.load %arg5[%swap3A_16, %swap3A_17] : memref<1280x1xf32, #tpu.memory_space<vmem>>, vector<1280x1xf32>
    tpu.vector_store %arg5[%swap3A_16, %swap3A_17], %rsqrt3A {strides = array<i32>} : memref<1280x1xf32, #tpu.memory_space<vmem>>, vector<1280x1xf32>,
    return
  }
  func.func @transform_0(%arg0: i32) -> (i32, i32) {
    %c0_i32 = arith.constant 0 : i32
    %c0_i32_0 = arith.constant 0 : i32
    return %arg0, %c0_i32 : i32, i32
  }
  func.func @transform_1(%arg0: i32) -> (i32, i32) {
    %c0_i32 = arith.constant 0 : i32
    %c0_i32_0 = arith.constant 0 : i32
    return %arg0, %c0_i32 : i32, i32
  }
  func.func @transform_2(%arg0: i32) -> (i32, i32) {
    %c0_i32 = arith.constant 0 : i32
    %c0_i32_0 = arith.constant 0 : i32
    return %arg0, %c0_i32 : i32, i32
  }
  func.func @transform_3(%arg0: i32) -> (i32, i32) {
    %c0_i32 = arith.constant 0 : i32
    %c0_i32_0 = arith.constant 0 : i32
    return %arg0, %c0_i32 : i32, i32
  }
  func.func @transform_4(%arg0: i32) -> (i32, i32) {
    %c0_i32 = arith.constant 0 : i32
    %c0_i32_0 = arith.constant 0 : i32
    return %arg0, %c0_i32 : i32, i32
  }
}

module attributes {stable_mosaic.version = 14 : i64} {
  func.func @_tc2_body(%arg0: i32, %arg1: memref<1280x64xf32, #tpu.memory_space<vmem>>, %arg2: memref<1280x64xf32, #tpu.memory_space<vmem>>, %arg3: memref<1280x128xf32, #tpu.memory_space<vmem>>, %arg4: memref<1280x1xf32, #tpu.memory_space<vmem>>, %arg5: memref<1x128xf32, #tpu.memory_space<vmem>>, %arg6: memref<48x128xf32, #tpu.memory_space<vmem>>, %arg7: memref<1280x48xf32, #tpu.memory_space<vmem>>) attributes {dimension_semantics = [#tpu.dimension_semantics<arbitrary>], iteration_bounds = array<i64: 8>, scalar_prefetch = 0 : i64, scratch_operands = 0 : i64, tpu.core_type = #tpu.core_type<tc>, window_params = [{transform_indices = @transform_0, window_bounds = array<i64: 1280, 64>}, {transform_indices = @transform_1, window_bounds = array<i64: 1280, 64>}, {transform_indices = @transform_2, window_bounds = array<i64: 1280, 128>}, {transform_indices = @transform_3, window_bounds = array<i64: 1280, 1>}, {pipeline_mode = #tpu.pipeline_mode<synchronous>, transform_indices = @transform_4, window_bounds = array<i64: 1, 128>}, {pipeline_mode = #tpu.pipeline_mode<synchronous>, transform_indices = @transform_5, window_bounds = array<i64: 48, 128>}, {transform_indices = @transform_6, window_bounds = array<i64: 1280, 48>}]} {
    %get3A = arith.constant 0 : index
    %get3A_0 = arith.constant 0 : index
    %get3A_1 = vector.load %arg4[%get3A, %get3A_0] : memref<1280x1xf32, #tpu.memory_space<vmem>>, vector<1280x1xf32>
    %get3A_2 = arith.constant 0 : index
    %get3A_3 = arith.constant 0 : index
    %get3A_4 = vector.load %arg1[%get3A_2, %get3A_3] : memref<1280x64xf32, #tpu.memory_space<vmem>>, vector<1280x64xf32>
    %get3A_5 = arith.constant 0 : index
    %get3A_6 = arith.constant 0 : index
    %get3A_7 = vector.load %arg2[%get3A_5, %get3A_6] : memref<1280x64xf32, #tpu.memory_space<vmem>>, vector<1280x64xf32>
    %concatenate3A = tpu.concatenate %get3A_4, %get3A_7 in 1 : vector<1280x64xf32>, vector<1280x64xf32> -> vector<1280x128xf32>
    %get3A_8 = arith.constant 0 : index
    %get3A_9 = arith.constant 0 : index
    %get3A_10 = vector.load %arg3[%get3A_8, %get3A_9] : memref<1280x128xf32, #tpu.memory_space<vmem>>, vector<1280x128xf32>
    %add3A = arith.addf %concatenate3A, %get3A_10 : vector<1280x128xf32>
    %mul3A = vector.broadcast %get3A_1 : vector<1280x1xf32> to vector<1280x128xf32>
    %mul3A_11 = arith.mulf %add3A, %mul3A : vector<1280x128xf32>
    %get3A_12 = arith.constant 0 : index
    %get3A_13 = arith.constant 0 : index
    %get3A_14 = vector.load %arg5[%get3A_12, %get3A_13] : memref<1x128xf32, #tpu.memory_space<vmem>>, vector<1x128xf32>
    %add3A_15 = vector.broadcast %get3A_14 : vector<1x128xf32> to vector<1280x128xf32>
    %add3A_16 = arith.addf %mul3A_11, %add3A_15 : vector<1280x128xf32>
    %max3A = arith.constant 0.000000e+00 : f32
    %max3A_17 = vector.broadcast %max3A : f32 to vector<1280x128xf32>
    %max3A_18 = arith.maximumf %add3A_16, %max3A_17 : vector<1280x128xf32>
    %get3A_19 = arith.constant 0 : index
    %get3A_20 = arith.constant 0 : index
    %get3A_21 = vector.load %arg6[%get3A_19, %get3A_20] : memref<48x128xf32, #tpu.memory_space<vmem>>, vector<48x128xf32>
    %dot_general3A = arith.constant dense<0.000000e+00> : vector<1280x48xf32>
    %dot_general3A_22 = tpu.matmul %max3A_18, %get3A_21, %dot_general3A {dimension_numbers = #tpu.dot_dimension_numbers<[1], [1], [0], [0], [0, 0, 1, 0], [], []>, transpose_lhs_hint = false} : vector<1280x128xf32>, vector<48x128xf32>, vector<1280x48xf32> -> vector<1280x48xf32>
    %mul3A_23 = vector.broadcast %get3A_1 : vector<1280x1xf32> to vector<1280x48xf32>
    %mul3A_24 = arith.mulf %mul3A_23, %dot_general3A_22 : vector<1280x48xf32>
    %swap3A = arith.constant 0 : index
    %swap3A_25 = arith.constant 0 : index
    %swap3A_26 = vector.load %arg7[%swap3A, %swap3A_25] : memref<1280x48xf32, #tpu.memory_space<vmem>>, vector<1280x48xf32>
    tpu.vector_store %arg7[%swap3A, %swap3A_25], %mul3A_24 {strides = array<i32>} : memref<1280x48xf32, #tpu.memory_space<vmem>>, vector<1280x48xf32>,
    return
  }
  func.func @transform_0(%arg0: i32) -> (i32, i32) {
    %c0_i32 = arith.constant 0 : i32
    %c0_i32_0 = arith.constant 0 : i32
    return %arg0, %c0_i32 : i32, i32
  }
  func.func @transform_1(%arg0: i32) -> (i32, i32) {
    %c0_i32 = arith.constant 0 : i32
    %c0_i32_0 = arith.constant 0 : i32
    return %arg0, %c0_i32 : i32, i32
  }
  func.func @transform_2(%arg0: i32) -> (i32, i32) {
    %c0_i32 = arith.constant 0 : i32
    %c0_i32_0 = arith.constant 0 : i32
    return %arg0, %c0_i32 : i32, i32
  }
  func.func @transform_3(%arg0: i32) -> (i32, i32) {
    %c0_i32 = arith.constant 0 : i32
    %c0_i32_0 = arith.constant 0 : i32
    return %arg0, %c0_i32 : i32, i32
  }
  func.func @transform_4(%arg0: i32) -> (i32, i32) {
    %c0_i32 = arith.constant 0 : i32
    %c0_i32_0 = arith.constant 0 : i32
    %c0_i32_1 = arith.constant 0 : i32
    return %c0_i32, %c0_i32_0 : i32, i32
  }
  func.func @transform_5(%arg0: i32) -> (i32, i32) {
    %c0_i32 = arith.constant 0 : i32
    %c0_i32_0 = arith.constant 0 : i32
    %c0_i32_1 = arith.constant 0 : i32
    return %c0_i32, %c0_i32_0 : i32, i32
  }
  func.func @transform_6(%arg0: i32) -> (i32, i32) {
    %c0_i32 = arith.constant 0 : i32
    %c0_i32_0 = arith.constant 0 : i32
    return %arg0, %c0_i32 : i32, i32
  }
}

module attributes {stable_mosaic.version = 14 : i64} {
  func.func @_tc3_body(%arg0: i32, %arg1: memref<1280x24xf32, #tpu.memory_space<vmem>>, %arg2: memref<1280x24xf32, #tpu.memory_space<vmem>>, %arg3: memref<1280x48xf32, #tpu.memory_space<vmem>>, %arg4: memref<1280x1xf32, #tpu.memory_space<vmem>>, %arg5: memref<1x48xf32, #tpu.memory_space<vmem>>, %arg6: memref<1280x40xf32, #tpu.memory_space<vmem>>) attributes {dimension_semantics = [#tpu.dimension_semantics<arbitrary>], iteration_bounds = array<i64: 8>, scalar_prefetch = 0 : i64, scratch_operands = 0 : i64, tpu.core_type = #tpu.core_type<tc>, window_params = [{transform_indices = @transform_0, window_bounds = array<i64: 1280, 24>}, {transform_indices = @transform_1, window_bounds = array<i64: 1280, 24>}, {transform_indices = @transform_2, window_bounds = array<i64: 1280, 48>}, {transform_indices = @transform_3, window_bounds = array<i64: 1280, 1>}, {pipeline_mode = #tpu.pipeline_mode<synchronous>, transform_indices = @transform_4, window_bounds = array<i64: 1, 48>}, {transform_indices = @transform_5, window_bounds = array<i64: 1280, 40>}]} {
    %get3A = arith.constant 0 : index
    %get3A_0 = arith.constant 0 : index
    %get3A_1 = vector.load %arg1[%get3A, %get3A_0] : memref<1280x24xf32, #tpu.memory_space<vmem>>, vector<1280x24xf32>
    %get3A_2 = arith.constant 0 : index
    %get3A_3 = arith.constant 0 : index
    %get3A_4 = vector.load %arg2[%get3A_2, %get3A_3] : memref<1280x24xf32, #tpu.memory_space<vmem>>, vector<1280x24xf32>
    %concatenate3A = tpu.concatenate %get3A_1, %get3A_4 in 1 : vector<1280x24xf32>, vector<1280x24xf32> -> vector<1280x48xf32>
    %get3A_5 = arith.constant 0 : index
    %get3A_6 = arith.constant 0 : index
    %get3A_7 = vector.load %arg3[%get3A_5, %get3A_6] : memref<1280x48xf32, #tpu.memory_space<vmem>>, vector<1280x48xf32>
    %add3A = arith.addf %concatenate3A, %get3A_7 : vector<1280x48xf32>
    %get3A_8 = arith.constant 0 : index
    %get3A_9 = arith.constant 0 : index
    %get3A_10 = vector.load %arg4[%get3A_8, %get3A_9] : memref<1280x1xf32, #tpu.memory_space<vmem>>, vector<1280x1xf32>
    %mul3A = vector.broadcast %get3A_10 : vector<1280x1xf32> to vector<1280x48xf32>
    %mul3A_11 = arith.mulf %add3A, %mul3A : vector<1280x48xf32>
    %get3A_12 = arith.constant 0 : index
    %get3A_13 = arith.constant 0 : index
    %get3A_14 = vector.load %arg5[%get3A_12, %get3A_13] : memref<1x48xf32, #tpu.memory_space<vmem>>, vector<1x48xf32>
    %add3A_15 = vector.broadcast %get3A_14 : vector<1x48xf32> to vector<1280x48xf32>
    %add3A_16 = arith.addf %mul3A_11, %add3A_15 : vector<1280x48xf32>
    %slice3A = vector.extract_strided_slice %add3A_16 {offsets = [0, 0], sizes = [1280, 40], strides = [1, 1]} : vector<1280x48xf32> to vector<1280x40xf32>
    %swap3A = arith.constant 0 : index
    %swap3A_17 = arith.constant 0 : index
    %swap3A_18 = vector.load %arg6[%swap3A, %swap3A_17] : memref<1280x40xf32, #tpu.memory_space<vmem>>, vector<1280x40xf32>
    tpu.vector_store %arg6[%swap3A, %swap3A_17], %slice3A {strides = array<i32>} : memref<1280x40xf32, #tpu.memory_space<vmem>>, vector<1280x40xf32>,
    return
  }
  func.func @transform_0(%arg0: i32) -> (i32, i32) {
    %c0_i32 = arith.constant 0 : i32
    %c0_i32_0 = arith.constant 0 : i32
    return %arg0, %c0_i32 : i32, i32
  }
  func.func @transform_1(%arg0: i32) -> (i32, i32) {
    %c0_i32 = arith.constant 0 : i32
    %c0_i32_0 = arith.constant 0 : i32
    return %arg0, %c0_i32 : i32, i32
  }
  func.func @transform_2(%arg0: i32) -> (i32, i32) {
    %c0_i32 = arith.constant 0 : i32
    %c0_i32_0 = arith.constant 0 : i32
    return %arg0, %c0_i32 : i32, i32
  }
  func.func @transform_3(%arg0: i32) -> (i32, i32) {
    %c0_i32 = arith.constant 0 : i32
    %c0_i32_0 = arith.constant 0 : i32
    return %arg0, %c0_i32 : i32, i32
  }
  func.func @transform_4(%arg0: i32) -> (i32, i32) {
    %c0_i32 = arith.constant 0 : i32
    %c0_i32_0 = arith.constant 0 : i32
    %c0_i32_1 = arith.constant 0 : i32
    return %c0_i32, %c0_i32_0 : i32, i32
  }
  func.func @transform_5(%arg0: i32) -> (i32, i32) {
    %c0_i32 = arith.constant 0 : i32
    %c0_i32_0 = arith.constant 0 : i32
    return %arg0, %c0_i32 : i32, i32
  }
}

</mosaic_0001>

<sc_bundles>
// kernel: kernel.12.cloned.1.call-start
scs
__scs_entry_jumppad:
0x0: {  	(pc) =	sbr.rel $0x88, $3  }
0x1: {  	(tag) =	ssettag $0x0;
	lr =	simm.s32 $0x1  }
0x2: {  	[smem:$0x3F9B] =	sst lr;
	_ =	strace $0xD0000000  }
0x3: {  	_ = 	snop  }
0x4: {  	_ = 	snop  }
0x5: {  	_ = 	snop  }
0x6: {  	_ = 	snop  }
0x7: {  	_ = 	snop  }
__scs_overlays_trampoline_lowered:
0x8: {  	[smem:$0x3FAA] =	sst s0  }
0x9: {  	[smem:$0x3FAB] =	sst s1  }
0xa: {  	[smem:$0x3FAC] =	sst s2  }
0xb: {  	[smem:$0x3FAD] =	sst s3  }
0xc: {  	[smem:$0x3FAE] =	sst s4  }
0xd: {  	[smem:$0x3FAF] =	sst s5  }
0xe: {  	[smem:$0x3FB0] =	sst s6  }
0xf: {  	[smem:$0x3FB1] =	sst s7  }
0x10: {  	[smem:$0x3FB2] =	sst s8  }
0x11: {  	[smem:$0x3FB3] =	sst s9;
	s0 =	simm.s32 @!p0 $0x0  }
0x12: {  	s1 =	sld [smem:$0x3F99];
	s0 =	simm.s32 @p0 $0x1  }
0x13: {  	[smem:$0x3FB4] =	sst s0;
	s0 =	simm.s32 @!p1 $0x0  }
0x14: {  	s2 =	sld [smem:$0x3F98];
	s0 =	simm.s32 @p1 $0x1  }
0x15: {  	[smem:$0x3FB5] =	sst s0;
	s0 =	simm.s32 @!p2 $0x0  }
0x16: {  	s3 =	sld [smem:$0x3FDB];
	s0 =	simm.s32 @p2 $0x1  }
0x17: {  	s4 =	simm.s32 $0x1BF5;
	[smem:$0x3FB7] =	sst s0  }
0x18: {  	s0 =	sld [smem:$0x3F9A];
	_ =	swait.ge [sflag:s4], $0x0  }
0x19: {  	s7 =	sld [smem:$0x3F9B]  }
0x1a: {  	s8 =	sadd.s32 $0xFFFFE003, lr  }
0x1b: {  	s9 =	sadd.s32 $0xFFFFFEF7, lr;
	s5 =	simm.s32 $0xFFFFFFFF;
	p2 =	slt.u32 s8, $0xFFFFF086  }
0x1c: {  	p1 =	slt.u32 s9, $0xF7A;
	s5 =	simm.s32 @!p2 $0x0  }
0x1d: {  	s5 =	simm.s32 @p1 $0x1;
	p0 =	seq.s32 s7, s2  }
0x1e: {  	s7 =	smul.u32 @!p0 $0xF7A, s2;
	p2 =	seq.s32 @!p0 s5, $0x0  }
0x1f: {  	s9 =	smul.u32 $0xF7A, s1;
	s8 =	simm.s32 @!p0 $0x1BF5;
	p2 =	por !p2, p0  }
0x20: {  	[sflag:s8] =	ssyncset.s32 @!p0 $0xFFFFF086;
	s6 =	sadd.s32 @!p0 s3, s7;
	s7 =	simm.s32 @!p0 $0x108  }
0x21: {  	s3 =	sadd.s32 s3, s9;
	s6 =	sadd.s32 @!p0 $0x88, s6;
	s7 =	simm.s32 @p2 $0x1082  }
0x22: {  	[simem:s7], [sflag:s8] =	dma.local @!p0 [hbm:s6], $0xF7A  }
0x23: {  	s9 =	sor.u32 $0xD0000000, s2;
	s6 =	simm.s32 $0x108;
	_ =	swait.ge @!p0 [sflag:s8], $0x0  }
0x24: {  	s3 =	sadd.s32 $0x88, s3;
	s6 =	simm.s32 @!p1 $0x1082;
	[sflag:s4] =	ssyncset.s32 $0xFFFFF086  }
0x25: {  	[simem:s6], [sflag:s4] =	dma.local [hbm:s3], $0xF7A  }
0x26: {  	[smem:$0x3F9B] =	sst s1;
	(tag) =	ssettag s2;
	_ =	strace s9  }
0x27: {  	s1 =	sld [smem:$0x3FAB]  }
0x28: {  	s2 =	sld [smem:$0x3FAC]  }
0x29: {  	s4 =	sld [smem:$0x3FAE]  }
0x2a: {  	p0 =	seq.s32 s5, $0x0;
	s5 =	sld [smem:$0x3FAF]  }
0x2b: {  	s6 =	sld [smem:$0x3FB0]  }
0x2c: {  	s7 =	sld [smem:$0x3FB1]  }
0x2d: {  	s3 =	simm.s32 $0x108;
	s8 =	sld [smem:$0x3FB2]  }
0x2e: {  	s3 =	simm.s32 @!p0 $0x1082;
	s9 =	sld [smem:$0x3FB3]  }
0x2f: {  	lr =	sadd.s32 s0, s3;
	s0 =	sld [smem:$0x3FAA]  }
0x30: {  	s3 =	sld [smem:$0x3FAD]  }
0x31: {  	[smem:$0x3FB6] =	sst s10  }
0x32: {  	s10 =	sld [smem:$0x3FB4];
	_ =	sdelay $0x3  }
0x33: {  	p0 =	seq.s32 s10, $0x1;
	s10 =	sld [smem:$0x3FB6];
	_ =	sdelay $0x3  }
0x34: {  	[smem:$0x3FB6] =	sst s10  }
0x35: {  	s10 =	sld [smem:$0x3FB5];
	_ =	sdelay $0x3  }
0x36: {  	p1 =	seq.s32 s10, $0x1;
	s10 =	sld [smem:$0x3FB6];
	_ =	sdelay $0x3  }
0x37: {  	[smem:$0x3FB6] =	sst s10  }
0x38: {  	s10 =	sld [smem:$0x3FB7]  }
0x39: {  	_ = 	snop;
	(pc) =	sbr.ind lr, $3  }
0x3a: {  	_ = 	snop  }
0x3b: {  	_ = 	snop  }
0x3c: {  	p2 =	seq.s32 s10, $0x1;
	s10 =	sld [smem:$0x3FB6]  }
0x3d: {  	_ =	shalt  }
0x3e: {  	_ =	shalt  }
0x3f: {  	_ =	shalt  }
0x40: {  	_ =	shalt  }
0x41: {  	_ =	shalt  }
0x42: {  	_ =	shalt  }
0x43: {  	_ =	shalt  }
0x44: {  	_ =	shalt  }
0x45: {  	_ =	shalt  }
0x46: {  	_ =	shalt  }
0x47: {  	_ =	shalt  }
0x48: {  	_ =	shalt  }
0x49: {  	_ =	shalt  }
0x4a: {  	_ =	shalt  }
0x4b: {  	_ =	shalt  }
0x4c: {  	_ =	shalt  }
0x4d: {  	_ =	shalt  }
0x4e: {  	_ =	shalt  }
0x4f: {  	_ =	shalt  }
0x50: {  	_ =	shalt  }
0x51: {  	_ =	shalt  }
0x52: {  	_ =	shalt  }
0x53: {  	_ =	shalt  }
0x54: {  	_ =	shalt  }
0x55: {  	_ =	shalt  }
0x56: {  	_ =	shalt  }
0x57: {  	_ =	shalt  }
0x58: {  	_ =	shalt  }
0x59: {  	_ =	shalt  }
0x5a: {  	_ =	shalt  }
0x5b: {  	_ =	shalt  }
0x5c: {  	_ =	shalt  }
0x5d: {  	_ =	shalt  }
0x5e: {  	_ =	shalt  }
0x5f: {  	_ =	shalt  }
0x60: {  	_ =	shalt  }
0x61: {  	_ =	shalt  }
0x62: {  	_ =	shalt  }
0x63: {  	_ =	shalt  }
0x64: {  	_ =	shalt  }
0x65: {  	_ =	shalt  }
0x66: {  	_ =	shalt  }
0x67: {  	_ =	shalt  }
0x68: {  	_ =	shalt  }
0x69: {  	_ =	shalt  }
0x6a: {  	_ =	shalt  }
0x6b: {  	_ =	shalt  }
0x6c: {  	_ =	shalt  }
0x6d: {  	_ =	shalt  }
0x6e: {  	_ =	shalt  }
0x6f: {  	_ =	shalt  }
0x70: {  	_ =	shalt  }
0x71: {  	_ =	shalt  }
0x72: {  	_ =	shalt  }
0x73: {  	_ =	shalt  }
0x74: {  	_ =	shalt  }
0x75: {  	_ =	shalt  }
0x76: {  	_ =	shalt  }
0x77: {  	_ =	shalt  }
0x78: {  	_ =	shalt  }
0x79: {  	_ =	shalt  }
0x7a: {  	_ =	shalt  }
0x7b: {  	_ =	shalt  }
0x7c: {  	_ =	shalt  }
0x7d: {  	_ =	shalt  }
0x7e: {  	_ =	shalt  }
0x7f: {  	_ =	shalt  }
0x80: {  	_ =	shalt  }
0x81: {  	_ =	shalt  }
0x82: {  	_ =	shalt  }
0x83: {  	_ =	shalt  }
0x84: {  	_ =	shalt  }
0x85: {  	_ =	shalt  }
0x86: {  	_ =	shalt  }
0x87: {  	_ =	shalt  }
.Lfunc_end0:
.L_simem_size_0:
called_computation.1_lowered:
.L_overlay_start_0:
0x88: {  	s2 =	sld [smem:$0x3FD9]  }
0x89: {  	s3 =	sld [smem:$0x3FFE];
	_ =	sdelay $0x1  }
0x8a: {  	s1 =	srdreg.scid  }
0x8b: {  	s0 =	sand.u32 $0x1, s1  }
0x8c: {  	s16 =	sshll.u32 s0, $0xA;
	s2 =	sadd.s32 s3, s2  }
0x8d: {  	s2 =	sadd.s32 s2, s16  }
0x8e: {  	[smem:$0x3FC2] =	sst s2  }
0x8f: {  	_ = 	snop  }
0x90: {  	(tm) =	ssettm $0x1  }
0x91: {  	s17 =	sld [smem:$0x3FFB];
	_ =	sdelay $0x3  }
0x92: {  	_ =	strace s17  }
0x93: {  	s2 =	sld [smem:$0x3FFC];
	_ =	sdelay $0x3  }
0x94: {  	_ =	strace s2  }
0x95: {  	s2 =	sld [smem:$0x3FFD];
	_ =	sdelay $0x3  }
0x96: {  	_ =	strace s2  }
0x97: {  	_ =	strace $0x8FFFFFFF  }
0x98: {  	s18 =	sld [smem:$0x3FDB];
	_ =	sdelay $0x1  }
0x99: {  	s19 =	simm.s32 $_scs_section_size  }
0x9a: {  	s4 =	simm.s32 $_size__tile_overlayer_lowered;
	s5 =	simm.s32 $_tile_overlayer_lowered  }
0x9b: {  	s22 =	simm.s32 $0x1BFF;
	s21 =	sshll.u32 s5, $0x1;
	s2 =	sadd.s32 s19, s18  }
0x9c: {  	s6 =	simm.s32 $0x0;
	s20 =	sshll.u32 s4, $0x1;
	s4 =	sadd.s32 s21, s2  }
0x9d: {  	[timem:s6], [sflag:s22] =	dma.local [hbm:s4], s20  }
0x9e: {  	_ =	swait.ge [sflag:s22], s20  }
0x9f: {  	s3 =	ssub.s32 $0x0, s20;
	[sflag:s22] =	ssyncset.done $0x0  }
0xa0: {  	[sflag:s22] =	ssyncadd.s32 s3;
	_ =	sdelay $0x1  }
0xa1: {  	s23 =	simm.s32 $0x1B8B  }
0xa2: {  	_ =	swait.ge [sflag:s23], $0x1  }
0xa3: {  	[sflag:s23] =	ssyncset.done $0x0  }
0xa4: {  	s25 =	simm.s32 $0x1B8E;
	s24 =	sld [smem:$0x3FFE];
	[sflag:s23] =	ssyncadd.s32 $0xFFFFFFFF  }
0xa5: {  	s26 =	simm.s32 $execute0_lowered;
	[smem:$0x3FD2] =	sst s25  }
0xa6: {  	s4 =	sshll.u32 s26, $0x1;
	_ =	strace $0x80000049;
	[dreg:$0x1] =	wrdreg $0xFFFFFFFF  }
0xa7: {  	s28 =	simm.s32 $_size_execute0_lowered;
	s2 =	sadd.s32 s2, s4;
	[dreg:$0x0] =	wrdreg $0x0  }
0xa8: {  	s4 =	sshll.u32 s28, $0x1;
	[dreg:$0x2] =	wrdreg s2  }
0xa9: {  	[dreg:$0x3] =	wrdreg s4  }
0xaa: {  	[dreg:$0x4] =	wrdreg $0xC0  }
0xab: {  	_ =	task [dreg:s6], $0x5FFFF  }
0xac: {  	[dreg:$0x1] =	wrdreg $0xFFFFFFFF  }
0xad: {  	[dreg:$0x0] =	wrdreg $0x60  }
0xae: {  	[dreg:$0x2] =	wrdreg s24  }
0xaf: {  	[dreg:$0x3] =	wrdreg $0x12E000  }
0xb0: {  	[dreg:$0x4] =	wrdreg $0x8E000  }
0xb1: {  	[dreg:$0x5] =	wrdreg $0x9  }
0xb2: {  	_ =	task.clear_ibuf [dreg:s6], $0x6FFFF;
	_ =	strace $0x90000049  }
0xb3: {  	s29 =	simm.s32 $0x9;
	_ =	strace $0x8000004B  }
0xb4: {  	_ =	swait.ge [sflag:s29], $0x1  }
0xb5: {  	[sflag:s29] =	ssyncadd.s32 $0xFFFFFFFF  }
0xb6: {  	_ =	strace $0x9000004B  }
0xb7: {  	_ =	sfence  }
0xb8: {  	s30 =	sld [smem:$0x0];
	_ =	sdelay $0x2  }
0xb9: {  	s31 =	sshll.u32 s1, $0xD;
	s1 =	sshrl.u32 s1, $0x2  }
0xba: {  	s3 =	sand.u32 $0x4000, s31;
	s1 =	sadd.s32 s1, s30  }
0xbb: {  	s0 =	sor.u32 s3, s0;
	s1 =	sshll.u32 s1, $0x11  }
0xbc: {  	s0 =	sor.u32 s1, s0  }
0xbd: {  	s0 =	sadd.s32 $0x8F2B, s0  }
0xbe: {  	[sflag:s0] =	ssyncadd.remote.s32 $0x1  }
0xbf: {  	_ =	sfence.sel $0xFFFF  }
0xc0: {  	[dreg:$0x0] =	wrdreg $0xFFFFFFFF;
	(pc) =	sbr.abs _section_cstart, $3  }
0xc1: {  	[dreg:$0x1] =	wrdreg $0xFFFFFFFF  }
0xc2: {  	_ =	task.clear_ibuf [dreg:s6], $0x2FFFF;
	_ =	strace $0x9FFFFFFF  }
0xc3: {  	(tm) =	ssettm $0x7FFFFFFF  }
tec
execute0_lowered:
.L_overlay_start_1:
0x0: {  	(tag) =	ssettag $0x1  }
0x1: {  	s0 =	rddreg [dreg:$0x0]  }
0x2: {  	s1 =	rddreg [dreg:$0x1]  }
0x3: {  	s3 =	rddreg [dreg:$0x2];
	s23 =	stileid.u32  }
0x4: {  	s4 =	simm.s32 $0x0;
	s2 =	srdreg.scid;
	s7 =	smul.u32 $0x280, s23  }
0x5: {  	[smem:$0x7FF] =	sst s4;
	s2 =	sand.u32 $0x1, s2;
	s9 =	smul.u32 $0xA000, s23  }
0x6: {  	s8 =	sadd.s32 $0x16E00, s0;
	s11 =	sadd.s32 $0x3400, s0;
	s12 =	smul.u32 $0x14000, s23  }
0x7: {  	s21 =	smul.u32 $0x4E00, s23;
	_ =	strace $0x8000004A;
	s5 =	ssub.s32 $0x2, s2  }
0x8: {  	s18 =	sshll.u32 s2, $0x6;
	p0 =	seq.s32 s2, $0x0;
	s2 =	simm.s32 $0x7AE00  }
0x9: {  	s6 =	sshrl.u32 s5, $0x1;
	s10 =	sadd.s32 $0x80, s7;
	s15 =	sadd.s32 $0x100, s7  }
0xa: {  	s17 =	sadd.s32 $0x180, s7;
	s7 =	sadd.s32 $0x200, s7;
	s12 =	sor.u32 s18, s12  }
0xb: {  	s21 =	sshrl.u32 s21, $0x3;
	s2 =	simm.s32 @!p0 $0x66E00;
	p0 =	sgt.u32 s23, $0x3  }
0xc: {  	s13 =	ssub.s32 s5, s6;
	s14 =	sshll.u32 s10, $0x6;
	s5 =	sadd.s32 s9, s1  }
0xd: {  	s16 =	sshll.u32 s15, $0x6;
	s19 =	sshll.u32 s10, $0x7;
	s20 =	sshll.u32 s15, $0x7  }
0xe: {  	s12 =	sshrl.u32 s12, $0x3;
	s25 =	sshll.u32 s17, $0x7;
	s26 =	sshll.u32 s7, $0x7  }
0xf: {  	s10 =	sshll.u32 s10, $0x3;
	s15 =	sshll.u32 s15, $0x3;
	s0 =	sadd.s32 s2, s0  }
0x10: {  	s6 =	sadd.s32 s14, s1;
	s19 =	sor.u32 s18, s19;
	s20 =	sor.u32 s18, s20  }
0x11: {  	s12 =	sadd.s32 s8, s12;
	s10 =	sadd.s32 s0, s10;
	s15 =	sadd.s32 s0, s15  }
0x12: {  	s29 =	smax.u32 s13, $0x1;
	s13 =	simm.s32 $0x1;
	[dreg:$0x4] =	wrdreg s12  }
0x13: {  	s19 =	sshrl.u32 s19, $0x3;
	s24 =	sshrl.u32 s20, $0x3;
	[dreg:$0xa] =	wrdreg s10  }
0x14: {  	[dreg:$0xb] =	wrdreg s15;
	s20 =	sshll.u32 s7, $0x6;
	s10 =	simm.s32 $0x6E00  }
0x15: {  	s15 =	simm.s32 $0x2680;
	s22 =	sadd.s32 s8, s19;
	s12 =	sadd.s32 s8, s24  }
0x16: {  	s19 =	sor.u32 s18, s25;
	s18 =	sor.u32 s18, s26;
	s24 =	sshrl.u32 s9, $0x3  }
0x17: {  	s25 =	sshll.u32 s17, $0x3;
	s26 =	sshll.u32 s7, $0x3;
	[dreg:$0x5] =	wrdreg s22  }
0x18: {  	s7 =	simm.s32 $0x3;
	[dreg:$0x6] =	wrdreg s12;
	s2 =	sadd.s32 s0, s25  }
0x19: {  	s12 =	sshrl.u32 s19, $0x3;
	s25 =	sadd.s32 s20, s3;
	[dreg:$0xc] =	wrdreg s2  }
0x1a: {  	s18 =	sshrl.u32 s18, $0x3;
	s12 =	sadd.s32 s8, s12;
	[dreg:$0x12] =	wrdreg s25  }
0x1b: {  	s22 =	sshll.u32 s23, $0x4;
	s8 =	sadd.s32 s8, s18;
	[dreg:$0x7] =	wrdreg s12  }
0x1c: {  	s19 =	sshll.u32 s17, $0x6;
	s17 =	simm.s32 $0x4D80;
	[dreg:$0x8] =	wrdreg s8  }
0x1d: {  	s12 =	sadd.s32 s11, s21;
	s8 =	sadd.s32 s22, s11;
	s11 =	sadd.s32 s0, s24  }
0x1e: {  	s18 =	sadd.s32 s16, s1;
	s0 =	sadd.s32 s0, s26;
	[dreg:$0x9] =	wrdreg s11  }
0x1f: {  	s2 =	simm.s32 $0x4E00;
	s21 =	sadd.s32 s9, s3;
	[dreg:$0xd] =	wrdreg s0  }
0x20: {  	s22 =	sadd.s32 s14, s3;
	s24 =	sadd.s32 s16, s3;
	[dreg:$0xe] =	wrdreg s21  }
0x21: {  	s9 =	simm.s32 $0x80;
	s14 =	simm.s32 $0x2;
	[dreg:$0xf] =	wrdreg s22  }
0x22: {  	s16 =	simm.s32 $0x4D00;
	[dreg:$0x10] =	wrdreg s24;
	s22 =	sadd.s32 s19, s1  }
0x23: {  	s0 =	sadd.s32 s19, s3;
	s24 =	sadd.s32 s20, s1;
	s26 =	sadd.s32 $0x9C00, s8  }
0x24: {  	s28 =	sadd.s32 $0x13840, s8;
	s30 =	sadd.s32 $0x9C40, s12;
	s31 =	sadd.s32 $0x4E0, s12  }
0x25: {  	s8 =	simm.s32 $0x40;
	s11 =	simm.s32 $0x2700;
	[dreg:$0x11] =	wrdreg s0  }
0x26: {  	v0 =	vimm.f32 $0.0e+00;
	s19 =	simm.s32 $0x0;
	[dreg:$0x13] =	wrdreg s26;
	s0 =	sadd.s32 $0xA120, s12  }
.LBB2_1:
0x27: {  	s21 =	simm.s32 $0x100;
	s20 =	simm.s32 $0x0  }
.LBB2_2:
0x28: {  	p1 =	sne.s32 s21, $0x7F00;
	[tilespmem:s20+$0x4E30] =	vst v0;
	s23 =	smov.u32 s21;
	s21 =	sadd.s32 $0x100, s21  }
.Ltmp0:
0x29: {  	[tilespmem:s20+$0x4E20] =	vst v0;
	(pc) =	sbr.rel @p1 .LBB2_2-.Ltmp0, $3  }
0x2a: {  	[tilespmem:s20+$0x4E00] =	vst v0  }
0x2b: {  	[tilespmem:s20+$0x4E10] =	vst v0;
	_ =	sdelay $0x1  }
0x2c: {  	s20 =	sshra.s32 s23, $0x2  }
0x2d: {  	[tilespmem:s20+$0x4E30] =	vst v0  }
0x2e: {  	[tilespmem:s20+$0x4E20] =	vst v0  }
0x2f: {  	[tilespmem:s20+$0x4E00] =	vst v0  }
0x30: {  	[tilespmem:s20+$0x4E10] =	vst v0  }
0x31: {  	[spmem:s5] =	stream.linear.scatter [tilespmem:s2], [sflag:$0x3], $0x2000, $0x38;
	[tilespmem:$0x1CE00] =	vst v63  }
0x32: {  	_ =	swait.ge [sflag:s7], $0x2000  }
0x33: {  	[sflag:s7] =	ssyncset.done $0x0  }
0x34: {  	[sflag:s7] =	ssyncadd.s32 $0xFFFFE000  }
0x35: {  	[spmem:s6] =	stream.linear.scatter [tilespmem:s2], [sflag:$0x3], $0x2000, $0x38;
	[tilespmem:$0x1CE00] =	vst v63  }
0x36: {  	_ =	swait.ge [sflag:s7], $0x2000  }
0x37: {  	[sflag:s7] =	ssyncset.done $0x0  }
0x38: {  	[sflag:s7] =	ssyncadd.s32 $0xFFFFE000  }
0x39: {  	[spmem:s18] =	stream.linear.scatter [tilespmem:s2], [sflag:$0x3], $0x2000, $0x38;
	[tilespmem:$0x1CE00] =	vst v63  }
0x3a: {  	_ =	swait.ge [sflag:s7], $0x2000  }
0x3b: {  	[sflag:s7] =	ssyncset.done $0x0  }
0x3c: {  	[sflag:s7] =	ssyncadd.s32 $0xFFFFE000  }
0x3d: {  	[spmem:s22] =	stream.linear.scatter [tilespmem:s2], [sflag:$0x3], $0x2000, $0x38;
	[tilespmem:$0x1CE00] =	vst v63  }
0x3e: {  	_ =	swait.ge [sflag:s7], $0x2000  }
0x3f: {  	[sflag:s7] =	ssyncset.done $0x0  }
0x40: {  	[sflag:s7] =	ssyncadd.s32 $0xFFFFE000  }
0x41: {  	[spmem:s24] =	stream.linear.scatter [tilespmem:s2], [sflag:$0x3], $0x2000, $0x38;
	[tilespmem:$0x1CE00] =	vst v63  }
0x42: {  	_ =	swait.ge [sflag:s7], $0x2000  }
0x43: {  	[sflag:s7] =	ssyncset.done $0x0  }
0x44: {  	s23 =	rddreg [dreg:$0x4];
	[sflag:s7] =	ssyncadd.s32 $0xFFFFE000  }
0x45: {  	[tilespmem:s10], [sflag:$0x3] =	stream.strided.gather [hbm4b:s23+s8], $0x2000, s9, s8, $0x38;
	[tilespmem:$0x1CE00] =	vst v63  }
0x46: {  	_ =	swait.ge [sflag:s7], $0x2000  }
0x47: {  	[sflag:s7] =	ssyncset.done $0x0  }
0x48: {  	s25 =	rddreg [dreg:$0xe];
	[sflag:s7] =	ssyncadd.s32 $0xFFFFE000  }
0x49: {  	[spmem:s25] =	stream.linear.scatter [tilespmem:s10], [sflag:$0x3], $0x2000, $0x38;
	[tilespmem:$0x1CE00] =	vst v63  }
0x4a: {  	_ =	swait.ge [sflag:s7], $0x2000  }
0x4b: {  	[sflag:s7] =	ssyncset.done $0x0  }
0x4c: {  	s26 =	rddreg [dreg:$0x5];
	[sflag:s7] =	ssyncadd.s32 $0xFFFFE000  }
0x4d: {  	[tilespmem:s10], [sflag:$0x3] =	stream.strided.gather [hbm4b:s26+s8], $0x2000, s9, s8, $0x38;
	[tilespmem:$0x1CE00] =	vst v63  }
0x4e: {  	_ =	swait.ge [sflag:s7], $0x2000  }
0x4f: {  	[sflag:s7] =	ssyncset.done $0x0  }
0x50: {  	s21 =	rddreg [dreg:$0xf];
	[sflag:s7] =	ssyncadd.s32 $0xFFFFE000  }
0x51: {  	[spmem:s21] =	stream.linear.scatter [tilespmem:s10], [sflag:$0x3], $0x2000, $0x38;
	[tilespmem:$0x1CE00] =	vst v63  }
0x52: {  	_ =	swait.ge [sflag:s7], $0x2000  }
0x53: {  	[sflag:s7] =	ssyncset.done $0x0  }
0x54: {  	s23 =	rddreg [dreg:$0x6];
	[sflag:s7] =	ssyncadd.s32 $0xFFFFE000  }
0x55: {  	[tilespmem:s10], [sflag:$0x3] =	stream.strided.gather [hbm4b:s23+s8], $0x2000, s9, s8, $0x38;
	[tilespmem:$0x1CE00] =	vst v63  }
0x56: {  	_ =	swait.ge [sflag:s7], $0x2000  }
0x57: {  	[sflag:s7] =	ssyncset.done $0x0  }
0x58: {  	s25 =	rddreg [dreg:$0x10];
	[sflag:s7] =	ssyncadd.s32 $0xFFFFE000  }
0x59: {  	[spmem:s25] =	stream.linear.scatter [tilespmem:s10], [sflag:$0x3], $0x2000, $0x38;
	[tilespmem:$0x1CE00] =	vst v63  }
0x5a: {  	_ =	swait.ge [sflag:s7], $0x2000  }
0x5b: {  	[sflag:s7] =	ssyncset.done $0x0  }
0x5c: {  	s26 =	rddreg [dreg:$0x7];
	[sflag:s7] =	ssyncadd.s32 $0xFFFFE000  }
0x5d: {  	[tilespmem:s10], [sflag:$0x3] =	stream.strided.gather [hbm4b:s26+s8], $0x2000, s9, s8, $0x38;
	[tilespmem:$0x1CE00] =	vst v63  }
0x5e: {  	_ =	swait.ge [sflag:s7], $0x2000  }
0x5f: {  	[sflag:s7] =	ssyncset.done $0x0  }
0x60: {  	s21 =	rddreg [dreg:$0x11];
	[sflag:s7] =	ssyncadd.s32 $0xFFFFE000  }
0x61: {  	[spmem:s21] =	stream.linear.scatter [tilespmem:s10], [sflag:$0x3], $0x2000, $0x38;
	[tilespmem:$0x1CE00] =	vst v63  }
0x62: {  	_ =	swait.ge [sflag:s7], $0x2000  }
0x63: {  	[sflag:s7] =	ssyncset.done $0x0  }
0x64: {  	s23 =	rddreg [dreg:$0x8];
	[sflag:s7] =	ssyncadd.s32 $0xFFFFE000  }
0x65: {  	[tilespmem:s10], [sflag:$0x3] =	stream.strided.gather [hbm4b:s23+s8], $0x2000, s9, s8, $0x38;
	[tilespmem:$0x1CE00] =	vst v63  }
0x66: {  	_ =	swait.ge [sflag:s7], $0x2000  }
0x67: {  	[sflag:s7] =	ssyncset.done $0x0  }
0x68: {  	s25 =	rddreg [dreg:$0x12];
	[sflag:s7] =	ssyncadd.s32 $0xFFFFE000  }
0x69: {  	[spmem:s25] =	stream.linear.scatter [tilespmem:s10], [sflag:$0x3], $0x2000, $0x38;
	[tilespmem:$0x1CE00] =	vst v63  }
0x6a: {  	_ =	swait.ge [sflag:s7], $0x2000  }
0x6b: {  	[sflag:s7] =	ssyncset.done $0x0  }
0x6c: {  	[sflag:s7] =	ssyncadd.s32 $0xFFFFE000  }
0x6d: {  	s26 =	simm.s32 $0x0;
	[bflag:$0x0] =	sbarrier.arrive $0xFFFF  }
0x6e: {  	[tilespmem:s26], [sflag:$0x3] =	stream.linear.gather [hbm4b:s12+s26], $0x2700, $0x38;
	[tilespmem:$0x1CE00] =	vst v63  }
0x6f: {  	_ =	swait.ge [sflag:s7], $0x2700  }
0x70: {  	[sflag:s7] =	ssyncset.done $0x0  }
0x71: {  	[sflag:s7] =	ssyncadd.s32 $0xFFFFD900  }
0x72: {  	[tilespmem:s11], [sflag:$0x3] =	stream.linear.gather [hbm4b:s30+s26], $0x2700, $0x38;
	[tilespmem:$0x1CE00] =	vst v63  }
0x73: {  	_ =	swait.ge [sflag:s7], $0x2700  }
0x74: {  	[sflag:s7] =	ssyncset.done $0x0  }
0x75: {  	[sflag:s7] =	ssyncadd.s32 $0xFFFFD900  }
0x76: {  	[tilespmem:s2], [sflag:$0x1] =	stream.indirect.gather [spmem:s3], $0x40, s26, s9, $0xb8;
	[tilespmem:$0x1CE00] =	vst v63  }
0x77: {  	s21 =	simm.s32 $0x80  }
0x78: {  	[tilespmem:s10], [sflag:$0x2] =	stream.indirect.gather [spmem:s3], $0x40, s21, s9, $0xb8;
	[tilespmem:$0x1CE00] =	vst v63  }
0x79: {  	_ =	swait.ge [sflag:s13], $0x2000  }
0x7a: {  	[sflag:s13] =	ssyncset.done $0x0  }
0x7b: {  	s23 =	simm.s32 $0x2700;
	[sflag:s13] =	ssyncadd.s32 $0xFFFFE000  }
0x7c: {  	[spmem:s1] =	stream.indirect.scatter.add.f32 [tilespmem:s2], [sflag:$0x3], $0x40, s23, s9, $0xb8;
	[tilespmem:$0x1CE00] =	vst v63  }
0x7d: {  	_ =	swait.ge [sflag:s7], $0x2000  }
0x7e: {  	[sflag:s7] =	ssyncset.done $0x0  }
0x7f: {  	s25 =	simm.s32 $0x100;
	[sflag:s7] =	ssyncadd.s32 $0xFFFFE000  }
0x80: {  	[tilespmem:s2], [sflag:$0x1] =	stream.indirect.gather [spmem:s3], $0x40, s25, s9, $0xb8;
	[tilespmem:$0x1CE00] =	vst v63  }
0x81: {  	_ =	swait.ge [sflag:s14], $0x2000  }
0x82: {  	[sflag:s14] =	ssyncset.done $0x0  }
0x83: {  	s26 =	simm.s32 $0x2780;
	[sflag:s14] =	ssyncadd.s32 $0xFFFFE000  }
0x84: {  	[spmem:s1] =	stream.indirect.scatter.add.f32 [tilespmem:s10], [sflag:$0x3], $0x40, s26, s9, $0xb8;
	[tilespmem:$0x1CE00] =	vst v63  }
0x85: {  	_ =	swait.ge [sflag:s7], $0x2000  }
0x86: {  	s20 =	simm.s32 $0x100;
	s21 =	simm.s32 $0x800;
	[sflag:s7] =	ssyncset.done $0x0  }
.LBB2_4:
0x87: {  	s23 =	sadd.s32 $0x80, s20  }
0x88: {  	[sflag:s7] =	ssyncadd.s32 $0xFFFFE000;
	s25 =	smov.u32 s21;
	s26 =	sadd.s32 $0x400, s21  }
0x89: {  	[tilespmem:s10], [sflag:$0x2] =	stream.indirect.gather [spmem:s3], $0x40, s23, s9, $0xb8;
	[tilespmem:$0x1CE00] =	vst v63  }
0x8a: {  	p1 =	sne.s32 s21, $0x9400;
	_ =	swait.ge [sflag:s13], $0x2000  }
0x8b: {  	[sflag:s13] =	ssyncset.done $0x0  }
0x8c: {  	s21 =	sadd.s32 $0x2700, s20;
	[sflag:s13] =	ssyncadd.s32 $0xFFFFE000  }
0x8d: {  	[spmem:s1] =	stream.indirect.scatter.add.f32 [tilespmem:s2], [sflag:$0x3], $0x40, s21, s9, $0xb8;
	[tilespmem:$0x1CE00] =	vst v63  }
0x8e: {  	_ =	swait.ge [sflag:s7], $0x2000  }
0x8f: {  	[sflag:s7] =	ssyncset.done $0x0  }
0x90: {  	s21 =	sadd.s32 $0x100, s20;
	[sflag:s7] =	ssyncadd.s32 $0xFFFFE000  }
0x91: {  	[tilespmem:s2], [sflag:$0x1] =	stream.indirect.gather [spmem:s3], $0x40, s21, s9, $0xb8;
	[tilespmem:$0x1CE00] =	vst v63  }
0x92: {  	_ =	swait.ge [sflag:s14], $0x2000  }
.Ltmp1:
0x93: {  	[sflag:s14] =	ssyncset.done $0x0;
	(pc) =	sbr.rel @p1 .LBB2_4-.Ltmp1, $4  }
0x94: {  	s20 =	sadd.s32 $0x2780, s20;
	[sflag:s14] =	ssyncadd.s32 $0xFFFFE000  }
0x95: {  	[spmem:s1] =	stream.indirect.scatter.add.f32 [tilespmem:s10], [sflag:$0x3], $0x40, s20, s9, $0xb8;
	[tilespmem:$0x1CE00] =	vst v63  }
0x96: {  	_ =	swait.ge [sflag:s7], $0x2000  }
0x97: {  	s21 =	smov.u32 s26;
	s20 =	sshra.s32 s25, $0x2;
	[sflag:s7] =	ssyncset.done $0x0  }
0x98: {  	s21 =	sadd.s32 $0x80, s20;
	[sflag:s7] =	ssyncadd.s32 $0xFFFFE000  }
0x99: {  	[tilespmem:s10], [sflag:$0x2] =	stream.indirect.gather [spmem:s3], $0x40, s21, s9, $0xb8;
	[tilespmem:$0x1CE00] =	vst v63  }
0x9a: {  	_ =	swait.ge [sflag:s13], $0x2000  }
0x9b: {  	[sflag:s13] =	ssyncset.done $0x0  }
0x9c: {  	s26 =	sadd.s32 $0x2700, s20;
	[sflag:s13] =	ssyncadd.s32 $0xFFFFE000  }
0x9d: {  	[spmem:s1] =	stream.indirect.scatter.add.f32 [tilespmem:s2], [sflag:$0x3], $0x40, s26, s9, $0xb8;
	[tilespmem:$0x1CE00] =	vst v63  }
0x9e: {  	_ =	swait.ge [sflag:s7], $0x2000  }
0x9f: {  	[sflag:s7] =	ssyncset.done $0x0  }
0xa0: {  	s23 =	sadd.s32 $0x100, s20;
	[sflag:s7] =	ssyncadd.s32 $0xFFFFE000  }
0xa1: {  	[tilespmem:s2], [sflag:$0x1] =	stream.indirect.gather [spmem:s3], $0x40, s23, s9, $0xb8;
	[tilespmem:$0x1CE00] =	vst v63  }
0xa2: {  	_ =	swait.ge [sflag:s14], $0x2000  }
0xa3: {  	[sflag:s14] =	ssyncset.done $0x0  }
0xa4: {  	s25 =	sadd.s32 $0x2780, s20;
	[sflag:s14] =	ssyncadd.s32 $0xFFFFE000  }
0xa5: {  	[spmem:s1] =	stream.indirect.scatter.add.f32 [tilespmem:s10], [sflag:$0x3], $0x40, s25, s9, $0xb8;
	[tilespmem:$0x1CE00] =	vst v63  }
0xa6: {  	_ =	swait.ge [sflag:s7], $0x2000  }
0xa7: {  	[sflag:s7] =	ssyncset.done $0x0  }
0xa8: {  	[sflag:s7] =	ssyncadd.s32 $0xFFFFE000  }
0xa9: {  	[tilespmem:s10], [sflag:$0x2] =	stream.indirect.gather [spmem:s3], $0x40, s15, s9, $0xb8;
	[tilespmem:$0x1CE00] =	vst v63  }
0xaa: {  	_ =	swait.ge [sflag:s13], $0x2000  }
0xab: {  	[sflag:s13] =	ssyncset.done $0x0  }
0xac: {  	[sflag:s13] =	ssyncadd.s32 $0xFFFFE000  }
0xad: {  	[spmem:s1] =	stream.indirect.scatter.add.f32 [tilespmem:s2], [sflag:$0x3], $0x40, s16, s9, $0xb8;
	[tilespmem:$0x1CE00] =	vst v63  }
0xae: {  	_ =	swait.ge [sflag:s7], $0x2000  }
0xaf: {  	[sflag:s7] =	ssyncset.done $0x0  }
0xb0: {  	[sflag:s7] =	ssyncadd.s32 $0xFFFFE000  }
0xb1: {  	_ =	swait.ge [sflag:s14], $0x2000  }
0xb2: {  	[sflag:s14] =	ssyncset.done $0x0  }
0xb3: {  	[sflag:s14] =	ssyncadd.s32 $0xFFFFE000  }
0xb4: {  	[spmem:s1] =	stream.indirect.scatter.add.f32 [tilespmem:s10], [sflag:$0x3], $0x40, s17, s9, $0xb8;
	[tilespmem:$0x1CE00] =	vst v63  }
0xb5: {  	_ =	swait.ge [sflag:s7], $0x2000  }
0xb6: {  	[sflag:s7] =	ssyncset.done $0x0  }
0xb7: {  	s26 =	simm.s32 $0x0;
	[sflag:s7] =	ssyncadd.s32 $0xFFFFE000  }
0xb8: {  	[tilespmem:s26], [sflag:$0x3] =	stream.linear.gather [hbm4b:s31+s26], $0x2700, $0x38;
	[tilespmem:$0x1CE00] =	vst v63  }
0xb9: {  	_ =	swait.ge [sflag:s7], $0x2700  }
0xba: {  	[sflag:s7] =	ssyncset.done $0x0  }
0xbb: {  	[sflag:s7] =	ssyncadd.s32 $0xFFFFD900  }
0xbc: {  	[tilespmem:s11], [sflag:$0x3] =	stream.linear.gather [hbm4b:s0+s26], $0x2700, $0x38;
	[tilespmem:$0x1CE00] =	vst v63  }
0xbd: {  	_ =	swait.ge [sflag:s7], $0x2700  }
0xbe: {  	[sflag:s7] =	ssyncset.done $0x0  }
0xbf: {  	[sflag:s7] =	ssyncadd.s32 $0xFFFFD900  }
0xc0: {  	[tilespmem:s2], [sflag:$0x1] =	stream.indirect.gather [spmem:s3], $0x40, s26, s9, $0xb8;
	[tilespmem:$0x1CE00] =	vst v63  }
0xc1: {  	s21 =	simm.s32 $0x80  }
0xc2: {  	[tilespmem:s10], [sflag:$0x2] =	stream.indirect.gather [spmem:s3], $0x40, s21, s9, $0xb8;
	[tilespmem:$0x1CE00] =	vst v63  }
0xc3: {  	_ =	swait.ge [sflag:s13], $0x2000  }
0xc4: {  	[sflag:s13] =	ssyncset.done $0x0  }
0xc5: {  	s23 =	simm.s32 $0x2700;
	[sflag:s13] =	ssyncadd.s32 $0xFFFFE000  }
0xc6: {  	[spmem:s1] =	stream.indirect.scatter.add.f32 [tilespmem:s2], [sflag:$0x3], $0x40, s23, s9, $0xb8;
	[tilespmem:$0x1CE00] =	vst v63  }
0xc7: {  	_ =	swait.ge [sflag:s7], $0x2000  }
0xc8: {  	[sflag:s7] =	ssyncset.done $0x0  }
0xc9: {  	s25 =	simm.s32 $0x100;
	[sflag:s7] =	ssyncadd.s32 $0xFFFFE000  }
0xca: {  	[tilespmem:s2], [sflag:$0x1] =	stream.indirect.gather [spmem:s3], $0x40, s25, s9, $0xb8;
	[tilespmem:$0x1CE00] =	vst v63  }
0xcb: {  	_ =	swait.ge [sflag:s14], $0x2000  }
0xcc: {  	[sflag:s14] =	ssyncset.done $0x0  }
0xcd: {  	s26 =	simm.s32 $0x2780;
	[sflag:s14] =	ssyncadd.s32 $0xFFFFE000  }
0xce: {  	[spmem:s1] =	stream.indirect.scatter.add.f32 [tilespmem:s10], [sflag:$0x3], $0x40, s26, s9, $0xb8;
	[tilespmem:$0x1CE00] =	vst v63  }
0xcf: {  	_ =	swait.ge [sflag:s7], $0x2000  }
0xd0: {  	s20 =	simm.s32 $0x100;
	s21 =	simm.s32 $0x800;
	[sflag:s7] =	ssyncset.done $0x0  }
.LBB2_6:
0xd1: {  	s23 =	sadd.s32 $0x80, s20  }
0xd2: {  	[sflag:s7] =	ssyncadd.s32 $0xFFFFE000;
	s25 =	smov.u32 s21;
	s26 =	sadd.s32 $0x400, s21  }
0xd3: {  	[tilespmem:s10], [sflag:$0x2] =	stream.indirect.gather [spmem:s3], $0x40, s23, s9, $0xb8;
	[tilespmem:$0x1CE00] =	vst v63  }
0xd4: {  	p1 =	sne.s32 s21, $0x9400;
	_ =	swait.ge [sflag:s13], $0x2000  }
0xd5: {  	[sflag:s13] =	ssyncset.done $0x0  }
0xd6: {  	s21 =	sadd.s32 $0x2700, s20;
	[sflag:s13] =	ssyncadd.s32 $0xFFFFE000  }
0xd7: {  	[spmem:s1] =	stream.indirect.scatter.add.f32 [tilespmem:s2], [sflag:$0x3], $0x40, s21, s9, $0xb8;
	[tilespmem:$0x1CE00] =	vst v63  }
0xd8: {  	_ =	swait.ge [sflag:s7], $0x2000  }
0xd9: {  	[sflag:s7] =	ssyncset.done $0x0  }
0xda: {  	s21 =	sadd.s32 $0x100, s20;
	[sflag:s7] =	ssyncadd.s32 $0xFFFFE000  }
0xdb: {  	[tilespmem:s2], [sflag:$0x1] =	stream.indirect.gather [spmem:s3], $0x40, s21, s9, $0xb8;
	[tilespmem:$0x1CE00] =	vst v63  }
0xdc: {  	_ =	swait.ge [sflag:s14], $0x2000  }
.Ltmp2:
0xdd: {  	[sflag:s14] =	ssyncset.done $0x0;
	(pc) =	sbr.rel @p1 .LBB2_6-.Ltmp2, $4  }
0xde: {  	s20 =	sadd.s32 $0x2780, s20;
	[sflag:s14] =	ssyncadd.s32 $0xFFFFE000  }
0xdf: {  	[spmem:s1] =	stream.indirect.scatter.add.f32 [tilespmem:s10], [sflag:$0x3], $0x40, s20, s9, $0xb8;
	[tilespmem:$0x1CE00] =	vst v63  }
0xe0: {  	_ =	swait.ge [sflag:s7], $0x2000  }
0xe1: {  	s21 =	smov.u32 s26;
	s20 =	sshra.s32 s25, $0x2;
	[sflag:s7] =	ssyncset.done $0x0  }
0xe2: {  	s21 =	sadd.s32 $0x80, s20;
	[sflag:s7] =	ssyncadd.s32 $0xFFFFE000  }
0xe3: {  	[tilespmem:s10], [sflag:$0x2] =	stream.indirect.gather [spmem:s3], $0x40, s21, s9, $0xb8;
	[tilespmem:$0x1CE00] =	vst v63  }
0xe4: {  	_ =	swait.ge [sflag:s13], $0x2000  }
0xe5: {  	[sflag:s13] =	ssyncset.done $0x0  }
0xe6: {  	s26 =	sadd.s32 $0x2700, s20;
	[sflag:s13] =	ssyncadd.s32 $0xFFFFE000  }
0xe7: {  	[spmem:s1] =	stream.indirect.scatter.add.f32 [tilespmem:s2], [sflag:$0x3], $0x40, s26, s9, $0xb8;
	[tilespmem:$0x1CE00] =	vst v63  }
0xe8: {  	_ =	swait.ge [sflag:s7], $0x2000  }
0xe9: {  	[sflag:s7] =	ssyncset.done $0x0  }
0xea: {  	s23 =	sadd.s32 $0x100, s20;
	[sflag:s7] =	ssyncadd.s32 $0xFFFFE000  }
0xeb: {  	[tilespmem:s2], [sflag:$0x1] =	stream.indirect.gather [spmem:s3], $0x40, s23, s9, $0xb8;
	[tilespmem:$0x1CE00] =	vst v63  }
0xec: {  	_ =	swait.ge [sflag:s14], $0x2000  }
0xed: {  	[sflag:s14] =	ssyncset.done $0x0  }
0xee: {  	s25 =	sadd.s32 $0x2780, s20;
	[sflag:s14] =	ssyncadd.s32 $0xFFFFE000  }
0xef: {  	[spmem:s1] =	stream.indirect.scatter.add.f32 [tilespmem:s10], [sflag:$0x3], $0x40, s25, s9, $0xb8;
	[tilespmem:$0x1CE00] =	vst v63  }
0xf0: {  	_ =	swait.ge [sflag:s7], $0x2000  }
0xf1: {  	[sflag:s7] =	ssyncset.done $0x0  }
0xf2: {  	[sflag:s7] =	ssyncadd.s32 $0xFFFFE000  }
0xf3: {  	[tilespmem:s10], [sflag:$0x2] =	stream.indirect.gather [spmem:s3], $0x40, s15, s9, $0xb8;
	[tilespmem:$0x1CE00] =	vst v63  }
0xf4: {  	_ =	swait.ge [sflag:s13], $0x2000  }
0xf5: {  	[sflag:s13] =	ssyncset.done $0x0  }
0xf6: {  	[sflag:s13] =	ssyncadd.s32 $0xFFFFE000  }
0xf7: {  	[spmem:s1] =	stream.indirect.scatter.add.f32 [tilespmem:s2], [sflag:$0x3], $0x40, s16, s9, $0xb8;
	[tilespmem:$0x1CE00] =	vst v63  }
0xf8: {  	_ =	swait.ge [sflag:s7], $0x2000  }
0xf9: {  	[sflag:s7] =	ssyncset.done $0x0  }
0xfa: {  	[sflag:s7] =	ssyncadd.s32 $0xFFFFE000  }
0xfb: {  	_ =	swait.ge [sflag:s14], $0x2000  }
0xfc: {  	[sflag:s14] =	ssyncset.done $0x0  }
0xfd: {  	[sflag:s14] =	ssyncadd.s32 $0xFFFFE000  }
0xfe: {  	[spmem:s1] =	stream.indirect.scatter.add.f32 [tilespmem:s10], [sflag:$0x3], $0x40, s17, s9, $0xb8;
	[tilespmem:$0x1CE00] =	vst v63  }
0xff: {  	_ =	swait.ge [sflag:s7], $0x2000  }
0x100: {  	[sflag:s7] =	ssyncset.done $0x0  }
0x101: {  	s20 =	simm.s32 @!p0 $0x0;
	s21 =	rddreg [dreg:$0x13];
	[sflag:s7] =	ssyncadd.s32 $0xFFFFE000  }
0x102: {  	[tilespmem:s20], [sflag:$0x3] =	stream.linear.gather @!p0 [hbm4b:s21+s20], $0x80, $0x38;
	[tilespmem:$0x1CE00] =	vst v63  }
0x103: {  	s21 =	simm.s32 @!p0 $0x3  }
0x104: {  	_ =	swait.ge @!p0 [sflag:s21], $0x80  }
0x105: {  	[sflag:s21] =	ssyncset.done @!p0 $0x0  }
0x106: {  	s23 =	simm.s32 @!p0 $0x2700;
	[sflag:s21] =	ssyncadd.s32 @!p0 $0xFFFFFF80  }
0x107: {  	[tilespmem:s23], [sflag:$0x3] =	stream.linear.gather @!p0 [hbm4b:s28+s20], $0x80, $0x38;
	[tilespmem:$0x1CE00] =	vst v63  }
0x108: {  	_ =	swait.ge @!p0 [sflag:s21], $0x80  }
0x109: {  	[sflag:s21] =	ssyncset.done @!p0 $0x0  }
0x10a: {  	s26 =	simm.s32 @!p0 $0x4E00;
	s25 =	simm.s32 @!p0 $0x80;
	[sflag:s21] =	ssyncadd.s32 @!p0 $0xFFFFFF80  }
0x10b: {  	[tilespmem:s26], [sflag:$0x1] =	stream.indirect.gather @!p0 [spmem:s3], $0x40, s20, s25, $0xb8;
	[tilespmem:$0x1CE00] =	vst v63  }
0x10c: {  	s20 =	simm.s32 @!p0 $0x1  }
0x10d: {  	_ =	swait.ge @!p0 [sflag:s20], $0x2000  }
0x10e: {  	[sflag:s20] =	ssyncset.done @!p0 $0x0  }
0x10f: {  	[sflag:s20] =	ssyncadd.s32 @!p0 $0xFFFFE000  }
0x110: {  	[spmem:s1] =	stream.indirect.scatter.add.f32 @!p0 [tilespmem:s26], [sflag:$0x3], $0x40, s23, s25, $0xb8;
	[tilespmem:$0x1CE00] =	vst v63  }
0x111: {  	_ =	swait.ge @!p0 [sflag:s21], $0x2000  }
0x112: {  	[sflag:s21] =	ssyncset.done @!p0 $0x0  }
0x113: {  	[sflag:s21] =	ssyncadd.s32 @!p0 $0xFFFFE000  }
0x114: {  	[bflag:$0x0] =	sbarrier.arrive $0xFFFF  }
0x115: {  	[tilespmem:s2], [sflag:$0x3] =	stream.linear.gather [spmem:s5], $0x2000, $0x38;
	[tilespmem:$0x1CE00] =	vst v63  }
0x116: {  	_ =	swait.ge [sflag:s7], $0x2000  }
0x117: {  	[sflag:s7] =	ssyncset.done $0x0  }
0x118: {  	s26 =	rddreg [dreg:$0x9];
	[sflag:s7] =	ssyncadd.s32 $0xFFFFE000  }
0x119: {  	[hbm4b:s26+s4] =	stream.linear.scatter [tilespmem:s2], [sflag:$0x3], $0x2000, $0x38;
	[tilespmem:$0x1CE00] =	vst v63  }
0x11a: {  	_ =	swait.ge [sflag:s7], $0x2000  }
0x11b: {  	[sflag:s7] =	ssyncset.done $0x0  }
0x11c: {  	[sflag:s7] =	ssyncadd.s32 $0xFFFFE000  }
0x11d: {  	[tilespmem:s2], [sflag:$0x3] =	stream.linear.gather [spmem:s6], $0x2000, $0x38;
	[tilespmem:$0x1CE00] =	vst v63  }
0x11e: {  	_ =	swait.ge [sflag:s7], $0x2000  }
0x11f: {  	[sflag:s7] =	ssyncset.done $0x0  }
0x120: {  	s21 =	rddreg [dreg:$0xa];
	[sflag:s7] =	ssyncadd.s32 $0xFFFFE000  }
0x121: {  	[hbm4b:s21+s4] =	stream.linear.scatter [tilespmem:s2], [sflag:$0x3], $0x2000, $0x38;
	[tilespmem:$0x1CE00] =	vst v63  }
0x122: {  	_ =	swait.ge [sflag:s7], $0x2000  }
0x123: {  	[sflag:s7] =	ssyncset.done $0x0  }
0x124: {  	[sflag:s7] =	ssyncadd.s32 $0xFFFFE000  }
0x125: {  	[tilespmem:s2], [sflag:$0x3] =	stream.linear.gather [spmem:s18], $0x2000, $0x38;
	[tilespmem:$0x1CE00] =	vst v63  }
0x126: {  	_ =	swait.ge [sflag:s7], $0x2000  }
0x127: {  	[sflag:s7] =	ssyncset.done $0x0  }
0x128: {  	s23 =	rddreg [dreg:$0xb];
	[sflag:s7] =	ssyncadd.s32 $0xFFFFE000  }
0x129: {  	[hbm4b:s23+s4] =	stream.linear.scatter [tilespmem:s2], [sflag:$0x3], $0x2000, $0x38;
	[tilespmem:$0x1CE00] =	vst v63  }
0x12a: {  	_ =	swait.ge [sflag:s7], $0x2000  }
0x12b: {  	[sflag:s7] =	ssyncset.done $0x0  }
0x12c: {  	[sflag:s7] =	ssyncadd.s32 $0xFFFFE000  }
0x12d: {  	[tilespmem:s2], [sflag:$0x3] =	stream.linear.gather [spmem:s22], $0x2000, $0x38;
	[tilespmem:$0x1CE00] =	vst v63  }
0x12e: {  	_ =	swait.ge [sflag:s7], $0x2000  }
0x12f: {  	[sflag:s7] =	ssyncset.done $0x0  }
0x130: {  	s25 =	rddreg [dreg:$0xc];
	[sflag:s7] =	ssyncadd.s32 $0xFFFFE000  }
0x131: {  	[hbm4b:s25+s4] =	stream.linear.scatter [tilespmem:s2], [sflag:$0x3], $0x2000, $0x38;
	[tilespmem:$0x1CE00] =	vst v63  }
0x132: {  	_ =	swait.ge [sflag:s7], $0x2000  }
0x133: {  	[sflag:s7] =	ssyncset.done $0x0  }
0x134: {  	[sflag:s7] =	ssyncadd.s32 $0xFFFFE000  }
0x135: {  	[tilespmem:s2], [sflag:$0x3] =	stream.linear.gather [spmem:s24], $0x2000, $0x38;
	[tilespmem:$0x1CE00] =	vst v63  }
0x136: {  	s19 =	sadd.s32 $0x1, s19;
	_ =	swait.ge [sflag:s7], $0x2000  }
0x137: {  	p1 =	sne.s32 s19, s29;
	[sflag:s7] =	ssyncset.done $0x0  }
.Ltmp3:
0x138: {  	s26 =	rddreg [dreg:$0xd];
	[sflag:s7] =	ssyncadd.s32 $0xFFFFE000;
	(pc) =	sbr.rel @p1 .LBB2_1-.Ltmp3, $4  }
0x139: {  	[hbm4b:s26+s4] =	stream.linear.scatter [tilespmem:s2], [sflag:$0x3], $0x2000, $0x38;
	[tilespmem:$0x1CE00] =	vst v63  }
0x13a: {  	_ =	swait.ge [sflag:s7], $0x2000  }
0x13b: {  	[sflag:s7] =	ssyncset.done $0x0  }
0x13c: {  	[sflag:s7] =	ssyncadd.s32 $0xFFFFE000  }
0x13d: {  	_ =	sfence.sel $0x180000  }
0x13e: {  	[bflag:$0x0] =	sbarrier.arrive $0xFFFF  }
0x13f: {  	_ =	strace $0x9000004A  }
0x140: {  	s0 =	stileid.u32;
	[bflag:$0x2] =	sbarrier.arrive $0xFFFF  }
0x141: {  	p0 =	sne.s32 s0, $0x0;
	s0 =	rddreg [dreg:$0x3]  }
0x142: {  	s0 =	sadd.s32 @!p0 $0x100000, s0  }
0x143: {  	[sflag:s0] =	ssyncadd.tile.s32 @!p0 $0x1;
	_ =	shalt  }
.Lfunc_end2:
_tile_overlayer_lowered:
.L_overlay_start_2:
0x144: {  	(tag) =	ssettag $0x2  }
0x145: {  	s0 =	rddreg [dreg:$0x0];
	s2 =	stileid.u32  }
0x146: {  	s1 =	rddreg [dreg:$0x1];
	p0 =	sne.s32 s2, $0x0  }
0x147: {  	s3 =	rddreg [dreg:$0x2];
	[bflag:$0x3] =	sbarrier.arrive $0xFFFF;
	s2 =	simm.s32 @!p0 $0x1C03  }
0x148: {  	[timem:s3], [sflag:s2] =	dma.local @!p0 [hbm:s0], s1  }
0x149: {  	s0 =	simm.s32 @!p0 $0x3  }
0x14a: {  	_ =	swait.ge @!p0 [sflag:s0], s1  }
0x14b: {  	s1 =	ssub.s32 @!p0 $0x0, s1;
	[sflag:s0] =	ssyncset.done @!p0 $0x0  }
0x14c: {  	[sflag:s0] =	ssyncadd.s32 @!p0 s1  }
0x14d: {  	[bflag:$0x3] =	sbarrier.arrive $0xFFFF  }
0x14e: {  	_ =	shalt  }

// kernel: kernel.15.cloned.1.call-start
scs
__scs_entry_jumppad:
0x0: {  	(pc) =	sbr.rel $0x88, $3  }
0x1: {  	(tag) =	ssettag $0x0;
	lr =	simm.s32 $0x1  }
0x2: {  	[smem:$0x3F9B] =	sst lr;
	_ =	strace $0xD0000000  }
0x3: {  	_ = 	snop  }
0x4: {  	_ = 	snop  }
0x5: {  	_ = 	snop  }
0x6: {  	_ = 	snop  }
0x7: {  	_ = 	snop  }
__scs_overlays_trampoline_lowered:
0x8: {  	[smem:$0x3FAA] =	sst s0  }
0x9: {  	[smem:$0x3FAB] =	sst s1  }
0xa: {  	[smem:$0x3FAC] =	sst s2  }
0xb: {  	[smem:$0x3FAD] =	sst s3  }
0xc: {  	[smem:$0x3FAE] =	sst s4  }
0xd: {  	[smem:$0x3FAF] =	sst s5  }
0xe: {  	[smem:$0x3FB0] =	sst s6  }
0xf: {  	[smem:$0x3FB1] =	sst s7  }
0x10: {  	[smem:$0x3FB2] =	sst s8  }
0x11: {  	[smem:$0x3FB3] =	sst s9;
	s0 =	simm.s32 @!p0 $0x0  }
0x12: {  	s1 =	sld [smem:$0x3F99];
	s0 =	simm.s32 @p0 $0x1  }
0x13: {  	[smem:$0x3FB4] =	sst s0;
	s0 =	simm.s32 @!p1 $0x0  }
0x14: {  	s2 =	sld [smem:$0x3F98];
	s0 =	simm.s32 @p1 $0x1  }
0x15: {  	[smem:$0x3FB5] =	sst s0;
	s0 =	simm.s32 @!p2 $0x0  }
0x16: {  	s3 =	sld [smem:$0x3FDB];
	s0 =	simm.s32 @p2 $0x1  }
0x17: {  	s4 =	simm.s32 $0x1BF5;
	[smem:$0x3FB7] =	sst s0  }
0x18: {  	s0 =	sld [smem:$0x3F9A];
	_ =	swait.ge [sflag:s4], $0x0  }
0x19: {  	s7 =	sld [smem:$0x3F9B]  }
0x1a: {  	s8 =	sadd.s32 $0xFFFFE003, lr  }
0x1b: {  	s9 =	sadd.s32 $0xFFFFFEF7, lr;
	s5 =	simm.s32 $0xFFFFFFFF;
	p2 =	slt.u32 s8, $0xFFFFF086  }
0x1c: {  	p1 =	slt.u32 s9, $0xF7A;
	s5 =	simm.s32 @!p2 $0x0  }
0x1d: {  	s5 =	simm.s32 @p1 $0x1;
	p0 =	seq.s32 s7, s2  }
0x1e: {  	s7 =	smul.u32 @!p0 $0xF7A, s2;
	p2 =	seq.s32 @!p0 s5, $0x0  }
0x1f: {  	s9 =	smul.u32 $0xF7A, s1;
	s8 =	simm.s32 @!p0 $0x1BF5;
	p2 =	por !p2, p0  }
0x20: {  	[sflag:s8] =	ssyncset.s32 @!p0 $0xFFFFF086;
	s6 =	sadd.s32 @!p0 s3, s7;
	s7 =	simm.s32 @!p0 $0x108  }
0x21: {  	s3 =	sadd.s32 s3, s9;
	s6 =	sadd.s32 @!p0 $0x88, s6;
	s7 =	simm.s32 @p2 $0x1082  }
0x22: {  	[simem:s7], [sflag:s8] =	dma.local @!p0 [hbm:s6], $0xF7A  }
0x23: {  	s9 =	sor.u32 $0xD0000000, s2;
	s6 =	simm.s32 $0x108;
	_ =	swait.ge @!p0 [sflag:s8], $0x0  }
0x24: {  	s3 =	sadd.s32 $0x88, s3;
	s6 =	simm.s32 @!p1 $0x1082;
	[sflag:s4] =	ssyncset.s32 $0xFFFFF086  }
0x25: {  	[simem:s6], [sflag:s4] =	dma.local [hbm:s3], $0xF7A  }
0x26: {  	[smem:$0x3F9B] =	sst s1;
	(tag) =	ssettag s2;
	_ =	strace s9  }
0x27: {  	s1 =	sld [smem:$0x3FAB]  }
0x28: {  	s2 =	sld [smem:$0x3FAC]  }
0x29: {  	s4 =	sld [smem:$0x3FAE]  }
0x2a: {  	p0 =	seq.s32 s5, $0x0;
	s5 =	sld [smem:$0x3FAF]  }
0x2b: {  	s6 =	sld [smem:$0x3FB0]  }
0x2c: {  	s7 =	sld [smem:$0x3FB1]  }
0x2d: {  	s3 =	simm.s32 $0x108;
	s8 =	sld [smem:$0x3FB2]  }
0x2e: {  	s3 =	simm.s32 @!p0 $0x1082;
	s9 =	sld [smem:$0x3FB3]  }
0x2f: {  	lr =	sadd.s32 s0, s3;
	s0 =	sld [smem:$0x3FAA]  }
0x30: {  	s3 =	sld [smem:$0x3FAD]  }
0x31: {  	[smem:$0x3FB6] =	sst s10  }
0x32: {  	s10 =	sld [smem:$0x3FB4];
	_ =	sdelay $0x3  }
0x33: {  	p0 =	seq.s32 s10, $0x1;
	s10 =	sld [smem:$0x3FB6];
	_ =	sdelay $0x3  }
0x34: {  	[smem:$0x3FB6] =	sst s10  }
0x35: {  	s10 =	sld [smem:$0x3FB5];
	_ =	sdelay $0x3  }
0x36: {  	p1 =	seq.s32 s10, $0x1;
	s10 =	sld [smem:$0x3FB6];
	_ =	sdelay $0x3  }
0x37: {  	[smem:$0x3FB6] =	sst s10  }
0x38: {  	s10 =	sld [smem:$0x3FB7]  }
0x39: {  	_ = 	snop;
	(pc) =	sbr.ind lr, $3  }
0x3a: {  	_ = 	snop  }
0x3b: {  	_ = 	snop  }
0x3c: {  	p2 =	seq.s32 s10, $0x1;
	s10 =	sld [smem:$0x3FB6]  }
0x3d: {  	_ =	shalt  }
0x3e: {  	_ =	shalt  }
0x3f: {  	_ =	shalt  }
0x40: {  	_ =	shalt  }
0x41: {  	_ =	shalt  }
0x42: {  	_ =	shalt  }
0x43: {  	_ =	shalt  }
0x44: {  	_ =	shalt  }
0x45: {  	_ =	shalt  }
0x46: {  	_ =	shalt  }
0x47: {  	_ =	shalt  }
0x48: {  	_ =	shalt  }
0x49: {  	_ =	shalt  }
0x4a: {  	_ =	shalt  }
0x4b: {  	_ =	shalt  }
0x4c: {  	_ =	shalt  }
0x4d: {  	_ =	shalt  }
0x4e: {  	_ =	shalt  }
0x4f: {  	_ =	shalt  }
0x50: {  	_ =	shalt  }
0x51: {  	_ =	shalt  }
0x52: {  	_ =	shalt  }
0x53: {  	_ =	shalt  }
0x54: {  	_ =	shalt  }
0x55: {  	_ =	shalt  }
0x56: {  	_ =	shalt  }
0x57: {  	_ =	shalt  }
0x58: {  	_ =	shalt  }
0x59: {  	_ =	shalt  }
0x5a: {  	_ =	shalt  }
0x5b: {  	_ =	shalt  }
0x5c: {  	_ =	shalt  }
0x5d: {  	_ =	shalt  }
0x5e: {  	_ =	shalt  }
0x5f: {  	_ =	shalt  }
0x60: {  	_ =	shalt  }
0x61: {  	_ =	shalt  }
0x62: {  	_ =	shalt  }
0x63: {  	_ =	shalt  }
0x64: {  	_ =	shalt  }
0x65: {  	_ =	shalt  }
0x66: {  	_ =	shalt  }
0x67: {  	_ =	shalt  }
0x68: {  	_ =	shalt  }
0x69: {  	_ =	shalt  }
0x6a: {  	_ =	shalt  }
0x6b: {  	_ =	shalt  }
0x6c: {  	_ =	shalt  }
0x6d: {  	_ =	shalt  }
0x6e: {  	_ =	shalt  }
0x6f: {  	_ =	shalt  }
0x70: {  	_ =	shalt  }
0x71: {  	_ =	shalt  }
0x72: {  	_ =	shalt  }
0x73: {  	_ =	shalt  }
0x74: {  	_ =	shalt  }
0x75: {  	_ =	shalt  }
0x76: {  	_ =	shalt  }
0x77: {  	_ =	shalt  }
0x78: {  	_ =	shalt  }
0x79: {  	_ =	shalt  }
0x7a: {  	_ =	shalt  }
0x7b: {  	_ =	shalt  }
0x7c: {  	_ =	shalt  }
0x7d: {  	_ =	shalt  }
0x7e: {  	_ =	shalt  }
0x7f: {  	_ =	shalt  }
0x80: {  	_ =	shalt  }
0x81: {  	_ =	shalt  }
0x82: {  	_ =	shalt  }
0x83: {  	_ =	shalt  }
0x84: {  	_ =	shalt  }
0x85: {  	_ =	shalt  }
0x86: {  	_ =	shalt  }
0x87: {  	_ =	shalt  }
.Lfunc_end0:
.L_simem_size_0:
called_computation.2_lowered:
.L_overlay_start_0:
0x88: {  	s2 =	sld [smem:$0x3FD9]  }
0x89: {  	s3 =	sld [smem:$0x3FFE];
	_ =	sdelay $0x1  }
0x8a: {  	s1 =	srdreg.scid  }
0x8b: {  	s0 =	sand.u32 $0x1, s1  }
0x8c: {  	s17 =	sshll.u32 s0, $0xA;
	s2 =	sadd.s32 s3, s2  }
0x8d: {  	s2 =	sadd.s32 s2, s17  }
0x8e: {  	[smem:$0x3FC2] =	sst s2  }
0x8f: {  	_ = 	snop  }
0x90: {  	s2 =	sld [smem:$0x3FD0];
	(tm) =	ssettm $0x1  }
0x91: {  	s18 =	sld [smem:$0x3FFB];
	_ =	sdelay $0x3  }
0x92: {  	_ =	strace s18  }
0x93: {  	s3 =	sld [smem:$0x3FFC];
	_ =	sdelay $0x3  }
0x94: {  	_ =	strace s3  }
0x95: {  	s3 =	sld [smem:$0x3FFD];
	_ =	sdelay $0x3  }
0x96: {  	_ =	strace s3  }
0x97: {  	_ =	strace $0x8FFFFFFF  }
0x98: {  	s19 =	sld [smem:$0x3FDB];
	_ =	sdelay $0x1  }
0x99: {  	s4 =	simm.s32 $_scs_section_size  }
0x9a: {  	s5 =	simm.s32 $_size__tile_overlayer_lowered;
	s6 =	simm.s32 $_tile_overlayer_lowered  }
0x9b: {  	s22 =	simm.s32 $0x1BFF;
	s21 =	sshll.u32 s6, $0x1;
	s3 =	sadd.s32 s4, s19  }
0x9c: {  	s7 =	simm.s32 $0x0;
	s20 =	sshll.u32 s5, $0x1;
	s5 =	sadd.s32 s21, s3  }
0x9d: {  	[timem:s7], [sflag:s22] =	dma.local [hbm:s5], s20  }
0x9e: {  	_ =	swait.ge [sflag:s22], s20  }
0x9f: {  	s4 =	ssub.s32 $0x0, s20;
	[sflag:s22] =	ssyncset.done $0x0  }
0xa0: {  	[sflag:s22] =	ssyncadd.s32 s4;
	_ =	sdelay $0x1  }
0xa1: {  	s23 =	simm.s32 $0x1B8B  }
0xa2: {  	_ =	swait.ge [sflag:s23], $0x1  }
0xa3: {  	[sflag:s23] =	ssyncset.done $0x0  }
0xa4: {  	s25 =	simm.s32 $0x1B8E;
	s24 =	sld [smem:$0x3FFE];
	[sflag:s23] =	ssyncadd.s32 $0xFFFFFFFF  }
0xa5: {  	s26 =	simm.s32 $execute0_lowered;
	[smem:$0x3FD2] =	sst s25  }
0xa6: {  	s5 =	sshll.u32 s26, $0x1;
	_ =	strace $0x8000004C;
	[dreg:$0x1] =	wrdreg $0xFFFFFFFF  }
0xa7: {  	s28 =	simm.s32 $_size_execute0_lowered;
	s3 =	sadd.s32 s3, s5;
	[dreg:$0x0] =	wrdreg $0x0  }
0xa8: {  	s5 =	sshll.u32 s28, $0x1;
	[dreg:$0x2] =	wrdreg s3  }
0xa9: {  	[dreg:$0x3] =	wrdreg s5  }
0xaa: {  	[dreg:$0x4] =	wrdreg $0xC0  }
0xab: {  	_ =	task [dreg:s7], $0x5FFFF  }
0xac: {  	[dreg:$0x1] =	wrdreg $0xFFFFFFFF  }
0xad: {  	[dreg:$0x0] =	wrdreg $0x60  }
0xae: {  	[dreg:$0x2] =	wrdreg s24  }
0xaf: {  	[dreg:$0x3] =	wrdreg s2  }
0xb0: {  	[dreg:$0x4] =	wrdreg $0xF0000  }
0xb1: {  	[dreg:$0x5] =	wrdreg $0xB4000  }
0xb2: {  	[dreg:$0x6] =	wrdreg $0x9  }
0xb3: {  	_ =	task.clear_ibuf [dreg:s7], $0x7FFFF;
	_ =	strace $0x9000004C  }
0xb4: {  	s29 =	simm.s32 $0x9;
	_ =	strace $0x8000004E  }
0xb5: {  	_ =	swait.ge [sflag:s29], $0x1  }
0xb6: {  	[sflag:s29] =	ssyncadd.s32 $0xFFFFFFFF  }
0xb7: {  	_ =	strace $0x9000004E  }
0xb8: {  	_ =	sfence  }
0xb9: {  	s30 =	sld [smem:$0x0];
	_ =	sdelay $0x2  }
0xba: {  	s31 =	sshll.u32 s1, $0xD;
	s1 =	sshrl.u32 s1, $0x2  }
0xbb: {  	s3 =	sand.u32 $0x4000, s31;
	s1 =	sadd.s32 s1, s30  }
0xbc: {  	s0 =	sor.u32 s3, s0;
	s1 =	sshll.u32 s1, $0x11  }
0xbd: {  	s0 =	sor.u32 s1, s0  }
0xbe: {  	s0 =	sadd.s32 $0x8F2B, s0  }
0xbf: {  	[sflag:s0] =	ssyncadd.remote.s32 $0x1  }
0xc0: {  	_ =	sfence.sel $0xFFFF  }
0xc1: {  	[dreg:$0x0] =	wrdreg $0xFFFFFFFF;
	(pc) =	sbr.abs _section_cstart, $3  }
0xc2: {  	[dreg:$0x1] =	wrdreg $0xFFFFFFFF  }
0xc3: {  	_ =	task.clear_ibuf [dreg:s7], $0x2FFFF;
	_ =	strace $0x9FFFFFFF  }
0xc4: {  	(tm) =	ssettm $0x7FFFFFFF  }
0xc5: {  	_ =	shalt  }
tec
execute0_lowered:
.L_overlay_start_1:
0x0: {  	(tag) =	ssettag $0x1  }
0x1: {  	s0 =	rddreg [dreg:$0x0]  }
0x2: {  	s1 =	rddreg [dreg:$0x1]  }
0x3: {  	s2 =	rddreg [dreg:$0x2]  }
0x4: {  	s3 =	rddreg [dreg:$0x3]  }
0x5: {  	s17 =	stileid.u32;
	s4 =	simm.s32 $0x0;
	s6 =	srdreg.scid  }
0x6: {  	s31 =	simm.s32 $0x9C00;
	s5 =	smul.u32 $0x280, s17;
	[smem:$0x7FF] =	sst s4  }
0x7: {  	s7 =	smul.u32 $0x3C00, s17;
	s8 =	sand.u32 $0x1, s6;
	s10 =	sadd.s32 $0x16E00, s0  }
0x8: {  	s12 =	sadd.s32 $0x3400, s0;
	s14 =	smul.u32 $0x7800, s17;
	s0 =	sadd.s32 $0x25E00, s0  }
0x9: {  	s16 =	smul.u32 $0x4E00, s17;
	_ =	strace $0x8000004D;
	s6 =	ssub.s32 $0x2, s8  }
0xa: {  	s11 =	smul.u32 $0x18, s8;
	p0 =	seq.s32 s8, $0x0;
	s5 =	sadd.s32 $0x80, s5  }
0xb: {  	s13 =	sshrl.u32 s6, $0x1;
	s21 =	sadd.s32 $0x1800, s7;
	s23 =	sadd.s32 $0x2400, s7  }
0xc: {  	s25 =	sadd.s32 $0x3000, s7;
	s26 =	sshrl.u32 s16, $0x3;
	s0 =	smov.u32 @p0 s1  }
0xd: {  	p0 =	sgt.u32 s17, $0x3;
	s9 =	smul.u32 $0x18, s5;
	s13 =	ssub.s32 s6, s13  }
0xe: {  	s15 =	smul.u32 $0x30, s5;
	s5 =	sadd.s32 s7, s2;
	s14 =	sor.u32 s11, s14  }
0xf: {  	s18 =	sshrl.u32 s14, $0x3;
	s19 =	sadd.s32 $0x3000, s14;
	s20 =	sadd.s32 $0x4800, s14  }
0x10: {  	s14 =	sadd.s32 $0x6000, s14;
	s29 =	smax.u32 s13, $0x1;
	s6 =	sadd.s32 s9, s2  }
0x11: {  	s11 =	sor.u32 s11, s15;
	s15 =	sadd.s32 s10, s18;
	s22 =	sshrl.u32 s20, $0x3  }
0x12: {  	s24 =	sshrl.u32 s14, $0x3;
	s14 =	sshrl.u32 s7, $0x3;
	s16 =	sshrl.u32 s9, $0x3  }
0x13: {  	s18 =	sshrl.u32 s21, $0x3;
	s20 =	sshrl.u32 s25, $0x3;
	s11 =	sshrl.u32 s11, $0x3  }
0x14: {  	[dreg:$0x5] =	wrdreg s15;
	s15 =	sadd.s32 s12, s26;
	s8 =	sadd.s32 s0, s14  }
0x15: {  	s26 =	sadd.s32 s7, s3;
	s7 =	simm.s32 $0x30;
	[dreg:$0xa] =	wrdreg s8  }
0x16: {  	s11 =	sadd.s32 s10, s11;
	[dreg:$0xf] =	wrdreg s26;
	s30 =	sadd.s32 $0x9C40, s15  }
0x17: {  	[dreg:$0x6] =	wrdreg s11;
	s11 =	sshrl.u32 s19, $0x3;
	s19 =	sshrl.u32 s23, $0x3  }
0x18: {  	s8 =	simm.s32 $0xA800;
	s11 =	sadd.s32 s10, s11;
	s1 =	sadd.s32 s0, s19  }
0x19: {  	s19 =	smov.u32 s15;
	[dreg:$0x7] =	wrdreg s11;
	s11 =	sadd.s32 s10, s22  }
0x1a: {  	s10 =	sadd.s32 s10, s24;
	s22 =	sadd.s32 s0, s16;
	[dreg:$0xd] =	wrdreg s1  }
0x1b: {  	s24 =	sadd.s32 s0, s18;
	s0 =	sadd.s32 s0, s20;
	[dreg:$0x8] =	wrdreg s11  }
0x1c: {  	s18 =	sadd.s32 s21, s2;
	s20 =	sadd.s32 s9, s3;
	[dreg:$0x9] =	wrdreg s10  }
0x1d: {  	s21 =	sadd.s32 s21, s3;
	s1 =	simm.s32 $0x18;
	[dreg:$0xb] =	wrdreg s22  }
0x1e: {  	s9 =	simm.s32 $0x80;
	s11 =	sshll.u32 s17, $0x4;
	[dreg:$0xc] =	wrdreg s24  }
0x1f: {  	[dreg:$0xe] =	wrdreg s0;
	s22 =	sadd.s32 s23, s2;
	s23 =	sadd.s32 s23, s3  }
0x20: {  	s24 =	sadd.s32 s25, s2;
	s25 =	sadd.s32 s25, s3;
	s0 =	simm.s32 $0x3  }
0x21: {  	s10 =	sadd.s32 s11, s12;
	s11 =	simm.s32 $0x2;
	s12 =	simm.s32 $0x0  }
0x22: {  	v0 =	vimm.f32 $0.0e+00;
	s26 =	sadd.s32 $0x9C00, s10;
	s28 =	sadd.s32 $0x13840, s10;
	s10 =	simm.s32 $0x1  }
.LBB2_1:
0x23: {  	s14 =	simm.s32 $0x0  }
0x24: {  	s13 =	simm.s32 $0x60;
	[tilespmem:s14+$0x9C00] =	vst v0  }
.LBB2_2:
0x25: {  	p1 =	sne.s32 s13, $0x2FA0;
	[tilespmem:s14+$0x9C08] =	vst v0;
	s14 =	smov.u32 s13;
	s13 =	sadd.s32 $0x60, s13  }
.Ltmp0:
0x26: {  	(pc) =	sbr.rel @p1 .LBB2_2-.Ltmp0, $3  }
0x27: {  	_ =	sdelay $0x1  }
0x28: {  	s14 =	sshra.s32 s14, $0x2  }
0x29: {  	[tilespmem:s14+$0x9C00] =	vst v0  }
0x2a: {  	[tilespmem:s14+$0x9C08] =	vst v0  }
0x2b: {  	[spmem:s5] =	stream.linear.scatter [tilespmem:s31], [sflag:$0x3], $0xC00, $0x38;
	[tilespmem:$0x12C00] =	vst v63  }
0x2c: {  	_ =	swait.ge [sflag:s0], $0xC00  }
0x2d: {  	[sflag:s0] =	ssyncset.done $0x0  }
0x2e: {  	[sflag:s0] =	ssyncadd.s32 $0xFFFFF400  }
0x2f: {  	[spmem:s6] =	stream.linear.scatter [tilespmem:s31], [sflag:$0x3], $0xC00, $0x38;
	[tilespmem:$0x12C00] =	vst v63  }
0x30: {  	_ =	swait.ge [sflag:s0], $0xC00  }
0x31: {  	[sflag:s0] =	ssyncset.done $0x0  }
0x32: {  	[sflag:s0] =	ssyncadd.s32 $0xFFFFF400  }
0x33: {  	[spmem:s18] =	stream.linear.scatter [tilespmem:s31], [sflag:$0x3], $0xC00, $0x38;
	[tilespmem:$0x12C00] =	vst v63  }
0x34: {  	_ =	swait.ge [sflag:s0], $0xC00  }
0x35: {  	[sflag:s0] =	ssyncset.done $0x0  }
0x36: {  	[sflag:s0] =	ssyncadd.s32 $0xFFFFF400  }
0x37: {  	[spmem:s22] =	stream.linear.scatter [tilespmem:s31], [sflag:$0x3], $0xC00, $0x38;
	[tilespmem:$0x12C00] =	vst v63  }
0x38: {  	_ =	swait.ge [sflag:s0], $0xC00  }
0x39: {  	[sflag:s0] =	ssyncset.done $0x0  }
0x3a: {  	[sflag:s0] =	ssyncadd.s32 $0xFFFFF400  }
0x3b: {  	[spmem:s24] =	stream.linear.scatter [tilespmem:s31], [sflag:$0x3], $0xC00, $0x38;
	[tilespmem:$0x12C00] =	vst v63  }
0x3c: {  	_ =	swait.ge [sflag:s0], $0xC00  }
0x3d: {  	[sflag:s0] =	ssyncset.done $0x0  }
0x3e: {  	s13 =	rddreg [dreg:$0x5];
	[sflag:s0] =	ssyncadd.s32 $0xFFFFF400  }
0x3f: {  	[tilespmem:s8], [sflag:$0x3] =	stream.strided.gather [hbm4b:s13+s1], $0xC00, s7, s1, $0x38;
	[tilespmem:$0x12C00] =	vst v63  }
0x40: {  	_ =	swait.ge [sflag:s0], $0xC00  }
0x41: {  	[sflag:s0] =	ssyncset.done $0x0  }
0x42: {  	s15 =	rddreg [dreg:$0xf];
	[sflag:s0] =	ssyncadd.s32 $0xFFFFF400  }
0x43: {  	[spmem:s15] =	stream.linear.scatter [tilespmem:s8], [sflag:$0x3], $0xC00, $0x38;
	[tilespmem:$0x12C00] =	vst v63  }
0x44: {  	_ =	swait.ge [sflag:s0], $0xC00  }
0x45: {  	[sflag:s0] =	ssyncset.done $0x0  }
0x46: {  	s16 =	rddreg [dreg:$0x6];
	[sflag:s0] =	ssyncadd.s32 $0xFFFFF400  }
0x47: {  	[tilespmem:s8], [sflag:$0x3] =	stream.strided.gather [hbm4b:s16+s1], $0xC00, s7, s1, $0x38;
	[tilespmem:$0x12C00] =	vst v63  }
0x48: {  	_ =	swait.ge [sflag:s0], $0xC00  }
0x49: {  	[sflag:s0] =	ssyncset.done $0x0  }
0x4a: {  	[sflag:s0] =	ssyncadd.s32 $0xFFFFF400  }
0x4b: {  	[spmem:s20] =	stream.linear.scatter [tilespmem:s8], [sflag:$0x3], $0xC00, $0x38;
	[tilespmem:$0x12C00] =	vst v63  }
0x4c: {  	_ =	swait.ge [sflag:s0], $0xC00  }
0x4d: {  	[sflag:s0] =	ssyncset.done $0x0  }
0x4e: {  	s17 =	rddreg [dreg:$0x7];
	[sflag:s0] =	ssyncadd.s32 $0xFFFFF400  }
0x4f: {  	[tilespmem:s8], [sflag:$0x3] =	stream.strided.gather [hbm4b:s17+s1], $0xC00, s7, s1, $0x38;
	[tilespmem:$0x12C00] =	vst v63  }
0x50: {  	_ =	swait.ge [sflag:s0], $0xC00  }
0x51: {  	[sflag:s0] =	ssyncset.done $0x0  }
0x52: {  	[sflag:s0] =	ssyncadd.s32 $0xFFFFF400  }
0x53: {  	[spmem:s21] =	stream.linear.scatter [tilespmem:s8], [sflag:$0x3], $0xC00, $0x38;
	[tilespmem:$0x12C00] =	vst v63  }
0x54: {  	_ =	swait.ge [sflag:s0], $0xC00  }
0x55: {  	[sflag:s0] =	ssyncset.done $0x0  }
0x56: {  	s14 =	rddreg [dreg:$0x8];
	[sflag:s0] =	ssyncadd.s32 $0xFFFFF400  }
0x57: {  	[tilespmem:s8], [sflag:$0x3] =	stream.strided.gather [hbm4b:s14+s1], $0xC00, s7, s1, $0x38;
	[tilespmem:$0x12C00] =	vst v63  }
0x58: {  	_ =	swait.ge [sflag:s0], $0xC00  }
0x59: {  	[sflag:s0] =	ssyncset.done $0x0  }
0x5a: {  	[sflag:s0] =	ssyncadd.s32 $0xFFFFF400  }
0x5b: {  	[spmem:s23] =	stream.linear.scatter [tilespmem:s8], [sflag:$0x3], $0xC00, $0x38;
	[tilespmem:$0x12C00] =	vst v63  }
0x5c: {  	_ =	swait.ge [sflag:s0], $0xC00  }
0x5d: {  	[sflag:s0] =	ssyncset.done $0x0  }
0x5e: {  	s15 =	rddreg [dreg:$0x9];
	[sflag:s0] =	ssyncadd.s32 $0xFFFFF400  }
0x5f: {  	[tilespmem:s8], [sflag:$0x3] =	stream.strided.gather [hbm4b:s15+s1], $0xC00, s7, s1, $0x38;
	[tilespmem:$0x12C00] =	vst v63  }
0x60: {  	_ =	swait.ge [sflag:s0], $0xC00  }
0x61: {  	[sflag:s0] =	ssyncset.done $0x0  }
0x62: {  	[sflag:s0] =	ssyncadd.s32 $0xFFFFF400  }
0x63: {  	[spmem:s25] =	stream.linear.scatter [tilespmem:s8], [sflag:$0x3], $0xC00, $0x38;
	[tilespmem:$0x12C00] =	vst v63  }
0x64: {  	_ =	swait.ge [sflag:s0], $0xC00  }
0x65: {  	[sflag:s0] =	ssyncset.done $0x0  }
0x66: {  	[sflag:s0] =	ssyncadd.s32 $0xFFFFF400  }
0x67: {  	s16 =	simm.s32 $0x0;
	[bflag:$0x0] =	sbarrier.arrive $0xFFFF  }
0x68: {  	[tilespmem:s16], [sflag:$0x3] =	stream.linear.gather [hbm4b:s19+s16], $0x4E00, $0x38;
	[tilespmem:$0x12C00] =	vst v63  }
0x69: {  	_ =	swait.ge [sflag:s0], $0x4E00  }
0x6a: {  	[sflag:s0] =	ssyncset.done $0x0  }
0x6b: {  	s17 =	simm.s32 $0x4E00;
	[sflag:s0] =	ssyncadd.s32 $0xFFFFB200  }
0x6c: {  	[tilespmem:s17], [sflag:$0x3] =	stream.linear.gather [hbm4b:s30+s16], $0x4E00, $0x38;
	[tilespmem:$0x12C00] =	vst v63  }
0x6d: {  	_ =	swait.ge [sflag:s0], $0x4E00  }
0x6e: {  	[sflag:s0] =	ssyncset.done $0x0  }
0x6f: {  	[sflag:s0] =	ssyncadd.s32 $0xFFFFB200  }
0x70: {  	[tilespmem:s31], [sflag:$0x1] =	stream.indirect.gather [spmem:s3], $0x18, s16, s9, $0xb8;
	[tilespmem:$0x12C00] =	vst v63  }
0x71: {  	s14 =	simm.s32 $0x80  }
0x72: {  	[tilespmem:s8], [sflag:$0x2] =	stream.indirect.gather [spmem:s3], $0x18, s14, s9, $0xb8;
	[tilespmem:$0x12C00] =	vst v63  }
0x73: {  	_ =	swait.ge [sflag:s10], $0xC00  }
0x74: {  	[sflag:s10] =	ssyncset.done $0x0  }
0x75: {  	s15 =	simm.s32 $0x4E00;
	[sflag:s10] =	ssyncadd.s32 $0xFFFFF400  }
0x76: {  	[spmem:s2] =	stream.indirect.scatter.add.f32 [tilespmem:s31], [sflag:$0x3], $0x18, s15, s9, $0xb8;
	[tilespmem:$0x12C00] =	vst v63  }
0x77: {  	_ =	swait.ge [sflag:s0], $0xC00  }
0x78: {  	[sflag:s0] =	ssyncset.done $0x0  }
0x79: {  	s16 =	simm.s32 $0x100;
	[sflag:s0] =	ssyncadd.s32 $0xFFFFF400  }
0x7a: {  	[tilespmem:s31], [sflag:$0x1] =	stream.indirect.gather [spmem:s3], $0x18, s16, s9, $0xb8;
	[tilespmem:$0x12C00] =	vst v63  }
0x7b: {  	_ =	swait.ge [sflag:s11], $0xC00  }
0x7c: {  	[sflag:s11] =	ssyncset.done $0x0  }
0x7d: {  	s17 =	simm.s32 $0x4E80;
	[sflag:s11] =	ssyncadd.s32 $0xFFFFF400  }
0x7e: {  	[spmem:s2] =	stream.indirect.scatter.add.f32 [tilespmem:s8], [sflag:$0x3], $0x18, s17, s9, $0xb8;
	[tilespmem:$0x12C00] =	vst v63  }
0x7f: {  	_ =	swait.ge [sflag:s0], $0xC00  }
0x80: {  	s13 =	simm.s32 $0x100;
	s14 =	simm.s32 $0x800;
	[sflag:s0] =	ssyncset.done $0x0  }
.LBB2_4:
0x81: {  	s15 =	sadd.s32 $0x80, s13  }
0x82: {  	[sflag:s0] =	ssyncadd.s32 $0xFFFFF400;
	s16 =	smov.u32 s14;
	s17 =	sadd.s32 $0x400, s14  }
0x83: {  	[tilespmem:s8], [sflag:$0x2] =	stream.indirect.gather [spmem:s3], $0x18, s15, s9, $0xb8;
	[tilespmem:$0x12C00] =	vst v63  }
0x84: {  	p1 =	sne.s32 s14, $0x13000;
	_ =	swait.ge [sflag:s10], $0xC00  }
0x85: {  	[sflag:s10] =	ssyncset.done $0x0  }
0x86: {  	s14 =	sadd.s32 $0x4E00, s13;
	[sflag:s10] =	ssyncadd.s32 $0xFFFFF400  }
0x87: {  	[spmem:s2] =	stream.indirect.scatter.add.f32 [tilespmem:s31], [sflag:$0x3], $0x18, s14, s9, $0xb8;
	[tilespmem:$0x12C00] =	vst v63  }
0x88: {  	_ =	swait.ge [sflag:s0], $0xC00  }
0x89: {  	[sflag:s0] =	ssyncset.done $0x0  }
0x8a: {  	s14 =	sadd.s32 $0x100, s13;
	[sflag:s0] =	ssyncadd.s32 $0xFFFFF400  }
0x8b: {  	[tilespmem:s31], [sflag:$0x1] =	stream.indirect.gather [spmem:s3], $0x18, s14, s9, $0xb8;
	[tilespmem:$0x12C00] =	vst v63  }
0x8c: {  	_ =	swait.ge [sflag:s11], $0xC00  }
.Ltmp1:
0x8d: {  	[sflag:s11] =	ssyncset.done $0x0;
	(pc) =	sbr.rel @p1 .LBB2_4-.Ltmp1, $4  }
0x8e: {  	s13 =	sadd.s32 $0x4E80, s13;
	[sflag:s11] =	ssyncadd.s32 $0xFFFFF400  }
0x8f: {  	[spmem:s2] =	stream.indirect.scatter.add.f32 [tilespmem:s8], [sflag:$0x3], $0x18, s13, s9, $0xb8;
	[tilespmem:$0x12C00] =	vst v63  }
0x90: {  	_ =	swait.ge [sflag:s0], $0xC00  }
0x91: {  	s14 =	smov.u32 s17;
	s13 =	sshra.s32 s16, $0x2;
	[sflag:s0] =	ssyncset.done $0x0  }
0x92: {  	s14 =	sadd.s32 $0x80, s13;
	[sflag:s0] =	ssyncadd.s32 $0xFFFFF400  }
0x93: {  	[tilespmem:s8], [sflag:$0x2] =	stream.indirect.gather [spmem:s3], $0x18, s14, s9, $0xb8;
	[tilespmem:$0x12C00] =	vst v63  }
0x94: {  	_ =	swait.ge [sflag:s10], $0xC00  }
0x95: {  	[sflag:s10] =	ssyncset.done $0x0  }
0x96: {  	s15 =	sadd.s32 $0x4E00, s13;
	[sflag:s10] =	ssyncadd.s32 $0xFFFFF400  }
0x97: {  	[spmem:s2] =	stream.indirect.scatter.add.f32 [tilespmem:s31], [sflag:$0x3], $0x18, s15, s9, $0xb8;
	[tilespmem:$0x12C00] =	vst v63  }
0x98: {  	_ =	swait.ge [sflag:s0], $0xC00  }
0x99: {  	[sflag:s0] =	ssyncset.done $0x0  }
0x9a: {  	s16 =	sadd.s32 $0x100, s13;
	[sflag:s0] =	ssyncadd.s32 $0xFFFFF400  }
0x9b: {  	[tilespmem:s31], [sflag:$0x1] =	stream.indirect.gather [spmem:s3], $0x18, s16, s9, $0xb8;
	[tilespmem:$0x12C00] =	vst v63  }
0x9c: {  	_ =	swait.ge [sflag:s11], $0xC00  }
0x9d: {  	[sflag:s11] =	ssyncset.done $0x0  }
0x9e: {  	s17 =	sadd.s32 $0x4E80, s13;
	[sflag:s11] =	ssyncadd.s32 $0xFFFFF400  }
0x9f: {  	[spmem:s2] =	stream.indirect.scatter.add.f32 [tilespmem:s8], [sflag:$0x3], $0x18, s17, s9, $0xb8;
	[tilespmem:$0x12C00] =	vst v63  }
0xa0: {  	_ =	swait.ge [sflag:s0], $0xC00  }
0xa1: {  	[sflag:s0] =	ssyncset.done $0x0  }
0xa2: {  	s14 =	simm.s32 $0x4D80;
	[sflag:s0] =	ssyncadd.s32 $0xFFFFF400  }
0xa3: {  	[tilespmem:s8], [sflag:$0x2] =	stream.indirect.gather [spmem:s3], $0x18, s14, s9, $0xb8;
	[tilespmem:$0x12C00] =	vst v63  }
0xa4: {  	_ =	swait.ge [sflag:s10], $0xC00  }
0xa5: {  	[sflag:s10] =	ssyncset.done $0x0  }
0xa6: {  	s15 =	simm.s32 $0x9B00;
	[sflag:s10] =	ssyncadd.s32 $0xFFFFF400  }
0xa7: {  	[spmem:s2] =	stream.indirect.scatter.add.f32 [tilespmem:s31], [sflag:$0x3], $0x18, s15, s9, $0xb8;
	[tilespmem:$0x12C00] =	vst v63  }
0xa8: {  	_ =	swait.ge [sflag:s0], $0xC00  }
0xa9: {  	[sflag:s0] =	ssyncset.done $0x0  }
0xaa: {  	[sflag:s0] =	ssyncadd.s32 $0xFFFFF400  }
0xab: {  	_ =	swait.ge [sflag:s11], $0xC00  }
0xac: {  	[sflag:s11] =	ssyncset.done $0x0  }
0xad: {  	s16 =	simm.s32 $0x9B80;
	[sflag:s11] =	ssyncadd.s32 $0xFFFFF400  }
0xae: {  	[spmem:s2] =	stream.indirect.scatter.add.f32 [tilespmem:s8], [sflag:$0x3], $0x18, s16, s9, $0xb8;
	[tilespmem:$0x12C00] =	vst v63  }
0xaf: {  	_ =	swait.ge [sflag:s0], $0xC00  }
0xb0: {  	[sflag:s0] =	ssyncset.done $0x0  }
0xb1: {  	s13 =	simm.s32 @!p0 $0x0;
	s14 =	simm.s32 @!p0 $0x3;
	[sflag:s0] =	ssyncadd.s32 $0xFFFFF400  }
0xb2: {  	[tilespmem:s13], [sflag:$0x3] =	stream.linear.gather @!p0 [hbm4b:s26+s13], $0x80, $0x38;
	[tilespmem:$0x12C00] =	vst v63  }
0xb3: {  	_ =	swait.ge @!p0 [sflag:s14], $0x80  }
0xb4: {  	[sflag:s14] =	ssyncset.done @!p0 $0x0  }
0xb5: {  	s15 =	simm.s32 @!p0 $0x4E00;
	[sflag:s14] =	ssyncadd.s32 @!p0 $0xFFFFFF80  }
0xb6: {  	[tilespmem:s15], [sflag:$0x3] =	stream.linear.gather @!p0 [hbm4b:s28+s13], $0x80, $0x38;
	[tilespmem:$0x12C00] =	vst v63  }
0xb7: {  	_ =	swait.ge @!p0 [sflag:s14], $0x80  }
0xb8: {  	[sflag:s14] =	ssyncset.done @!p0 $0x0  }
0xb9: {  	s17 =	simm.s32 @!p0 $0x9C00;
	s16 =	simm.s32 @!p0 $0x80;
	[sflag:s14] =	ssyncadd.s32 @!p0 $0xFFFFFF80  }
0xba: {  	[tilespmem:s17], [sflag:$0x1] =	stream.indirect.gather @!p0 [spmem:s3], $0x18, s13, s16, $0xb8;
	[tilespmem:$0x12C00] =	vst v63  }
0xbb: {  	s13 =	simm.s32 @!p0 $0x1  }
0xbc: {  	_ =	swait.ge @!p0 [sflag:s13], $0xC00  }
0xbd: {  	[sflag:s13] =	ssyncset.done @!p0 $0x0  }
0xbe: {  	[sflag:s13] =	ssyncadd.s32 @!p0 $0xFFFFF400  }
0xbf: {  	[spmem:s2] =	stream.indirect.scatter.add.f32 @!p0 [tilespmem:s17], [sflag:$0x3], $0x18, s15, s16, $0xb8;
	[tilespmem:$0x12C00] =	vst v63  }
0xc0: {  	_ =	swait.ge @!p0 [sflag:s14], $0xC00  }
0xc1: {  	[sflag:s14] =	ssyncset.done @!p0 $0x0  }
0xc2: {  	[sflag:s14] =	ssyncadd.s32 @!p0 $0xFFFFF400  }
0xc3: {  	[bflag:$0x0] =	sbarrier.arrive $0xFFFF  }
0xc4: {  	[tilespmem:s31], [sflag:$0x3] =	stream.linear.gather [spmem:s5], $0xC00, $0x38;
	[tilespmem:$0x12C00] =	vst v63  }
0xc5: {  	_ =	swait.ge [sflag:s0], $0xC00  }
0xc6: {  	[sflag:s0] =	ssyncset.done $0x0  }
0xc7: {  	s17 =	rddreg [dreg:$0xa];
	[sflag:s0] =	ssyncadd.s32 $0xFFFFF400  }
0xc8: {  	[hbm4b:s17+s4] =	stream.linear.scatter [tilespmem:s31], [sflag:$0x3], $0xC00, $0x38;
	[tilespmem:$0x12C00] =	vst v63  }
0xc9: {  	_ =	swait.ge [sflag:s0], $0xC00  }
0xca: {  	[sflag:s0] =	ssyncset.done $0x0  }
0xcb: {  	[sflag:s0] =	ssyncadd.s32 $0xFFFFF400  }
0xcc: {  	[tilespmem:s31], [sflag:$0x3] =	stream.linear.gather [spmem:s6], $0xC00, $0x38;
	[tilespmem:$0x12C00] =	vst v63  }
0xcd: {  	_ =	swait.ge [sflag:s0], $0xC00  }
0xce: {  	[sflag:s0] =	ssyncset.done $0x0  }
0xcf: {  	s14 =	rddreg [dreg:$0xb];
	[sflag:s0] =	ssyncadd.s32 $0xFFFFF400  }
0xd0: {  	[hbm4b:s14+s4] =	stream.linear.scatter [tilespmem:s31], [sflag:$0x3], $0xC00, $0x38;
	[tilespmem:$0x12C00] =	vst v63  }
0xd1: {  	_ =	swait.ge [sflag:s0], $0xC00  }
0xd2: {  	[sflag:s0] =	ssyncset.done $0x0  }
0xd3: {  	[sflag:s0] =	ssyncadd.s32 $0xFFFFF400  }
0xd4: {  	[tilespmem:s31], [sflag:$0x3] =	stream.linear.gather [spmem:s18], $0xC00, $0x38;
	[tilespmem:$0x12C00] =	vst v63  }
0xd5: {  	_ =	swait.ge [sflag:s0], $0xC00  }
0xd6: {  	[sflag:s0] =	ssyncset.done $0x0  }
0xd7: {  	s15 =	rddreg [dreg:$0xc];
	[sflag:s0] =	ssyncadd.s32 $0xFFFFF400  }
0xd8: {  	[hbm4b:s15+s4] =	stream.linear.scatter [tilespmem:s31], [sflag:$0x3], $0xC00, $0x38;
	[tilespmem:$0x12C00] =	vst v63  }
0xd9: {  	_ =	swait.ge [sflag:s0], $0xC00  }
0xda: {  	[sflag:s0] =	ssyncset.done $0x0  }
0xdb: {  	[sflag:s0] =	ssyncadd.s32 $0xFFFFF400  }
0xdc: {  	[tilespmem:s31], [sflag:$0x3] =	stream.linear.gather [spmem:s22], $0xC00, $0x38;
	[tilespmem:$0x12C00] =	vst v63  }
0xdd: {  	_ =	swait.ge [sflag:s0], $0xC00  }
0xde: {  	[sflag:s0] =	ssyncset.done $0x0  }
0xdf: {  	s16 =	rddreg [dreg:$0xd];
	[sflag:s0] =	ssyncadd.s32 $0xFFFFF400  }
0xe0: {  	[hbm4b:s16+s4] =	stream.linear.scatter [tilespmem:s31], [sflag:$0x3], $0xC00, $0x38;
	[tilespmem:$0x12C00] =	vst v63  }
0xe1: {  	_ =	swait.ge [sflag:s0], $0xC00  }
0xe2: {  	[sflag:s0] =	ssyncset.done $0x0  }
0xe3: {  	[sflag:s0] =	ssyncadd.s32 $0xFFFFF400  }
0xe4: {  	[tilespmem:s31], [sflag:$0x3] =	stream.linear.gather [spmem:s24], $0xC00, $0x38;
	[tilespmem:$0x12C00] =	vst v63  }
0xe5: {  	s12 =	sadd.s32 $0x1, s12;
	_ =	swait.ge [sflag:s0], $0xC00  }
0xe6: {  	p1 =	sne.s32 s12, s29;
	[sflag:s0] =	ssyncset.done $0x0  }
.Ltmp2:
0xe7: {  	s17 =	rddreg [dreg:$0xe];
	[sflag:s0] =	ssyncadd.s32 $0xFFFFF400;
	(pc) =	sbr.rel @p1 .LBB2_1-.Ltmp2, $4  }
0xe8: {  	[hbm4b:s17+s4] =	stream.linear.scatter [tilespmem:s31], [sflag:$0x3], $0xC00, $0x38;
	[tilespmem:$0x12C00] =	vst v63  }
0xe9: {  	_ =	swait.ge [sflag:s0], $0xC00  }
0xea: {  	[sflag:s0] =	ssyncset.done $0x0  }
0xeb: {  	[sflag:s0] =	ssyncadd.s32 $0xFFFFF400  }
0xec: {  	_ =	sfence.sel $0x180000  }
0xed: {  	[bflag:$0x0] =	sbarrier.arrive $0xFFFF  }
0xee: {  	_ =	strace $0x9000004D  }
0xef: {  	s0 =	stileid.u32;
	[bflag:$0x2] =	sbarrier.arrive $0xFFFF  }
0xf0: {  	p0 =	sne.s32 s0, $0x0;
	s0 =	rddreg [dreg:$0x4]  }
0xf1: {  	s0 =	sadd.s32 @!p0 $0x100000, s0  }
0xf2: {  	[sflag:s0] =	ssyncadd.tile.s32 @!p0 $0x1;
	_ =	shalt  }
.Lfunc_end2:
_tile_overlayer_lowered:
.L_overlay_start_2:
0xf3: {  	(tag) =	ssettag $0x2  }
0xf4: {  	s0 =	rddreg [dreg:$0x0];
	s2 =	stileid.u32  }
0xf5: {  	s1 =	rddreg [dreg:$0x1];
	p0 =	sne.s32 s2, $0x0  }
0xf6: {  	s3 =	rddreg [dreg:$0x2];
	[bflag:$0x3] =	sbarrier.arrive $0xFFFF;
	s2 =	simm.s32 @!p0 $0x1C03  }
0xf7: {  	[timem:s3], [sflag:s2] =	dma.local @!p0 [hbm:s0], s1  }
0xf8: {  	s0 =	simm.s32 @!p0 $0x3  }
0xf9: {  	_ =	swait.ge @!p0 [sflag:s0], s1  }
0xfa: {  	s1 =	ssub.s32 @!p0 $0x0, s1;
	[sflag:s0] =	ssyncset.done @!p0 $0x0  }
0xfb: {  	[sflag:s0] =	ssyncadd.s32 @!p0 s1  }
0xfc: {  	[bflag:$0x3] =	sbarrier.arrive $0xFFFF  }
0xfd: {  	_ =	shalt  }

// kernel: kernel.9.cloned.1.call-start
scs
__scs_entry_jumppad:
0x0: {  	(pc) =	sbr.rel $0x88, $3  }
0x1: {  	(tag) =	ssettag $0x0;
	lr =	simm.s32 $0x1  }
0x2: {  	[smem:$0x3F9B] =	sst lr;
	_ =	strace $0xD0000000  }
0x3: {  	_ = 	snop  }
0x4: {  	_ = 	snop  }
0x5: {  	_ = 	snop  }
0x6: {  	_ = 	snop  }
0x7: {  	_ = 	snop  }
__scs_overlays_trampoline_lowered:
0x8: {  	[smem:$0x3FAA] =	sst s0  }
0x9: {  	[smem:$0x3FAB] =	sst s1  }
0xa: {  	[smem:$0x3FAC] =	sst s2  }
0xb: {  	[smem:$0x3FAD] =	sst s3  }
0xc: {  	[smem:$0x3FAE] =	sst s4  }
0xd: {  	[smem:$0x3FAF] =	sst s5  }
0xe: {  	[smem:$0x3FB0] =	sst s6  }
0xf: {  	[smem:$0x3FB1] =	sst s7  }
0x10: {  	[smem:$0x3FB2] =	sst s8  }
0x11: {  	[smem:$0x3FB3] =	sst s9;
	s0 =	simm.s32 @!p0 $0x0  }
0x12: {  	s1 =	sld [smem:$0x3F99];
	s0 =	simm.s32 @p0 $0x1  }
0x13: {  	[smem:$0x3FB4] =	sst s0;
	s0 =	simm.s32 @!p1 $0x0  }
0x14: {  	s2 =	sld [smem:$0x3F98];
	s0 =	simm.s32 @p1 $0x1  }
0x15: {  	[smem:$0x3FB5] =	sst s0;
	s0 =	simm.s32 @!p2 $0x0  }
0x16: {  	s3 =	sld [smem:$0x3FDB];
	s0 =	simm.s32 @p2 $0x1  }
0x17: {  	s4 =	simm.s32 $0x1BF5;
	[smem:$0x3FB7] =	sst s0  }
0x18: {  	s0 =	sld [smem:$0x3F9A];
	_ =	swait.ge [sflag:s4], $0x0  }
0x19: {  	s7 =	sld [smem:$0x3F9B]  }
0x1a: {  	s8 =	sadd.s32 $0xFFFFE003, lr  }
0x1b: {  	s9 =	sadd.s32 $0xFFFFFEF7, lr;
	s5 =	simm.s32 $0xFFFFFFFF;
	p2 =	slt.u32 s8, $0xFFFFF086  }
0x1c: {  	p1 =	slt.u32 s9, $0xF7A;
	s5 =	simm.s32 @!p2 $0x0  }
0x1d: {  	s5 =	simm.s32 @p1 $0x1;
	p0 =	seq.s32 s7, s2  }
0x1e: {  	s7 =	smul.u32 @!p0 $0xF7A, s2;
	p2 =	seq.s32 @!p0 s5, $0x0  }
0x1f: {  	s9 =	smul.u32 $0xF7A, s1;
	s8 =	simm.s32 @!p0 $0x1BF5;
	p2 =	por !p2, p0  }
0x20: {  	[sflag:s8] =	ssyncset.s32 @!p0 $0xFFFFF086;
	s6 =	sadd.s32 @!p0 s3, s7;
	s7 =	simm.s32 @!p0 $0x108  }
0x21: {  	s3 =	sadd.s32 s3, s9;
	s6 =	sadd.s32 @!p0 $0x88, s6;
	s7 =	simm.s32 @p2 $0x1082  }
0x22: {  	[simem:s7], [sflag:s8] =	dma.local @!p0 [hbm:s6], $0xF7A  }
0x23: {  	s9 =	sor.u32 $0xD0000000, s2;
	s6 =	simm.s32 $0x108;
	_ =	swait.ge @!p0 [sflag:s8], $0x0  }
0x24: {  	s3 =	sadd.s32 $0x88, s3;
	s6 =	simm.s32 @!p1 $0x1082;
	[sflag:s4] =	ssyncset.s32 $0xFFFFF086  }
0x25: {  	[simem:s6], [sflag:s4] =	dma.local [hbm:s3], $0xF7A  }
0x26: {  	[smem:$0x3F9B] =	sst s1;
	(tag) =	ssettag s2;
	_ =	strace s9  }
0x27: {  	s1 =	sld [smem:$0x3FAB]  }
0x28: {  	s2 =	sld [smem:$0x3FAC]  }
0x29: {  	s4 =	sld [smem:$0x3FAE]  }
0x2a: {  	p0 =	seq.s32 s5, $0x0;
	s5 =	sld [smem:$0x3FAF]  }
0x2b: {  	s6 =	sld [smem:$0x3FB0]  }
0x2c: {  	s7 =	sld [smem:$0x3FB1]  }
0x2d: {  	s3 =	simm.s32 $0x108;
	s8 =	sld [smem:$0x3FB2]  }
0x2e: {  	s3 =	simm.s32 @!p0 $0x1082;
	s9 =	sld [smem:$0x3FB3]  }
0x2f: {  	lr =	sadd.s32 s0, s3;
	s0 =	sld [smem:$0x3FAA]  }
0x30: {  	s3 =	sld [smem:$0x3FAD]  }
0x31: {  	[smem:$0x3FB6] =	sst s10  }
0x32: {  	s10 =	sld [smem:$0x3FB4];
	_ =	sdelay $0x3  }
0x33: {  	p0 =	seq.s32 s10, $0x1;
	s10 =	sld [smem:$0x3FB6];
	_ =	sdelay $0x3  }
0x34: {  	[smem:$0x3FB6] =	sst s10  }
0x35: {  	s10 =	sld [smem:$0x3FB5];
	_ =	sdelay $0x3  }
0x36: {  	p1 =	seq.s32 s10, $0x1;
	s10 =	sld [smem:$0x3FB6];
	_ =	sdelay $0x3  }
0x37: {  	[smem:$0x3FB6] =	sst s10  }
0x38: {  	s10 =	sld [smem:$0x3FB7]  }
0x39: {  	_ = 	snop;
	(pc) =	sbr.ind lr, $3  }
0x3a: {  	_ = 	snop  }
0x3b: {  	_ = 	snop  }
0x3c: {  	p2 =	seq.s32 s10, $0x1;
	s10 =	sld [smem:$0x3FB6]  }
0x3d: {  	_ =	shalt  }
0x3e: {  	_ =	shalt  }
0x3f: {  	_ =	shalt  }
0x40: {  	_ =	shalt  }
0x41: {  	_ =	shalt  }
0x42: {  	_ =	shalt  }
0x43: {  	_ =	shalt  }
0x44: {  	_ =	shalt  }
0x45: {  	_ =	shalt  }
0x46: {  	_ =	shalt  }
0x47: {  	_ =	shalt  }
0x48: {  	_ =	shalt  }
0x49: {  	_ =	shalt  }
0x4a: {  	_ =	shalt  }
0x4b: {  	_ =	shalt  }
0x4c: {  	_ =	shalt  }
0x4d: {  	_ =	shalt  }
0x4e: {  	_ =	shalt  }
0x4f: {  	_ =	shalt  }
0x50: {  	_ =	shalt  }
0x51: {  	_ =	shalt  }
0x52: {  	_ =	shalt  }
0x53: {  	_ =	shalt  }
0x54: {  	_ =	shalt  }
0x55: {  	_ =	shalt  }
0x56: {  	_ =	shalt  }
0x57: {  	_ =	shalt  }
0x58: {  	_ =	shalt  }
0x59: {  	_ =	shalt  }
0x5a: {  	_ =	shalt  }
0x5b: {  	_ =	shalt  }
0x5c: {  	_ =	shalt  }
0x5d: {  	_ =	shalt  }
0x5e: {  	_ =	shalt  }
0x5f: {  	_ =	shalt  }
0x60: {  	_ =	shalt  }
0x61: {  	_ =	shalt  }
0x62: {  	_ =	shalt  }
0x63: {  	_ =	shalt  }
0x64: {  	_ =	shalt  }
0x65: {  	_ =	shalt  }
0x66: {  	_ =	shalt  }
0x67: {  	_ =	shalt  }
0x68: {  	_ =	shalt  }
0x69: {  	_ =	shalt  }
0x6a: {  	_ =	shalt  }
0x6b: {  	_ =	shalt  }
0x6c: {  	_ =	shalt  }
0x6d: {  	_ =	shalt  }
0x6e: {  	_ =	shalt  }
0x6f: {  	_ =	shalt  }
0x70: {  	_ =	shalt  }
0x71: {  	_ =	shalt  }
0x72: {  	_ =	shalt  }
0x73: {  	_ =	shalt  }
0x74: {  	_ =	shalt  }
0x75: {  	_ =	shalt  }
0x76: {  	_ =	shalt  }
0x77: {  	_ =	shalt  }
0x78: {  	_ =	shalt  }
0x79: {  	_ =	shalt  }
0x7a: {  	_ =	shalt  }
0x7b: {  	_ =	shalt  }
0x7c: {  	_ =	shalt  }
0x7d: {  	_ =	shalt  }
0x7e: {  	_ =	shalt  }
0x7f: {  	_ =	shalt  }
0x80: {  	_ =	shalt  }
0x81: {  	_ =	shalt  }
0x82: {  	_ =	shalt  }
0x83: {  	_ =	shalt  }
0x84: {  	_ =	shalt  }
0x85: {  	_ =	shalt  }
0x86: {  	_ =	shalt  }
0x87: {  	_ =	shalt  }
.Lfunc_end0:
.L_simem_size_0:
called_computation_lowered:
.L_overlay_start_0:
0x88: {  	s2 =	sld [smem:$0x3FD9]  }
0x89: {  	s3 =	sld [smem:$0x3FFE];
	_ =	sdelay $0x1  }
0x8a: {  	s1 =	srdreg.scid  }
0x8b: {  	s0 =	sand.u32 $0x1, s1  }
0x8c: {  	s17 =	sshll.u32 s0, $0xA;
	s2 =	sadd.s32 s3, s2  }
0x8d: {  	s2 =	sadd.s32 s2, s17  }
0x8e: {  	[smem:$0x3FC2] =	sst s2  }
0x8f: {  	_ = 	snop  }
0x90: {  	s2 =	sld [smem:$0x3FD0];
	(tm) =	ssettm $0x1  }
0x91: {  	s18 =	sld [smem:$0x3FFB];
	_ =	sdelay $0x3  }
0x92: {  	_ =	strace s18  }
0x93: {  	s3 =	sld [smem:$0x3FFC];
	_ =	sdelay $0x3  }
0x94: {  	_ =	strace s3  }
0x95: {  	s3 =	sld [smem:$0x3FFD];
	_ =	sdelay $0x3  }
0x96: {  	_ =	strace s3  }
0x97: {  	_ =	strace $0x8FFFFFFF  }
0x98: {  	s19 =	sld [smem:$0x3FDB];
	_ =	sdelay $0x1  }
0x99: {  	s4 =	simm.s32 $_scs_section_size  }
0x9a: {  	s5 =	simm.s32 $_size__tile_overlayer_lowered;
	s6 =	simm.s32 $_tile_overlayer_lowered  }
0x9b: {  	s22 =	simm.s32 $0x1BFF;
	s21 =	sshll.u32 s6, $0x1;
	s3 =	sadd.s32 s4, s19  }
0x9c: {  	s7 =	simm.s32 $0x0;
	s20 =	sshll.u32 s5, $0x1;
	s5 =	sadd.s32 s21, s3  }
0x9d: {  	[timem:s7], [sflag:s22] =	dma.local [hbm:s5], s20  }
0x9e: {  	_ =	swait.ge [sflag:s22], s20  }
0x9f: {  	s4 =	ssub.s32 $0x0, s20;
	[sflag:s22] =	ssyncset.done $0x0  }
0xa0: {  	[sflag:s22] =	ssyncadd.s32 s4;
	_ =	sdelay $0x1  }
0xa1: {  	s23 =	simm.s32 $0x1B8B  }
0xa2: {  	_ =	swait.ge [sflag:s23], $0x1  }
0xa3: {  	[sflag:s23] =	ssyncset.done $0x0  }
0xa4: {  	s25 =	simm.s32 $0x1B8E;
	s24 =	sld [smem:$0x3FFE];
	[sflag:s23] =	ssyncadd.s32 $0xFFFFFFFF  }
0xa5: {  	s26 =	simm.s32 $execute0_lowered;
	[smem:$0x3FD2] =	sst s25  }
0xa6: {  	s5 =	sshll.u32 s26, $0x1;
	_ =	strace $0x80000046;
	[dreg:$0x1] =	wrdreg $0xFFFFFFFF  }
0xa7: {  	s28 =	simm.s32 $_size_execute0_lowered;
	s3 =	sadd.s32 s3, s5;
	[dreg:$0x0] =	wrdreg $0x0  }
0xa8: {  	s5 =	sshll.u32 s28, $0x1;
	[dreg:$0x2] =	wrdreg s3  }
0xa9: {  	[dreg:$0x3] =	wrdreg s5  }
0xaa: {  	[dreg:$0x4] =	wrdreg $0xC0  }
0xab: {  	_ =	task [dreg:s7], $0x5FFFF  }
0xac: {  	[dreg:$0x1] =	wrdreg $0xFFFFFFFF  }
0xad: {  	[dreg:$0x0] =	wrdreg $0x60  }
0xae: {  	[dreg:$0x2] =	wrdreg s24  }
0xaf: {  	[dreg:$0x3] =	wrdreg s2  }
0xb0: {  	[dreg:$0x4] =	wrdreg $0x2A000  }
0xb1: {  	[dreg:$0x5] =	wrdreg $0x9  }
0xb2: {  	_ =	task.clear_ibuf [dreg:s7], $0x6FFFF;
	_ =	strace $0x90000046  }
0xb3: {  	s29 =	simm.s32 $0x9;
	_ =	strace $0x80000048  }
0xb4: {  	_ =	swait.ge [sflag:s29], $0x1  }
0xb5: {  	[sflag:s29] =	ssyncadd.s32 $0xFFFFFFFF  }
0xb6: {  	_ =	strace $0x90000048  }
0xb7: {  	_ =	sfence  }
0xb8: {  	s30 =	sld [smem:$0x0];
	_ =	sdelay $0x2  }
0xb9: {  	s31 =	sshll.u32 s1, $0xD;
	s1 =	sshrl.u32 s1, $0x2  }
0xba: {  	s3 =	sand.u32 $0x4000, s31;
	s1 =	sadd.s32 s1, s30  }
0xbb: {  	s0 =	sor.u32 s3, s0;
	s1 =	sshll.u32 s1, $0x11  }
0xbc: {  	s0 =	sor.u32 s1, s0  }
0xbd: {  	s0 =	sadd.s32 $0x8F2B, s0  }
0xbe: {  	[sflag:s0] =	ssyncadd.remote.s32 $0x1  }
0xbf: {  	_ =	sfence.sel $0xFFFF  }
0xc0: {  	[dreg:$0x0] =	wrdreg $0xFFFFFFFF;
	(pc) =	sbr.abs _section_cstart, $3  }
0xc1: {  	[dreg:$0x1] =	wrdreg $0xFFFFFFFF  }
0xc2: {  	_ =	task.clear_ibuf [dreg:s7], $0x2FFFF;
	_ =	strace $0x9FFFFFFF  }
0xc3: {  	(tm) =	ssettm $0x7FFFFFFF  }
tec
execute0_lowered:
.L_overlay_start_1:
0x0: {  	(tag) =	ssettag $0x1  }
0x1: {  	s4 =	rddreg [dreg:$0x0]  }
0x2: {  	s7 =	rddreg [dreg:$0x1]  }
0x3: {  	s1 =	rddreg [dreg:$0x2];
	s2 =	srdreg.scid  }
0x4: {  	s0 =	rddreg [dreg:$0x3];
	s3 =	simm.s32 $0x0;
	s12 =	simm.s32 $0x2700  }
0x5: {  	s13 =	simm.s32 $0x1;
	s5 =	sand.u32 $0x1, s2;
	[smem:$0x7FF] =	sst s3  }
0x6: {  	s2 =	stileid.u32;
	s11 =	sadd.s32 $0x3400, s4;
	s6 =	sshll.u32 s5, $0x4  }
0x7: {  	s8 =	ssub.s32 $0x2, s5;
	s26 =	smul.u32 $0x280, s2;
	_ =	strace $0x80000047  }
0x8: {  	s5 =	smul.u32 $0x2800, s5;
	s14 =	sor.u32 s2, s6;
	s9 =	sshrl.u32 s8, $0x1  }
0x9: {  	s29 =	sshll.u32 s2, $0x4;
	s10 =	smul.u32 $0x2700, s14;
	s8 =	ssub.s32 s8, s9  }
0xa: {  	s4 =	sadd.s32 s26, s1;
	s30 =	sadd.s32 s26, s5;
	p0 =	sgt.u32 s14, $0x3  }
0xb: {  	s14 =	simm.s32 $0x0;
	s31 =	sshrl.u32 s30, $0x3;
	s8 =	smax.u32 s8, $0x1  }
0xc: {  	s28 =	sshrl.u32 s10, $0x3;
	s10 =	sadd.s32 s29, s11;
	s7 =	sadd.s32 s7, s31  }
0xd: {  	s9 =	sadd.s32 s11, s28;
	s6 =	sadd.s32 $0x13840, s10;
	s10 =	simm.s32 $0x2  }
0xe: {  	v0 =	vimm.f32 $1.000000000e+00;
	v1 =	vimm.f32 $0.0e+00;
	s11 =	simm.s32 $0x80;
	s5 =	sadd.s32 $0x9C40, s9;
	s9 =	simm.s32 $0x2780  }
.LBB2_1:
0xf: {  	[tilespmem:$0x2700] =	vst v0  }
0x10: {  	[tilespmem:$0x2710] =	vst v0  }
0x11: {  	[tilespmem:$0x2720] =	vst v0  }
0x12: {  	[tilespmem:$0x2730] =	vst v0  }
0x13: {  	[tilespmem:$0x2740] =	vst v0  }
0x14: {  	[tilespmem:$0x2750] =	vst v0  }
0x15: {  	[tilespmem:$0x2760] =	vst v0  }
0x16: {  	[tilespmem:$0x2770] =	vst v0  }
0x17: {  	[tilespmem:$0x2780] =	vst v1  }
0x18: {  	[tilespmem:$0x2790] =	vst v1  }
0x19: {  	[tilespmem:$0x27A0] =	vst v1  }
0x1a: {  	[tilespmem:$0x27B0] =	vst v1  }
0x1b: {  	[tilespmem:$0x27C0] =	vst v1  }
0x1c: {  	[tilespmem:$0x27D0] =	vst v1  }
0x1d: {  	[tilespmem:$0x27E0] =	vst v1  }
0x1e: {  	[tilespmem:$0x27F0] =	vst v1  }
0x1f: {  	[tilespmem:$0x2800] =	vst v1  }
0x20: {  	[tilespmem:$0x2810] =	vst v1  }
0x21: {  	[tilespmem:$0x2820] =	vst v1  }
0x22: {  	[tilespmem:$0x2830] =	vst v1  }
0x23: {  	[tilespmem:$0x2840] =	vst v1  }
0x24: {  	[tilespmem:$0x2850] =	vst v1  }
0x25: {  	[tilespmem:$0x2860] =	vst v1  }
0x26: {  	[tilespmem:$0x2870] =	vst v1  }
0x27: {  	[tilespmem:$0x2880] =	vst v1  }
0x28: {  	[tilespmem:$0x2890] =	vst v1  }
0x29: {  	[tilespmem:$0x28A0] =	vst v1  }
0x2a: {  	[tilespmem:$0x28B0] =	vst v1  }
0x2b: {  	[tilespmem:$0x28C0] =	vst v1  }
0x2c: {  	[tilespmem:$0x28D0] =	vst v1  }
0x2d: {  	[tilespmem:$0x28E0] =	vst v1  }
0x2e: {  	[tilespmem:$0x28F0] =	vst v1  }
0x2f: {  	[tilespmem:$0x2900] =	vst v1  }
0x30: {  	[tilespmem:$0x2910] =	vst v1  }
0x31: {  	[tilespmem:$0x2920] =	vst v1  }
0x32: {  	[tilespmem:$0x2930] =	vst v1  }
0x33: {  	[tilespmem:$0x2940] =	vst v1  }
0x34: {  	[tilespmem:$0x2950] =	vst v1  }
0x35: {  	[tilespmem:$0x2960] =	vst v1  }
0x36: {  	[tilespmem:$0x2970] =	vst v1  }
0x37: {  	[tilespmem:$0x2980] =	vst v1  }
0x38: {  	[tilespmem:$0x2990] =	vst v1  }
0x39: {  	[tilespmem:$0x29A0] =	vst v1  }
0x3a: {  	[tilespmem:$0x29B0] =	vst v1  }
0x3b: {  	[tilespmem:$0x29C0] =	vst v1  }
0x3c: {  	[tilespmem:$0x29D0] =	vst v1  }
0x3d: {  	[tilespmem:$0x29E0] =	vst v1  }
0x3e: {  	[tilespmem:$0x29F0] =	vst v1  }
0x3f: {  	[spmem:s4] =	stream.linear.scatter [tilespmem:s9], [sflag:$0x2], $0x280, $0x38;
	[tilespmem:$0x2C80] =	vst v63  }
0x40: {  	_ =	swait.ge [sflag:s10], $0x280  }
0x41: {  	[sflag:s10] =	ssyncset.done $0x0  }
0x42: {  	[sflag:s10] =	ssyncadd.s32 $0xFFFFFD80  }
0x43: {  	[tilespmem:s3], [sflag:$0x2] =	stream.linear.gather [hbm4b:s5+s3], $0x2700, $0x38;
	[tilespmem:$0x2C80] =	vst v63  }
0x44: {  	_ =	swait.ge [sflag:s10], $0x2700  }
0x45: {  	[sflag:s10] =	ssyncset.done $0x0  }
0x46: {  	[sflag:s10] =	ssyncadd.s32 $0xFFFFD900  }
0x47: {  	s15 =	simm.s32 $0x0;
	[bflag:$0x0] =	sbarrier.arrive $0xFFFF  }
0x48: {  	[spmem:s1] =	stream.indirect.scatter.add.f32 [tilespmem:s12], [sflag:$0x1], $0x1, s15, s11, $0xb8;
	[tilespmem:$0x2C80] =	vst v63  }
0x49: {  	s26 =	simm.s32 $0x80  }
0x4a: {  	[spmem:s1] =	stream.indirect.scatter.add.f32 [tilespmem:s12], [sflag:$0x1], $0x1, s26, s11, $0xb8;
	[tilespmem:$0x2C80] =	vst v63  }
0x4b: {  	s28 =	simm.s32 $0x100  }
0x4c: {  	[spmem:s1] =	stream.indirect.scatter.add.f32 [tilespmem:s12], [sflag:$0x1], $0x1, s28, s11, $0xb8;
	[tilespmem:$0x2C80] =	vst v63  }
0x4d: {  	s29 =	simm.s32 $0x180  }
0x4e: {  	[spmem:s1] =	stream.indirect.scatter.add.f32 [tilespmem:s12], [sflag:$0x1], $0x1, s29, s11, $0xb8;
	[tilespmem:$0x2C80] =	vst v63  }
0x4f: {  	s30 =	simm.s32 $0x200  }
0x50: {  	[spmem:s1] =	stream.indirect.scatter.add.f32 [tilespmem:s12], [sflag:$0x1], $0x1, s30, s11, $0xb8;
	[tilespmem:$0x2C80] =	vst v63  }
0x51: {  	s31 =	simm.s32 $0x280  }
0x52: {  	[spmem:s1] =	stream.indirect.scatter.add.f32 [tilespmem:s12], [sflag:$0x1], $0x1, s31, s11, $0xb8;
	[tilespmem:$0x2C80] =	vst v63  }
0x53: {  	_ =	swait.ge [sflag:s13], $0x80  }
0x54: {  	[sflag:s13] =	ssyncset.done $0x0  }
0x55: {  	[sflag:s13] =	ssyncadd.s32 $0xFFFFFF80  }
0x56: {  	_ =	swait.ge [sflag:s13], $0x80  }
0x57: {  	[sflag:s13] =	ssyncset.done $0x0  }
0x58: {  	[sflag:s13] =	ssyncadd.s32 $0xFFFFFF80  }
0x59: {  	_ =	swait.ge [sflag:s13], $0x80  }
0x5a: {  	[sflag:s13] =	ssyncset.done $0x0  }
0x5b: {  	[sflag:s13] =	ssyncadd.s32 $0xFFFFFF80  }
0x5c: {  	_ =	swait.ge [sflag:s13], $0x80  }
0x5d: {  	[sflag:s13] =	ssyncset.done $0x0  }
0x5e: {  	[sflag:s13] =	ssyncadd.s32 $0xFFFFFF80  }
0x5f: {  	_ =	swait.ge [sflag:s13], $0x80  }
0x60: {  	[sflag:s13] =	ssyncset.done $0x0  }
0x61: {  	[sflag:s13] =	ssyncadd.s32 $0xFFFFFF80  }
0x62: {  	_ =	swait.ge [sflag:s13], $0x80  }
0x63: {  	s16 =	simm.s32 $0x1800;
	s15 =	simm.s32 $0xC00;
	[sflag:s13] =	ssyncset.done $0x0  }
.LBB2_2:
0x64: {  	s17 =	sshra.s32 s15, $0x2  }
0x65: {  	[sflag:s13] =	ssyncadd.s32 $0xFFFFFF80;
	s15 =	smov.u32 s16;
	s18 =	sadd.s32 $0xC00, s16  }
0x66: {  	[spmem:s1] =	stream.indirect.scatter.add.f32 [tilespmem:s12], [sflag:$0x1], $0x1, s17, s11, $0xb8;
	[tilespmem:$0x2C80] =	vst v63  }
0x67: {  	p1 =	sne.s32 s16, $0x9000;
	s16 =	sadd.s32 $0x80, s17  }
0x68: {  	[spmem:s1] =	stream.indirect.scatter.add.f32 [tilespmem:s12], [sflag:$0x1], $0x1, s16, s11, $0xb8;
	[tilespmem:$0x2C80] =	vst v63  }
0x69: {  	s16 =	sadd.s32 $0x100, s17  }
0x6a: {  	[spmem:s1] =	stream.indirect.scatter.add.f32 [tilespmem:s12], [sflag:$0x1], $0x1, s16, s11, $0xb8;
	[tilespmem:$0x2C80] =	vst v63  }
0x6b: {  	s16 =	sadd.s32 $0x180, s17  }
0x6c: {  	[spmem:s1] =	stream.indirect.scatter.add.f32 [tilespmem:s12], [sflag:$0x1], $0x1, s16, s11, $0xb8;
	[tilespmem:$0x2C80] =	vst v63  }
0x6d: {  	s16 =	sadd.s32 $0x200, s17  }
0x6e: {  	[spmem:s1] =	stream.indirect.scatter.add.f32 [tilespmem:s12], [sflag:$0x1], $0x1, s16, s11, $0xb8;
	[tilespmem:$0x2C80] =	vst v63  }
0x6f: {  	s16 =	sadd.s32 $0x280, s17  }
0x70: {  	[spmem:s1] =	stream.indirect.scatter.add.f32 [tilespmem:s12], [sflag:$0x1], $0x1, s16, s11, $0xb8;
	[tilespmem:$0x2C80] =	vst v63  }
0x71: {  	_ =	swait.ge [sflag:s13], $0x80  }
0x72: {  	[sflag:s13] =	ssyncset.done $0x0  }
0x73: {  	[sflag:s13] =	ssyncadd.s32 $0xFFFFFF80  }
0x74: {  	_ =	swait.ge [sflag:s13], $0x80  }
0x75: {  	[sflag:s13] =	ssyncset.done $0x0  }
0x76: {  	[sflag:s13] =	ssyncadd.s32 $0xFFFFFF80  }
0x77: {  	_ =	swait.ge [sflag:s13], $0x80  }
0x78: {  	[sflag:s13] =	ssyncset.done $0x0  }
0x79: {  	[sflag:s13] =	ssyncadd.s32 $0xFFFFFF80  }
0x7a: {  	_ =	swait.ge [sflag:s13], $0x80  }
0x7b: {  	[sflag:s13] =	ssyncset.done $0x0  }
0x7c: {  	[sflag:s13] =	ssyncadd.s32 $0xFFFFFF80  }
.Ltmp0:
0x7d: {  	_ =	swait.ge [sflag:s13], $0x80;
	(pc) =	sbr.rel @p1 .LBB2_2-.Ltmp0, $4  }
0x7e: {  	[sflag:s13] =	ssyncset.done $0x0  }
0x7f: {  	[sflag:s13] =	ssyncadd.s32 $0xFFFFFF80  }
0x80: {  	_ =	swait.ge [sflag:s13], $0x80  }
0x81: {  	s16 =	smov.u32 s18;
	[sflag:s13] =	ssyncset.done $0x0  }
0x82: {  	s15 =	sshra.s32 s15, $0x2;
	[sflag:s13] =	ssyncadd.s32 $0xFFFFFF80  }
0x83: {  	[spmem:s1] =	stream.indirect.scatter.add.f32 [tilespmem:s12], [sflag:$0x1], $0x1, s15, s11, $0xb8;
	[tilespmem:$0x2C80] =	vst v63  }
0x84: {  	s16 =	sadd.s32 $0x80, s15  }
0x85: {  	[spmem:s1] =	stream.indirect.scatter.add.f32 [tilespmem:s12], [sflag:$0x1], $0x1, s16, s11, $0xb8;
	[tilespmem:$0x2C80] =	vst v63  }
0x86: {  	s29 =	sadd.s32 $0x100, s15  }
0x87: {  	[spmem:s1] =	stream.indirect.scatter.add.f32 [tilespmem:s12], [sflag:$0x1], $0x1, s29, s11, $0xb8;
	[tilespmem:$0x2C80] =	vst v63  }
0x88: {  	s30 =	sadd.s32 $0x180, s15  }
0x89: {  	[spmem:s1] =	stream.indirect.scatter.add.f32 [tilespmem:s12], [sflag:$0x1], $0x1, s30, s11, $0xb8;
	[tilespmem:$0x2C80] =	vst v63  }
0x8a: {  	s31 =	sadd.s32 $0x200, s15  }
0x8b: {  	[spmem:s1] =	stream.indirect.scatter.add.f32 [tilespmem:s12], [sflag:$0x1], $0x1, s31, s11, $0xb8;
	[tilespmem:$0x2C80] =	vst v63  }
0x8c: {  	s15 =	sadd.s32 $0x280, s15  }
0x8d: {  	[spmem:s1] =	stream.indirect.scatter.add.f32 [tilespmem:s12], [sflag:$0x1], $0x1, s15, s11, $0xb8;
	[tilespmem:$0x2C80] =	vst v63  }
0x8e: {  	_ =	swait.ge [sflag:s13], $0x80  }
0x8f: {  	[sflag:s13] =	ssyncset.done $0x0  }
0x90: {  	[sflag:s13] =	ssyncadd.s32 $0xFFFFFF80  }
0x91: {  	_ =	swait.ge [sflag:s13], $0x80  }
0x92: {  	[sflag:s13] =	ssyncset.done $0x0  }
0x93: {  	[sflag:s13] =	ssyncadd.s32 $0xFFFFFF80  }
0x94: {  	_ =	swait.ge [sflag:s13], $0x80  }
0x95: {  	[sflag:s13] =	ssyncset.done $0x0  }
0x96: {  	[sflag:s13] =	ssyncadd.s32 $0xFFFFFF80  }
0x97: {  	_ =	swait.ge [sflag:s13], $0x80  }
0x98: {  	[sflag:s13] =	ssyncset.done $0x0  }
0x99: {  	[sflag:s13] =	ssyncadd.s32 $0xFFFFFF80  }
0x9a: {  	_ =	swait.ge [sflag:s13], $0x80  }
0x9b: {  	[sflag:s13] =	ssyncset.done $0x0  }
0x9c: {  	[sflag:s13] =	ssyncadd.s32 $0xFFFFFF80  }
0x9d: {  	_ =	swait.ge [sflag:s13], $0x80  }
0x9e: {  	[sflag:s13] =	ssyncset.done $0x0  }
0x9f: {  	s16 =	simm.s32 @!p0 $0x2;
	s15 =	simm.s32 @!p0 $0x0;
	[sflag:s13] =	ssyncadd.s32 $0xFFFFFF80  }
0xa0: {  	[tilespmem:s15], [sflag:$0x2] =	stream.linear.gather @!p0 [hbm4b:s6+s15], $0x80, $0x38;
	[tilespmem:$0x2C80] =	vst v63  }
0xa1: {  	_ =	swait.ge @!p0 [sflag:s16], $0x80  }
0xa2: {  	[sflag:s16] =	ssyncset.done @!p0 $0x0  }
0xa3: {  	s17 =	simm.s32 @!p0 $0x80;
	s18 =	simm.s32 @!p0 $0x2700;
	[sflag:s16] =	ssyncadd.s32 @!p0 $0xFFFFFF80  }
0xa4: {  	[spmem:s1] =	stream.indirect.scatter.add.f32 @!p0 [tilespmem:s18], [sflag:$0x2], $0x1, s15, s17, $0xb8;
	[tilespmem:$0x2C80] =	vst v63  }
0xa5: {  	_ =	swait.ge @!p0 [sflag:s16], $0x80  }
0xa6: {  	[sflag:s16] =	ssyncset.done @!p0 $0x0  }
0xa7: {  	[sflag:s16] =	ssyncadd.s32 @!p0 $0xFFFFFF80  }
0xa8: {  	[bflag:$0x0] =	sbarrier.arrive $0xFFFF  }
0xa9: {  	[tilespmem:s9], [sflag:$0x2] =	stream.linear.gather [spmem:s4], $0x280, $0x38;
	[tilespmem:$0x2C80] =	vst v63  }
0xaa: {  	s14 =	sadd.s32 $0x1, s14;
	_ =	swait.ge [sflag:s10], $0x280  }
0xab: {  	p1 =	sne.s32 s14, s8;
	[sflag:s10] =	ssyncset.done $0x0  }
.Ltmp1:
0xac: {  	[sflag:s10] =	ssyncadd.s32 $0xFFFFFD80;
	(pc) =	sbr.rel @p1 .LBB2_1-.Ltmp1, $4  }
0xad: {  	[hbm4b:s7+s3] =	stream.linear.scatter [tilespmem:s9], [sflag:$0x2], $0x280, $0x38;
	[tilespmem:$0x2C80] =	vst v63  }
0xae: {  	_ =	swait.ge [sflag:s10], $0x280  }
0xaf: {  	[sflag:s10] =	ssyncset.done $0x0  }
0xb0: {  	[sflag:s10] =	ssyncadd.s32 $0xFFFFFD80  }
0xb1: {  	_ =	sfence.sel $0x180000  }
0xb2: {  	[bflag:$0x0] =	sbarrier.arrive $0xFFFF  }
0xb3: {  	p0 =	sne.s32 s2, $0x0;
	_ =	strace $0x90000047  }
0xb4: {  	s0 =	sadd.s32 @!p0 $0x100000, s0;
	[bflag:$0x2] =	sbarrier.arrive $0xFFFF  }
0xb5: {  	[sflag:s0] =	ssyncadd.tile.s32 @!p0 $0x1;
	_ =	shalt  }
.Lfunc_end2:
_tile_overlayer_lowered:
.L_overlay_start_2:
0xb6: {  	(tag) =	ssettag $0x2  }
0xb7: {  	s0 =	rddreg [dreg:$0x0];
	s2 =	stileid.u32  }
0xb8: {  	s1 =	rddreg [dreg:$0x1];
	p0 =	sne.s32 s2, $0x0  }
0xb9: {  	s3 =	rddreg [dreg:$0x2];
	[bflag:$0x3] =	sbarrier.arrive $0xFFFF;
	s2 =	simm.s32 @!p0 $0x1C02  }
0xba: {  	[timem:s3], [sflag:s2] =	dma.local @!p0 [hbm:s0], s1  }
0xbb: {  	s0 =	simm.s32 @!p0 $0x2  }
0xbc: {  	_ =	swait.ge @!p0 [sflag:s0], s1  }
0xbd: {  	s1 =	ssub.s32 @!p0 $0x0, s1;
	[sflag:s0] =	ssyncset.done @!p0 $0x0  }
0xbe: {  	[sflag:s0] =	ssyncadd.s32 @!p0 s1  }
0xbf: {  	[bflag:$0x3] =	sbarrier.arrive $0xFFFF  }
0xc0: {  	_ =	shalt  }

</sc_bundles>
